<compile_context>
chip_gen: v7x
topology: tpu7x:2x2x1
jax: 0.10.2.dev20260603
libtpu: 0.0.44.dev20260713+nightly
codegen_flags: <defaults>
</compile_context>

<pallas_src>
import functools

import jax
import jax.numpy as jnp
from jax import lax
from jax.experimental import pallas as pl
from jax.experimental.pallas import tpu as pltpu
from jax.experimental.pallas import tpu_sc as plsc

NC = 2
NS = 16
NW = NC * NS
LANES = 16

CAPW = 1024
GROUP = 128
CHUNK = 184
NBUF = 3


def _sc_gather(mem, idx):
  B = idx.shape[0]
  M, D = mem.shape
  bw = B // NW
  mesh = plsc.VectorSubcoreMesh(core_axis_name="c", subcore_axis_name="s")

  @functools.partial(
      pl.kernel,
      out_type=jax.ShapeDtypeStruct((B, D), jnp.float32),
      mesh=mesh,
      compiler_params=pltpu.CompilerParams(needs_layout_passes=False),
      scratch_types=[
          pltpu.VMEM((bw,), jnp.int32),
          pltpu.VMEM((bw, D), jnp.float32),
          pltpu.SemaphoreType.DMA,
      ],
  )
  def k(mem_hbm, idx_hbm, out_hbm, idx_v, rows_v, sem):
    wid = lax.axis_index("s") * NC + lax.axis_index("c")
    base = wid * bw
    pltpu.sync_copy(idx_hbm.at[pl.ds(base, bw)], idx_v)
    pltpu.async_copy(mem_hbm.at[idx_v], rows_v, sem).wait()
    pltpu.sync_copy(rows_v, out_hbm.at[pl.ds(base, bw)])

  return k(mem, idx)


def _tc_update(e, h, w):
  B, D = e.shape
  blk = 2048

  def body(e_ref, h_ref, w_ref, o_ref):
    eb = e_ref[...]
    hb = h_ref[...]
    v = lax.dot_general(hb, w_ref[...], (((1,), (1,)), ((), ())),
                        preferred_element_type=jnp.float32)
    bil = jnp.sum(eb * v, axis=1, keepdims=True)
    delta = jax.nn.sigmoid(bil)
    upd = delta * eb + (1.0 - delta) * hb
    nrm = jnp.sqrt(jnp.sum(upd * upd, axis=1, keepdims=True))
    o_ref[...] = upd / (nrm + 1e-12)

  return pl.pallas_call(
      body,
      grid=(B // blk,),
      in_specs=[
          pl.BlockSpec((blk, D), lambda i: (i, 0)),
          pl.BlockSpec((blk, D), lambda i: (i, 0)),
          pl.BlockSpec((D, D), lambda i: (0, 0)),
      ],
      out_specs=pl.BlockSpec((blk, D), lambda i: (i, 0)),
      out_shape=jax.ShapeDtypeStruct((B, D), jnp.float32),
  )(e, h, w)


def _sc_scatter(mem, idx, upd):
  M, D = mem.shape
  B = idx.shape[0]
  rw_a = ((M + NW - 1) // NW + 7) // 8 * 8
  rw_last = M - (NW - 1) * rw_a
  assert 0 < rw_last <= rw_a and rw_last % 8 == 0 and M % 8 == 0
  nvec = B // LANES
  grp_rows = CAPW // GROUP
  nfc = rw_last // CHUNK
  tail_a = rw_a - nfc * CHUNK
  tail_l = rw_last - nfc * CHUNK
  assert tail_a % 8 == 0 and tail_l % 8 == 0 and nfc >= 2
  piece = -(-nvec // nfc)
  mesh = plsc.VectorSubcoreMesh(core_axis_name="c", subcore_axis_name="s")

  @functools.partial(
      pl.kernel,
      out_type=jax.ShapeDtypeStruct((M, D), jnp.float32),
      mesh=mesh,
      compiler_params=pltpu.CompilerParams(needs_layout_passes=False),
      scratch_types=[
          pltpu.VMEM((B,), jnp.int32),
          pltpu.VMEM((rw_a,), jnp.int32),
          pltpu.VMEM((CAPW + LANES,), jnp.int32),
          pltpu.VMEM((CAPW + LANES,), jnp.int32),
          pltpu.VMEM((CAPW,), jnp.int32),
          pltpu.VMEM((CAPW,), jnp.int32),
          pltpu.VMEM((grp_rows, GROUP), jnp.int32),
          pltpu.VMEM((grp_rows, GROUP), jnp.int32),
          pltpu.VMEM((GROUP, D), jnp.float32),
          pltpu.VMEM((GROUP, D), jnp.float32),
          pltpu.VMEM_SHARED((NS * NBUF * CHUNK, D), jnp.float32),
          pltpu.SemaphoreType.DMA,
          pltpu.SemaphoreType.DMA,
          pltpu.SemaphoreType.DMA,
          pltpu.SemaphoreType.DMA,
          pltpu.SemaphoreType.DMA,
          pltpu.SemaphoreType.DMA,
          pltpu.SemaphoreType.DMA,
          pltpu.SemaphoreType.DMA,
          pltpu.SemaphoreType.DMA,
      ],
  )
  def k(mem_hbm, idx_hbm, upd_hbm, out_hbm, idx_v, mark, sel_d, sel_b,
        wd1, wb1, wdest, wb, growsa, growsb, spb, gsem, ssem, isem,
        rsem0, rsem1, rsem2, wsem0, wsem1, wsem2):
    sid = lax.axis_index("s")
    wid = sid * NC + lax.axis_index("c")
    lo = wid * rw_a
    hi = jnp.minimum(lo + rw_a, M)

    sbase = sid * (NBUF * CHUNK)
    bufs = tuple(spb.at[pl.ds(sbase + b * CHUNK, CHUNK)] for b in range(NBUF))

    idx_cp = pltpu.async_copy(idx_hbm, idx_v, isem)
    rsems = (rsem0, rsem1, rsem2)
    pend_r = [
        pltpu.async_copy(mem_hbm.at[pl.ds(lo, CHUNK)], bufs[0], rsem0),
        pltpu.async_copy(mem_hbm.at[pl.ds(lo + CHUNK, CHUNK)], bufs[1], rsem1),
        None,
    ]
    idx_cp.wait()
    lanes = lax.iota(jnp.int32, LANES)
    lane0 = lanes == 0
    lov = jnp.full((LANES,), lo, jnp.int32)
    hiv = jnp.full((LANES,), hi, jnp.int32)

    def scan_body(i, cnt):
      v = idx_v[pl.ds(i * LANES, LANES)]
      m = jnp.logical_and(v >= lov, v < hiv)
      pop = jnp.sum(m.astype(jnp.int32))
      off = jnp.minimum(cnt, CAPW)
      plsc.store_compressed(sel_d.at[pl.ds(off, LANES)], v, mask=m)
      plsc.store_compressed(sel_b.at[pl.ds(off, LANES)], i * LANES + lanes, mask=m)
      return jnp.minimum(cnt + pop, CAPW)

    wsems = (wsem0, wsem1, wsem2)
    pend_w = [None, None, None]
    cnt = jnp.int32(0)
    for kk in range(nfc):
      b = kk % NBUF
      s, e = kk * piece, min((kk + 1) * piece, nvec)
      if s < e:
        cnt = lax.fori_loop(s, e, scan_body, cnt, unroll=False)
      pend_r[b].wait()
      pend_w[b] = pltpu.async_copy(
          bufs[b], out_hbm.at[pl.ds(lo + kk * CHUNK, CHUNK)], wsems[b])
      j = kk + 2
      if j < nfc:
        jb = j % NBUF
        if pend_w[jb] is not None:
          pend_w[jb].wait()
          pend_w[jb] = None
        pend_r[jb] = pltpu.async_copy(
            mem_hbm.at[pl.ds(lo + j * CHUNK, CHUNK)], bufs[jb], rsems[jb])
    for b in range(NBUF):
      if pend_w[b] is not None:
        pend_w[b].wait()
    if tail_a:
      @pl.when(wid < NW - 1)
      def _tail_a():
        tb = spb.at[pl.ds(sbase, tail_a)]
        pltpu.sync_copy(mem_hbm.at[pl.ds(lo + nfc * CHUNK, tail_a)], tb)
        pltpu.sync_copy(tb, out_hbm.at[pl.ds(lo + nfc * CHUNK, tail_a)])
    if tail_l:
      @pl.when(wid == NW - 1)
      def _tail_l():
        tb = spb.at[pl.ds(sbase, tail_l)]
        pltpu.sync_copy(mem_hbm.at[pl.ds(lo + nfc * CHUNK, tail_l)], tb)
        pltpu.sync_copy(tb, out_hbm.at[pl.ds(lo + nfc * CHUNK, tail_l)])

    nchunk = (cnt + LANES - 1) // LANES

    def mark_body(t, carry):
      dv = jnp.clip(sel_d[pl.ds(t * LANES, LANES)] - lo, 0, rw_a - 1)
      base = t * LANES
      for l in range(LANES):
        m = jnp.logical_and(lane0, base + l < cnt)
        plsc.store_scatter(mark, [jnp.full((LANES,), dv[l], jnp.int32)],
                           jnp.full((LANES,), base + l, jnp.int32), mask=m)
      return carry

    lax.fori_loop(0, nchunk, mark_body, jnp.int32(0), unroll=False)

    def win_body(t, wcnt):
      base = t * LANES
      dv = sel_d[pl.ds(base, LANES)]
      bv = sel_b[pl.ds(base, LANES)]
      mk = plsc.load_gather(mark, [jnp.clip(dv - lo, 0, rw_a - 1)])
      isw = jnp.logical_and(mk == base + lanes, base + lanes < cnt)
      plsc.store_compressed(wd1.at[pl.ds(wcnt, LANES)], dv, mask=isw)
      plsc.store_compressed(wb1.at[pl.ds(wcnt, LANES)], bv, mask=isw)
      return wcnt + jnp.sum(isw.astype(jnp.int32))

    wcnt = lax.fori_loop(0, nchunk, win_body, jnp.int32(0), unroll=False)

    w0 = wd1[pl.ds(0, LANES)][0]
    b0 = wb1[pl.ds(0, LANES)][0]
    for kk in range(CAPW // LANES):
      r = kk // (GROUP // LANES)
      c = (kk % (GROUP // LANES)) * LANES
      keep = (kk * LANES + lanes) < wcnt
      wdest[r, pl.ds(c, LANES)] = jnp.where(keep, wd1[pl.ds(kk * LANES, LANES)], w0)
      wb[r, pl.ds(c, LANES)] = jnp.where(keep, wb1[pl.ds(kk * LANES, LANES)], b0)

    ngrp = (wcnt + (GROUP - 1)) // GROUP
    npair = (ngrp + 1) // 2

    def pair_body(p, carry):
      ga = pltpu.async_copy(upd_hbm.at[wb.at[2 * p]], growsa, gsem)
      gb = pltpu.async_copy(upd_hbm.at[wb.at[2 * p + 1]], growsb, isem)
      ga.wait()
      sa = pltpu.async_copy(growsa, out_hbm.at[wdest.at[2 * p]], ssem)
      gb.wait()
      sb = pltpu.async_copy(growsb, out_hbm.at[wdest.at[2 * p + 1]], rsem0)
      sa.wait()
      sb.wait()
      return carry

    lax.fori_loop(0, npair, pair_body, jnp.int32(0), unroll=False)

  return k(mem, idx, upd)


def kernel(mem, idx, h, W_delta):
  e = _sc_gather(mem, idx)
  upd = _tc_update(e, h, W_delta)
  return _sc_scatter(mem, idx, upd)

# --- scband reference (transcript-rebuilt; emitter-appended) ---
"""Pipeline reference for scband-entity-nlm-76905684402292 (READ-ONLY COPY).

The authoritative reference and input builder live on the scoring server;
editing this copy changes nothing except your own understanding.
"""

import jax, jax.numpy as jnp
import numpy as np

M = 100000
B = 16384
D = 128

def setup_inputs(seed: int = 0) -> dict:
    key = jax.random.key(seed)
    k1, k2, k3, k4 = jax.random.split(key, 4)
    mem = jax.random.normal(k1, (M, D), dtype=jnp.float32)
    mem = mem / (jnp.linalg.norm(mem, axis=1, keepdims=True) + 1e-12)
    idx = jax.random.randint(k2, (B,), 0, M, dtype=jnp.int32)
    h = jax.random.normal(k3, (B, D), dtype=jnp.float32)
    W_delta = jax.random.normal(k4, (D, D), dtype=jnp.float32) * 0.05
    return {"mem": mem, "idx": idx, "h": h, "W_delta": W_delta}

def reference(mem, idx, h, W_delta):
    # Batched EntityNLM.update_entity:
    #   entity_embedding = self.entities[entity_idx]          -> gather
    #   delta = sigmoid(Bilinear(entity_embedding, h_t))      -> per-row bilinear form
    #   updated = delta * e + (1 - delta) * h_t; updated /= ||updated||
    #   self.entities[entity_idx] = updated                   -> scatter-overwrite
    e = jnp.take(mem, idx, axis=0)                               # [B, D] gather
    bil = jnp.einsum('bd,de,be->b', e, W_delta, h)               # nn.Bilinear(D, D, 1, bias=False)
    delta = jax.nn.sigmoid(bil)[:, None]                         # [B, 1]
    upd = delta * e + (1.0 - delta) * h                          # gated interpolation
    upd = upd / (jnp.linalg.norm(upd, axis=1, keepdims=True) + 1e-12)
    new_mem = mem.at[idx].set(upd)                               # scatter-overwrite into entity memory
    return new_mem

if __name__ == "__main__":
    import jax
    _d = setup_inputs()
    print(jax.jit(kernel)(*tuple(_d.values())))

</pallas_src>

<mosaic_0001>
#map = affine_map<(d0, d1) -> (0, 0)>
#map1 = affine_map<(d0, d1) -> (0)>
module attributes {stable_mosaic.version = 14 : i64} {
  func.func @k(%arg0: i32, %arg1: i32, %arg2: memref<100000x128xf32, #tpu.memory_space<hbm>>, %arg3: memref<16384xi32, #tpu.memory_space<hbm>>, %arg4: memref<16384x128xf32, #tpu.memory_space<hbm>>, %arg5: memref<512xi32, #tpu.memory_space<vmem>>, %arg6: memref<512x128xf32, #tpu.memory_space<vmem>>, %arg7: memref<!tpu.dma_semaphore, #tpu.memory_space<semaphore_mem>>) attributes {dimension_semantics = [#tpu.dimension_semantics<core_parallel>, #tpu.dimension_semantics<subcore_parallel>], iteration_bounds = array<i64: 2, 16>, scalar_prefetch = 0 : i64, scratch_operands = 3 : i64, tpu.core_type = #tpu.core_type<sc_vector_subcore>, window_params = [{transform_indices = #map}, {transform_indices = #map1}, {transform_indices = #map}]} {
    %mul3A = arith.constant 2 : i32
    %mul3A_0 = arith.muli %arg1, %mul3A : i32
    %add3A = arith.addi %mul3A_0, %arg0 : i32
    %mul3A_1 = arith.constant 512 : i32
    %mul3A_2 = arith.muli %add3A, %mul3A_1 : i32
    "tpu.region"() ({
      %run_scoped3A = tpu.sem_alloc : memref<!tpu.dma_semaphore, #tpu.memory_space<semaphore_mem>>
      %dma_start3A_7 = tpu.memref_slice %arg3[%mul3A_2] : memref<16384xi32, #tpu.memory_space<hbm>> -> memref<512xi32, #tpu.memory_space<hbm>>
      %dma_start3A_8 = tpu.memref_slice %arg3[%mul3A_2] : memref<16384xi32, #tpu.memory_space<hbm>> -> memref<512xi32, #tpu.memory_space<hbm>>
      tpu.enqueue_dma source(%dma_start3A_8 : memref<512xi32, #tpu.memory_space<hbm>>) target(%arg5 : memref<512xi32, #tpu.memory_space<vmem>>) target_semaphore(%run_scoped3A : memref<!tpu.dma_semaphore, #tpu.memory_space<semaphore_mem>>)
      %dma_wait3A_9 = tpu.memref_slice %arg3[%mul3A_2] : memref<16384xi32, #tpu.memory_space<hbm>> -> memref<512xi32, #tpu.memory_space<hbm>>
      %dma_wait3A_10 = tpu.memref_slice %arg3[%mul3A_2] : memref<16384xi32, #tpu.memory_space<hbm>> -> memref<512xi32, #tpu.memory_space<hbm>>
      tpu.wait_dma2 semaphore(%run_scoped3A : memref<!tpu.dma_semaphore, #tpu.memory_space<semaphore_mem>>) src(%dma_wait3A_10 : memref<512xi32, #tpu.memory_space<hbm>>) dst(%arg5 : memref<512xi32, #tpu.memory_space<vmem>>)
      tpu.yield
    }) : () -> ()
    %dma_start3A = arith.constant 0 : i32
    %dma_start3A_3 = arith.constant 0 : i32
    %dma_start3A_4 = tpu.memref_slice %arg2[%dma_start3A, %dma_start3A_3] : memref<100000x128xf32, #tpu.memory_space<hbm>> -> memref<100000x128xf32, #tpu.memory_space<hbm>>
    tpu.enqueue_indirect_dma source(%dma_start3A_4 : memref<100000x128xf32, #tpu.memory_space<hbm>>) target(%arg6 : memref<512x128xf32, #tpu.memory_space<vmem>>) offsets(%arg5 : memref<512xi32, #tpu.memory_space<vmem>>) semaphore(%arg7 : memref<!tpu.dma_semaphore, #tpu.memory_space<semaphore_mem>>)
    %dma_wait3A = arith.constant 0 : i32
    %dma_wait3A_5 = arith.constant 0 : i32
    %dma_wait3A_6 = tpu.memref_slice %arg2[%dma_wait3A, %dma_wait3A_5] : memref<100000x128xf32, #tpu.memory_space<hbm>> -> memref<100000x128xf32, #tpu.memory_space<hbm>>
    tpu.wait_indirect_dma semaphore(%arg7 : memref<!tpu.dma_semaphore, #tpu.memory_space<semaphore_mem>>) src(%dma_wait3A_6 : memref<100000x128xf32, #tpu.memory_space<hbm>>) dst(%arg6 : memref<512x128xf32, #tpu.memory_space<vmem>>)
    "tpu.region"() ({
      %run_scoped3A = tpu.sem_alloc : memref<!tpu.dma_semaphore, #tpu.memory_space<semaphore_mem>>
      %dma_start3A_7 = arith.constant 0 : i32
      %dma_start3A_8 = tpu.memref_slice %arg4[%mul3A_2, %dma_start3A_7] : memref<16384x128xf32, #tpu.memory_space<hbm>> -> memref<512x128xf32, #tpu.memory_space<hbm>>
      %dma_start3A_9 = arith.constant 0 : i32
      %dma_start3A_10 = tpu.memref_slice %arg4[%mul3A_2, %dma_start3A_9] : memref<16384x128xf32, #tpu.memory_space<hbm>> -> memref<512x128xf32, #tpu.memory_space<hbm>>
      tpu.enqueue_dma source(%arg6 : memref<512x128xf32, #tpu.memory_space<vmem>>) target(%dma_start3A_10 : memref<512x128xf32, #tpu.memory_space<hbm>>) target_semaphore(%run_scoped3A : memref<!tpu.dma_semaphore, #tpu.memory_space<semaphore_mem>>)
      %dma_wait3A_11 = arith.constant 0 : i32
      %dma_wait3A_12 = tpu.memref_slice %arg4[%mul3A_2, %dma_wait3A_11] : memref<16384x128xf32, #tpu.memory_space<hbm>> -> memref<512x128xf32, #tpu.memory_space<hbm>>
      %dma_wait3A_13 = arith.constant 0 : i32
      %dma_wait3A_14 = tpu.memref_slice %arg4[%mul3A_2, %dma_wait3A_13] : memref<16384x128xf32, #tpu.memory_space<hbm>> -> memref<512x128xf32, #tpu.memory_space<hbm>>
      tpu.wait_dma2 semaphore(%run_scoped3A : memref<!tpu.dma_semaphore, #tpu.memory_space<semaphore_mem>>) src(%arg6 : memref<512x128xf32, #tpu.memory_space<vmem>>) dst(%dma_wait3A_14 : memref<512x128xf32, #tpu.memory_space<hbm>>)
      tpu.yield
    }) : () -> ()
    return
  }
}

#map = affine_map<(d0, d1) -> (0, 0)>
#map1 = affine_map<(d0, d1) -> (0)>
module attributes {stable_mosaic.version = 14 : i64} {
  func.func @k(%arg0: i32, %arg1: i32, %arg2: memref<100000x128xf32, #tpu.memory_space<hbm>>, %arg3: memref<16384xi32, #tpu.memory_space<hbm>>, %arg4: memref<16384x128xf32, #tpu.memory_space<hbm>>, %arg5: memref<100000x128xf32, #tpu.memory_space<hbm>>, %arg6: memref<16384xi32, #tpu.memory_space<vmem>>, %arg7: memref<3128xi32, #tpu.memory_space<vmem>>, %arg8: memref<1040xi32, #tpu.memory_space<vmem>>, %arg9: memref<1040xi32, #tpu.memory_space<vmem>>, %arg10: memref<1024xi32, #tpu.memory_space<vmem>>, %arg11: memref<1024xi32, #tpu.memory_space<vmem>>, %arg12: memref<8x128xi32, #tpu.memory_space<vmem>>, %arg13: memref<8x128xi32, #tpu.memory_space<vmem>>, %arg14: memref<128x128xf32, #tpu.memory_space<vmem>>, %arg15: memref<128x128xf32, #tpu.memory_space<vmem>>, %arg16: memref<8832x128xf32, #tpu.memory_space<vmem_shared>>, %arg17: memref<!tpu.dma_semaphore, #tpu.memory_space<semaphore_mem>>, %arg18: memref<!tpu.dma_semaphore, #tpu.memory_space<semaphore_mem>>, %arg19: memref<!tpu.dma_semaphore, #tpu.memory_space<semaphore_mem>>, %arg20: memref<!tpu.dma_semaphore, #tpu.memory_space<semaphore_mem>>, %arg21: memref<!tpu.dma_semaphore, #tpu.memory_space<semaphore_mem>>, %arg22: memref<!tpu.dma_semaphore, #tpu.memory_space<semaphore_mem>>, %arg23: memref<!tpu.dma_semaphore, #tpu.memory_space<semaphore_mem>>, %arg24: memref<!tpu.dma_semaphore, #tpu.memory_space<semaphore_mem>>, %arg25: memref<!tpu.dma_semaphore, #tpu.memory_space<semaphore_mem>>) attributes {dimension_semantics = [#tpu.dimension_semantics<core_parallel>, #tpu.dimension_semantics<subcore_parallel>], iteration_bounds = array<i64: 2, 16>, scalar_prefetch = 0 : i64, scratch_operands = 20 : i64, tpu.core_type = #tpu.core_type<sc_vector_subcore>, window_params = [{transform_indices = #map}, {transform_indices = #map1}, {transform_indices = #map}, {transform_indices = #map}]} {
    %mul3A = arith.constant 2 : i32
    %mul3A_0 = arith.muli %arg1, %mul3A : i32
    %add3A = arith.addi %mul3A_0, %arg0 : i32
    %mul3A_1 = arith.constant 3128 : i32
    %mul3A_2 = arith.muli %add3A, %mul3A_1 : i32
    %add3A_3 = arith.constant 3128 : i32
    %add3A_4 = arith.addi %mul3A_2, %add3A_3 : i32
    %min3A = arith.constant 100000 : i32
    %min3A_5 = arith.minsi %add3A_4, %min3A : i32
    %mul3A_6 = arith.constant 552 : i32
    %mul3A_7 = arith.muli %arg1, %mul3A_6 : i32
    %add3A_8 = arith.constant 0 : i32
    %add3A_9 = arith.addi %mul3A_7, %add3A_8 : i32
    %add3A_10 = arith.constant 184 : i32
    %add3A_11 = arith.addi %mul3A_7, %add3A_10 : i32
    %add3A_12 = arith.constant 368 : i32
    %add3A_13 = arith.addi %mul3A_7, %add3A_12 : i32
    tpu.enqueue_dma source(%arg3 : memref<16384xi32, #tpu.memory_space<hbm>>) target(%arg6 : memref<16384xi32, #tpu.memory_space<vmem>>) target_semaphore(%arg19 : memref<!tpu.dma_semaphore, #tpu.memory_space<semaphore_mem>>)
    %dma_start3A = arith.constant 0 : i32
    %dma_start3A_14 = tpu.memref_slice %arg16[%add3A_9, %dma_start3A] : memref<8832x128xf32, #tpu.memory_space<vmem_shared>> -> memref<184x128xf32, #tpu.memory_space<vmem_shared>>
    %dma_start3A_15 = arith.constant 0 : i32
    %dma_start3A_16 = tpu.memref_slice %arg2[%mul3A_2, %dma_start3A_15] : memref<100000x128xf32, #tpu.memory_space<hbm>> -> memref<184x128xf32, #tpu.memory_space<hbm>>
    tpu.enqueue_dma source(%dma_start3A_16 : memref<184x128xf32, #tpu.memory_space<hbm>>) target(%dma_start3A_14 : memref<184x128xf32, #tpu.memory_space<vmem_shared>>) target_semaphore(%arg20 : memref<!tpu.dma_semaphore, #tpu.memory_space<semaphore_mem>>)
    %add3A_17 = arith.constant 184 : i32
    %add3A_18 = arith.addi %mul3A_2, %add3A_17 : i32
    %dma_start3A_19 = arith.constant 0 : i32
    %dma_start3A_20 = tpu.memref_slice %arg16[%add3A_11, %dma_start3A_19] : memref<8832x128xf32, #tpu.memory_space<vmem_shared>> -> memref<184x128xf32, #tpu.memory_space<vmem_shared>>
    %dma_start3A_21 = arith.constant 0 : i32
    %dma_start3A_22 = tpu.memref_slice %arg2[%add3A_18, %dma_start3A_21] : memref<100000x128xf32, #tpu.memory_space<hbm>> -> memref<184x128xf32, #tpu.memory_space<hbm>>
    tpu.enqueue_dma source(%dma_start3A_22 : memref<184x128xf32, #tpu.memory_space<hbm>>) target(%dma_start3A_20 : memref<184x128xf32, #tpu.memory_space<vmem_shared>>) target_semaphore(%arg21 : memref<!tpu.dma_semaphore, #tpu.memory_space<semaphore_mem>>)
    tpu.wait_dma2 semaphore(%arg19 : memref<!tpu.dma_semaphore, #tpu.memory_space<semaphore_mem>>) src(%arg3 : memref<16384xi32, #tpu.memory_space<hbm>>) dst(%arg6 : memref<16384xi32, #tpu.memory_space<vmem>>)
    %iota3A = tpu.iota {dimensions = array<i32: 0>} : vector<16xi32>
    %eq3A = arith.constant 0 : i32
    %eq3A_23 = vector.broadcast %eq3A : i32 to vector<16xi32>
    %eq3A_24 = arith.cmpi eq, %iota3A, %eq3A_23 : vector<16xi32>
    %broadcast_in_dim3A = vector.broadcast %mul3A_2 : i32 to vector<16xi32>
    %broadcast_in_dim3A_25 = vector.broadcast %min3A_5 : i32 to vector<16xi32>
    %scan3A = arith.constant 0 : i32
    %scan3A_26 = arith.constant 0 : i32
    %scan3A_27 = arith.constant 64 : i32
    %scan3A_28 = arith.addi %scan3A_26, %scan3A_27 : i32
    %scan3A_29 = arith.constant 1 : i32
    %scan3A_30 = scf.for %scan3A_1887 = %scan3A_26 to %scan3A_28 step %scan3A_29 iter_args(%scan3A_1888 = %scan3A) -> (i32)  : i32 {
      %mul3A_1889 = arith.constant 16 : i32
      %mul3A_1890 = arith.muli %scan3A_1887, %mul3A_1889 : i32
      %get3A_1891 = arith.index_cast %mul3A_1890 : i32 to index
      %get3A_1892 = tpu.vector_load %arg6[%get3A_1891] {strides = array<i32>} : memref<16384xi32, #tpu.memory_space<vmem>>, vector<16xi32>,
      %ge3A = arith.cmpi sge, %get3A_1892, %broadcast_in_dim3A : vector<16xi32>
      %lt3A_1893 = arith.cmpi slt, %get3A_1892, %broadcast_in_dim3A_25 : vector<16xi32>
      %and3A_1894 = arith.andi %ge3A, %lt3A_1893 : vector<16xi1>
      %convert_element_type3A_1895 = arith.extui %and3A_1894 : vector<16xi1> to vector<16xi32>
      %reduce_sum3A = arith.constant true
      %reduce_sum3A_1896 = vector.broadcast %reduce_sum3A : i1 to vector<16xi1>
      %reduce_sum3A_1897 = tpu.scan <sum>, %convert_element_type3A_1895 masked %reduce_sum3A_1896 : vector<16xi32>, vector<16xi1> -> vector<16xi32>
      %reduce_sum3A_1898 = vector.extract %reduce_sum3A_1897[15] : i32 from vector<16xi32>
      %min3A_1899 = arith.constant 1024 : i32
      %min3A_1900 = arith.minsi %scan3A_1888, %min3A_1899 : i32
      %swap3A_1901 = arith.index_cast %min3A_1900 : i32 to index
      %swap3A_1902 = tpu.vector_load %arg8[%swap3A_1901] masked %and3A_1894 {strides = array<i32>} : memref<1040xi32, #tpu.memory_space<vmem>>, vector<16xi32>, vector<16xi1>
      tpu.vector_store %arg8[%swap3A_1901], %get3A_1892 masked %and3A_1894 {strides = array<i32>} : memref<1040xi32, #tpu.memory_space<vmem>>, vector<16xi32>, vector<16xi1>
      %mul3A_1903 = arith.constant 16 : i32
      %mul3A_1904 = arith.muli %scan3A_1887, %mul3A_1903 : i32
      %add3A_1905 = vector.broadcast %mul3A_1904 : i32 to vector<16xi32>
      %add3A_1906 = arith.addi %add3A_1905, %iota3A : vector<16xi32>
      %swap3A_1907 = arith.index_cast %min3A_1900 : i32 to index
      %swap3A_1908 = tpu.vector_load %arg9[%swap3A_1907] masked %and3A_1894 {strides = array<i32>} : memref<1040xi32, #tpu.memory_space<vmem>>, vector<16xi32>, vector<16xi1>
      tpu.vector_store %arg9[%swap3A_1907], %add3A_1906 masked %and3A_1894 {strides = array<i32>} : memref<1040xi32, #tpu.memory_space<vmem>>, vector<16xi32>, vector<16xi1>
      %add3A_1909 = arith.addi %scan3A_1888, %reduce_sum3A_1898 : i32
      %min3A_1910 = arith.constant 1024 : i32
      %min3A_1911 = arith.minsi %add3A_1909, %min3A_1910 : i32
      scf.yield %min3A_1911 : i32
    }
    %scan3A_31 = arith.constant 64 : i32
    %dma_wait3A = arith.constant 0 : i32
    %dma_wait3A_32 = tpu.memref_slice %arg16[%add3A_9, %dma_wait3A] : memref<8832x128xf32, #tpu.memory_space<vmem_shared>> -> memref<184x128xf32, #tpu.memory_space<vmem_shared>>
    %dma_wait3A_33 = arith.constant 0 : i32
    %dma_wait3A_34 = tpu.memref_slice %arg2[%mul3A_2, %dma_wait3A_33] : memref<100000x128xf32, #tpu.memory_space<hbm>> -> memref<184x128xf32, #tpu.memory_space<hbm>>
    tpu.wait_dma2 semaphore(%arg20 : memref<!tpu.dma_semaphore, #tpu.memory_space<semaphore_mem>>) src(%dma_wait3A_34 : memref<184x128xf32, #tpu.memory_space<hbm>>) dst(%dma_wait3A_32 : memref<184x128xf32, #tpu.memory_space<vmem_shared>>)
    %add3A_35 = arith.constant 0 : i32
    %add3A_36 = arith.addi %mul3A_2, %add3A_35 : i32
    %dma_start3A_37 = arith.constant 0 : i32
    %dma_start3A_38 = tpu.memref_slice %arg5[%add3A_36, %dma_start3A_37] : memref<100000x128xf32, #tpu.memory_space<hbm>> -> memref<184x128xf32, #tpu.memory_space<hbm>>
    %dma_start3A_39 = arith.constant 0 : i32
    %dma_start3A_40 = tpu.memref_slice %arg16[%add3A_9, %dma_start3A_39] : memref<8832x128xf32, #tpu.memory_space<vmem_shared>> -> memref<184x128xf32, #tpu.memory_space<vmem_shared>>
    tpu.enqueue_dma source(%dma_start3A_40 : memref<184x128xf32, #tpu.memory_space<vmem_shared>>) target(%dma_start3A_38 : memref<184x128xf32, #tpu.memory_space<hbm>>) target_semaphore(%arg23 : memref<!tpu.dma_semaphore, #tpu.memory_space<semaphore_mem>>)
    %add3A_41 = arith.constant 368 : i32
    %add3A_42 = arith.addi %mul3A_2, %add3A_41 : i32
    %dma_start3A_43 = arith.constant 0 : i32
    %dma_start3A_44 = tpu.memref_slice %arg16[%add3A_13, %dma_start3A_43] : memref<8832x128xf32, #tpu.memory_space<vmem_shared>> -> memref<184x128xf32, #tpu.memory_space<vmem_shared>>
    %dma_start3A_45 = arith.constant 0 : i32
    %dma_start3A_46 = tpu.memref_slice %arg2[%add3A_42, %dma_start3A_45] : memref<100000x128xf32, #tpu.memory_space<hbm>> -> memref<184x128xf32, #tpu.memory_space<hbm>>
    tpu.enqueue_dma source(%dma_start3A_46 : memref<184x128xf32, #tpu.memory_space<hbm>>) target(%dma_start3A_44 : memref<184x128xf32, #tpu.memory_space<vmem_shared>>) target_semaphore(%arg22 : memref<!tpu.dma_semaphore, #tpu.memory_space<semaphore_mem>>)
    %scan3A_47 = arith.constant 64 : i32
    %scan3A_48 = arith.constant 64 : i32
    %scan3A_49 = arith.addi %scan3A_47, %scan3A_48 : i32
    %scan3A_50 = arith.constant 1 : i32
    %scan3A_51 = scf.for %scan3A_1887 = %scan3A_47 to %scan3A_49 step %scan3A_50 iter_args(%scan3A_1888 = %scan3A_30) -> (i32)  : i32 {
      %mul3A_1889 = arith.constant 16 : i32
      %mul3A_1890 = arith.muli %scan3A_1887, %mul3A_1889 : i32
      %get3A_1891 = arith.index_cast %mul3A_1890 : i32 to index
      %get3A_1892 = tpu.vector_load %arg6[%get3A_1891] {strides = array<i32>} : memref<16384xi32, #tpu.memory_space<vmem>>, vector<16xi32>,
      %ge3A = arith.cmpi sge, %get3A_1892, %broadcast_in_dim3A : vector<16xi32>
      %lt3A_1893 = arith.cmpi slt, %get3A_1892, %broadcast_in_dim3A_25 : vector<16xi32>
      %and3A_1894 = arith.andi %ge3A, %lt3A_1893 : vector<16xi1>
      %convert_element_type3A_1895 = arith.extui %and3A_1894 : vector<16xi1> to vector<16xi32>
      %reduce_sum3A = arith.constant true
      %reduce_sum3A_1896 = vector.broadcast %reduce_sum3A : i1 to vector<16xi1>
      %reduce_sum3A_1897 = tpu.scan <sum>, %convert_element_type3A_1895 masked %reduce_sum3A_1896 : vector<16xi32>, vector<16xi1> -> vector<16xi32>
      %reduce_sum3A_1898 = vector.extract %reduce_sum3A_1897[15] : i32 from vector<16xi32>
      %min3A_1899 = arith.constant 1024 : i32
      %min3A_1900 = arith.minsi %scan3A_1888, %min3A_1899 : i32
      %swap3A_1901 = arith.index_cast %min3A_1900 : i32 to index
      %swap3A_1902 = tpu.vector_load %arg8[%swap3A_1901] masked %and3A_1894 {strides = array<i32>} : memref<1040xi32, #tpu.memory_space<vmem>>, vector<16xi32>, vector<16xi1>
      tpu.vector_store %arg8[%swap3A_1901], %get3A_1892 masked %and3A_1894 {strides = array<i32>} : memref<1040xi32, #tpu.memory_space<vmem>>, vector<16xi32>, vector<16xi1>
      %mul3A_1903 = arith.constant 16 : i32
      %mul3A_1904 = arith.muli %scan3A_1887, %mul3A_1903 : i32
      %add3A_1905 = vector.broadcast %mul3A_1904 : i32 to vector<16xi32>
      %add3A_1906 = arith.addi %add3A_1905, %iota3A : vector<16xi32>
      %swap3A_1907 = arith.index_cast %min3A_1900 : i32 to index
      %swap3A_1908 = tpu.vector_load %arg9[%swap3A_1907] masked %and3A_1894 {strides = array<i32>} : memref<1040xi32, #tpu.memory_space<vmem>>, vector<16xi32>, vector<16xi1>
      tpu.vector_store %arg9[%swap3A_1907], %add3A_1906 masked %and3A_1894 {strides = array<i32>} : memref<1040xi32, #tpu.memory_space<vmem>>, vector<16xi32>, vector<16xi1>
      %add3A_1909 = arith.addi %scan3A_1888, %reduce_sum3A_1898 : i32
      %min3A_1910 = arith.constant 1024 : i32
      %min3A_1911 = arith.minsi %add3A_1909, %min3A_1910 : i32
      scf.yield %min3A_1911 : i32
    }
    %scan3A_52 = arith.constant 64 : i32
    %dma_wait3A_53 = arith.constant 0 : i32
    %dma_wait3A_54 = tpu.memref_slice %arg16[%add3A_11, %dma_wait3A_53] : memref<8832x128xf32, #tpu.memory_space<vmem_shared>> -> memref<184x128xf32, #tpu.memory_space<vmem_shared>>
    %dma_wait3A_55 = arith.constant 0 : i32
    %dma_wait3A_56 = tpu.memref_slice %arg2[%add3A_18, %dma_wait3A_55] : memref<100000x128xf32, #tpu.memory_space<hbm>> -> memref<184x128xf32, #tpu.memory_space<hbm>>
    tpu.wait_dma2 semaphore(%arg21 : memref<!tpu.dma_semaphore, #tpu.memory_space<semaphore_mem>>) src(%dma_wait3A_56 : memref<184x128xf32, #tpu.memory_space<hbm>>) dst(%dma_wait3A_54 : memref<184x128xf32, #tpu.memory_space<vmem_shared>>)
    %add3A_57 = arith.constant 184 : i32
    %add3A_58 = arith.addi %mul3A_2, %add3A_57 : i32
    %dma_start3A_59 = arith.constant 0 : i32
    %dma_start3A_60 = tpu.memref_slice %arg5[%add3A_58, %dma_start3A_59] : memref<100000x128xf32, #tpu.memory_space<hbm>> -> memref<184x128xf32, #tpu.memory_space<hbm>>
    %dma_start3A_61 = arith.constant 0 : i32
    %dma_start3A_62 = tpu.memref_slice %arg16[%add3A_11, %dma_start3A_61] : memref<8832x128xf32, #tpu.memory_space<vmem_shared>> -> memref<184x128xf32, #tpu.memory_space<vmem_shared>>
    tpu.enqueue_dma source(%dma_start3A_62 : memref<184x128xf32, #tpu.memory_space<vmem_shared>>) target(%dma_start3A_60 : memref<184x128xf32, #tpu.memory_space<hbm>>) target_semaphore(%arg24 : memref<!tpu.dma_semaphore, #tpu.memory_space<semaphore_mem>>)
    %dma_wait3A_63 = arith.constant 0 : i32
    %dma_wait3A_64 = tpu.memref_slice %arg5[%add3A_36, %dma_wait3A_63] : memref<100000x128xf32, #tpu.memory_space<hbm>> -> memref<184x128xf32, #tpu.memory_space<hbm>>
    %dma_wait3A_65 = arith.constant 0 : i32
    %dma_wait3A_66 = tpu.memref_slice %arg16[%add3A_9, %dma_wait3A_65] : memref<8832x128xf32, #tpu.memory_space<vmem_shared>> -> memref<184x128xf32, #tpu.memory_space<vmem_shared>>
    tpu.wait_dma2 semaphore(%arg23 : memref<!tpu.dma_semaphore, #tpu.memory_space<semaphore_mem>>) src(%dma_wait3A_66 : memref<184x128xf32, #tpu.memory_space<vmem_shared>>) dst(%dma_wait3A_64 : memref<184x128xf32, #tpu.memory_space<hbm>>)
    %add3A_67 = arith.constant 552 : i32
    %add3A_68 = arith.addi %mul3A_2, %add3A_67 : i32
    %dma_start3A_69 = arith.constant 0 : i32
    %dma_start3A_70 = tpu.memref_slice %arg16[%add3A_9, %dma_start3A_69] : memref<8832x128xf32, #tpu.memory_space<vmem_shared>> -> memref<184x128xf32, #tpu.memory_space<vmem_shared>>
    %dma_start3A_71 = arith.constant 0 : i32
    %dma_start3A_72 = tpu.memref_slice %arg2[%add3A_68, %dma_start3A_71] : memref<100000x128xf32, #tpu.memory_space<hbm>> -> memref<184x128xf32, #tpu.memory_space<hbm>>
    tpu.enqueue_dma source(%dma_start3A_72 : memref<184x128xf32, #tpu.memory_space<hbm>>) target(%dma_start3A_70 : memref<184x128xf32, #tpu.memory_space<vmem_shared>>) target_semaphore(%arg20 : memref<!tpu.dma_semaphore, #tpu.memory_space<semaphore_mem>>)
    %scan3A_73 = arith.constant 128 : i32
    %scan3A_74 = arith.constant 64 : i32
    %scan3A_75 = arith.addi %scan3A_73, %scan3A_74 : i32
    %scan3A_76 = arith.constant 1 : i32
    %scan3A_77 = scf.for %scan3A_1887 = %scan3A_73 to %scan3A_75 step %scan3A_76 iter_args(%scan3A_1888 = %scan3A_51) -> (i32)  : i32 {
      %mul3A_1889 = arith.constant 16 : i32
      %mul3A_1890 = arith.muli %scan3A_1887, %mul3A_1889 : i32
      %get3A_1891 = arith.index_cast %mul3A_1890 : i32 to index
      %get3A_1892 = tpu.vector_load %arg6[%get3A_1891] {strides = array<i32>} : memref<16384xi32, #tpu.memory_space<vmem>>, vector<16xi32>,
      %ge3A = arith.cmpi sge, %get3A_1892, %broadcast_in_dim3A : vector<16xi32>
      %lt3A_1893 = arith.cmpi slt, %get3A_1892, %broadcast_in_dim3A_25 : vector<16xi32>
      %and3A_1894 = arith.andi %ge3A, %lt3A_1893 : vector<16xi1>
      %convert_element_type3A_1895 = arith.extui %and3A_1894 : vector<16xi1> to vector<16xi32>
      %reduce_sum3A = arith.constant true
      %reduce_sum3A_1896 = vector.broadcast %reduce_sum3A : i1 to vector<16xi1>
      %reduce_sum3A_1897 = tpu.scan <sum>, %convert_element_type3A_1895 masked %reduce_sum3A_1896 : vector<16xi32>, vector<16xi1> -> vector<16xi32>
      %reduce_sum3A_1898 = vector.extract %reduce_sum3A_1897[15] : i32 from vector<16xi32>
      %min3A_1899 = arith.constant 1024 : i32
      %min3A_1900 = arith.minsi %scan3A_1888, %min3A_1899 : i32
      %swap3A_1901 = arith.index_cast %min3A_1900 : i32 to index
      %swap3A_1902 = tpu.vector_load %arg8[%swap3A_1901] masked %and3A_1894 {strides = array<i32>} : memref<1040xi32, #tpu.memory_space<vmem>>, vector<16xi32>, vector<16xi1>
      tpu.vector_store %arg8[%swap3A_1901], %get3A_1892 masked %and3A_1894 {strides = array<i32>} : memref<1040xi32, #tpu.memory_space<vmem>>, vector<16xi32>, vector<16xi1>
      %mul3A_1903 = arith.constant 16 : i32
      %mul3A_1904 = arith.muli %scan3A_1887, %mul3A_1903 : i32
      %add3A_1905 = vector.broadcast %mul3A_1904 : i32 to vector<16xi32>
      %add3A_1906 = arith.addi %add3A_1905, %iota3A : vector<16xi32>
      %swap3A_1907 = arith.index_cast %min3A_1900 : i32 to index
      %swap3A_1908 = tpu.vector_load %arg9[%swap3A_1907] masked %and3A_1894 {strides = array<i32>} : memref<1040xi32, #tpu.memory_space<vmem>>, vector<16xi32>, vector<16xi1>
      tpu.vector_store %arg9[%swap3A_1907], %add3A_1906 masked %and3A_1894 {strides = array<i32>} : memref<1040xi32, #tpu.memory_space<vmem>>, vector<16xi32>, vector<16xi1>
      %add3A_1909 = arith.addi %scan3A_1888, %reduce_sum3A_1898 : i32
      %min3A_1910 = arith.constant 1024 : i32
      %min3A_1911 = arith.minsi %add3A_1909, %min3A_1910 : i32
      scf.yield %min3A_1911 : i32
    }
    %scan3A_78 = arith.constant 64 : i32
    %dma_wait3A_79 = arith.constant 0 : i32
    %dma_wait3A_80 = tpu.memref_slice %arg16[%add3A_13, %dma_wait3A_79] : memref<8832x128xf32, #tpu.memory_space<vmem_shared>> -> memref<184x128xf32, #tpu.memory_space<vmem_shared>>
    %dma_wait3A_81 = arith.constant 0 : i32
    %dma_wait3A_82 = tpu.memref_slice %arg2[%add3A_42, %dma_wait3A_81] : memref<100000x128xf32, #tpu.memory_space<hbm>> -> memref<184x128xf32, #tpu.memory_space<hbm>>
    tpu.wait_dma2 semaphore(%arg22 : memref<!tpu.dma_semaphore, #tpu.memory_space<semaphore_mem>>) src(%dma_wait3A_82 : memref<184x128xf32, #tpu.memory_space<hbm>>) dst(%dma_wait3A_80 : memref<184x128xf32, #tpu.memory_space<vmem_shared>>)
    %add3A_83 = arith.constant 368 : i32
    %add3A_84 = arith.addi %mul3A_2, %add3A_83 : i32
    %dma_start3A_85 = arith.constant 0 : i32
    %dma_start3A_86 = tpu.memref_slice %arg5[%add3A_84, %dma_start3A_85] : memref<100000x128xf32, #tpu.memory_space<hbm>> -> memref<184x128xf32, #tpu.memory_space<hbm>>
    %dma_start3A_87 = arith.constant 0 : i32
    %dma_start3A_88 = tpu.memref_slice %arg16[%add3A_13, %dma_start3A_87] : memref<8832x128xf32, #tpu.memory_space<vmem_shared>> -> memref<184x128xf32, #tpu.memory_space<vmem_shared>>
    tpu.enqueue_dma source(%dma_start3A_88 : memref<184x128xf32, #tpu.memory_space<vmem_shared>>) target(%dma_start3A_86 : memref<184x128xf32, #tpu.memory_space<hbm>>) target_semaphore(%arg25 : memref<!tpu.dma_semaphore, #tpu.memory_space<semaphore_mem>>)
    %dma_wait3A_89 = arith.constant 0 : i32
    %dma_wait3A_90 = tpu.memref_slice %arg5[%add3A_58, %dma_wait3A_89] : memref<100000x128xf32, #tpu.memory_space<hbm>> -> memref<184x128xf32, #tpu.memory_space<hbm>>
    %dma_wait3A_91 = arith.constant 0 : i32
    %dma_wait3A_92 = tpu.memref_slice %arg16[%add3A_11, %dma_wait3A_91] : memref<8832x128xf32, #tpu.memory_space<vmem_shared>> -> memref<184x128xf32, #tpu.memory_space<vmem_shared>>
    tpu.wait_dma2 semaphore(%arg24 : memref<!tpu.dma_semaphore, #tpu.memory_space<semaphore_mem>>) src(%dma_wait3A_92 : memref<184x128xf32, #tpu.memory_space<vmem_shared>>) dst(%dma_wait3A_90 : memref<184x128xf32, #tpu.memory_space<hbm>>)
    %add3A_93 = arith.constant 736 : i32
    %add3A_94 = arith.addi %mul3A_2, %add3A_93 : i32
    %dma_start3A_95 = arith.constant 0 : i32
    %dma_start3A_96 = tpu.memref_slice %arg16[%add3A_11, %dma_start3A_95] : memref<8832x128xf32, #tpu.memory_space<vmem_shared>> -> memref<184x128xf32, #tpu.memory_space<vmem_shared>>
    %dma_start3A_97 = arith.constant 0 : i32
    %dma_start3A_98 = tpu.memref_slice %arg2[%add3A_94, %dma_start3A_97] : memref<100000x128xf32, #tpu.memory_space<hbm>> -> memref<184x128xf32, #tpu.memory_space<hbm>>
    tpu.enqueue_dma source(%dma_start3A_98 : memref<184x128xf32, #tpu.memory_space<hbm>>) target(%dma_start3A_96 : memref<184x128xf32, #tpu.memory_space<vmem_shared>>) target_semaphore(%arg21 : memref<!tpu.dma_semaphore, #tpu.memory_space<semaphore_mem>>)
    %scan3A_99 = arith.constant 192 : i32
    %scan3A_100 = arith.constant 64 : i32
    %scan3A_101 = arith.addi %scan3A_99, %scan3A_100 : i32
    %scan3A_102 = arith.constant 1 : i32
    %scan3A_103 = scf.for %scan3A_1887 = %scan3A_99 to %scan3A_101 step %scan3A_102 iter_args(%scan3A_1888 = %scan3A_77) -> (i32)  : i32 {
      %mul3A_1889 = arith.constant 16 : i32
      %mul3A_1890 = arith.muli %scan3A_1887, %mul3A_1889 : i32
      %get3A_1891 = arith.index_cast %mul3A_1890 : i32 to index
      %get3A_1892 = tpu.vector_load %arg6[%get3A_1891] {strides = array<i32>} : memref<16384xi32, #tpu.memory_space<vmem>>, vector<16xi32>,
      %ge3A = arith.cmpi sge, %get3A_1892, %broadcast_in_dim3A : vector<16xi32>
      %lt3A_1893 = arith.cmpi slt, %get3A_1892, %broadcast_in_dim3A_25 : vector<16xi32>
      %and3A_1894 = arith.andi %ge3A, %lt3A_1893 : vector<16xi1>
      %convert_element_type3A_1895 = arith.extui %and3A_1894 : vector<16xi1> to vector<16xi32>
      %reduce_sum3A = arith.constant true
      %reduce_sum3A_1896 = vector.broadcast %reduce_sum3A : i1 to vector<16xi1>
      %reduce_sum3A_1897 = tpu.scan <sum>, %convert_element_type3A_1895 masked %reduce_sum3A_1896 : vector<16xi32>, vector<16xi1> -> vector<16xi32>
      %reduce_sum3A_1898 = vector.extract %reduce_sum3A_1897[15] : i32 from vector<16xi32>
      %min3A_1899 = arith.constant 1024 : i32
      %min3A_1900 = arith.minsi %scan3A_1888, %min3A_1899 : i32
      %swap3A_1901 = arith.index_cast %min3A_1900 : i32 to index
      %swap3A_1902 = tpu.vector_load %arg8[%swap3A_1901] masked %and3A_1894 {strides = array<i32>} : memref<1040xi32, #tpu.memory_space<vmem>>, vector<16xi32>, vector<16xi1>
      tpu.vector_store %arg8[%swap3A_1901], %get3A_1892 masked %and3A_1894 {strides = array<i32>} : memref<1040xi32, #tpu.memory_space<vmem>>, vector<16xi32>, vector<16xi1>
      %mul3A_1903 = arith.constant 16 : i32
      %mul3A_1904 = arith.muli %scan3A_1887, %mul3A_1903 : i32
      %add3A_1905 = vector.broadcast %mul3A_1904 : i32 to vector<16xi32>
      %add3A_1906 = arith.addi %add3A_1905, %iota3A : vector<16xi32>
      %swap3A_1907 = arith.index_cast %min3A_1900 : i32 to index
      %swap3A_1908 = tpu.vector_load %arg9[%swap3A_1907] masked %and3A_1894 {strides = array<i32>} : memref<1040xi32, #tpu.memory_space<vmem>>, vector<16xi32>, vector<16xi1>
      tpu.vector_store %arg9[%swap3A_1907], %add3A_1906 masked %and3A_1894 {strides = array<i32>} : memref<1040xi32, #tpu.memory_space<vmem>>, vector<16xi32>, vector<16xi1>
      %add3A_1909 = arith.addi %scan3A_1888, %reduce_sum3A_1898 : i32
      %min3A_1910 = arith.constant 1024 : i32
      %min3A_1911 = arith.minsi %add3A_1909, %min3A_1910 : i32
      scf.yield %min3A_1911 : i32
    }
    %scan3A_104 = arith.constant 64 : i32
    %dma_wait3A_105 = arith.constant 0 : i32
    %dma_wait3A_106 = tpu.memref_slice %arg16[%add3A_9, %dma_wait3A_105] : memref<8832x128xf32, #tpu.memory_space<vmem_shared>> -> memref<184x128xf32, #tpu.memory_space<vmem_shared>>
    %dma_wait3A_107 = arith.constant 0 : i32
    %dma_wait3A_108 = tpu.memref_slice %arg2[%add3A_68, %dma_wait3A_107] : memref<100000x128xf32, #tpu.memory_space<hbm>> -> memref<184x128xf32, #tpu.memory_space<hbm>>
    tpu.wait_dma2 semaphore(%arg20 : memref<!tpu.dma_semaphore, #tpu.memory_space<semaphore_mem>>) src(%dma_wait3A_108 : memref<184x128xf32, #tpu.memory_space<hbm>>) dst(%dma_wait3A_106 : memref<184x128xf32, #tpu.memory_space<vmem_shared>>)
    %add3A_109 = arith.constant 552 : i32
    %add3A_110 = arith.addi %mul3A_2, %add3A_109 : i32
    %dma_start3A_111 = arith.constant 0 : i32
    %dma_start3A_112 = tpu.memref_slice %arg5[%add3A_110, %dma_start3A_111] : memref<100000x128xf32, #tpu.memory_space<hbm>> -> memref<184x128xf32, #tpu.memory_space<hbm>>
    %dma_start3A_113 = arith.constant 0 : i32
    %dma_start3A_114 = tpu.memref_slice %arg16[%add3A_9, %dma_start3A_113] : memref<8832x128xf32, #tpu.memory_space<vmem_shared>> -> memref<184x128xf32, #tpu.memory_space<vmem_shared>>
    tpu.enqueue_dma source(%dma_start3A_114 : memref<184x128xf32, #tpu.memory_space<vmem_shared>>) target(%dma_start3A_112 : memref<184x128xf32, #tpu.memory_space<hbm>>) target_semaphore(%arg23 : memref<!tpu.dma_semaphore, #tpu.memory_space<semaphore_mem>>)
    %dma_wait3A_115 = arith.constant 0 : i32
    %dma_wait3A_116 = tpu.memref_slice %arg5[%add3A_84, %dma_wait3A_115] : memref<100000x128xf32, #tpu.memory_space<hbm>> -> memref<184x128xf32, #tpu.memory_space<hbm>>
    %dma_wait3A_117 = arith.constant 0 : i32
    %dma_wait3A_118 = tpu.memref_slice %arg16[%add3A_13, %dma_wait3A_117] : memref<8832x128xf32, #tpu.memory_space<vmem_shared>> -> memref<184x128xf32, #tpu.memory_space<vmem_shared>>
    tpu.wait_dma2 semaphore(%arg25 : memref<!tpu.dma_semaphore, #tpu.memory_space<semaphore_mem>>) src(%dma_wait3A_118 : memref<184x128xf32, #tpu.memory_space<vmem_shared>>) dst(%dma_wait3A_116 : memref<184x128xf32, #tpu.memory_space<hbm>>)
    %add3A_119 = arith.constant 920 : i32
    %add3A_120 = arith.addi %mul3A_2, %add3A_119 : i32
    %dma_start3A_121 = arith.constant 0 : i32
    %dma_start3A_122 = tpu.memref_slice %arg16[%add3A_13, %dma_start3A_121] : memref<8832x128xf32, #tpu.memory_space<vmem_shared>> -> memref<184x128xf32, #tpu.memory_space<vmem_shared>>
    %dma_start3A_123 = arith.constant 0 : i32
    %dma_start3A_124 = tpu.memref_slice %arg2[%add3A_120, %dma_start3A_123] : memref<100000x128xf32, #tpu.memory_space<hbm>> -> memref<184x128xf32, #tpu.memory_space<hbm>>
    tpu.enqueue_dma source(%dma_start3A_124 : memref<184x128xf32, #tpu.memory_space<hbm>>) target(%dma_start3A_122 : memref<184x128xf32, #tpu.memory_space<vmem_shared>>) target_semaphore(%arg22 : memref<!tpu.dma_semaphore, #tpu.memory_space<semaphore_mem>>)
    %scan3A_125 = arith.constant 256 : i32
    %scan3A_126 = arith.constant 64 : i32
    %scan3A_127 = arith.addi %scan3A_125, %scan3A_126 : i32
    %scan3A_128 = arith.constant 1 : i32
    %scan3A_129 = scf.for %scan3A_1887 = %scan3A_125 to %scan3A_127 step %scan3A_128 iter_args(%scan3A_1888 = %scan3A_103) -> (i32)  : i32 {
      %mul3A_1889 = arith.constant 16 : i32
      %mul3A_1890 = arith.muli %scan3A_1887, %mul3A_1889 : i32
      %get3A_1891 = arith.index_cast %mul3A_1890 : i32 to index
      %get3A_1892 = tpu.vector_load %arg6[%get3A_1891] {strides = array<i32>} : memref<16384xi32, #tpu.memory_space<vmem>>, vector<16xi32>,
      %ge3A = arith.cmpi sge, %get3A_1892, %broadcast_in_dim3A : vector<16xi32>
      %lt3A_1893 = arith.cmpi slt, %get3A_1892, %broadcast_in_dim3A_25 : vector<16xi32>
      %and3A_1894 = arith.andi %ge3A, %lt3A_1893 : vector<16xi1>
      %convert_element_type3A_1895 = arith.extui %and3A_1894 : vector<16xi1> to vector<16xi32>
      %reduce_sum3A = arith.constant true
      %reduce_sum3A_1896 = vector.broadcast %reduce_sum3A : i1 to vector<16xi1>
      %reduce_sum3A_1897 = tpu.scan <sum>, %convert_element_type3A_1895 masked %reduce_sum3A_1896 : vector<16xi32>, vector<16xi1> -> vector<16xi32>
      %reduce_sum3A_1898 = vector.extract %reduce_sum3A_1897[15] : i32 from vector<16xi32>
      %min3A_1899 = arith.constant 1024 : i32
      %min3A_1900 = arith.minsi %scan3A_1888, %min3A_1899 : i32
      %swap3A_1901 = arith.index_cast %min3A_1900 : i32 to index
      %swap3A_1902 = tpu.vector_load %arg8[%swap3A_1901] masked %and3A_1894 {strides = array<i32>} : memref<1040xi32, #tpu.memory_space<vmem>>, vector<16xi32>, vector<16xi1>
      tpu.vector_store %arg8[%swap3A_1901], %get3A_1892 masked %and3A_1894 {strides = array<i32>} : memref<1040xi32, #tpu.memory_space<vmem>>, vector<16xi32>, vector<16xi1>
      %mul3A_1903 = arith.constant 16 : i32
      %mul3A_1904 = arith.muli %scan3A_1887, %mul3A_1903 : i32
      %add3A_1905 = vector.broadcast %mul3A_1904 : i32 to vector<16xi32>
      %add3A_1906 = arith.addi %add3A_1905, %iota3A : vector<16xi32>
      %swap3A_1907 = arith.index_cast %min3A_1900 : i32 to index
      %swap3A_1908 = tpu.vector_load %arg9[%swap3A_1907] masked %and3A_1894 {strides = array<i32>} : memref<1040xi32, #tpu.memory_space<vmem>>, vector<16xi32>, vector<16xi1>
      tpu.vector_store %arg9[%swap3A_1907], %add3A_1906 masked %and3A_1894 {strides = array<i32>} : memref<1040xi32, #tpu.memory_space<vmem>>, vector<16xi32>, vector<16xi1>
      %add3A_1909 = arith.addi %scan3A_1888, %reduce_sum3A_1898 : i32
      %min3A_1910 = arith.constant 1024 : i32
      %min3A_1911 = arith.minsi %add3A_1909, %min3A_1910 : i32
      scf.yield %min3A_1911 : i32
    }
    %scan3A_130 = arith.constant 64 : i32
    %dma_wait3A_131 = arith.constant 0 : i32
    %dma_wait3A_132 = tpu.memref_slice %arg16[%add3A_11, %dma_wait3A_131] : memref<8832x128xf32, #tpu.memory_space<vmem_shared>> -> memref<184x128xf32, #tpu.memory_space<vmem_shared>>
    %dma_wait3A_133 = arith.constant 0 : i32
    %dma_wait3A_134 = tpu.memref_slice %arg2[%add3A_94, %dma_wait3A_133] : memref<100000x128xf32, #tpu.memory_space<hbm>> -> memref<184x128xf32, #tpu.memory_space<hbm>>
    tpu.wait_dma2 semaphore(%arg21 : memref<!tpu.dma_semaphore, #tpu.memory_space<semaphore_mem>>) src(%dma_wait3A_134 : memref<184x128xf32, #tpu.memory_space<hbm>>) dst(%dma_wait3A_132 : memref<184x128xf32, #tpu.memory_space<vmem_shared>>)
    %add3A_135 = arith.constant 736 : i32
    %add3A_136 = arith.addi %mul3A_2, %add3A_135 : i32
    %dma_start3A_137 = arith.constant 0 : i32
    %dma_start3A_138 = tpu.memref_slice %arg5[%add3A_136, %dma_start3A_137] : memref<100000x128xf32, #tpu.memory_space<hbm>> -> memref<184x128xf32, #tpu.memory_space<hbm>>
    %dma_start3A_139 = arith.constant 0 : i32
    %dma_start3A_140 = tpu.memref_slice %arg16[%add3A_11, %dma_start3A_139] : memref<8832x128xf32, #tpu.memory_space<vmem_shared>> -> memref<184x128xf32, #tpu.memory_space<vmem_shared>>
    tpu.enqueue_dma source(%dma_start3A_140 : memref<184x128xf32, #tpu.memory_space<vmem_shared>>) target(%dma_start3A_138 : memref<184x128xf32, #tpu.memory_space<hbm>>) target_semaphore(%arg24 : memref<!tpu.dma_semaphore, #tpu.memory_space<semaphore_mem>>)
    %dma_wait3A_141 = arith.constant 0 : i32
    %dma_wait3A_142 = tpu.memref_slice %arg5[%add3A_110, %dma_wait3A_141] : memref<100000x128xf32, #tpu.memory_space<hbm>> -> memref<184x128xf32, #tpu.memory_space<hbm>>
    %dma_wait3A_143 = arith.constant 0 : i32
    %dma_wait3A_144 = tpu.memref_slice %arg16[%add3A_9, %dma_wait3A_143] : memref<8832x128xf32, #tpu.memory_space<vmem_shared>> -> memref<184x128xf32, #tpu.memory_space<vmem_shared>>
    tpu.wait_dma2 semaphore(%arg23 : memref<!tpu.dma_semaphore, #tpu.memory_space<semaphore_mem>>) src(%dma_wait3A_144 : memref<184x128xf32, #tpu.memory_space<vmem_shared>>) dst(%dma_wait3A_142 : memref<184x128xf32, #tpu.memory_space<hbm>>)
    %add3A_145 = arith.constant 1104 : i32
    %add3A_146 = arith.addi %mul3A_2, %add3A_145 : i32
    %dma_start3A_147 = arith.constant 0 : i32
    %dma_start3A_148 = tpu.memref_slice %arg16[%add3A_9, %dma_start3A_147] : memref<8832x128xf32, #tpu.memory_space<vmem_shared>> -> memref<184x128xf32, #tpu.memory_space<vmem_shared>>
    %dma_start3A_149 = arith.constant 0 : i32
    %dma_start3A_150 = tpu.memref_slice %arg2[%add3A_146, %dma_start3A_149] : memref<100000x128xf32, #tpu.memory_space<hbm>> -> memref<184x128xf32, #tpu.memory_space<hbm>>
    tpu.enqueue_dma source(%dma_start3A_150 : memref<184x128xf32, #tpu.memory_space<hbm>>) target(%dma_start3A_148 : memref<184x128xf32, #tpu.memory_space<vmem_shared>>) target_semaphore(%arg20 : memref<!tpu.dma_semaphore, #tpu.memory_space<semaphore_mem>>)
    %scan3A_151 = arith.constant 320 : i32
    %scan3A_152 = arith.constant 64 : i32
    %scan3A_153 = arith.addi %scan3A_151, %scan3A_152 : i32
    %scan3A_154 = arith.constant 1 : i32
    %scan3A_155 = scf.for %scan3A_1887 = %scan3A_151 to %scan3A_153 step %scan3A_154 iter_args(%scan3A_1888 = %scan3A_129) -> (i32)  : i32 {
      %mul3A_1889 = arith.constant 16 : i32
      %mul3A_1890 = arith.muli %scan3A_1887, %mul3A_1889 : i32
      %get3A_1891 = arith.index_cast %mul3A_1890 : i32 to index
      %get3A_1892 = tpu.vector_load %arg6[%get3A_1891] {strides = array<i32>} : memref<16384xi32, #tpu.memory_space<vmem>>, vector<16xi32>,
      %ge3A = arith.cmpi sge, %get3A_1892, %broadcast_in_dim3A : vector<16xi32>
      %lt3A_1893 = arith.cmpi slt, %get3A_1892, %broadcast_in_dim3A_25 : vector<16xi32>
      %and3A_1894 = arith.andi %ge3A, %lt3A_1893 : vector<16xi1>
      %convert_element_type3A_1895 = arith.extui %and3A_1894 : vector<16xi1> to vector<16xi32>
      %reduce_sum3A = arith.constant true
      %reduce_sum3A_1896 = vector.broadcast %reduce_sum3A : i1 to vector<16xi1>
      %reduce_sum3A_1897 = tpu.scan <sum>, %convert_element_type3A_1895 masked %reduce_sum3A_1896 : vector<16xi32>, vector<16xi1> -> vector<16xi32>
      %reduce_sum3A_1898 = vector.extract %reduce_sum3A_1897[15] : i32 from vector<16xi32>
      %min3A_1899 = arith.constant 1024 : i32
      %min3A_1900 = arith.minsi %scan3A_1888, %min3A_1899 : i32
      %swap3A_1901 = arith.index_cast %min3A_1900 : i32 to index
      %swap3A_1902 = tpu.vector_load %arg8[%swap3A_1901] masked %and3A_1894 {strides = array<i32>} : memref<1040xi32, #tpu.memory_space<vmem>>, vector<16xi32>, vector<16xi1>
      tpu.vector_store %arg8[%swap3A_1901], %get3A_1892 masked %and3A_1894 {strides = array<i32>} : memref<1040xi32, #tpu.memory_space<vmem>>, vector<16xi32>, vector<16xi1>
      %mul3A_1903 = arith.constant 16 : i32
      %mul3A_1904 = arith.muli %scan3A_1887, %mul3A_1903 : i32
      %add3A_1905 = vector.broadcast %mul3A_1904 : i32 to vector<16xi32>
      %add3A_1906 = arith.addi %add3A_1905, %iota3A : vector<16xi32>
      %swap3A_1907 = arith.index_cast %min3A_1900 : i32 to index
      %swap3A_1908 = tpu.vector_load %arg9[%swap3A_1907] masked %and3A_1894 {strides = array<i32>} : memref<1040xi32, #tpu.memory_space<vmem>>, vector<16xi32>, vector<16xi1>
      tpu.vector_store %arg9[%swap3A_1907], %add3A_1906 masked %and3A_1894 {strides = array<i32>} : memref<1040xi32, #tpu.memory_space<vmem>>, vector<16xi32>, vector<16xi1>
      %add3A_1909 = arith.addi %scan3A_1888, %reduce_sum3A_1898 : i32
      %min3A_1910 = arith.constant 1024 : i32
      %min3A_1911 = arith.minsi %add3A_1909, %min3A_1910 : i32
      scf.yield %min3A_1911 : i32
    }
    %scan3A_156 = arith.constant 64 : i32
    %dma_wait3A_157 = arith.constant 0 : i32
    %dma_wait3A_158 = tpu.memref_slice %arg16[%add3A_13, %dma_wait3A_157] : memref<8832x128xf32, #tpu.memory_space<vmem_shared>> -> memref<184x128xf32, #tpu.memory_space<vmem_shared>>
    %dma_wait3A_159 = arith.constant 0 : i32
    %dma_wait3A_160 = tpu.memref_slice %arg2[%add3A_120, %dma_wait3A_159] : memref<100000x128xf32, #tpu.memory_space<hbm>> -> memref<184x128xf32, #tpu.memory_space<hbm>>
    tpu.wait_dma2 semaphore(%arg22 : memref<!tpu.dma_semaphore, #tpu.memory_space<semaphore_mem>>) src(%dma_wait3A_160 : memref<184x128xf32, #tpu.memory_space<hbm>>) dst(%dma_wait3A_158 : memref<184x128xf32, #tpu.memory_space<vmem_shared>>)
    %add3A_161 = arith.constant 920 : i32
    %add3A_162 = arith.addi %mul3A_2, %add3A_161 : i32
    %dma_start3A_163 = arith.constant 0 : i32
    %dma_start3A_164 = tpu.memref_slice %arg5[%add3A_162, %dma_start3A_163] : memref<100000x128xf32, #tpu.memory_space<hbm>> -> memref<184x128xf32, #tpu.memory_space<hbm>>
    %dma_start3A_165 = arith.constant 0 : i32
    %dma_start3A_166 = tpu.memref_slice %arg16[%add3A_13, %dma_start3A_165] : memref<8832x128xf32, #tpu.memory_space<vmem_shared>> -> memref<184x128xf32, #tpu.memory_space<vmem_shared>>
    tpu.enqueue_dma source(%dma_start3A_166 : memref<184x128xf32, #tpu.memory_space<vmem_shared>>) target(%dma_start3A_164 : memref<184x128xf32, #tpu.memory_space<hbm>>) target_semaphore(%arg25 : memref<!tpu.dma_semaphore, #tpu.memory_space<semaphore_mem>>)
    %dma_wait3A_167 = arith.constant 0 : i32
    %dma_wait3A_168 = tpu.memref_slice %arg5[%add3A_136, %dma_wait3A_167] : memref<100000x128xf32, #tpu.memory_space<hbm>> -> memref<184x128xf32, #tpu.memory_space<hbm>>
    %dma_wait3A_169 = arith.constant 0 : i32
    %dma_wait3A_170 = tpu.memref_slice %arg16[%add3A_11, %dma_wait3A_169] : memref<8832x128xf32, #tpu.memory_space<vmem_shared>> -> memref<184x128xf32, #tpu.memory_space<vmem_shared>>
    tpu.wait_dma2 semaphore(%arg24 : memref<!tpu.dma_semaphore, #tpu.memory_space<semaphore_mem>>) src(%dma_wait3A_170 : memref<184x128xf32, #tpu.memory_space<vmem_shared>>) dst(%dma_wait3A_168 : memref<184x128xf32, #tpu.memory_space<hbm>>)
    %add3A_171 = arith.constant 1288 : i32
    %add3A_172 = arith.addi %mul3A_2, %add3A_171 : i32
    %dma_start3A_173 = arith.constant 0 : i32
    %dma_start3A_174 = tpu.memref_slice %arg16[%add3A_11, %dma_start3A_173] : memref<8832x128xf32, #tpu.memory_space<vmem_shared>> -> memref<184x128xf32, #tpu.memory_space<vmem_shared>>
    %dma_start3A_175 = arith.constant 0 : i32
    %dma_start3A_176 = tpu.memref_slice %arg2[%add3A_172, %dma_start3A_175] : memref<100000x128xf32, #tpu.memory_space<hbm>> -> memref<184x128xf32, #tpu.memory_space<hbm>>
    tpu.enqueue_dma source(%dma_start3A_176 : memref<184x128xf32, #tpu.memory_space<hbm>>) target(%dma_start3A_174 : memref<184x128xf32, #tpu.memory_space<vmem_shared>>) target_semaphore(%arg21 : memref<!tpu.dma_semaphore, #tpu.memory_space<semaphore_mem>>)
    %scan3A_177 = arith.constant 384 : i32
    %scan3A_178 = arith.constant 64 : i32
    %scan3A_179 = arith.addi %scan3A_177, %scan3A_178 : i32
    %scan3A_180 = arith.constant 1 : i32
    %scan3A_181 = scf.for %scan3A_1887 = %scan3A_177 to %scan3A_179 step %scan3A_180 iter_args(%scan3A_1888 = %scan3A_155) -> (i32)  : i32 {
      %mul3A_1889 = arith.constant 16 : i32
      %mul3A_1890 = arith.muli %scan3A_1887, %mul3A_1889 : i32
      %get3A_1891 = arith.index_cast %mul3A_1890 : i32 to index
      %get3A_1892 = tpu.vector_load %arg6[%get3A_1891] {strides = array<i32>} : memref<16384xi32, #tpu.memory_space<vmem>>, vector<16xi32>,
      %ge3A = arith.cmpi sge, %get3A_1892, %broadcast_in_dim3A : vector<16xi32>
      %lt3A_1893 = arith.cmpi slt, %get3A_1892, %broadcast_in_dim3A_25 : vector<16xi32>
      %and3A_1894 = arith.andi %ge3A, %lt3A_1893 : vector<16xi1>
      %convert_element_type3A_1895 = arith.extui %and3A_1894 : vector<16xi1> to vector<16xi32>
      %reduce_sum3A = arith.constant true
      %reduce_sum3A_1896 = vector.broadcast %reduce_sum3A : i1 to vector<16xi1>
      %reduce_sum3A_1897 = tpu.scan <sum>, %convert_element_type3A_1895 masked %reduce_sum3A_1896 : vector<16xi32>, vector<16xi1> -> vector<16xi32>
      %reduce_sum3A_1898 = vector.extract %reduce_sum3A_1897[15] : i32 from vector<16xi32>
      %min3A_1899 = arith.constant 1024 : i32
      %min3A_1900 = arith.minsi %scan3A_1888, %min3A_1899 : i32
      %swap3A_1901 = arith.index_cast %min3A_1900 : i32 to index
      %swap3A_1902 = tpu.vector_load %arg8[%swap3A_1901] masked %and3A_1894 {strides = array<i32>} : memref<1040xi32, #tpu.memory_space<vmem>>, vector<16xi32>, vector<16xi1>
      tpu.vector_store %arg8[%swap3A_1901], %get3A_1892 masked %and3A_1894 {strides = array<i32>} : memref<1040xi32, #tpu.memory_space<vmem>>, vector<16xi32>, vector<16xi1>
      %mul3A_1903 = arith.constant 16 : i32
      %mul3A_1904 = arith.muli %scan3A_1887, %mul3A_1903 : i32
      %add3A_1905 = vector.broadcast %mul3A_1904 : i32 to vector<16xi32>
      %add3A_1906 = arith.addi %add3A_1905, %iota3A : vector<16xi32>
      %swap3A_1907 = arith.index_cast %min3A_1900 : i32 to index
      %swap3A_1908 = tpu.vector_load %arg9[%swap3A_1907] masked %and3A_1894 {strides = array<i32>} : memref<1040xi32, #tpu.memory_space<vmem>>, vector<16xi32>, vector<16xi1>
      tpu.vector_store %arg9[%swap3A_1907], %add3A_1906 masked %and3A_1894 {strides = array<i32>} : memref<1040xi32, #tpu.memory_space<vmem>>, vector<16xi32>, vector<16xi1>
      %add3A_1909 = arith.addi %scan3A_1888, %reduce_sum3A_1898 : i32
      %min3A_1910 = arith.constant 1024 : i32
      %min3A_1911 = arith.minsi %add3A_1909, %min3A_1910 : i32
      scf.yield %min3A_1911 : i32
    }
    %scan3A_182 = arith.constant 64 : i32
    %dma_wait3A_183 = arith.constant 0 : i32
    %dma_wait3A_184 = tpu.memref_slice %arg16[%add3A_9, %dma_wait3A_183] : memref<8832x128xf32, #tpu.memory_space<vmem_shared>> -> memref<184x128xf32, #tpu.memory_space<vmem_shared>>
    %dma_wait3A_185 = arith.constant 0 : i32
    %dma_wait3A_186 = tpu.memref_slice %arg2[%add3A_146, %dma_wait3A_185] : memref<100000x128xf32, #tpu.memory_space<hbm>> -> memref<184x128xf32, #tpu.memory_space<hbm>>
    tpu.wait_dma2 semaphore(%arg20 : memref<!tpu.dma_semaphore, #tpu.memory_space<semaphore_mem>>) src(%dma_wait3A_186 : memref<184x128xf32, #tpu.memory_space<hbm>>) dst(%dma_wait3A_184 : memref<184x128xf32, #tpu.memory_space<vmem_shared>>)
    %add3A_187 = arith.constant 1104 : i32
    %add3A_188 = arith.addi %mul3A_2, %add3A_187 : i32
    %dma_start3A_189 = arith.constant 0 : i32
    %dma_start3A_190 = tpu.memref_slice %arg5[%add3A_188, %dma_start3A_189] : memref<100000x128xf32, #tpu.memory_space<hbm>> -> memref<184x128xf32, #tpu.memory_space<hbm>>
    %dma_start3A_191 = arith.constant 0 : i32
    %dma_start3A_192 = tpu.memref_slice %arg16[%add3A_9, %dma_start3A_191] : memref<8832x128xf32, #tpu.memory_space<vmem_shared>> -> memref<184x128xf32, #tpu.memory_space<vmem_shared>>
    tpu.enqueue_dma source(%dma_start3A_192 : memref<184x128xf32, #tpu.memory_space<vmem_shared>>) target(%dma_start3A_190 : memref<184x128xf32, #tpu.memory_space<hbm>>) target_semaphore(%arg23 : memref<!tpu.dma_semaphore, #tpu.memory_space<semaphore_mem>>)
    %dma_wait3A_193 = arith.constant 0 : i32
    %dma_wait3A_194 = tpu.memref_slice %arg5[%add3A_162, %dma_wait3A_193] : memref<100000x128xf32, #tpu.memory_space<hbm>> -> memref<184x128xf32, #tpu.memory_space<hbm>>
    %dma_wait3A_195 = arith.constant 0 : i32
    %dma_wait3A_196 = tpu.memref_slice %arg16[%add3A_13, %dma_wait3A_195] : memref<8832x128xf32, #tpu.memory_space<vmem_shared>> -> memref<184x128xf32, #tpu.memory_space<vmem_shared>>
    tpu.wait_dma2 semaphore(%arg25 : memref<!tpu.dma_semaphore, #tpu.memory_space<semaphore_mem>>) src(%dma_wait3A_196 : memref<184x128xf32, #tpu.memory_space<vmem_shared>>) dst(%dma_wait3A_194 : memref<184x128xf32, #tpu.memory_space<hbm>>)
    %add3A_197 = arith.constant 1472 : i32
    %add3A_198 = arith.addi %mul3A_2, %add3A_197 : i32
    %dma_start3A_199 = arith.constant 0 : i32
    %dma_start3A_200 = tpu.memref_slice %arg16[%add3A_13, %dma_start3A_199] : memref<8832x128xf32, #tpu.memory_space<vmem_shared>> -> memref<184x128xf32, #tpu.memory_space<vmem_shared>>
    %dma_start3A_201 = arith.constant 0 : i32
    %dma_start3A_202 = tpu.memref_slice %arg2[%add3A_198, %dma_start3A_201] : memref<100000x128xf32, #tpu.memory_space<hbm>> -> memref<184x128xf32, #tpu.memory_space<hbm>>
    tpu.enqueue_dma source(%dma_start3A_202 : memref<184x128xf32, #tpu.memory_space<hbm>>) target(%dma_start3A_200 : memref<184x128xf32, #tpu.memory_space<vmem_shared>>) target_semaphore(%arg22 : memref<!tpu.dma_semaphore, #tpu.memory_space<semaphore_mem>>)
    %scan3A_203 = arith.constant 448 : i32
    %scan3A_204 = arith.constant 64 : i32
    %scan3A_205 = arith.addi %scan3A_203, %scan3A_204 : i32
    %scan3A_206 = arith.constant 1 : i32
    %scan3A_207 = scf.for %scan3A_1887 = %scan3A_203 to %scan3A_205 step %scan3A_206 iter_args(%scan3A_1888 = %scan3A_181) -> (i32)  : i32 {
      %mul3A_1889 = arith.constant 16 : i32
      %mul3A_1890 = arith.muli %scan3A_1887, %mul3A_1889 : i32
      %get3A_1891 = arith.index_cast %mul3A_1890 : i32 to index
      %get3A_1892 = tpu.vector_load %arg6[%get3A_1891] {strides = array<i32>} : memref<16384xi32, #tpu.memory_space<vmem>>, vector<16xi32>,
      %ge3A = arith.cmpi sge, %get3A_1892, %broadcast_in_dim3A : vector<16xi32>
      %lt3A_1893 = arith.cmpi slt, %get3A_1892, %broadcast_in_dim3A_25 : vector<16xi32>
      %and3A_1894 = arith.andi %ge3A, %lt3A_1893 : vector<16xi1>
      %convert_element_type3A_1895 = arith.extui %and3A_1894 : vector<16xi1> to vector<16xi32>
      %reduce_sum3A = arith.constant true
      %reduce_sum3A_1896 = vector.broadcast %reduce_sum3A : i1 to vector<16xi1>
      %reduce_sum3A_1897 = tpu.scan <sum>, %convert_element_type3A_1895 masked %reduce_sum3A_1896 : vector<16xi32>, vector<16xi1> -> vector<16xi32>
      %reduce_sum3A_1898 = vector.extract %reduce_sum3A_1897[15] : i32 from vector<16xi32>
      %min3A_1899 = arith.constant 1024 : i32
      %min3A_1900 = arith.minsi %scan3A_1888, %min3A_1899 : i32
      %swap3A_1901 = arith.index_cast %min3A_1900 : i32 to index
      %swap3A_1902 = tpu.vector_load %arg8[%swap3A_1901] masked %and3A_1894 {strides = array<i32>} : memref<1040xi32, #tpu.memory_space<vmem>>, vector<16xi32>, vector<16xi1>
      tpu.vector_store %arg8[%swap3A_1901], %get3A_1892 masked %and3A_1894 {strides = array<i32>} : memref<1040xi32, #tpu.memory_space<vmem>>, vector<16xi32>, vector<16xi1>
      %mul3A_1903 = arith.constant 16 : i32
      %mul3A_1904 = arith.muli %scan3A_1887, %mul3A_1903 : i32
      %add3A_1905 = vector.broadcast %mul3A_1904 : i32 to vector<16xi32>
      %add3A_1906 = arith.addi %add3A_1905, %iota3A : vector<16xi32>
      %swap3A_1907 = arith.index_cast %min3A_1900 : i32 to index
      %swap3A_1908 = tpu.vector_load %arg9[%swap3A_1907] masked %and3A_1894 {strides = array<i32>} : memref<1040xi32, #tpu.memory_space<vmem>>, vector<16xi32>, vector<16xi1>
      tpu.vector_store %arg9[%swap3A_1907], %add3A_1906 masked %and3A_1894 {strides = array<i32>} : memref<1040xi32, #tpu.memory_space<vmem>>, vector<16xi32>, vector<16xi1>
      %add3A_1909 = arith.addi %scan3A_1888, %reduce_sum3A_1898 : i32
      %min3A_1910 = arith.constant 1024 : i32
      %min3A_1911 = arith.minsi %add3A_1909, %min3A_1910 : i32
      scf.yield %min3A_1911 : i32
    }
    %scan3A_208 = arith.constant 64 : i32
    %dma_wait3A_209 = arith.constant 0 : i32
    %dma_wait3A_210 = tpu.memref_slice %arg16[%add3A_11, %dma_wait3A_209] : memref<8832x128xf32, #tpu.memory_space<vmem_shared>> -> memref<184x128xf32, #tpu.memory_space<vmem_shared>>
    %dma_wait3A_211 = arith.constant 0 : i32
    %dma_wait3A_212 = tpu.memref_slice %arg2[%add3A_172, %dma_wait3A_211] : memref<100000x128xf32, #tpu.memory_space<hbm>> -> memref<184x128xf32, #tpu.memory_space<hbm>>
    tpu.wait_dma2 semaphore(%arg21 : memref<!tpu.dma_semaphore, #tpu.memory_space<semaphore_mem>>) src(%dma_wait3A_212 : memref<184x128xf32, #tpu.memory_space<hbm>>) dst(%dma_wait3A_210 : memref<184x128xf32, #tpu.memory_space<vmem_shared>>)
    %add3A_213 = arith.constant 1288 : i32
    %add3A_214 = arith.addi %mul3A_2, %add3A_213 : i32
    %dma_start3A_215 = arith.constant 0 : i32
    %dma_start3A_216 = tpu.memref_slice %arg5[%add3A_214, %dma_start3A_215] : memref<100000x128xf32, #tpu.memory_space<hbm>> -> memref<184x128xf32, #tpu.memory_space<hbm>>
    %dma_start3A_217 = arith.constant 0 : i32
    %dma_start3A_218 = tpu.memref_slice %arg16[%add3A_11, %dma_start3A_217] : memref<8832x128xf32, #tpu.memory_space<vmem_shared>> -> memref<184x128xf32, #tpu.memory_space<vmem_shared>>
    tpu.enqueue_dma source(%dma_start3A_218 : memref<184x128xf32, #tpu.memory_space<vmem_shared>>) target(%dma_start3A_216 : memref<184x128xf32, #tpu.memory_space<hbm>>) target_semaphore(%arg24 : memref<!tpu.dma_semaphore, #tpu.memory_space<semaphore_mem>>)
    %dma_wait3A_219 = arith.constant 0 : i32
    %dma_wait3A_220 = tpu.memref_slice %arg5[%add3A_188, %dma_wait3A_219] : memref<100000x128xf32, #tpu.memory_space<hbm>> -> memref<184x128xf32, #tpu.memory_space<hbm>>
    %dma_wait3A_221 = arith.constant 0 : i32
    %dma_wait3A_222 = tpu.memref_slice %arg16[%add3A_9, %dma_wait3A_221] : memref<8832x128xf32, #tpu.memory_space<vmem_shared>> -> memref<184x128xf32, #tpu.memory_space<vmem_shared>>
    tpu.wait_dma2 semaphore(%arg23 : memref<!tpu.dma_semaphore, #tpu.memory_space<semaphore_mem>>) src(%dma_wait3A_222 : memref<184x128xf32, #tpu.memory_space<vmem_shared>>) dst(%dma_wait3A_220 : memref<184x128xf32, #tpu.memory_space<hbm>>)
    %add3A_223 = arith.constant 1656 : i32
    %add3A_224 = arith.addi %mul3A_2, %add3A_223 : i32
    %dma_start3A_225 = arith.constant 0 : i32
    %dma_start3A_226 = tpu.memref_slice %arg16[%add3A_9, %dma_start3A_225] : memref<8832x128xf32, #tpu.memory_space<vmem_shared>> -> memref<184x128xf32, #tpu.memory_space<vmem_shared>>
    %dma_start3A_227 = arith.constant 0 : i32
    %dma_start3A_228 = tpu.memref_slice %arg2[%add3A_224, %dma_start3A_227] : memref<100000x128xf32, #tpu.memory_space<hbm>> -> memref<184x128xf32, #tpu.memory_space<hbm>>
    tpu.enqueue_dma source(%dma_start3A_228 : memref<184x128xf32, #tpu.memory_space<hbm>>) target(%dma_start3A_226 : memref<184x128xf32, #tpu.memory_space<vmem_shared>>) target_semaphore(%arg20 : memref<!tpu.dma_semaphore, #tpu.memory_space<semaphore_mem>>)
    %scan3A_229 = arith.constant 512 : i32
    %scan3A_230 = arith.constant 64 : i32
    %scan3A_231 = arith.addi %scan3A_229, %scan3A_230 : i32
    %scan3A_232 = arith.constant 1 : i32
    %scan3A_233 = scf.for %scan3A_1887 = %scan3A_229 to %scan3A_231 step %scan3A_232 iter_args(%scan3A_1888 = %scan3A_207) -> (i32)  : i32 {
      %mul3A_1889 = arith.constant 16 : i32
      %mul3A_1890 = arith.muli %scan3A_1887, %mul3A_1889 : i32
      %get3A_1891 = arith.index_cast %mul3A_1890 : i32 to index
      %get3A_1892 = tpu.vector_load %arg6[%get3A_1891] {strides = array<i32>} : memref<16384xi32, #tpu.memory_space<vmem>>, vector<16xi32>,
      %ge3A = arith.cmpi sge, %get3A_1892, %broadcast_in_dim3A : vector<16xi32>
      %lt3A_1893 = arith.cmpi slt, %get3A_1892, %broadcast_in_dim3A_25 : vector<16xi32>
      %and3A_1894 = arith.andi %ge3A, %lt3A_1893 : vector<16xi1>
      %convert_element_type3A_1895 = arith.extui %and3A_1894 : vector<16xi1> to vector<16xi32>
      %reduce_sum3A = arith.constant true
      %reduce_sum3A_1896 = vector.broadcast %reduce_sum3A : i1 to vector<16xi1>
      %reduce_sum3A_1897 = tpu.scan <sum>, %convert_element_type3A_1895 masked %reduce_sum3A_1896 : vector<16xi32>, vector<16xi1> -> vector<16xi32>
      %reduce_sum3A_1898 = vector.extract %reduce_sum3A_1897[15] : i32 from vector<16xi32>
      %min3A_1899 = arith.constant 1024 : i32
      %min3A_1900 = arith.minsi %scan3A_1888, %min3A_1899 : i32
      %swap3A_1901 = arith.index_cast %min3A_1900 : i32 to index
      %swap3A_1902 = tpu.vector_load %arg8[%swap3A_1901] masked %and3A_1894 {strides = array<i32>} : memref<1040xi32, #tpu.memory_space<vmem>>, vector<16xi32>, vector<16xi1>
      tpu.vector_store %arg8[%swap3A_1901], %get3A_1892 masked %and3A_1894 {strides = array<i32>} : memref<1040xi32, #tpu.memory_space<vmem>>, vector<16xi32>, vector<16xi1>
      %mul3A_1903 = arith.constant 16 : i32
      %mul3A_1904 = arith.muli %scan3A_1887, %mul3A_1903 : i32
      %add3A_1905 = vector.broadcast %mul3A_1904 : i32 to vector<16xi32>
      %add3A_1906 = arith.addi %add3A_1905, %iota3A : vector<16xi32>
      %swap3A_1907 = arith.index_cast %min3A_1900 : i32 to index
      %swap3A_1908 = tpu.vector_load %arg9[%swap3A_1907] masked %and3A_1894 {strides = array<i32>} : memref<1040xi32, #tpu.memory_space<vmem>>, vector<16xi32>, vector<16xi1>
      tpu.vector_store %arg9[%swap3A_1907], %add3A_1906 masked %and3A_1894 {strides = array<i32>} : memref<1040xi32, #tpu.memory_space<vmem>>, vector<16xi32>, vector<16xi1>
      %add3A_1909 = arith.addi %scan3A_1888, %reduce_sum3A_1898 : i32
      %min3A_1910 = arith.constant 1024 : i32
      %min3A_1911 = arith.minsi %add3A_1909, %min3A_1910 : i32
      scf.yield %min3A_1911 : i32
    }
    %scan3A_234 = arith.constant 64 : i32
    %dma_wait3A_235 = arith.constant 0 : i32
    %dma_wait3A_236 = tpu.memref_slice %arg16[%add3A_13, %dma_wait3A_235] : memref<8832x128xf32, #tpu.memory_space<vmem_shared>> -> memref<184x128xf32, #tpu.memory_space<vmem_shared>>
    %dma_wait3A_237 = arith.constant 0 : i32
    %dma_wait3A_238 = tpu.memref_slice %arg2[%add3A_198, %dma_wait3A_237] : memref<100000x128xf32, #tpu.memory_space<hbm>> -> memref<184x128xf32, #tpu.memory_space<hbm>>
    tpu.wait_dma2 semaphore(%arg22 : memref<!tpu.dma_semaphore, #tpu.memory_space<semaphore_mem>>) src(%dma_wait3A_238 : memref<184x128xf32, #tpu.memory_space<hbm>>) dst(%dma_wait3A_236 : memref<184x128xf32, #tpu.memory_space<vmem_shared>>)
    %add3A_239 = arith.constant 1472 : i32
    %add3A_240 = arith.addi %mul3A_2, %add3A_239 : i32
    %dma_start3A_241 = arith.constant 0 : i32
    %dma_start3A_242 = tpu.memref_slice %arg5[%add3A_240, %dma_start3A_241] : memref<100000x128xf32, #tpu.memory_space<hbm>> -> memref<184x128xf32, #tpu.memory_space<hbm>>
    %dma_start3A_243 = arith.constant 0 : i32
    %dma_start3A_244 = tpu.memref_slice %arg16[%add3A_13, %dma_start3A_243] : memref<8832x128xf32, #tpu.memory_space<vmem_shared>> -> memref<184x128xf32, #tpu.memory_space<vmem_shared>>
    tpu.enqueue_dma source(%dma_start3A_244 : memref<184x128xf32, #tpu.memory_space<vmem_shared>>) target(%dma_start3A_242 : memref<184x128xf32, #tpu.memory_space<hbm>>) target_semaphore(%arg25 : memref<!tpu.dma_semaphore, #tpu.memory_space<semaphore_mem>>)
    %dma_wait3A_245 = arith.constant 0 : i32
    %dma_wait3A_246 = tpu.memref_slice %arg5[%add3A_214, %dma_wait3A_245] : memref<100000x128xf32, #tpu.memory_space<hbm>> -> memref<184x128xf32, #tpu.memory_space<hbm>>
    %dma_wait3A_247 = arith.constant 0 : i32
    %dma_wait3A_248 = tpu.memref_slice %arg16[%add3A_11, %dma_wait3A_247] : memref<8832x128xf32, #tpu.memory_space<vmem_shared>> -> memref<184x128xf32, #tpu.memory_space<vmem_shared>>
    tpu.wait_dma2 semaphore(%arg24 : memref<!tpu.dma_semaphore, #tpu.memory_space<semaphore_mem>>) src(%dma_wait3A_248 : memref<184x128xf32, #tpu.memory_space<vmem_shared>>) dst(%dma_wait3A_246 : memref<184x128xf32, #tpu.memory_space<hbm>>)
    %add3A_249 = arith.constant 1840 : i32
    %add3A_250 = arith.addi %mul3A_2, %add3A_249 : i32
    %dma_start3A_251 = arith.constant 0 : i32
    %dma_start3A_252 = tpu.memref_slice %arg16[%add3A_11, %dma_start3A_251] : memref<8832x128xf32, #tpu.memory_space<vmem_shared>> -> memref<184x128xf32, #tpu.memory_space<vmem_shared>>
    %dma_start3A_253 = arith.constant 0 : i32
    %dma_start3A_254 = tpu.memref_slice %arg2[%add3A_250, %dma_start3A_253] : memref<100000x128xf32, #tpu.memory_space<hbm>> -> memref<184x128xf32, #tpu.memory_space<hbm>>
    tpu.enqueue_dma source(%dma_start3A_254 : memref<184x128xf32, #tpu.memory_space<hbm>>) target(%dma_start3A_252 : memref<184x128xf32, #tpu.memory_space<vmem_shared>>) target_semaphore(%arg21 : memref<!tpu.dma_semaphore, #tpu.memory_space<semaphore_mem>>)
    %scan3A_255 = arith.constant 576 : i32
    %scan3A_256 = arith.constant 64 : i32
    %scan3A_257 = arith.addi %scan3A_255, %scan3A_256 : i32
    %scan3A_258 = arith.constant 1 : i32
    %scan3A_259 = scf.for %scan3A_1887 = %scan3A_255 to %scan3A_257 step %scan3A_258 iter_args(%scan3A_1888 = %scan3A_233) -> (i32)  : i32 {
      %mul3A_1889 = arith.constant 16 : i32
      %mul3A_1890 = arith.muli %scan3A_1887, %mul3A_1889 : i32
      %get3A_1891 = arith.index_cast %mul3A_1890 : i32 to index
      %get3A_1892 = tpu.vector_load %arg6[%get3A_1891] {strides = array<i32>} : memref<16384xi32, #tpu.memory_space<vmem>>, vector<16xi32>,
      %ge3A = arith.cmpi sge, %get3A_1892, %broadcast_in_dim3A : vector<16xi32>
      %lt3A_1893 = arith.cmpi slt, %get3A_1892, %broadcast_in_dim3A_25 : vector<16xi32>
      %and3A_1894 = arith.andi %ge3A, %lt3A_1893 : vector<16xi1>
      %convert_element_type3A_1895 = arith.extui %and3A_1894 : vector<16xi1> to vector<16xi32>
      %reduce_sum3A = arith.constant true
      %reduce_sum3A_1896 = vector.broadcast %reduce_sum3A : i1 to vector<16xi1>
      %reduce_sum3A_1897 = tpu.scan <sum>, %convert_element_type3A_1895 masked %reduce_sum3A_1896 : vector<16xi32>, vector<16xi1> -> vector<16xi32>
      %reduce_sum3A_1898 = vector.extract %reduce_sum3A_1897[15] : i32 from vector<16xi32>
      %min3A_1899 = arith.constant 1024 : i32
      %min3A_1900 = arith.minsi %scan3A_1888, %min3A_1899 : i32
      %swap3A_1901 = arith.index_cast %min3A_1900 : i32 to index
      %swap3A_1902 = tpu.vector_load %arg8[%swap3A_1901] masked %and3A_1894 {strides = array<i32>} : memref<1040xi32, #tpu.memory_space<vmem>>, vector<16xi32>, vector<16xi1>
      tpu.vector_store %arg8[%swap3A_1901], %get3A_1892 masked %and3A_1894 {strides = array<i32>} : memref<1040xi32, #tpu.memory_space<vmem>>, vector<16xi32>, vector<16xi1>
      %mul3A_1903 = arith.constant 16 : i32
      %mul3A_1904 = arith.muli %scan3A_1887, %mul3A_1903 : i32
      %add3A_1905 = vector.broadcast %mul3A_1904 : i32 to vector<16xi32>
      %add3A_1906 = arith.addi %add3A_1905, %iota3A : vector<16xi32>
      %swap3A_1907 = arith.index_cast %min3A_1900 : i32 to index
      %swap3A_1908 = tpu.vector_load %arg9[%swap3A_1907] masked %and3A_1894 {strides = array<i32>} : memref<1040xi32, #tpu.memory_space<vmem>>, vector<16xi32>, vector<16xi1>
      tpu.vector_store %arg9[%swap3A_1907], %add3A_1906 masked %and3A_1894 {strides = array<i32>} : memref<1040xi32, #tpu.memory_space<vmem>>, vector<16xi32>, vector<16xi1>
      %add3A_1909 = arith.addi %scan3A_1888, %reduce_sum3A_1898 : i32
      %min3A_1910 = arith.constant 1024 : i32
      %min3A_1911 = arith.minsi %add3A_1909, %min3A_1910 : i32
      scf.yield %min3A_1911 : i32
    }
    %scan3A_260 = arith.constant 64 : i32
    %dma_wait3A_261 = arith.constant 0 : i32
    %dma_wait3A_262 = tpu.memref_slice %arg16[%add3A_9, %dma_wait3A_261] : memref<8832x128xf32, #tpu.memory_space<vmem_shared>> -> memref<184x128xf32, #tpu.memory_space<vmem_shared>>
    %dma_wait3A_263 = arith.constant 0 : i32
    %dma_wait3A_264 = tpu.memref_slice %arg2[%add3A_224, %dma_wait3A_263] : memref<100000x128xf32, #tpu.memory_space<hbm>> -> memref<184x128xf32, #tpu.memory_space<hbm>>
    tpu.wait_dma2 semaphore(%arg20 : memref<!tpu.dma_semaphore, #tpu.memory_space<semaphore_mem>>) src(%dma_wait3A_264 : memref<184x128xf32, #tpu.memory_space<hbm>>) dst(%dma_wait3A_262 : memref<184x128xf32, #tpu.memory_space<vmem_shared>>)
    %add3A_265 = arith.constant 1656 : i32
    %add3A_266 = arith.addi %mul3A_2, %add3A_265 : i32
    %dma_start3A_267 = arith.constant 0 : i32
    %dma_start3A_268 = tpu.memref_slice %arg5[%add3A_266, %dma_start3A_267] : memref<100000x128xf32, #tpu.memory_space<hbm>> -> memref<184x128xf32, #tpu.memory_space<hbm>>
    %dma_start3A_269 = arith.constant 0 : i32
    %dma_start3A_270 = tpu.memref_slice %arg16[%add3A_9, %dma_start3A_269] : memref<8832x128xf32, #tpu.memory_space<vmem_shared>> -> memref<184x128xf32, #tpu.memory_space<vmem_shared>>
    tpu.enqueue_dma source(%dma_start3A_270 : memref<184x128xf32, #tpu.memory_space<vmem_shared>>) target(%dma_start3A_268 : memref<184x128xf32, #tpu.memory_space<hbm>>) target_semaphore(%arg23 : memref<!tpu.dma_semaphore, #tpu.memory_space<semaphore_mem>>)
    %dma_wait3A_271 = arith.constant 0 : i32
    %dma_wait3A_272 = tpu.memref_slice %arg5[%add3A_240, %dma_wait3A_271] : memref<100000x128xf32, #tpu.memory_space<hbm>> -> memref<184x128xf32, #tpu.memory_space<hbm>>
    %dma_wait3A_273 = arith.constant 0 : i32
    %dma_wait3A_274 = tpu.memref_slice %arg16[%add3A_13, %dma_wait3A_273] : memref<8832x128xf32, #tpu.memory_space<vmem_shared>> -> memref<184x128xf32, #tpu.memory_space<vmem_shared>>
    tpu.wait_dma2 semaphore(%arg25 : memref<!tpu.dma_semaphore, #tpu.memory_space<semaphore_mem>>) src(%dma_wait3A_274 : memref<184x128xf32, #tpu.memory_space<vmem_shared>>) dst(%dma_wait3A_272 : memref<184x128xf32, #tpu.memory_space<hbm>>)
    %add3A_275 = arith.constant 2024 : i32
    %add3A_276 = arith.addi %mul3A_2, %add3A_275 : i32
    %dma_start3A_277 = arith.constant 0 : i32
    %dma_start3A_278 = tpu.memref_slice %arg16[%add3A_13, %dma_start3A_277] : memref<8832x128xf32, #tpu.memory_space<vmem_shared>> -> memref<184x128xf32, #tpu.memory_space<vmem_shared>>
    %dma_start3A_279 = arith.constant 0 : i32
    %dma_start3A_280 = tpu.memref_slice %arg2[%add3A_276, %dma_start3A_279] : memref<100000x128xf32, #tpu.memory_space<hbm>> -> memref<184x128xf32, #tpu.memory_space<hbm>>
    tpu.enqueue_dma source(%dma_start3A_280 : memref<184x128xf32, #tpu.memory_space<hbm>>) target(%dma_start3A_278 : memref<184x128xf32, #tpu.memory_space<vmem_shared>>) target_semaphore(%arg22 : memref<!tpu.dma_semaphore, #tpu.memory_space<semaphore_mem>>)
    %scan3A_281 = arith.constant 640 : i32
    %scan3A_282 = arith.constant 64 : i32
    %scan3A_283 = arith.addi %scan3A_281, %scan3A_282 : i32
    %scan3A_284 = arith.constant 1 : i32
    %scan3A_285 = scf.for %scan3A_1887 = %scan3A_281 to %scan3A_283 step %scan3A_284 iter_args(%scan3A_1888 = %scan3A_259) -> (i32)  : i32 {
      %mul3A_1889 = arith.constant 16 : i32
      %mul3A_1890 = arith.muli %scan3A_1887, %mul3A_1889 : i32
      %get3A_1891 = arith.index_cast %mul3A_1890 : i32 to index
      %get3A_1892 = tpu.vector_load %arg6[%get3A_1891] {strides = array<i32>} : memref<16384xi32, #tpu.memory_space<vmem>>, vector<16xi32>,
      %ge3A = arith.cmpi sge, %get3A_1892, %broadcast_in_dim3A : vector<16xi32>
      %lt3A_1893 = arith.cmpi slt, %get3A_1892, %broadcast_in_dim3A_25 : vector<16xi32>
      %and3A_1894 = arith.andi %ge3A, %lt3A_1893 : vector<16xi1>
      %convert_element_type3A_1895 = arith.extui %and3A_1894 : vector<16xi1> to vector<16xi32>
      %reduce_sum3A = arith.constant true
      %reduce_sum3A_1896 = vector.broadcast %reduce_sum3A : i1 to vector<16xi1>
      %reduce_sum3A_1897 = tpu.scan <sum>, %convert_element_type3A_1895 masked %reduce_sum3A_1896 : vector<16xi32>, vector<16xi1> -> vector<16xi32>
      %reduce_sum3A_1898 = vector.extract %reduce_sum3A_1897[15] : i32 from vector<16xi32>
      %min3A_1899 = arith.constant 1024 : i32
      %min3A_1900 = arith.minsi %scan3A_1888, %min3A_1899 : i32
      %swap3A_1901 = arith.index_cast %min3A_1900 : i32 to index
      %swap3A_1902 = tpu.vector_load %arg8[%swap3A_1901] masked %and3A_1894 {strides = array<i32>} : memref<1040xi32, #tpu.memory_space<vmem>>, vector<16xi32>, vector<16xi1>
      tpu.vector_store %arg8[%swap3A_1901], %get3A_1892 masked %and3A_1894 {strides = array<i32>} : memref<1040xi32, #tpu.memory_space<vmem>>, vector<16xi32>, vector<16xi1>
      %mul3A_1903 = arith.constant 16 : i32
      %mul3A_1904 = arith.muli %scan3A_1887, %mul3A_1903 : i32
      %add3A_1905 = vector.broadcast %mul3A_1904 : i32 to vector<16xi32>
      %add3A_1906 = arith.addi %add3A_1905, %iota3A : vector<16xi32>
      %swap3A_1907 = arith.index_cast %min3A_1900 : i32 to index
      %swap3A_1908 = tpu.vector_load %arg9[%swap3A_1907] masked %and3A_1894 {strides = array<i32>} : memref<1040xi32, #tpu.memory_space<vmem>>, vector<16xi32>, vector<16xi1>
      tpu.vector_store %arg9[%swap3A_1907], %add3A_1906 masked %and3A_1894 {strides = array<i32>} : memref<1040xi32, #tpu.memory_space<vmem>>, vector<16xi32>, vector<16xi1>
      %add3A_1909 = arith.addi %scan3A_1888, %reduce_sum3A_1898 : i32
      %min3A_1910 = arith.constant 1024 : i32
      %min3A_1911 = arith.minsi %add3A_1909, %min3A_1910 : i32
      scf.yield %min3A_1911 : i32
    }
    %scan3A_286 = arith.constant 64 : i32
    %dma_wait3A_287 = arith.constant 0 : i32
    %dma_wait3A_288 = tpu.memref_slice %arg16[%add3A_11, %dma_wait3A_287] : memref<8832x128xf32, #tpu.memory_space<vmem_shared>> -> memref<184x128xf32, #tpu.memory_space<vmem_shared>>
    %dma_wait3A_289 = arith.constant 0 : i32
    %dma_wait3A_290 = tpu.memref_slice %arg2[%add3A_250, %dma_wait3A_289] : memref<100000x128xf32, #tpu.memory_space<hbm>> -> memref<184x128xf32, #tpu.memory_space<hbm>>
    tpu.wait_dma2 semaphore(%arg21 : memref<!tpu.dma_semaphore, #tpu.memory_space<semaphore_mem>>) src(%dma_wait3A_290 : memref<184x128xf32, #tpu.memory_space<hbm>>) dst(%dma_wait3A_288 : memref<184x128xf32, #tpu.memory_space<vmem_shared>>)
    %add3A_291 = arith.constant 1840 : i32
    %add3A_292 = arith.addi %mul3A_2, %add3A_291 : i32
    %dma_start3A_293 = arith.constant 0 : i32
    %dma_start3A_294 = tpu.memref_slice %arg5[%add3A_292, %dma_start3A_293] : memref<100000x128xf32, #tpu.memory_space<hbm>> -> memref<184x128xf32, #tpu.memory_space<hbm>>
    %dma_start3A_295 = arith.constant 0 : i32
    %dma_start3A_296 = tpu.memref_slice %arg16[%add3A_11, %dma_start3A_295] : memref<8832x128xf32, #tpu.memory_space<vmem_shared>> -> memref<184x128xf32, #tpu.memory_space<vmem_shared>>
    tpu.enqueue_dma source(%dma_start3A_296 : memref<184x128xf32, #tpu.memory_space<vmem_shared>>) target(%dma_start3A_294 : memref<184x128xf32, #tpu.memory_space<hbm>>) target_semaphore(%arg24 : memref<!tpu.dma_semaphore, #tpu.memory_space<semaphore_mem>>)
    %dma_wait3A_297 = arith.constant 0 : i32
    %dma_wait3A_298 = tpu.memref_slice %arg5[%add3A_266, %dma_wait3A_297] : memref<100000x128xf32, #tpu.memory_space<hbm>> -> memref<184x128xf32, #tpu.memory_space<hbm>>
    %dma_wait3A_299 = arith.constant 0 : i32
    %dma_wait3A_300 = tpu.memref_slice %arg16[%add3A_9, %dma_wait3A_299] : memref<8832x128xf32, #tpu.memory_space<vmem_shared>> -> memref<184x128xf32, #tpu.memory_space<vmem_shared>>
    tpu.wait_dma2 semaphore(%arg23 : memref<!tpu.dma_semaphore, #tpu.memory_space<semaphore_mem>>) src(%dma_wait3A_300 : memref<184x128xf32, #tpu.memory_space<vmem_shared>>) dst(%dma_wait3A_298 : memref<184x128xf32, #tpu.memory_space<hbm>>)
    %add3A_301 = arith.constant 2208 : i32
    %add3A_302 = arith.addi %mul3A_2, %add3A_301 : i32
    %dma_start3A_303 = arith.constant 0 : i32
    %dma_start3A_304 = tpu.memref_slice %arg16[%add3A_9, %dma_start3A_303] : memref<8832x128xf32, #tpu.memory_space<vmem_shared>> -> memref<184x128xf32, #tpu.memory_space<vmem_shared>>
    %dma_start3A_305 = arith.constant 0 : i32
    %dma_start3A_306 = tpu.memref_slice %arg2[%add3A_302, %dma_start3A_305] : memref<100000x128xf32, #tpu.memory_space<hbm>> -> memref<184x128xf32, #tpu.memory_space<hbm>>
    tpu.enqueue_dma source(%dma_start3A_306 : memref<184x128xf32, #tpu.memory_space<hbm>>) target(%dma_start3A_304 : memref<184x128xf32, #tpu.memory_space<vmem_shared>>) target_semaphore(%arg20 : memref<!tpu.dma_semaphore, #tpu.memory_space<semaphore_mem>>)
    %scan3A_307 = arith.constant 704 : i32
    %scan3A_308 = arith.constant 64 : i32
    %scan3A_309 = arith.addi %scan3A_307, %scan3A_308 : i32
    %scan3A_310 = arith.constant 1 : i32
    %scan3A_311 = scf.for %scan3A_1887 = %scan3A_307 to %scan3A_309 step %scan3A_310 iter_args(%scan3A_1888 = %scan3A_285) -> (i32)  : i32 {
      %mul3A_1889 = arith.constant 16 : i32
      %mul3A_1890 = arith.muli %scan3A_1887, %mul3A_1889 : i32
      %get3A_1891 = arith.index_cast %mul3A_1890 : i32 to index
      %get3A_1892 = tpu.vector_load %arg6[%get3A_1891] {strides = array<i32>} : memref<16384xi32, #tpu.memory_space<vmem>>, vector<16xi32>,
      %ge3A = arith.cmpi sge, %get3A_1892, %broadcast_in_dim3A : vector<16xi32>
      %lt3A_1893 = arith.cmpi slt, %get3A_1892, %broadcast_in_dim3A_25 : vector<16xi32>
      %and3A_1894 = arith.andi %ge3A, %lt3A_1893 : vector<16xi1>
      %convert_element_type3A_1895 = arith.extui %and3A_1894 : vector<16xi1> to vector<16xi32>
      %reduce_sum3A = arith.constant true
      %reduce_sum3A_1896 = vector.broadcast %reduce_sum3A : i1 to vector<16xi1>
      %reduce_sum3A_1897 = tpu.scan <sum>, %convert_element_type3A_1895 masked %reduce_sum3A_1896 : vector<16xi32>, vector<16xi1> -> vector<16xi32>
      %reduce_sum3A_1898 = vector.extract %reduce_sum3A_1897[15] : i32 from vector<16xi32>
      %min3A_1899 = arith.constant 1024 : i32
      %min3A_1900 = arith.minsi %scan3A_1888, %min3A_1899 : i32
      %swap3A_1901 = arith.index_cast %min3A_1900 : i32 to index
      %swap3A_1902 = tpu.vector_load %arg8[%swap3A_1901] masked %and3A_1894 {strides = array<i32>} : memref<1040xi32, #tpu.memory_space<vmem>>, vector<16xi32>, vector<16xi1>
      tpu.vector_store %arg8[%swap3A_1901], %get3A_1892 masked %and3A_1894 {strides = array<i32>} : memref<1040xi32, #tpu.memory_space<vmem>>, vector<16xi32>, vector<16xi1>
      %mul3A_1903 = arith.constant 16 : i32
      %mul3A_1904 = arith.muli %scan3A_1887, %mul3A_1903 : i32
      %add3A_1905 = vector.broadcast %mul3A_1904 : i32 to vector<16xi32>
      %add3A_1906 = arith.addi %add3A_1905, %iota3A : vector<16xi32>
      %swap3A_1907 = arith.index_cast %min3A_1900 : i32 to index
      %swap3A_1908 = tpu.vector_load %arg9[%swap3A_1907] masked %and3A_1894 {strides = array<i32>} : memref<1040xi32, #tpu.memory_space<vmem>>, vector<16xi32>, vector<16xi1>
      tpu.vector_store %arg9[%swap3A_1907], %add3A_1906 masked %and3A_1894 {strides = array<i32>} : memref<1040xi32, #tpu.memory_space<vmem>>, vector<16xi32>, vector<16xi1>
      %add3A_1909 = arith.addi %scan3A_1888, %reduce_sum3A_1898 : i32
      %min3A_1910 = arith.constant 1024 : i32
      %min3A_1911 = arith.minsi %add3A_1909, %min3A_1910 : i32
      scf.yield %min3A_1911 : i32
    }
    %scan3A_312 = arith.constant 64 : i32
    %dma_wait3A_313 = arith.constant 0 : i32
    %dma_wait3A_314 = tpu.memref_slice %arg16[%add3A_13, %dma_wait3A_313] : memref<8832x128xf32, #tpu.memory_space<vmem_shared>> -> memref<184x128xf32, #tpu.memory_space<vmem_shared>>
    %dma_wait3A_315 = arith.constant 0 : i32
    %dma_wait3A_316 = tpu.memref_slice %arg2[%add3A_276, %dma_wait3A_315] : memref<100000x128xf32, #tpu.memory_space<hbm>> -> memref<184x128xf32, #tpu.memory_space<hbm>>
    tpu.wait_dma2 semaphore(%arg22 : memref<!tpu.dma_semaphore, #tpu.memory_space<semaphore_mem>>) src(%dma_wait3A_316 : memref<184x128xf32, #tpu.memory_space<hbm>>) dst(%dma_wait3A_314 : memref<184x128xf32, #tpu.memory_space<vmem_shared>>)
    %add3A_317 = arith.constant 2024 : i32
    %add3A_318 = arith.addi %mul3A_2, %add3A_317 : i32
    %dma_start3A_319 = arith.constant 0 : i32
    %dma_start3A_320 = tpu.memref_slice %arg5[%add3A_318, %dma_start3A_319] : memref<100000x128xf32, #tpu.memory_space<hbm>> -> memref<184x128xf32, #tpu.memory_space<hbm>>
    %dma_start3A_321 = arith.constant 0 : i32
    %dma_start3A_322 = tpu.memref_slice %arg16[%add3A_13, %dma_start3A_321] : memref<8832x128xf32, #tpu.memory_space<vmem_shared>> -> memref<184x128xf32, #tpu.memory_space<vmem_shared>>
    tpu.enqueue_dma source(%dma_start3A_322 : memref<184x128xf32, #tpu.memory_space<vmem_shared>>) target(%dma_start3A_320 : memref<184x128xf32, #tpu.memory_space<hbm>>) target_semaphore(%arg25 : memref<!tpu.dma_semaphore, #tpu.memory_space<semaphore_mem>>)
    %dma_wait3A_323 = arith.constant 0 : i32
    %dma_wait3A_324 = tpu.memref_slice %arg5[%add3A_292, %dma_wait3A_323] : memref<100000x128xf32, #tpu.memory_space<hbm>> -> memref<184x128xf32, #tpu.memory_space<hbm>>
    %dma_wait3A_325 = arith.constant 0 : i32
    %dma_wait3A_326 = tpu.memref_slice %arg16[%add3A_11, %dma_wait3A_325] : memref<8832x128xf32, #tpu.memory_space<vmem_shared>> -> memref<184x128xf32, #tpu.memory_space<vmem_shared>>
    tpu.wait_dma2 semaphore(%arg24 : memref<!tpu.dma_semaphore, #tpu.memory_space<semaphore_mem>>) src(%dma_wait3A_326 : memref<184x128xf32, #tpu.memory_space<vmem_shared>>) dst(%dma_wait3A_324 : memref<184x128xf32, #tpu.memory_space<hbm>>)
    %add3A_327 = arith.constant 2392 : i32
    %add3A_328 = arith.addi %mul3A_2, %add3A_327 : i32
    %dma_start3A_329 = arith.constant 0 : i32
    %dma_start3A_330 = tpu.memref_slice %arg16[%add3A_11, %dma_start3A_329] : memref<8832x128xf32, #tpu.memory_space<vmem_shared>> -> memref<184x128xf32, #tpu.memory_space<vmem_shared>>
    %dma_start3A_331 = arith.constant 0 : i32
    %dma_start3A_332 = tpu.memref_slice %arg2[%add3A_328, %dma_start3A_331] : memref<100000x128xf32, #tpu.memory_space<hbm>> -> memref<184x128xf32, #tpu.memory_space<hbm>>
    tpu.enqueue_dma source(%dma_start3A_332 : memref<184x128xf32, #tpu.memory_space<hbm>>) target(%dma_start3A_330 : memref<184x128xf32, #tpu.memory_space<vmem_shared>>) target_semaphore(%arg21 : memref<!tpu.dma_semaphore, #tpu.memory_space<semaphore_mem>>)
    %scan3A_333 = arith.constant 768 : i32
    %scan3A_334 = arith.constant 64 : i32
    %scan3A_335 = arith.addi %scan3A_333, %scan3A_334 : i32
    %scan3A_336 = arith.constant 1 : i32
    %scan3A_337 = scf.for %scan3A_1887 = %scan3A_333 to %scan3A_335 step %scan3A_336 iter_args(%scan3A_1888 = %scan3A_311) -> (i32)  : i32 {
      %mul3A_1889 = arith.constant 16 : i32
      %mul3A_1890 = arith.muli %scan3A_1887, %mul3A_1889 : i32
      %get3A_1891 = arith.index_cast %mul3A_1890 : i32 to index
      %get3A_1892 = tpu.vector_load %arg6[%get3A_1891] {strides = array<i32>} : memref<16384xi32, #tpu.memory_space<vmem>>, vector<16xi32>,
      %ge3A = arith.cmpi sge, %get3A_1892, %broadcast_in_dim3A : vector<16xi32>
      %lt3A_1893 = arith.cmpi slt, %get3A_1892, %broadcast_in_dim3A_25 : vector<16xi32>
      %and3A_1894 = arith.andi %ge3A, %lt3A_1893 : vector<16xi1>
      %convert_element_type3A_1895 = arith.extui %and3A_1894 : vector<16xi1> to vector<16xi32>
      %reduce_sum3A = arith.constant true
      %reduce_sum3A_1896 = vector.broadcast %reduce_sum3A : i1 to vector<16xi1>
      %reduce_sum3A_1897 = tpu.scan <sum>, %convert_element_type3A_1895 masked %reduce_sum3A_1896 : vector<16xi32>, vector<16xi1> -> vector<16xi32>
      %reduce_sum3A_1898 = vector.extract %reduce_sum3A_1897[15] : i32 from vector<16xi32>
      %min3A_1899 = arith.constant 1024 : i32
      %min3A_1900 = arith.minsi %scan3A_1888, %min3A_1899 : i32
      %swap3A_1901 = arith.index_cast %min3A_1900 : i32 to index
      %swap3A_1902 = tpu.vector_load %arg8[%swap3A_1901] masked %and3A_1894 {strides = array<i32>} : memref<1040xi32, #tpu.memory_space<vmem>>, vector<16xi32>, vector<16xi1>
      tpu.vector_store %arg8[%swap3A_1901], %get3A_1892 masked %and3A_1894 {strides = array<i32>} : memref<1040xi32, #tpu.memory_space<vmem>>, vector<16xi32>, vector<16xi1>
      %mul3A_1903 = arith.constant 16 : i32
      %mul3A_1904 = arith.muli %scan3A_1887, %mul3A_1903 : i32
      %add3A_1905 = vector.broadcast %mul3A_1904 : i32 to vector<16xi32>
      %add3A_1906 = arith.addi %add3A_1905, %iota3A : vector<16xi32>
      %swap3A_1907 = arith.index_cast %min3A_1900 : i32 to index
      %swap3A_1908 = tpu.vector_load %arg9[%swap3A_1907] masked %and3A_1894 {strides = array<i32>} : memref<1040xi32, #tpu.memory_space<vmem>>, vector<16xi32>, vector<16xi1>
      tpu.vector_store %arg9[%swap3A_1907], %add3A_1906 masked %and3A_1894 {strides = array<i32>} : memref<1040xi32, #tpu.memory_space<vmem>>, vector<16xi32>, vector<16xi1>
      %add3A_1909 = arith.addi %scan3A_1888, %reduce_sum3A_1898 : i32
      %min3A_1910 = arith.constant 1024 : i32
      %min3A_1911 = arith.minsi %add3A_1909, %min3A_1910 : i32
      scf.yield %min3A_1911 : i32
    }
    %scan3A_338 = arith.constant 64 : i32
    %dma_wait3A_339 = arith.constant 0 : i32
    %dma_wait3A_340 = tpu.memref_slice %arg16[%add3A_9, %dma_wait3A_339] : memref<8832x128xf32, #tpu.memory_space<vmem_shared>> -> memref<184x128xf32, #tpu.memory_space<vmem_shared>>
    %dma_wait3A_341 = arith.constant 0 : i32
    %dma_wait3A_342 = tpu.memref_slice %arg2[%add3A_302, %dma_wait3A_341] : memref<100000x128xf32, #tpu.memory_space<hbm>> -> memref<184x128xf32, #tpu.memory_space<hbm>>
    tpu.wait_dma2 semaphore(%arg20 : memref<!tpu.dma_semaphore, #tpu.memory_space<semaphore_mem>>) src(%dma_wait3A_342 : memref<184x128xf32, #tpu.memory_space<hbm>>) dst(%dma_wait3A_340 : memref<184x128xf32, #tpu.memory_space<vmem_shared>>)
    %add3A_343 = arith.constant 2208 : i32
    %add3A_344 = arith.addi %mul3A_2, %add3A_343 : i32
    %dma_start3A_345 = arith.constant 0 : i32
    %dma_start3A_346 = tpu.memref_slice %arg5[%add3A_344, %dma_start3A_345] : memref<100000x128xf32, #tpu.memory_space<hbm>> -> memref<184x128xf32, #tpu.memory_space<hbm>>
    %dma_start3A_347 = arith.constant 0 : i32
    %dma_start3A_348 = tpu.memref_slice %arg16[%add3A_9, %dma_start3A_347] : memref<8832x128xf32, #tpu.memory_space<vmem_shared>> -> memref<184x128xf32, #tpu.memory_space<vmem_shared>>
    tpu.enqueue_dma source(%dma_start3A_348 : memref<184x128xf32, #tpu.memory_space<vmem_shared>>) target(%dma_start3A_346 : memref<184x128xf32, #tpu.memory_space<hbm>>) target_semaphore(%arg23 : memref<!tpu.dma_semaphore, #tpu.memory_space<semaphore_mem>>)
    %dma_wait3A_349 = arith.constant 0 : i32
    %dma_wait3A_350 = tpu.memref_slice %arg5[%add3A_318, %dma_wait3A_349] : memref<100000x128xf32, #tpu.memory_space<hbm>> -> memref<184x128xf32, #tpu.memory_space<hbm>>
    %dma_wait3A_351 = arith.constant 0 : i32
    %dma_wait3A_352 = tpu.memref_slice %arg16[%add3A_13, %dma_wait3A_351] : memref<8832x128xf32, #tpu.memory_space<vmem_shared>> -> memref<184x128xf32, #tpu.memory_space<vmem_shared>>
    tpu.wait_dma2 semaphore(%arg25 : memref<!tpu.dma_semaphore, #tpu.memory_space<semaphore_mem>>) src(%dma_wait3A_352 : memref<184x128xf32, #tpu.memory_space<vmem_shared>>) dst(%dma_wait3A_350 : memref<184x128xf32, #tpu.memory_space<hbm>>)
    %add3A_353 = arith.constant 2576 : i32
    %add3A_354 = arith.addi %mul3A_2, %add3A_353 : i32
    %dma_start3A_355 = arith.constant 0 : i32
    %dma_start3A_356 = tpu.memref_slice %arg16[%add3A_13, %dma_start3A_355] : memref<8832x128xf32, #tpu.memory_space<vmem_shared>> -> memref<184x128xf32, #tpu.memory_space<vmem_shared>>
    %dma_start3A_357 = arith.constant 0 : i32
    %dma_start3A_358 = tpu.memref_slice %arg2[%add3A_354, %dma_start3A_357] : memref<100000x128xf32, #tpu.memory_space<hbm>> -> memref<184x128xf32, #tpu.memory_space<hbm>>
    tpu.enqueue_dma source(%dma_start3A_358 : memref<184x128xf32, #tpu.memory_space<hbm>>) target(%dma_start3A_356 : memref<184x128xf32, #tpu.memory_space<vmem_shared>>) target_semaphore(%arg22 : memref<!tpu.dma_semaphore, #tpu.memory_space<semaphore_mem>>)
    %scan3A_359 = arith.constant 832 : i32
    %scan3A_360 = arith.constant 64 : i32
    %scan3A_361 = arith.addi %scan3A_359, %scan3A_360 : i32
    %scan3A_362 = arith.constant 1 : i32
    %scan3A_363 = scf.for %scan3A_1887 = %scan3A_359 to %scan3A_361 step %scan3A_362 iter_args(%scan3A_1888 = %scan3A_337) -> (i32)  : i32 {
      %mul3A_1889 = arith.constant 16 : i32
      %mul3A_1890 = arith.muli %scan3A_1887, %mul3A_1889 : i32
      %get3A_1891 = arith.index_cast %mul3A_1890 : i32 to index
      %get3A_1892 = tpu.vector_load %arg6[%get3A_1891] {strides = array<i32>} : memref<16384xi32, #tpu.memory_space<vmem>>, vector<16xi32>,
      %ge3A = arith.cmpi sge, %get3A_1892, %broadcast_in_dim3A : vector<16xi32>
      %lt3A_1893 = arith.cmpi slt, %get3A_1892, %broadcast_in_dim3A_25 : vector<16xi32>
      %and3A_1894 = arith.andi %ge3A, %lt3A_1893 : vector<16xi1>
      %convert_element_type3A_1895 = arith.extui %and3A_1894 : vector<16xi1> to vector<16xi32>
      %reduce_sum3A = arith.constant true
      %reduce_sum3A_1896 = vector.broadcast %reduce_sum3A : i1 to vector<16xi1>
      %reduce_sum3A_1897 = tpu.scan <sum>, %convert_element_type3A_1895 masked %reduce_sum3A_1896 : vector<16xi32>, vector<16xi1> -> vector<16xi32>
      %reduce_sum3A_1898 = vector.extract %reduce_sum3A_1897[15] : i32 from vector<16xi32>
      %min3A_1899 = arith.constant 1024 : i32
      %min3A_1900 = arith.minsi %scan3A_1888, %min3A_1899 : i32
      %swap3A_1901 = arith.index_cast %min3A_1900 : i32 to index
      %swap3A_1902 = tpu.vector_load %arg8[%swap3A_1901] masked %and3A_1894 {strides = array<i32>} : memref<1040xi32, #tpu.memory_space<vmem>>, vector<16xi32>, vector<16xi1>
      tpu.vector_store %arg8[%swap3A_1901], %get3A_1892 masked %and3A_1894 {strides = array<i32>} : memref<1040xi32, #tpu.memory_space<vmem>>, vector<16xi32>, vector<16xi1>
      %mul3A_1903 = arith.constant 16 : i32
      %mul3A_1904 = arith.muli %scan3A_1887, %mul3A_1903 : i32
      %add3A_1905 = vector.broadcast %mul3A_1904 : i32 to vector<16xi32>
      %add3A_1906 = arith.addi %add3A_1905, %iota3A : vector<16xi32>
      %swap3A_1907 = arith.index_cast %min3A_1900 : i32 to index
      %swap3A_1908 = tpu.vector_load %arg9[%swap3A_1907] masked %and3A_1894 {strides = array<i32>} : memref<1040xi32, #tpu.memory_space<vmem>>, vector<16xi32>, vector<16xi1>
      tpu.vector_store %arg9[%swap3A_1907], %add3A_1906 masked %and3A_1894 {strides = array<i32>} : memref<1040xi32, #tpu.memory_space<vmem>>, vector<16xi32>, vector<16xi1>
      %add3A_1909 = arith.addi %scan3A_1888, %reduce_sum3A_1898 : i32
      %min3A_1910 = arith.constant 1024 : i32
      %min3A_1911 = arith.minsi %add3A_1909, %min3A_1910 : i32
      scf.yield %min3A_1911 : i32
    }
    %scan3A_364 = arith.constant 64 : i32
    %dma_wait3A_365 = arith.constant 0 : i32
    %dma_wait3A_366 = tpu.memref_slice %arg16[%add3A_11, %dma_wait3A_365] : memref<8832x128xf32, #tpu.memory_space<vmem_shared>> -> memref<184x128xf32, #tpu.memory_space<vmem_shared>>
    %dma_wait3A_367 = arith.constant 0 : i32
    %dma_wait3A_368 = tpu.memref_slice %arg2[%add3A_328, %dma_wait3A_367] : memref<100000x128xf32, #tpu.memory_space<hbm>> -> memref<184x128xf32, #tpu.memory_space<hbm>>
    tpu.wait_dma2 semaphore(%arg21 : memref<!tpu.dma_semaphore, #tpu.memory_space<semaphore_mem>>) src(%dma_wait3A_368 : memref<184x128xf32, #tpu.memory_space<hbm>>) dst(%dma_wait3A_366 : memref<184x128xf32, #tpu.memory_space<vmem_shared>>)
    %add3A_369 = arith.constant 2392 : i32
    %add3A_370 = arith.addi %mul3A_2, %add3A_369 : i32
    %dma_start3A_371 = arith.constant 0 : i32
    %dma_start3A_372 = tpu.memref_slice %arg5[%add3A_370, %dma_start3A_371] : memref<100000x128xf32, #tpu.memory_space<hbm>> -> memref<184x128xf32, #tpu.memory_space<hbm>>
    %dma_start3A_373 = arith.constant 0 : i32
    %dma_start3A_374 = tpu.memref_slice %arg16[%add3A_11, %dma_start3A_373] : memref<8832x128xf32, #tpu.memory_space<vmem_shared>> -> memref<184x128xf32, #tpu.memory_space<vmem_shared>>
    tpu.enqueue_dma source(%dma_start3A_374 : memref<184x128xf32, #tpu.memory_space<vmem_shared>>) target(%dma_start3A_372 : memref<184x128xf32, #tpu.memory_space<hbm>>) target_semaphore(%arg24 : memref<!tpu.dma_semaphore, #tpu.memory_space<semaphore_mem>>)
    %dma_wait3A_375 = arith.constant 0 : i32
    %dma_wait3A_376 = tpu.memref_slice %arg5[%add3A_344, %dma_wait3A_375] : memref<100000x128xf32, #tpu.memory_space<hbm>> -> memref<184x128xf32, #tpu.memory_space<hbm>>
    %dma_wait3A_377 = arith.constant 0 : i32
    %dma_wait3A_378 = tpu.memref_slice %arg16[%add3A_9, %dma_wait3A_377] : memref<8832x128xf32, #tpu.memory_space<vmem_shared>> -> memref<184x128xf32, #tpu.memory_space<vmem_shared>>
    tpu.wait_dma2 semaphore(%arg23 : memref<!tpu.dma_semaphore, #tpu.memory_space<semaphore_mem>>) src(%dma_wait3A_378 : memref<184x128xf32, #tpu.memory_space<vmem_shared>>) dst(%dma_wait3A_376 : memref<184x128xf32, #tpu.memory_space<hbm>>)
    %add3A_379 = arith.constant 2760 : i32
    %add3A_380 = arith.addi %mul3A_2, %add3A_379 : i32
    %dma_start3A_381 = arith.constant 0 : i32
    %dma_start3A_382 = tpu.memref_slice %arg16[%add3A_9, %dma_start3A_381] : memref<8832x128xf32, #tpu.memory_space<vmem_shared>> -> memref<184x128xf32, #tpu.memory_space<vmem_shared>>
    %dma_start3A_383 = arith.constant 0 : i32
    %dma_start3A_384 = tpu.memref_slice %arg2[%add3A_380, %dma_start3A_383] : memref<100000x128xf32, #tpu.memory_space<hbm>> -> memref<184x128xf32, #tpu.memory_space<hbm>>
    tpu.enqueue_dma source(%dma_start3A_384 : memref<184x128xf32, #tpu.memory_space<hbm>>) target(%dma_start3A_382 : memref<184x128xf32, #tpu.memory_space<vmem_shared>>) target_semaphore(%arg20 : memref<!tpu.dma_semaphore, #tpu.memory_space<semaphore_mem>>)
    %scan3A_385 = arith.constant 896 : i32
    %scan3A_386 = arith.constant 64 : i32
    %scan3A_387 = arith.addi %scan3A_385, %scan3A_386 : i32
    %scan3A_388 = arith.constant 1 : i32
    %scan3A_389 = scf.for %scan3A_1887 = %scan3A_385 to %scan3A_387 step %scan3A_388 iter_args(%scan3A_1888 = %scan3A_363) -> (i32)  : i32 {
      %mul3A_1889 = arith.constant 16 : i32
      %mul3A_1890 = arith.muli %scan3A_1887, %mul3A_1889 : i32
      %get3A_1891 = arith.index_cast %mul3A_1890 : i32 to index
      %get3A_1892 = tpu.vector_load %arg6[%get3A_1891] {strides = array<i32>} : memref<16384xi32, #tpu.memory_space<vmem>>, vector<16xi32>,
      %ge3A = arith.cmpi sge, %get3A_1892, %broadcast_in_dim3A : vector<16xi32>
      %lt3A_1893 = arith.cmpi slt, %get3A_1892, %broadcast_in_dim3A_25 : vector<16xi32>
      %and3A_1894 = arith.andi %ge3A, %lt3A_1893 : vector<16xi1>
      %convert_element_type3A_1895 = arith.extui %and3A_1894 : vector<16xi1> to vector<16xi32>
      %reduce_sum3A = arith.constant true
      %reduce_sum3A_1896 = vector.broadcast %reduce_sum3A : i1 to vector<16xi1>
      %reduce_sum3A_1897 = tpu.scan <sum>, %convert_element_type3A_1895 masked %reduce_sum3A_1896 : vector<16xi32>, vector<16xi1> -> vector<16xi32>
      %reduce_sum3A_1898 = vector.extract %reduce_sum3A_1897[15] : i32 from vector<16xi32>
      %min3A_1899 = arith.constant 1024 : i32
      %min3A_1900 = arith.minsi %scan3A_1888, %min3A_1899 : i32
      %swap3A_1901 = arith.index_cast %min3A_1900 : i32 to index
      %swap3A_1902 = tpu.vector_load %arg8[%swap3A_1901] masked %and3A_1894 {strides = array<i32>} : memref<1040xi32, #tpu.memory_space<vmem>>, vector<16xi32>, vector<16xi1>
      tpu.vector_store %arg8[%swap3A_1901], %get3A_1892 masked %and3A_1894 {strides = array<i32>} : memref<1040xi32, #tpu.memory_space<vmem>>, vector<16xi32>, vector<16xi1>
      %mul3A_1903 = arith.constant 16 : i32
      %mul3A_1904 = arith.muli %scan3A_1887, %mul3A_1903 : i32
      %add3A_1905 = vector.broadcast %mul3A_1904 : i32 to vector<16xi32>
      %add3A_1906 = arith.addi %add3A_1905, %iota3A : vector<16xi32>
      %swap3A_1907 = arith.index_cast %min3A_1900 : i32 to index
      %swap3A_1908 = tpu.vector_load %arg9[%swap3A_1907] masked %and3A_1894 {strides = array<i32>} : memref<1040xi32, #tpu.memory_space<vmem>>, vector<16xi32>, vector<16xi1>
      tpu.vector_store %arg9[%swap3A_1907], %add3A_1906 masked %and3A_1894 {strides = array<i32>} : memref<1040xi32, #tpu.memory_space<vmem>>, vector<16xi32>, vector<16xi1>
      %add3A_1909 = arith.addi %scan3A_1888, %reduce_sum3A_1898 : i32
      %min3A_1910 = arith.constant 1024 : i32
      %min3A_1911 = arith.minsi %add3A_1909, %min3A_1910 : i32
      scf.yield %min3A_1911 : i32
    }
    %scan3A_390 = arith.constant 64 : i32
    %dma_wait3A_391 = arith.constant 0 : i32
    %dma_wait3A_392 = tpu.memref_slice %arg16[%add3A_13, %dma_wait3A_391] : memref<8832x128xf32, #tpu.memory_space<vmem_shared>> -> memref<184x128xf32, #tpu.memory_space<vmem_shared>>
    %dma_wait3A_393 = arith.constant 0 : i32
    %dma_wait3A_394 = tpu.memref_slice %arg2[%add3A_354, %dma_wait3A_393] : memref<100000x128xf32, #tpu.memory_space<hbm>> -> memref<184x128xf32, #tpu.memory_space<hbm>>
    tpu.wait_dma2 semaphore(%arg22 : memref<!tpu.dma_semaphore, #tpu.memory_space<semaphore_mem>>) src(%dma_wait3A_394 : memref<184x128xf32, #tpu.memory_space<hbm>>) dst(%dma_wait3A_392 : memref<184x128xf32, #tpu.memory_space<vmem_shared>>)
    %add3A_395 = arith.constant 2576 : i32
    %add3A_396 = arith.addi %mul3A_2, %add3A_395 : i32
    %dma_start3A_397 = arith.constant 0 : i32
    %dma_start3A_398 = tpu.memref_slice %arg5[%add3A_396, %dma_start3A_397] : memref<100000x128xf32, #tpu.memory_space<hbm>> -> memref<184x128xf32, #tpu.memory_space<hbm>>
    %dma_start3A_399 = arith.constant 0 : i32
    %dma_start3A_400 = tpu.memref_slice %arg16[%add3A_13, %dma_start3A_399] : memref<8832x128xf32, #tpu.memory_space<vmem_shared>> -> memref<184x128xf32, #tpu.memory_space<vmem_shared>>
    tpu.enqueue_dma source(%dma_start3A_400 : memref<184x128xf32, #tpu.memory_space<vmem_shared>>) target(%dma_start3A_398 : memref<184x128xf32, #tpu.memory_space<hbm>>) target_semaphore(%arg25 : memref<!tpu.dma_semaphore, #tpu.memory_space<semaphore_mem>>)
    %scan3A_401 = arith.constant 960 : i32
    %scan3A_402 = arith.constant 64 : i32
    %scan3A_403 = arith.addi %scan3A_401, %scan3A_402 : i32
    %scan3A_404 = arith.constant 1 : i32
    %scan3A_405 = scf.for %scan3A_1887 = %scan3A_401 to %scan3A_403 step %scan3A_404 iter_args(%scan3A_1888 = %scan3A_389) -> (i32)  : i32 {
      %mul3A_1889 = arith.constant 16 : i32
      %mul3A_1890 = arith.muli %scan3A_1887, %mul3A_1889 : i32
      %get3A_1891 = arith.index_cast %mul3A_1890 : i32 to index
      %get3A_1892 = tpu.vector_load %arg6[%get3A_1891] {strides = array<i32>} : memref<16384xi32, #tpu.memory_space<vmem>>, vector<16xi32>,
      %ge3A = arith.cmpi sge, %get3A_1892, %broadcast_in_dim3A : vector<16xi32>
      %lt3A_1893 = arith.cmpi slt, %get3A_1892, %broadcast_in_dim3A_25 : vector<16xi32>
      %and3A_1894 = arith.andi %ge3A, %lt3A_1893 : vector<16xi1>
      %convert_element_type3A_1895 = arith.extui %and3A_1894 : vector<16xi1> to vector<16xi32>
      %reduce_sum3A = arith.constant true
      %reduce_sum3A_1896 = vector.broadcast %reduce_sum3A : i1 to vector<16xi1>
      %reduce_sum3A_1897 = tpu.scan <sum>, %convert_element_type3A_1895 masked %reduce_sum3A_1896 : vector<16xi32>, vector<16xi1> -> vector<16xi32>
      %reduce_sum3A_1898 = vector.extract %reduce_sum3A_1897[15] : i32 from vector<16xi32>
      %min3A_1899 = arith.constant 1024 : i32
      %min3A_1900 = arith.minsi %scan3A_1888, %min3A_1899 : i32
      %swap3A_1901 = arith.index_cast %min3A_1900 : i32 to index
      %swap3A_1902 = tpu.vector_load %arg8[%swap3A_1901] masked %and3A_1894 {strides = array<i32>} : memref<1040xi32, #tpu.memory_space<vmem>>, vector<16xi32>, vector<16xi1>
      tpu.vector_store %arg8[%swap3A_1901], %get3A_1892 masked %and3A_1894 {strides = array<i32>} : memref<1040xi32, #tpu.memory_space<vmem>>, vector<16xi32>, vector<16xi1>
      %mul3A_1903 = arith.constant 16 : i32
      %mul3A_1904 = arith.muli %scan3A_1887, %mul3A_1903 : i32
      %add3A_1905 = vector.broadcast %mul3A_1904 : i32 to vector<16xi32>
      %add3A_1906 = arith.addi %add3A_1905, %iota3A : vector<16xi32>
      %swap3A_1907 = arith.index_cast %min3A_1900 : i32 to index
      %swap3A_1908 = tpu.vector_load %arg9[%swap3A_1907] masked %and3A_1894 {strides = array<i32>} : memref<1040xi32, #tpu.memory_space<vmem>>, vector<16xi32>, vector<16xi1>
      tpu.vector_store %arg9[%swap3A_1907], %add3A_1906 masked %and3A_1894 {strides = array<i32>} : memref<1040xi32, #tpu.memory_space<vmem>>, vector<16xi32>, vector<16xi1>
      %add3A_1909 = arith.addi %scan3A_1888, %reduce_sum3A_1898 : i32
      %min3A_1910 = arith.constant 1024 : i32
      %min3A_1911 = arith.minsi %add3A_1909, %min3A_1910 : i32
      scf.yield %min3A_1911 : i32
    }
    %scan3A_406 = arith.constant 64 : i32
    %dma_wait3A_407 = arith.constant 0 : i32
    %dma_wait3A_408 = tpu.memref_slice %arg16[%add3A_9, %dma_wait3A_407] : memref<8832x128xf32, #tpu.memory_space<vmem_shared>> -> memref<184x128xf32, #tpu.memory_space<vmem_shared>>
    %dma_wait3A_409 = arith.constant 0 : i32
    %dma_wait3A_410 = tpu.memref_slice %arg2[%add3A_380, %dma_wait3A_409] : memref<100000x128xf32, #tpu.memory_space<hbm>> -> memref<184x128xf32, #tpu.memory_space<hbm>>
    tpu.wait_dma2 semaphore(%arg20 : memref<!tpu.dma_semaphore, #tpu.memory_space<semaphore_mem>>) src(%dma_wait3A_410 : memref<184x128xf32, #tpu.memory_space<hbm>>) dst(%dma_wait3A_408 : memref<184x128xf32, #tpu.memory_space<vmem_shared>>)
    %add3A_411 = arith.constant 2760 : i32
    %add3A_412 = arith.addi %mul3A_2, %add3A_411 : i32
    %dma_start3A_413 = arith.constant 0 : i32
    %dma_start3A_414 = tpu.memref_slice %arg5[%add3A_412, %dma_start3A_413] : memref<100000x128xf32, #tpu.memory_space<hbm>> -> memref<184x128xf32, #tpu.memory_space<hbm>>
    %dma_start3A_415 = arith.constant 0 : i32
    %dma_start3A_416 = tpu.memref_slice %arg16[%add3A_9, %dma_start3A_415] : memref<8832x128xf32, #tpu.memory_space<vmem_shared>> -> memref<184x128xf32, #tpu.memory_space<vmem_shared>>
    tpu.enqueue_dma source(%dma_start3A_416 : memref<184x128xf32, #tpu.memory_space<vmem_shared>>) target(%dma_start3A_414 : memref<184x128xf32, #tpu.memory_space<hbm>>) target_semaphore(%arg23 : memref<!tpu.dma_semaphore, #tpu.memory_space<semaphore_mem>>)
    %dma_wait3A_417 = arith.constant 0 : i32
    %dma_wait3A_418 = tpu.memref_slice %arg5[%add3A_412, %dma_wait3A_417] : memref<100000x128xf32, #tpu.memory_space<hbm>> -> memref<184x128xf32, #tpu.memory_space<hbm>>
    %dma_wait3A_419 = arith.constant 0 : i32
    %dma_wait3A_420 = tpu.memref_slice %arg16[%add3A_9, %dma_wait3A_419] : memref<8832x128xf32, #tpu.memory_space<vmem_shared>> -> memref<184x128xf32, #tpu.memory_space<vmem_shared>>
    tpu.wait_dma2 semaphore(%arg23 : memref<!tpu.dma_semaphore, #tpu.memory_space<semaphore_mem>>) src(%dma_wait3A_420 : memref<184x128xf32, #tpu.memory_space<vmem_shared>>) dst(%dma_wait3A_418 : memref<184x128xf32, #tpu.memory_space<hbm>>)
    %dma_wait3A_421 = arith.constant 0 : i32
    %dma_wait3A_422 = tpu.memref_slice %arg5[%add3A_370, %dma_wait3A_421] : memref<100000x128xf32, #tpu.memory_space<hbm>> -> memref<184x128xf32, #tpu.memory_space<hbm>>
    %dma_wait3A_423 = arith.constant 0 : i32
    %dma_wait3A_424 = tpu.memref_slice %arg16[%add3A_11, %dma_wait3A_423] : memref<8832x128xf32, #tpu.memory_space<vmem_shared>> -> memref<184x128xf32, #tpu.memory_space<vmem_shared>>
    tpu.wait_dma2 semaphore(%arg24 : memref<!tpu.dma_semaphore, #tpu.memory_space<semaphore_mem>>) src(%dma_wait3A_424 : memref<184x128xf32, #tpu.memory_space<vmem_shared>>) dst(%dma_wait3A_422 : memref<184x128xf32, #tpu.memory_space<hbm>>)
    %dma_wait3A_425 = arith.constant 0 : i32
    %dma_wait3A_426 = tpu.memref_slice %arg5[%add3A_396, %dma_wait3A_425] : memref<100000x128xf32, #tpu.memory_space<hbm>> -> memref<184x128xf32, #tpu.memory_space<hbm>>
    %dma_wait3A_427 = arith.constant 0 : i32
    %dma_wait3A_428 = tpu.memref_slice %arg16[%add3A_13, %dma_wait3A_427] : memref<8832x128xf32, #tpu.memory_space<vmem_shared>> -> memref<184x128xf32, #tpu.memory_space<vmem_shared>>
    tpu.wait_dma2 semaphore(%arg25 : memref<!tpu.dma_semaphore, #tpu.memory_space<semaphore_mem>>) src(%dma_wait3A_428 : memref<184x128xf32, #tpu.memory_space<vmem_shared>>) dst(%dma_wait3A_426 : memref<184x128xf32, #tpu.memory_space<hbm>>)
    %lt3A = arith.constant 31 : i32
    %lt3A_429 = arith.cmpi slt, %add3A, %lt3A : i32
    %convert_element_type3A = arith.extui %lt3A_429 : i1 to i32
    %cond3A = arith.constant 0 : i32
    %cond3A_430 = arith.cmpi ne, %convert_element_type3A, %cond3A : i32
    scf.if %cond3A_430 {
      %add3A_1887 = arith.constant 2944 : i32
      %add3A_1888 = arith.addi %mul3A_2, %add3A_1887 : i32
      "tpu.region"() ({
        %run_scoped3A = tpu.sem_alloc : memref<!tpu.dma_semaphore, #tpu.memory_space<semaphore_mem>>
        %dma_start3A_1891 = arith.constant 0 : i32
        %dma_start3A_1892 = tpu.memref_slice %arg16[%mul3A_7, %dma_start3A_1891] : memref<8832x128xf32, #tpu.memory_space<vmem_shared>> -> memref<184x128xf32, #tpu.memory_space<vmem_shared>>
        %dma_start3A_1893 = arith.constant 0 : i32
        %dma_start3A_1894 = tpu.memref_slice %arg2[%add3A_1888, %dma_start3A_1893] : memref<100000x128xf32, #tpu.memory_space<hbm>> -> memref<184x128xf32, #tpu.memory_space<hbm>>
        tpu.enqueue_dma source(%dma_start3A_1894 : memref<184x128xf32, #tpu.memory_space<hbm>>) target(%dma_start3A_1892 : memref<184x128xf32, #tpu.memory_space<vmem_shared>>) target_semaphore(%run_scoped3A : memref<!tpu.dma_semaphore, #tpu.memory_space<semaphore_mem>>)
        %dma_wait3A_1895 = arith.constant 0 : i32
        %dma_wait3A_1896 = tpu.memref_slice %arg16[%mul3A_7, %dma_wait3A_1895] : memref<8832x128xf32, #tpu.memory_space<vmem_shared>> -> memref<184x128xf32, #tpu.memory_space<vmem_shared>>
        %dma_wait3A_1897 = arith.constant 0 : i32
        %dma_wait3A_1898 = tpu.memref_slice %arg2[%add3A_1888, %dma_wait3A_1897] : memref<100000x128xf32, #tpu.memory_space<hbm>> -> memref<184x128xf32, #tpu.memory_space<hbm>>
        tpu.wait_dma2 semaphore(%run_scoped3A : memref<!tpu.dma_semaphore, #tpu.memory_space<semaphore_mem>>) src(%dma_wait3A_1898 : memref<184x128xf32, #tpu.memory_space<hbm>>) dst(%dma_wait3A_1896 : memref<184x128xf32, #tpu.memory_space<vmem_shared>>)
        tpu.yield
      }) : () -> ()
      %add3A_1889 = arith.constant 2944 : i32
      %add3A_1890 = arith.addi %mul3A_2, %add3A_1889 : i32
      "tpu.region"() ({
        %run_scoped3A = tpu.sem_alloc : memref<!tpu.dma_semaphore, #tpu.memory_space<semaphore_mem>>
        %dma_start3A_1891 = arith.constant 0 : i32
        %dma_start3A_1892 = tpu.memref_slice %arg5[%add3A_1890, %dma_start3A_1891] : memref<100000x128xf32, #tpu.memory_space<hbm>> -> memref<184x128xf32, #tpu.memory_space<hbm>>
        %dma_start3A_1893 = arith.constant 0 : i32
        %dma_start3A_1894 = tpu.memref_slice %arg16[%mul3A_7, %dma_start3A_1893] : memref<8832x128xf32, #tpu.memory_space<vmem_shared>> -> memref<184x128xf32, #tpu.memory_space<vmem_shared>>
        tpu.enqueue_dma source(%dma_start3A_1894 : memref<184x128xf32, #tpu.memory_space<vmem_shared>>) target(%dma_start3A_1892 : memref<184x128xf32, #tpu.memory_space<hbm>>) target_semaphore(%run_scoped3A : memref<!tpu.dma_semaphore, #tpu.memory_space<semaphore_mem>>)
        %dma_wait3A_1895 = arith.constant 0 : i32
        %dma_wait3A_1896 = tpu.memref_slice %arg5[%add3A_1890, %dma_wait3A_1895] : memref<100000x128xf32, #tpu.memory_space<hbm>> -> memref<184x128xf32, #tpu.memory_space<hbm>>
        %dma_wait3A_1897 = arith.constant 0 : i32
        %dma_wait3A_1898 = tpu.memref_slice %arg16[%mul3A_7, %dma_wait3A_1897] : memref<8832x128xf32, #tpu.memory_space<vmem_shared>> -> memref<184x128xf32, #tpu.memory_space<vmem_shared>>
        tpu.wait_dma2 semaphore(%run_scoped3A : memref<!tpu.dma_semaphore, #tpu.memory_space<semaphore_mem>>) src(%dma_wait3A_1898 : memref<184x128xf32, #tpu.memory_space<vmem_shared>>) dst(%dma_wait3A_1896 : memref<184x128xf32, #tpu.memory_space<hbm>>)
        tpu.yield
      }) : () -> ()
    } else {
    }
    %eq3A_431 = arith.constant 31 : i32
    %eq3A_432 = arith.cmpi eq, %add3A, %eq3A_431 : i32
    %convert_element_type3A_433 = arith.extui %eq3A_432 : i1 to i32
    %cond3A_434 = arith.constant 0 : i32
    %cond3A_435 = arith.cmpi ne, %convert_element_type3A_433, %cond3A_434 : i32
    scf.if %cond3A_435 {
      %add3A_1887 = arith.constant 2944 : i32
      %add3A_1888 = arith.addi %mul3A_2, %add3A_1887 : i32
      "tpu.region"() ({
        %run_scoped3A = tpu.sem_alloc : memref<!tpu.dma_semaphore, #tpu.memory_space<semaphore_mem>>
        %dma_start3A_1891 = arith.constant 0 : i32
        %dma_start3A_1892 = tpu.memref_slice %arg16[%mul3A_7, %dma_start3A_1891] : memref<8832x128xf32, #tpu.memory_space<vmem_shared>> -> memref<88x128xf32, #tpu.memory_space<vmem_shared>>
        %dma_start3A_1893 = arith.constant 0 : i32
        %dma_start3A_1894 = tpu.memref_slice %arg2[%add3A_1888, %dma_start3A_1893] : memref<100000x128xf32, #tpu.memory_space<hbm>> -> memref<88x128xf32, #tpu.memory_space<hbm>>
        tpu.enqueue_dma source(%dma_start3A_1894 : memref<88x128xf32, #tpu.memory_space<hbm>>) target(%dma_start3A_1892 : memref<88x128xf32, #tpu.memory_space<vmem_shared>>) target_semaphore(%run_scoped3A : memref<!tpu.dma_semaphore, #tpu.memory_space<semaphore_mem>>)
        %dma_wait3A_1895 = arith.constant 0 : i32
        %dma_wait3A_1896 = tpu.memref_slice %arg16[%mul3A_7, %dma_wait3A_1895] : memref<8832x128xf32, #tpu.memory_space<vmem_shared>> -> memref<88x128xf32, #tpu.memory_space<vmem_shared>>
        %dma_wait3A_1897 = arith.constant 0 : i32
        %dma_wait3A_1898 = tpu.memref_slice %arg2[%add3A_1888, %dma_wait3A_1897] : memref<100000x128xf32, #tpu.memory_space<hbm>> -> memref<88x128xf32, #tpu.memory_space<hbm>>
        tpu.wait_dma2 semaphore(%run_scoped3A : memref<!tpu.dma_semaphore, #tpu.memory_space<semaphore_mem>>) src(%dma_wait3A_1898 : memref<88x128xf32, #tpu.memory_space<hbm>>) dst(%dma_wait3A_1896 : memref<88x128xf32, #tpu.memory_space<vmem_shared>>)
        tpu.yield
      }) : () -> ()
      %add3A_1889 = arith.constant 2944 : i32
      %add3A_1890 = arith.addi %mul3A_2, %add3A_1889 : i32
      "tpu.region"() ({
        %run_scoped3A = tpu.sem_alloc : memref<!tpu.dma_semaphore, #tpu.memory_space<semaphore_mem>>
        %dma_start3A_1891 = arith.constant 0 : i32
        %dma_start3A_1892 = tpu.memref_slice %arg5[%add3A_1890, %dma_start3A_1891] : memref<100000x128xf32, #tpu.memory_space<hbm>> -> memref<88x128xf32, #tpu.memory_space<hbm>>
        %dma_start3A_1893 = arith.constant 0 : i32
        %dma_start3A_1894 = tpu.memref_slice %arg16[%mul3A_7, %dma_start3A_1893] : memref<8832x128xf32, #tpu.memory_space<vmem_shared>> -> memref<88x128xf32, #tpu.memory_space<vmem_shared>>
        tpu.enqueue_dma source(%dma_start3A_1894 : memref<88x128xf32, #tpu.memory_space<vmem_shared>>) target(%dma_start3A_1892 : memref<88x128xf32, #tpu.memory_space<hbm>>) target_semaphore(%run_scoped3A : memref<!tpu.dma_semaphore, #tpu.memory_space<semaphore_mem>>)
        %dma_wait3A_1895 = arith.constant 0 : i32
        %dma_wait3A_1896 = tpu.memref_slice %arg5[%add3A_1890, %dma_wait3A_1895] : memref<100000x128xf32, #tpu.memory_space<hbm>> -> memref<88x128xf32, #tpu.memory_space<hbm>>
        %dma_wait3A_1897 = arith.constant 0 : i32
        %dma_wait3A_1898 = tpu.memref_slice %arg16[%mul3A_7, %dma_wait3A_1897] : memref<8832x128xf32, #tpu.memory_space<vmem_shared>> -> memref<88x128xf32, #tpu.memory_space<vmem_shared>>
        tpu.wait_dma2 semaphore(%run_scoped3A : memref<!tpu.dma_semaphore, #tpu.memory_space<semaphore_mem>>) src(%dma_wait3A_1898 : memref<88x128xf32, #tpu.memory_space<vmem_shared>>) dst(%dma_wait3A_1896 : memref<88x128xf32, #tpu.memory_space<hbm>>)
        tpu.yield
      }) : () -> ()
    } else {
    }
    %add3A_436 = arith.constant 16 : i32
    %add3A_437 = arith.addi %scan3A_405, %add3A_436 : i32
    %sub3A = arith.constant 1 : i32
    %sub3A_438 = arith.subi %add3A_437, %sub3A : i32
    %jit3A = arith.constant 16 : i32
    %div3A = arith.divsi %sub3A_438, %jit3A : i32
    %sign3A = arith.constant 0 : i32
    %sign3A_439 = arith.cmpi sgt, %sub3A_438, %sign3A : i32
    %sign3A_440 = arith.extui %sign3A_439 : i1 to i32
    %sign3A_441 = arith.constant 0 : i32
    %sign3A_442 = arith.cmpi slt, %sub3A_438, %sign3A_441 : i32
    %sign3A_443 = arith.extui %sign3A_442 : i1 to i32
    %sign3A_444 = arith.subi %sign3A_440, %sign3A_443 : i32
    %sign3A_445 = arith.constant 0 : i32
    %sign3A_446 = arith.cmpi sgt, %jit3A, %sign3A_445 : i32
    %sign3A_447 = arith.extui %sign3A_446 : i1 to i32
    %sign3A_448 = arith.constant 0 : i32
    %sign3A_449 = arith.cmpi slt, %jit3A, %sign3A_448 : i32
    %sign3A_450 = arith.extui %sign3A_449 : i1 to i32
    %sign3A_451 = arith.subi %sign3A_447, %sign3A_450 : i32
    %ne3A = arith.cmpi ne, %sign3A_444, %sign3A_451 : i32
    %rem3A = arith.remsi %sub3A_438, %jit3A : i32
    %ne3A_452 = arith.constant 0 : i32
    %ne3A_453 = arith.cmpi ne, %rem3A, %ne3A_452 : i32
    %and3A = arith.andi %ne3A, %ne3A_453 : i1
    %sub3A_454 = arith.constant 1 : i32
    %sub3A_455 = arith.subi %div3A, %sub3A_454 : i32
    %select_n3A = arith.select %and3A, %sub3A_455, %div3A : i32
    %while3A = arith.constant 0 : i32
    %while3A_456 = arith.constant 0 : i32
    %while3A_457 = arith.subi %select_n3A, %while3A_456 : i32
    %while3A_458 = arith.addi %while3A_456, %while3A_457 : i32
    %while3A_459 = arith.constant 1 : i32
    %while3A_460 = arith.divsi %while3A_457, %while3A_459 : i32
    %while3A_461 = arith.muli %while3A_460, %while3A_459 : i32
    %while3A_462 = arith.addi %while3A_456, %while3A_461 : i32
    %while3A_463 = arith.constant 1 : i32
    scf.for %while3A_1887 = %while3A_456 to %while3A_462 step %while3A_463  : i32 {
      %mul3A_1888 = arith.constant 16 : i32
      %mul3A_1889 = arith.muli %while3A_1887, %mul3A_1888 : i32
      %get3A_1890 = arith.index_cast %mul3A_1889 : i32 to index
      %get3A_1891 = tpu.vector_load %arg8[%get3A_1890] {strides = array<i32>} : memref<1040xi32, #tpu.memory_space<vmem>>, vector<16xi32>,
      %sub3A_1892 = vector.broadcast %mul3A_2 : i32 to vector<16xi32>
      %sub3A_1893 = arith.subi %get3A_1891, %sub3A_1892 : vector<16xi32>
      %jit3A_1894 = arith.constant 0 : i32
      %jit3A_1895 = arith.constant 3127 : i32
      %max3A = vector.broadcast %jit3A_1894 : i32 to vector<16xi32>
      %max3A_1896 = arith.maxsi %max3A, %sub3A_1893 : vector<16xi32>
      %min3A_1897 = vector.broadcast %jit3A_1895 : i32 to vector<16xi32>
      %min3A_1898 = arith.minsi %min3A_1897, %max3A_1896 : vector<16xi32>
      %mul3A_1899 = arith.constant 16 : i32
      %mul3A_1900 = arith.muli %while3A_1887, %mul3A_1899 : i32
      %add3A_1901 = arith.constant 0 : i32
      %add3A_1902 = arith.addi %mul3A_1900, %add3A_1901 : i32
      %lt3A_1903 = arith.cmpi slt, %add3A_1902, %scan3A_405 : i32
      %and3A_1904 = vector.broadcast %lt3A_1903 : i1 to vector<16xi1>
      %and3A_1905 = arith.andi %eq3A_24, %and3A_1904 : vector<16xi1>
      %slice3A_1906 = vector.extract_strided_slice %min3A_1898 {offsets = [0], sizes = [1], strides = [1]} : vector<16xi32> to vector<1xi32>
      %squeeze3A_1907 = vector.extract %slice3A_1906[0] : i32 from vector<1xi32>
      %broadcast_in_dim3A_1908 = vector.broadcast %squeeze3A_1907 : i32 to vector<16xi32>
      %add3A_1909 = arith.constant 0 : i32
      %add3A_1910 = arith.addi %mul3A_1900, %add3A_1909 : i32
      %broadcast_in_dim3A_1911 = vector.broadcast %add3A_1910 : i32 to vector<16xi32>
      tpu.vector_store_idx %arg7[%broadcast_in_dim3A_1908], %broadcast_in_dim3A_1911 masked %and3A_1905 : memref<3128xi32, #tpu.memory_space<vmem>>[vector<16xi32>], vector<16xi32>, vector<16xi1>
      %add3A_1912 = arith.constant 1 : i32
      %add3A_1913 = arith.addi %mul3A_1900, %add3A_1912 : i32
      %lt3A_1914 = arith.cmpi slt, %add3A_1913, %scan3A_405 : i32
      %and3A_1915 = vector.broadcast %lt3A_1914 : i1 to vector<16xi1>
      %and3A_1916 = arith.andi %eq3A_24, %and3A_1915 : vector<16xi1>
      %slice3A_1917 = vector.extract_strided_slice %min3A_1898 {offsets = [1], sizes = [1], strides = [1]} : vector<16xi32> to vector<1xi32>
      %squeeze3A_1918 = vector.extract %slice3A_1917[0] : i32 from vector<1xi32>
      %broadcast_in_dim3A_1919 = vector.broadcast %squeeze3A_1918 : i32 to vector<16xi32>
      %add3A_1920 = arith.constant 1 : i32
      %add3A_1921 = arith.addi %mul3A_1900, %add3A_1920 : i32
      %broadcast_in_dim3A_1922 = vector.broadcast %add3A_1921 : i32 to vector<16xi32>
      tpu.vector_store_idx %arg7[%broadcast_in_dim3A_1919], %broadcast_in_dim3A_1922 masked %and3A_1916 : memref<3128xi32, #tpu.memory_space<vmem>>[vector<16xi32>], vector<16xi32>, vector<16xi1>
      %add3A_1923 = arith.constant 2 : i32
      %add3A_1924 = arith.addi %mul3A_1900, %add3A_1923 : i32
      %lt3A_1925 = arith.cmpi slt, %add3A_1924, %scan3A_405 : i32
      %and3A_1926 = vector.broadcast %lt3A_1925 : i1 to vector<16xi1>
      %and3A_1927 = arith.andi %eq3A_24, %and3A_1926 : vector<16xi1>
      %slice3A_1928 = vector.extract_strided_slice %min3A_1898 {offsets = [2], sizes = [1], strides = [1]} : vector<16xi32> to vector<1xi32>
      %squeeze3A_1929 = vector.extract %slice3A_1928[0] : i32 from vector<1xi32>
      %broadcast_in_dim3A_1930 = vector.broadcast %squeeze3A_1929 : i32 to vector<16xi32>
      %add3A_1931 = arith.constant 2 : i32
      %add3A_1932 = arith.addi %mul3A_1900, %add3A_1931 : i32
      %broadcast_in_dim3A_1933 = vector.broadcast %add3A_1932 : i32 to vector<16xi32>
      tpu.vector_store_idx %arg7[%broadcast_in_dim3A_1930], %broadcast_in_dim3A_1933 masked %and3A_1927 : memref<3128xi32, #tpu.memory_space<vmem>>[vector<16xi32>], vector<16xi32>, vector<16xi1>
      %add3A_1934 = arith.constant 3 : i32
      %add3A_1935 = arith.addi %mul3A_1900, %add3A_1934 : i32
      %lt3A_1936 = arith.cmpi slt, %add3A_1935, %scan3A_405 : i32
      %and3A_1937 = vector.broadcast %lt3A_1936 : i1 to vector<16xi1>
      %and3A_1938 = arith.andi %eq3A_24, %and3A_1937 : vector<16xi1>
      %slice3A_1939 = vector.extract_strided_slice %min3A_1898 {offsets = [3], sizes = [1], strides = [1]} : vector<16xi32> to vector<1xi32>
      %squeeze3A_1940 = vector.extract %slice3A_1939[0] : i32 from vector<1xi32>
      %broadcast_in_dim3A_1941 = vector.broadcast %squeeze3A_1940 : i32 to vector<16xi32>
      %add3A_1942 = arith.constant 3 : i32
      %add3A_1943 = arith.addi %mul3A_1900, %add3A_1942 : i32
      %broadcast_in_dim3A_1944 = vector.broadcast %add3A_1943 : i32 to vector<16xi32>
      tpu.vector_store_idx %arg7[%broadcast_in_dim3A_1941], %broadcast_in_dim3A_1944 masked %and3A_1938 : memref<3128xi32, #tpu.memory_space<vmem>>[vector<16xi32>], vector<16xi32>, vector<16xi1>
      %add3A_1945 = arith.constant 4 : i32
      %add3A_1946 = arith.addi %mul3A_1900, %add3A_1945 : i32
      %lt3A_1947 = arith.cmpi slt, %add3A_1946, %scan3A_405 : i32
      %and3A_1948 = vector.broadcast %lt3A_1947 : i1 to vector<16xi1>
      %and3A_1949 = arith.andi %eq3A_24, %and3A_1948 : vector<16xi1>
      %slice3A_1950 = vector.extract_strided_slice %min3A_1898 {offsets = [4], sizes = [1], strides = [1]} : vector<16xi32> to vector<1xi32>
      %squeeze3A_1951 = vector.extract %slice3A_1950[0] : i32 from vector<1xi32>
      %broadcast_in_dim3A_1952 = vector.broadcast %squeeze3A_1951 : i32 to vector<16xi32>
      %add3A_1953 = arith.constant 4 : i32
      %add3A_1954 = arith.addi %mul3A_1900, %add3A_1953 : i32
      %broadcast_in_dim3A_1955 = vector.broadcast %add3A_1954 : i32 to vector<16xi32>
      tpu.vector_store_idx %arg7[%broadcast_in_dim3A_1952], %broadcast_in_dim3A_1955 masked %and3A_1949 : memref<3128xi32, #tpu.memory_space<vmem>>[vector<16xi32>], vector<16xi32>, vector<16xi1>
      %add3A_1956 = arith.constant 5 : i32
      %add3A_1957 = arith.addi %mul3A_1900, %add3A_1956 : i32
      %lt3A_1958 = arith.cmpi slt, %add3A_1957, %scan3A_405 : i32
      %and3A_1959 = vector.broadcast %lt3A_1958 : i1 to vector<16xi1>
      %and3A_1960 = arith.andi %eq3A_24, %and3A_1959 : vector<16xi1>
      %slice3A_1961 = vector.extract_strided_slice %min3A_1898 {offsets = [5], sizes = [1], strides = [1]} : vector<16xi32> to vector<1xi32>
      %squeeze3A_1962 = vector.extract %slice3A_1961[0] : i32 from vector<1xi32>
      %broadcast_in_dim3A_1963 = vector.broadcast %squeeze3A_1962 : i32 to vector<16xi32>
      %add3A_1964 = arith.constant 5 : i32
      %add3A_1965 = arith.addi %mul3A_1900, %add3A_1964 : i32
      %broadcast_in_dim3A_1966 = vector.broadcast %add3A_1965 : i32 to vector<16xi32>
      tpu.vector_store_idx %arg7[%broadcast_in_dim3A_1963], %broadcast_in_dim3A_1966 masked %and3A_1960 : memref<3128xi32, #tpu.memory_space<vmem>>[vector<16xi32>], vector<16xi32>, vector<16xi1>
      %add3A_1967 = arith.constant 6 : i32
      %add3A_1968 = arith.addi %mul3A_1900, %add3A_1967 : i32
      %lt3A_1969 = arith.cmpi slt, %add3A_1968, %scan3A_405 : i32
      %and3A_1970 = vector.broadcast %lt3A_1969 : i1 to vector<16xi1>
      %and3A_1971 = arith.andi %eq3A_24, %and3A_1970 : vector<16xi1>
      %slice3A_1972 = vector.extract_strided_slice %min3A_1898 {offsets = [6], sizes = [1], strides = [1]} : vector<16xi32> to vector<1xi32>
      %squeeze3A_1973 = vector.extract %slice3A_1972[0] : i32 from vector<1xi32>
      %broadcast_in_dim3A_1974 = vector.broadcast %squeeze3A_1973 : i32 to vector<16xi32>
      %add3A_1975 = arith.constant 6 : i32
      %add3A_1976 = arith.addi %mul3A_1900, %add3A_1975 : i32
      %broadcast_in_dim3A_1977 = vector.broadcast %add3A_1976 : i32 to vector<16xi32>
      tpu.vector_store_idx %arg7[%broadcast_in_dim3A_1974], %broadcast_in_dim3A_1977 masked %and3A_1971 : memref<3128xi32, #tpu.memory_space<vmem>>[vector<16xi32>], vector<16xi32>, vector<16xi1>
      %add3A_1978 = arith.constant 7 : i32
      %add3A_1979 = arith.addi %mul3A_1900, %add3A_1978 : i32
      %lt3A_1980 = arith.cmpi slt, %add3A_1979, %scan3A_405 : i32
      %and3A_1981 = vector.broadcast %lt3A_1980 : i1 to vector<16xi1>
      %and3A_1982 = arith.andi %eq3A_24, %and3A_1981 : vector<16xi1>
      %slice3A_1983 = vector.extract_strided_slice %min3A_1898 {offsets = [7], sizes = [1], strides = [1]} : vector<16xi32> to vector<1xi32>
      %squeeze3A_1984 = vector.extract %slice3A_1983[0] : i32 from vector<1xi32>
      %broadcast_in_dim3A_1985 = vector.broadcast %squeeze3A_1984 : i32 to vector<16xi32>
      %add3A_1986 = arith.constant 7 : i32
      %add3A_1987 = arith.addi %mul3A_1900, %add3A_1986 : i32
      %broadcast_in_dim3A_1988 = vector.broadcast %add3A_1987 : i32 to vector<16xi32>
      tpu.vector_store_idx %arg7[%broadcast_in_dim3A_1985], %broadcast_in_dim3A_1988 masked %and3A_1982 : memref<3128xi32, #tpu.memory_space<vmem>>[vector<16xi32>], vector<16xi32>, vector<16xi1>
      %add3A_1989 = arith.constant 8 : i32
      %add3A_1990 = arith.addi %mul3A_1900, %add3A_1989 : i32
      %lt3A_1991 = arith.cmpi slt, %add3A_1990, %scan3A_405 : i32
      %and3A_1992 = vector.broadcast %lt3A_1991 : i1 to vector<16xi1>
      %and3A_1993 = arith.andi %eq3A_24, %and3A_1992 : vector<16xi1>
      %slice3A_1994 = vector.extract_strided_slice %min3A_1898 {offsets = [8], sizes = [1], strides = [1]} : vector<16xi32> to vector<1xi32>
      %squeeze3A_1995 = vector.extract %slice3A_1994[0] : i32 from vector<1xi32>
      %broadcast_in_dim3A_1996 = vector.broadcast %squeeze3A_1995 : i32 to vector<16xi32>
      %add3A_1997 = arith.constant 8 : i32
      %add3A_1998 = arith.addi %mul3A_1900, %add3A_1997 : i32
      %broadcast_in_dim3A_1999 = vector.broadcast %add3A_1998 : i32 to vector<16xi32>
      tpu.vector_store_idx %arg7[%broadcast_in_dim3A_1996], %broadcast_in_dim3A_1999 masked %and3A_1993 : memref<3128xi32, #tpu.memory_space<vmem>>[vector<16xi32>], vector<16xi32>, vector<16xi1>
      %add3A_2000 = arith.constant 9 : i32
      %add3A_2001 = arith.addi %mul3A_1900, %add3A_2000 : i32
      %lt3A_2002 = arith.cmpi slt, %add3A_2001, %scan3A_405 : i32
      %and3A_2003 = vector.broadcast %lt3A_2002 : i1 to vector<16xi1>
      %and3A_2004 = arith.andi %eq3A_24, %and3A_2003 : vector<16xi1>
      %slice3A_2005 = vector.extract_strided_slice %min3A_1898 {offsets = [9], sizes = [1], strides = [1]} : vector<16xi32> to vector<1xi32>
      %squeeze3A_2006 = vector.extract %slice3A_2005[0] : i32 from vector<1xi32>
      %broadcast_in_dim3A_2007 = vector.broadcast %squeeze3A_2006 : i32 to vector<16xi32>
      %add3A_2008 = arith.constant 9 : i32
      %add3A_2009 = arith.addi %mul3A_1900, %add3A_2008 : i32
      %broadcast_in_dim3A_2010 = vector.broadcast %add3A_2009 : i32 to vector<16xi32>
      tpu.vector_store_idx %arg7[%broadcast_in_dim3A_2007], %broadcast_in_dim3A_2010 masked %and3A_2004 : memref<3128xi32, #tpu.memory_space<vmem>>[vector<16xi32>], vector<16xi32>, vector<16xi1>
      %add3A_2011 = arith.constant 10 : i32
      %add3A_2012 = arith.addi %mul3A_1900, %add3A_2011 : i32
      %lt3A_2013 = arith.cmpi slt, %add3A_2012, %scan3A_405 : i32
      %and3A_2014 = vector.broadcast %lt3A_2013 : i1 to vector<16xi1>
      %and3A_2015 = arith.andi %eq3A_24, %and3A_2014 : vector<16xi1>
      %slice3A_2016 = vector.extract_strided_slice %min3A_1898 {offsets = [10], sizes = [1], strides = [1]} : vector<16xi32> to vector<1xi32>
      %squeeze3A_2017 = vector.extract %slice3A_2016[0] : i32 from vector<1xi32>
      %broadcast_in_dim3A_2018 = vector.broadcast %squeeze3A_2017 : i32 to vector<16xi32>
      %add3A_2019 = arith.constant 10 : i32
      %add3A_2020 = arith.addi %mul3A_1900, %add3A_2019 : i32
      %broadcast_in_dim3A_2021 = vector.broadcast %add3A_2020 : i32 to vector<16xi32>
      tpu.vector_store_idx %arg7[%broadcast_in_dim3A_2018], %broadcast_in_dim3A_2021 masked %and3A_2015 : memref<3128xi32, #tpu.memory_space<vmem>>[vector<16xi32>], vector<16xi32>, vector<16xi1>
      %add3A_2022 = arith.constant 11 : i32
      %add3A_2023 = arith.addi %mul3A_1900, %add3A_2022 : i32
      %lt3A_2024 = arith.cmpi slt, %add3A_2023, %scan3A_405 : i32
      %and3A_2025 = vector.broadcast %lt3A_2024 : i1 to vector<16xi1>
      %and3A_2026 = arith.andi %eq3A_24, %and3A_2025 : vector<16xi1>
      %slice3A_2027 = vector.extract_strided_slice %min3A_1898 {offsets = [11], sizes = [1], strides = [1]} : vector<16xi32> to vector<1xi32>
      %squeeze3A_2028 = vector.extract %slice3A_2027[0] : i32 from vector<1xi32>
      %broadcast_in_dim3A_2029 = vector.broadcast %squeeze3A_2028 : i32 to vector<16xi32>
      %add3A_2030 = arith.constant 11 : i32
      %add3A_2031 = arith.addi %mul3A_1900, %add3A_2030 : i32
      %broadcast_in_dim3A_2032 = vector.broadcast %add3A_2031 : i32 to vector<16xi32>
      tpu.vector_store_idx %arg7[%broadcast_in_dim3A_2029], %broadcast_in_dim3A_2032 masked %and3A_2026 : memref<3128xi32, #tpu.memory_space<vmem>>[vector<16xi32>], vector<16xi32>, vector<16xi1>
      %add3A_2033 = arith.constant 12 : i32
      %add3A_2034 = arith.addi %mul3A_1900, %add3A_2033 : i32
      %lt3A_2035 = arith.cmpi slt, %add3A_2034, %scan3A_405 : i32
      %and3A_2036 = vector.broadcast %lt3A_2035 : i1 to vector<16xi1>
      %and3A_2037 = arith.andi %eq3A_24, %and3A_2036 : vector<16xi1>
      %slice3A_2038 = vector.extract_strided_slice %min3A_1898 {offsets = [12], sizes = [1], strides = [1]} : vector<16xi32> to vector<1xi32>
      %squeeze3A_2039 = vector.extract %slice3A_2038[0] : i32 from vector<1xi32>
      %broadcast_in_dim3A_2040 = vector.broadcast %squeeze3A_2039 : i32 to vector<16xi32>
      %add3A_2041 = arith.constant 12 : i32
      %add3A_2042 = arith.addi %mul3A_1900, %add3A_2041 : i32
      %broadcast_in_dim3A_2043 = vector.broadcast %add3A_2042 : i32 to vector<16xi32>
      tpu.vector_store_idx %arg7[%broadcast_in_dim3A_2040], %broadcast_in_dim3A_2043 masked %and3A_2037 : memref<3128xi32, #tpu.memory_space<vmem>>[vector<16xi32>], vector<16xi32>, vector<16xi1>
      %add3A_2044 = arith.constant 13 : i32
      %add3A_2045 = arith.addi %mul3A_1900, %add3A_2044 : i32
      %lt3A_2046 = arith.cmpi slt, %add3A_2045, %scan3A_405 : i32
      %and3A_2047 = vector.broadcast %lt3A_2046 : i1 to vector<16xi1>
      %and3A_2048 = arith.andi %eq3A_24, %and3A_2047 : vector<16xi1>
      %slice3A_2049 = vector.extract_strided_slice %min3A_1898 {offsets = [13], sizes = [1], strides = [1]} : vector<16xi32> to vector<1xi32>
      %squeeze3A_2050 = vector.extract %slice3A_2049[0] : i32 from vector<1xi32>
      %broadcast_in_dim3A_2051 = vector.broadcast %squeeze3A_2050 : i32 to vector<16xi32>
      %add3A_2052 = arith.constant 13 : i32
      %add3A_2053 = arith.addi %mul3A_1900, %add3A_2052 : i32
      %broadcast_in_dim3A_2054 = vector.broadcast %add3A_2053 : i32 to vector<16xi32>
      tpu.vector_store_idx %arg7[%broadcast_in_dim3A_2051], %broadcast_in_dim3A_2054 masked %and3A_2048 : memref<3128xi32, #tpu.memory_space<vmem>>[vector<16xi32>], vector<16xi32>, vector<16xi1>
      %add3A_2055 = arith.constant 14 : i32
      %add3A_2056 = arith.addi %mul3A_1900, %add3A_2055 : i32
      %lt3A_2057 = arith.cmpi slt, %add3A_2056, %scan3A_405 : i32
      %and3A_2058 = vector.broadcast %lt3A_2057 : i1 to vector<16xi1>
      %and3A_2059 = arith.andi %eq3A_24, %and3A_2058 : vector<16xi1>
      %slice3A_2060 = vector.extract_strided_slice %min3A_1898 {offsets = [14], sizes = [1], strides = [1]} : vector<16xi32> to vector<1xi32>
      %squeeze3A_2061 = vector.extract %slice3A_2060[0] : i32 from vector<1xi32>
      %broadcast_in_dim3A_2062 = vector.broadcast %squeeze3A_2061 : i32 to vector<16xi32>
      %add3A_2063 = arith.constant 14 : i32
      %add3A_2064 = arith.addi %mul3A_1900, %add3A_2063 : i32
      %broadcast_in_dim3A_2065 = vector.broadcast %add3A_2064 : i32 to vector<16xi32>
      tpu.vector_store_idx %arg7[%broadcast_in_dim3A_2062], %broadcast_in_dim3A_2065 masked %and3A_2059 : memref<3128xi32, #tpu.memory_space<vmem>>[vector<16xi32>], vector<16xi32>, vector<16xi1>
      %add3A_2066 = arith.constant 15 : i32
      %add3A_2067 = arith.addi %mul3A_1900, %add3A_2066 : i32
      %lt3A_2068 = arith.cmpi slt, %add3A_2067, %scan3A_405 : i32
      %and3A_2069 = vector.broadcast %lt3A_2068 : i1 to vector<16xi1>
      %and3A_2070 = arith.andi %eq3A_24, %and3A_2069 : vector<16xi1>
      %slice3A_2071 = vector.extract_strided_slice %min3A_1898 {offsets = [15], sizes = [1], strides = [1]} : vector<16xi32> to vector<1xi32>
      %squeeze3A_2072 = vector.extract %slice3A_2071[0] : i32 from vector<1xi32>
      %broadcast_in_dim3A_2073 = vector.broadcast %squeeze3A_2072 : i32 to vector<16xi32>
      %add3A_2074 = arith.constant 15 : i32
      %add3A_2075 = arith.addi %mul3A_1900, %add3A_2074 : i32
      %broadcast_in_dim3A_2076 = vector.broadcast %add3A_2075 : i32 to vector<16xi32>
      tpu.vector_store_idx %arg7[%broadcast_in_dim3A_2073], %broadcast_in_dim3A_2076 masked %and3A_2070 : memref<3128xi32, #tpu.memory_space<vmem>>[vector<16xi32>], vector<16xi32>, vector<16xi1>
    }
    %while3A_464 = arith.constant 1 : i32
    scf.for %while3A_1887 = %while3A_462 to %while3A_458 step %while3A_464  : i32 {
      %mul3A_1888 = arith.constant 16 : i32
      %mul3A_1889 = arith.muli %while3A_1887, %mul3A_1888 : i32
      %get3A_1890 = arith.index_cast %mul3A_1889 : i32 to index
      %get3A_1891 = tpu.vector_load %arg8[%get3A_1890] {strides = array<i32>} : memref<1040xi32, #tpu.memory_space<vmem>>, vector<16xi32>,
      %sub3A_1892 = vector.broadcast %mul3A_2 : i32 to vector<16xi32>
      %sub3A_1893 = arith.subi %get3A_1891, %sub3A_1892 : vector<16xi32>
      %jit3A_1894 = arith.constant 0 : i32
      %jit3A_1895 = arith.constant 3127 : i32
      %max3A = vector.broadcast %jit3A_1894 : i32 to vector<16xi32>
      %max3A_1896 = arith.maxsi %max3A, %sub3A_1893 : vector<16xi32>
      %min3A_1897 = vector.broadcast %jit3A_1895 : i32 to vector<16xi32>
      %min3A_1898 = arith.minsi %min3A_1897, %max3A_1896 : vector<16xi32>
      %mul3A_1899 = arith.constant 16 : i32
      %mul3A_1900 = arith.muli %while3A_1887, %mul3A_1899 : i32
      %add3A_1901 = arith.constant 0 : i32
      %add3A_1902 = arith.addi %mul3A_1900, %add3A_1901 : i32
      %lt3A_1903 = arith.cmpi slt, %add3A_1902, %scan3A_405 : i32
      %and3A_1904 = vector.broadcast %lt3A_1903 : i1 to vector<16xi1>
      %and3A_1905 = arith.andi %eq3A_24, %and3A_1904 : vector<16xi1>
      %slice3A_1906 = vector.extract_strided_slice %min3A_1898 {offsets = [0], sizes = [1], strides = [1]} : vector<16xi32> to vector<1xi32>
      %squeeze3A_1907 = vector.extract %slice3A_1906[0] : i32 from vector<1xi32>
      %broadcast_in_dim3A_1908 = vector.broadcast %squeeze3A_1907 : i32 to vector<16xi32>
      %add3A_1909 = arith.constant 0 : i32
      %add3A_1910 = arith.addi %mul3A_1900, %add3A_1909 : i32
      %broadcast_in_dim3A_1911 = vector.broadcast %add3A_1910 : i32 to vector<16xi32>
      tpu.vector_store_idx %arg7[%broadcast_in_dim3A_1908], %broadcast_in_dim3A_1911 masked %and3A_1905 : memref<3128xi32, #tpu.memory_space<vmem>>[vector<16xi32>], vector<16xi32>, vector<16xi1>
      %add3A_1912 = arith.constant 1 : i32
      %add3A_1913 = arith.addi %mul3A_1900, %add3A_1912 : i32
      %lt3A_1914 = arith.cmpi slt, %add3A_1913, %scan3A_405 : i32
      %and3A_1915 = vector.broadcast %lt3A_1914 : i1 to vector<16xi1>
      %and3A_1916 = arith.andi %eq3A_24, %and3A_1915 : vector<16xi1>
      %slice3A_1917 = vector.extract_strided_slice %min3A_1898 {offsets = [1], sizes = [1], strides = [1]} : vector<16xi32> to vector<1xi32>
      %squeeze3A_1918 = vector.extract %slice3A_1917[0] : i32 from vector<1xi32>
      %broadcast_in_dim3A_1919 = vector.broadcast %squeeze3A_1918 : i32 to vector<16xi32>
      %add3A_1920 = arith.constant 1 : i32
      %add3A_1921 = arith.addi %mul3A_1900, %add3A_1920 : i32
      %broadcast_in_dim3A_1922 = vector.broadcast %add3A_1921 : i32 to vector<16xi32>
      tpu.vector_store_idx %arg7[%broadcast_in_dim3A_1919], %broadcast_in_dim3A_1922 masked %and3A_1916 : memref<3128xi32, #tpu.memory_space<vmem>>[vector<16xi32>], vector<16xi32>, vector<16xi1>
      %add3A_1923 = arith.constant 2 : i32
      %add3A_1924 = arith.addi %mul3A_1900, %add3A_1923 : i32
      %lt3A_1925 = arith.cmpi slt, %add3A_1924, %scan3A_405 : i32
      %and3A_1926 = vector.broadcast %lt3A_1925 : i1 to vector<16xi1>
      %and3A_1927 = arith.andi %eq3A_24, %and3A_1926 : vector<16xi1>
      %slice3A_1928 = vector.extract_strided_slice %min3A_1898 {offsets = [2], sizes = [1], strides = [1]} : vector<16xi32> to vector<1xi32>
      %squeeze3A_1929 = vector.extract %slice3A_1928[0] : i32 from vector<1xi32>
      %broadcast_in_dim3A_1930 = vector.broadcast %squeeze3A_1929 : i32 to vector<16xi32>
      %add3A_1931 = arith.constant 2 : i32
      %add3A_1932 = arith.addi %mul3A_1900, %add3A_1931 : i32
      %broadcast_in_dim3A_1933 = vector.broadcast %add3A_1932 : i32 to vector<16xi32>
      tpu.vector_store_idx %arg7[%broadcast_in_dim3A_1930], %broadcast_in_dim3A_1933 masked %and3A_1927 : memref<3128xi32, #tpu.memory_space<vmem>>[vector<16xi32>], vector<16xi32>, vector<16xi1>
      %add3A_1934 = arith.constant 3 : i32
      %add3A_1935 = arith.addi %mul3A_1900, %add3A_1934 : i32
      %lt3A_1936 = arith.cmpi slt, %add3A_1935, %scan3A_405 : i32
      %and3A_1937 = vector.broadcast %lt3A_1936 : i1 to vector<16xi1>
      %and3A_1938 = arith.andi %eq3A_24, %and3A_1937 : vector<16xi1>
      %slice3A_1939 = vector.extract_strided_slice %min3A_1898 {offsets = [3], sizes = [1], strides = [1]} : vector<16xi32> to vector<1xi32>
      %squeeze3A_1940 = vector.extract %slice3A_1939[0] : i32 from vector<1xi32>
      %broadcast_in_dim3A_1941 = vector.broadcast %squeeze3A_1940 : i32 to vector<16xi32>
      %add3A_1942 = arith.constant 3 : i32
      %add3A_1943 = arith.addi %mul3A_1900, %add3A_1942 : i32
      %broadcast_in_dim3A_1944 = vector.broadcast %add3A_1943 : i32 to vector<16xi32>
      tpu.vector_store_idx %arg7[%broadcast_in_dim3A_1941], %broadcast_in_dim3A_1944 masked %and3A_1938 : memref<3128xi32, #tpu.memory_space<vmem>>[vector<16xi32>], vector<16xi32>, vector<16xi1>
      %add3A_1945 = arith.constant 4 : i32
      %add3A_1946 = arith.addi %mul3A_1900, %add3A_1945 : i32
      %lt3A_1947 = arith.cmpi slt, %add3A_1946, %scan3A_405 : i32
      %and3A_1948 = vector.broadcast %lt3A_1947 : i1 to vector<16xi1>
      %and3A_1949 = arith.andi %eq3A_24, %and3A_1948 : vector<16xi1>
      %slice3A_1950 = vector.extract_strided_slice %min3A_1898 {offsets = [4], sizes = [1], strides = [1]} : vector<16xi32> to vector<1xi32>
      %squeeze3A_1951 = vector.extract %slice3A_1950[0] : i32 from vector<1xi32>
      %broadcast_in_dim3A_1952 = vector.broadcast %squeeze3A_1951 : i32 to vector<16xi32>
      %add3A_1953 = arith.constant 4 : i32
      %add3A_1954 = arith.addi %mul3A_1900, %add3A_1953 : i32
      %broadcast_in_dim3A_1955 = vector.broadcast %add3A_1954 : i32 to vector<16xi32>
      tpu.vector_store_idx %arg7[%broadcast_in_dim3A_1952], %broadcast_in_dim3A_1955 masked %and3A_1949 : memref<3128xi32, #tpu.memory_space<vmem>>[vector<16xi32>], vector<16xi32>, vector<16xi1>
      %add3A_1956 = arith.constant 5 : i32
      %add3A_1957 = arith.addi %mul3A_1900, %add3A_1956 : i32
      %lt3A_1958 = arith.cmpi slt, %add3A_1957, %scan3A_405 : i32
      %and3A_1959 = vector.broadcast %lt3A_1958 : i1 to vector<16xi1>
      %and3A_1960 = arith.andi %eq3A_24, %and3A_1959 : vector<16xi1>
      %slice3A_1961 = vector.extract_strided_slice %min3A_1898 {offsets = [5], sizes = [1], strides = [1]} : vector<16xi32> to vector<1xi32>
      %squeeze3A_1962 = vector.extract %slice3A_1961[0] : i32 from vector<1xi32>
      %broadcast_in_dim3A_1963 = vector.broadcast %squeeze3A_1962 : i32 to vector<16xi32>
      %add3A_1964 = arith.constant 5 : i32
      %add3A_1965 = arith.addi %mul3A_1900, %add3A_1964 : i32
      %broadcast_in_dim3A_1966 = vector.broadcast %add3A_1965 : i32 to vector<16xi32>
      tpu.vector_store_idx %arg7[%broadcast_in_dim3A_1963], %broadcast_in_dim3A_1966 masked %and3A_1960 : memref<3128xi32, #tpu.memory_space<vmem>>[vector<16xi32>], vector<16xi32>, vector<16xi1>
      %add3A_1967 = arith.constant 6 : i32
      %add3A_1968 = arith.addi %mul3A_1900, %add3A_1967 : i32
      %lt3A_1969 = arith.cmpi slt, %add3A_1968, %scan3A_405 : i32
      %and3A_1970 = vector.broadcast %lt3A_1969 : i1 to vector<16xi1>
      %and3A_1971 = arith.andi %eq3A_24, %and3A_1970 : vector<16xi1>
      %slice3A_1972 = vector.extract_strided_slice %min3A_1898 {offsets = [6], sizes = [1], strides = [1]} : vector<16xi32> to vector<1xi32>
      %squeeze3A_1973 = vector.extract %slice3A_1972[0] : i32 from vector<1xi32>
      %broadcast_in_dim3A_1974 = vector.broadcast %squeeze3A_1973 : i32 to vector<16xi32>
      %add3A_1975 = arith.constant 6 : i32
      %add3A_1976 = arith.addi %mul3A_1900, %add3A_1975 : i32
      %broadcast_in_dim3A_1977 = vector.broadcast %add3A_1976 : i32 to vector<16xi32>
      tpu.vector_store_idx %arg7[%broadcast_in_dim3A_1974], %broadcast_in_dim3A_1977 masked %and3A_1971 : memref<3128xi32, #tpu.memory_space<vmem>>[vector<16xi32>], vector<16xi32>, vector<16xi1>
      %add3A_1978 = arith.constant 7 : i32
      %add3A_1979 = arith.addi %mul3A_1900, %add3A_1978 : i32
      %lt3A_1980 = arith.cmpi slt, %add3A_1979, %scan3A_405 : i32
      %and3A_1981 = vector.broadcast %lt3A_1980 : i1 to vector<16xi1>
      %and3A_1982 = arith.andi %eq3A_24, %and3A_1981 : vector<16xi1>
      %slice3A_1983 = vector.extract_strided_slice %min3A_1898 {offsets = [7], sizes = [1], strides = [1]} : vector<16xi32> to vector<1xi32>
      %squeeze3A_1984 = vector.extract %slice3A_1983[0] : i32 from vector<1xi32>
      %broadcast_in_dim3A_1985 = vector.broadcast %squeeze3A_1984 : i32 to vector<16xi32>
      %add3A_1986 = arith.constant 7 : i32
      %add3A_1987 = arith.addi %mul3A_1900, %add3A_1986 : i32
      %broadcast_in_dim3A_1988 = vector.broadcast %add3A_1987 : i32 to vector<16xi32>
      tpu.vector_store_idx %arg7[%broadcast_in_dim3A_1985], %broadcast_in_dim3A_1988 masked %and3A_1982 : memref<3128xi32, #tpu.memory_space<vmem>>[vector<16xi32>], vector<16xi32>, vector<16xi1>
      %add3A_1989 = arith.constant 8 : i32
      %add3A_1990 = arith.addi %mul3A_1900, %add3A_1989 : i32
      %lt3A_1991 = arith.cmpi slt, %add3A_1990, %scan3A_405 : i32
      %and3A_1992 = vector.broadcast %lt3A_1991 : i1 to vector<16xi1>
      %and3A_1993 = arith.andi %eq3A_24, %and3A_1992 : vector<16xi1>
      %slice3A_1994 = vector.extract_strided_slice %min3A_1898 {offsets = [8], sizes = [1], strides = [1]} : vector<16xi32> to vector<1xi32>
      %squeeze3A_1995 = vector.extract %slice3A_1994[0] : i32 from vector<1xi32>
      %broadcast_in_dim3A_1996 = vector.broadcast %squeeze3A_1995 : i32 to vector<16xi32>
      %add3A_1997 = arith.constant 8 : i32
      %add3A_1998 = arith.addi %mul3A_1900, %add3A_1997 : i32
      %broadcast_in_dim3A_1999 = vector.broadcast %add3A_1998 : i32 to vector<16xi32>
      tpu.vector_store_idx %arg7[%broadcast_in_dim3A_1996], %broadcast_in_dim3A_1999 masked %and3A_1993 : memref<3128xi32, #tpu.memory_space<vmem>>[vector<16xi32>], vector<16xi32>, vector<16xi1>
      %add3A_2000 = arith.constant 9 : i32
      %add3A_2001 = arith.addi %mul3A_1900, %add3A_2000 : i32
      %lt3A_2002 = arith.cmpi slt, %add3A_2001, %scan3A_405 : i32
      %and3A_2003 = vector.broadcast %lt3A_2002 : i1 to vector<16xi1>
      %and3A_2004 = arith.andi %eq3A_24, %and3A_2003 : vector<16xi1>
      %slice3A_2005 = vector.extract_strided_slice %min3A_1898 {offsets = [9], sizes = [1], strides = [1]} : vector<16xi32> to vector<1xi32>
      %squeeze3A_2006 = vector.extract %slice3A_2005[0] : i32 from vector<1xi32>
      %broadcast_in_dim3A_2007 = vector.broadcast %squeeze3A_2006 : i32 to vector<16xi32>
      %add3A_2008 = arith.constant 9 : i32
      %add3A_2009 = arith.addi %mul3A_1900, %add3A_2008 : i32
      %broadcast_in_dim3A_2010 = vector.broadcast %add3A_2009 : i32 to vector<16xi32>
      tpu.vector_store_idx %arg7[%broadcast_in_dim3A_2007], %broadcast_in_dim3A_2010 masked %and3A_2004 : memref<3128xi32, #tpu.memory_space<vmem>>[vector<16xi32>], vector<16xi32>, vector<16xi1>
      %add3A_2011 = arith.constant 10 : i32
      %add3A_2012 = arith.addi %mul3A_1900, %add3A_2011 : i32
      %lt3A_2013 = arith.cmpi slt, %add3A_2012, %scan3A_405 : i32
      %and3A_2014 = vector.broadcast %lt3A_2013 : i1 to vector<16xi1>
      %and3A_2015 = arith.andi %eq3A_24, %and3A_2014 : vector<16xi1>
      %slice3A_2016 = vector.extract_strided_slice %min3A_1898 {offsets = [10], sizes = [1], strides = [1]} : vector<16xi32> to vector<1xi32>
      %squeeze3A_2017 = vector.extract %slice3A_2016[0] : i32 from vector<1xi32>
      %broadcast_in_dim3A_2018 = vector.broadcast %squeeze3A_2017 : i32 to vector<16xi32>
      %add3A_2019 = arith.constant 10 : i32
      %add3A_2020 = arith.addi %mul3A_1900, %add3A_2019 : i32
      %broadcast_in_dim3A_2021 = vector.broadcast %add3A_2020 : i32 to vector<16xi32>
      tpu.vector_store_idx %arg7[%broadcast_in_dim3A_2018], %broadcast_in_dim3A_2021 masked %and3A_2015 : memref<3128xi32, #tpu.memory_space<vmem>>[vector<16xi32>], vector<16xi32>, vector<16xi1>
      %add3A_2022 = arith.constant 11 : i32
      %add3A_2023 = arith.addi %mul3A_1900, %add3A_2022 : i32
      %lt3A_2024 = arith.cmpi slt, %add3A_2023, %scan3A_405 : i32
      %and3A_2025 = vector.broadcast %lt3A_2024 : i1 to vector<16xi1>
      %and3A_2026 = arith.andi %eq3A_24, %and3A_2025 : vector<16xi1>
      %slice3A_2027 = vector.extract_strided_slice %min3A_1898 {offsets = [11], sizes = [1], strides = [1]} : vector<16xi32> to vector<1xi32>
      %squeeze3A_2028 = vector.extract %slice3A_2027[0] : i32 from vector<1xi32>
      %broadcast_in_dim3A_2029 = vector.broadcast %squeeze3A_2028 : i32 to vector<16xi32>
      %add3A_2030 = arith.constant 11 : i32
      %add3A_2031 = arith.addi %mul3A_1900, %add3A_2030 : i32
      %broadcast_in_dim3A_2032 = vector.broadcast %add3A_2031 : i32 to vector<16xi32>
      tpu.vector_store_idx %arg7[%broadcast_in_dim3A_2029], %broadcast_in_dim3A_2032 masked %and3A_2026 : memref<3128xi32, #tpu.memory_space<vmem>>[vector<16xi32>], vector<16xi32>, vector<16xi1>
      %add3A_2033 = arith.constant 12 : i32
      %add3A_2034 = arith.addi %mul3A_1900, %add3A_2033 : i32
      %lt3A_2035 = arith.cmpi slt, %add3A_2034, %scan3A_405 : i32
      %and3A_2036 = vector.broadcast %lt3A_2035 : i1 to vector<16xi1>
      %and3A_2037 = arith.andi %eq3A_24, %and3A_2036 : vector<16xi1>
      %slice3A_2038 = vector.extract_strided_slice %min3A_1898 {offsets = [12], sizes = [1], strides = [1]} : vector<16xi32> to vector<1xi32>
      %squeeze3A_2039 = vector.extract %slice3A_2038[0] : i32 from vector<1xi32>
      %broadcast_in_dim3A_2040 = vector.broadcast %squeeze3A_2039 : i32 to vector<16xi32>
      %add3A_2041 = arith.constant 12 : i32
      %add3A_2042 = arith.addi %mul3A_1900, %add3A_2041 : i32
      %broadcast_in_dim3A_2043 = vector.broadcast %add3A_2042 : i32 to vector<16xi32>
      tpu.vector_store_idx %arg7[%broadcast_in_dim3A_2040], %broadcast_in_dim3A_2043 masked %and3A_2037 : memref<3128xi32, #tpu.memory_space<vmem>>[vector<16xi32>], vector<16xi32>, vector<16xi1>
      %add3A_2044 = arith.constant 13 : i32
      %add3A_2045 = arith.addi %mul3A_1900, %add3A_2044 : i32
      %lt3A_2046 = arith.cmpi slt, %add3A_2045, %scan3A_405 : i32
      %and3A_2047 = vector.broadcast %lt3A_2046 : i1 to vector<16xi1>
      %and3A_2048 = arith.andi %eq3A_24, %and3A_2047 : vector<16xi1>
      %slice3A_2049 = vector.extract_strided_slice %min3A_1898 {offsets = [13], sizes = [1], strides = [1]} : vector<16xi32> to vector<1xi32>
      %squeeze3A_2050 = vector.extract %slice3A_2049[0] : i32 from vector<1xi32>
      %broadcast_in_dim3A_2051 = vector.broadcast %squeeze3A_2050 : i32 to vector<16xi32>
      %add3A_2052 = arith.constant 13 : i32
      %add3A_2053 = arith.addi %mul3A_1900, %add3A_2052 : i32
      %broadcast_in_dim3A_2054 = vector.broadcast %add3A_2053 : i32 to vector<16xi32>
      tpu.vector_store_idx %arg7[%broadcast_in_dim3A_2051], %broadcast_in_dim3A_2054 masked %and3A_2048 : memref<3128xi32, #tpu.memory_space<vmem>>[vector<16xi32>], vector<16xi32>, vector<16xi1>
      %add3A_2055 = arith.constant 14 : i32
      %add3A_2056 = arith.addi %mul3A_1900, %add3A_2055 : i32
      %lt3A_2057 = arith.cmpi slt, %add3A_2056, %scan3A_405 : i32
      %and3A_2058 = vector.broadcast %lt3A_2057 : i1 to vector<16xi1>
      %and3A_2059 = arith.andi %eq3A_24, %and3A_2058 : vector<16xi1>
      %slice3A_2060 = vector.extract_strided_slice %min3A_1898 {offsets = [14], sizes = [1], strides = [1]} : vector<16xi32> to vector<1xi32>
      %squeeze3A_2061 = vector.extract %slice3A_2060[0] : i32 from vector<1xi32>
      %broadcast_in_dim3A_2062 = vector.broadcast %squeeze3A_2061 : i32 to vector<16xi32>
      %add3A_2063 = arith.constant 14 : i32
      %add3A_2064 = arith.addi %mul3A_1900, %add3A_2063 : i32
      %broadcast_in_dim3A_2065 = vector.broadcast %add3A_2064 : i32 to vector<16xi32>
      tpu.vector_store_idx %arg7[%broadcast_in_dim3A_2062], %broadcast_in_dim3A_2065 masked %and3A_2059 : memref<3128xi32, #tpu.memory_space<vmem>>[vector<16xi32>], vector<16xi32>, vector<16xi1>
      %add3A_2066 = arith.constant 15 : i32
      %add3A_2067 = arith.addi %mul3A_1900, %add3A_2066 : i32
      %lt3A_2068 = arith.cmpi slt, %add3A_2067, %scan3A_405 : i32
      %and3A_2069 = vector.broadcast %lt3A_2068 : i1 to vector<16xi1>
      %and3A_2070 = arith.andi %eq3A_24, %and3A_2069 : vector<16xi1>
      %slice3A_2071 = vector.extract_strided_slice %min3A_1898 {offsets = [15], sizes = [1], strides = [1]} : vector<16xi32> to vector<1xi32>
      %squeeze3A_2072 = vector.extract %slice3A_2071[0] : i32 from vector<1xi32>
      %broadcast_in_dim3A_2073 = vector.broadcast %squeeze3A_2072 : i32 to vector<16xi32>
      %add3A_2074 = arith.constant 15 : i32
      %add3A_2075 = arith.addi %mul3A_1900, %add3A_2074 : i32
      %broadcast_in_dim3A_2076 = vector.broadcast %add3A_2075 : i32 to vector<16xi32>
      tpu.vector_store_idx %arg7[%broadcast_in_dim3A_2073], %broadcast_in_dim3A_2076 masked %and3A_2070 : memref<3128xi32, #tpu.memory_space<vmem>>[vector<16xi32>], vector<16xi32>, vector<16xi1>
    }
    %while3A_465 = arith.constant 0 : i32
    %while3A_466 = arith.constant 0 : i32
    %while3A_467 = arith.subi %select_n3A, %while3A_465 : i32
    %while3A_468 = arith.addi %while3A_465, %while3A_467 : i32
    %while3A_469 = arith.constant 1 : i32
    %while3A_470 = arith.divsi %while3A_467, %while3A_469 : i32
    %while3A_471 = arith.muli %while3A_470, %while3A_469 : i32
    %while3A_472 = arith.addi %while3A_465, %while3A_471 : i32
    %while3A_473 = arith.constant 1 : i32
    %while3A_474 = scf.for %while3A_1887 = %while3A_465 to %while3A_472 step %while3A_473 iter_args(%while3A_1888 = %while3A_466) -> (i32)  : i32 {
      %mul3A_1889 = arith.constant 16 : i32
      %mul3A_1890 = arith.muli %while3A_1887, %mul3A_1889 : i32
      %get3A_1891 = arith.index_cast %mul3A_1890 : i32 to index
      %get3A_1892 = tpu.vector_load %arg8[%get3A_1891] {strides = array<i32>} : memref<1040xi32, #tpu.memory_space<vmem>>, vector<16xi32>,
      %get3A_1893 = arith.index_cast %mul3A_1890 : i32 to index
      %get3A_1894 = tpu.vector_load %arg9[%get3A_1893] {strides = array<i32>} : memref<1040xi32, #tpu.memory_space<vmem>>, vector<16xi32>,
      %sub3A_1895 = vector.broadcast %mul3A_2 : i32 to vector<16xi32>
      %sub3A_1896 = arith.subi %get3A_1892, %sub3A_1895 : vector<16xi32>
      %jit3A_1897 = arith.constant 0 : i32
      %jit3A_1898 = arith.constant 3127 : i32
      %max3A = vector.broadcast %jit3A_1897 : i32 to vector<16xi32>
      %max3A_1899 = arith.maxsi %max3A, %sub3A_1896 : vector<16xi32>
      %min3A_1900 = vector.broadcast %jit3A_1898 : i32 to vector<16xi32>
      %min3A_1901 = arith.minsi %min3A_1900, %max3A_1899 : vector<16xi32>
      %gather3A = tpu.vector_load_idx %arg7[%min3A_1901] : memref<3128xi32, #tpu.memory_space<vmem>>[vector<16xi32>], vector<16xi32>,
      %add3A_1902 = vector.broadcast %mul3A_1890 : i32 to vector<16xi32>
      %add3A_1903 = arith.addi %add3A_1902, %iota3A : vector<16xi32>
      %eq3A_1904 = arith.cmpi eq, %gather3A, %add3A_1903 : vector<16xi32>
      %add3A_1905 = vector.broadcast %mul3A_1890 : i32 to vector<16xi32>
      %add3A_1906 = arith.addi %add3A_1905, %iota3A : vector<16xi32>
      %lt3A_1907 = vector.broadcast %scan3A_405 : i32 to vector<16xi32>
      %lt3A_1908 = arith.cmpi slt, %add3A_1906, %lt3A_1907 : vector<16xi32>
      %and3A_1909 = arith.andi %eq3A_1904, %lt3A_1908 : vector<16xi1>
      %swap3A_1910 = arith.index_cast %while3A_1888 : i32 to index
      %swap3A_1911 = tpu.vector_load %arg10[%swap3A_1910] masked %and3A_1909 {strides = array<i32>} : memref<1024xi32, #tpu.memory_space<vmem>>, vector<16xi32>, vector<16xi1>
      tpu.vector_store %arg10[%swap3A_1910], %get3A_1892 masked %and3A_1909 {strides = array<i32>} : memref<1024xi32, #tpu.memory_space<vmem>>, vector<16xi32>, vector<16xi1>
      %swap3A_1912 = arith.index_cast %while3A_1888 : i32 to index
      %swap3A_1913 = tpu.vector_load %arg11[%swap3A_1912] masked %and3A_1909 {strides = array<i32>} : memref<1024xi32, #tpu.memory_space<vmem>>, vector<16xi32>, vector<16xi1>
      tpu.vector_store %arg11[%swap3A_1912], %get3A_1894 masked %and3A_1909 {strides = array<i32>} : memref<1024xi32, #tpu.memory_space<vmem>>, vector<16xi32>, vector<16xi1>
      %convert_element_type3A_1914 = arith.extui %and3A_1909 : vector<16xi1> to vector<16xi32>
      %reduce_sum3A = arith.constant true
      %reduce_sum3A_1915 = vector.broadcast %reduce_sum3A : i1 to vector<16xi1>
      %reduce_sum3A_1916 = tpu.scan <sum>, %convert_element_type3A_1914 masked %reduce_sum3A_1915 : vector<16xi32>, vector<16xi1> -> vector<16xi32>
      %reduce_sum3A_1917 = vector.extract %reduce_sum3A_1916[15] : i32 from vector<16xi32>
      %add3A_1918 = arith.addi %while3A_1888, %reduce_sum3A_1917 : i32
      scf.yield %add3A_1918 : i32
    }
    %while3A_475 = arith.constant 1 : i32
    %while3A_476 = scf.for %while3A_1887 = %while3A_472 to %while3A_468 step %while3A_475 iter_args(%while3A_1888 = %while3A_474) -> (i32)  : i32 {
      %mul3A_1889 = arith.constant 16 : i32
      %mul3A_1890 = arith.muli %while3A_1887, %mul3A_1889 : i32
      %get3A_1891 = arith.index_cast %mul3A_1890 : i32 to index
      %get3A_1892 = tpu.vector_load %arg8[%get3A_1891] {strides = array<i32>} : memref<1040xi32, #tpu.memory_space<vmem>>, vector<16xi32>,
      %get3A_1893 = arith.index_cast %mul3A_1890 : i32 to index
      %get3A_1894 = tpu.vector_load %arg9[%get3A_1893] {strides = array<i32>} : memref<1040xi32, #tpu.memory_space<vmem>>, vector<16xi32>,
      %sub3A_1895 = vector.broadcast %mul3A_2 : i32 to vector<16xi32>
      %sub3A_1896 = arith.subi %get3A_1892, %sub3A_1895 : vector<16xi32>
      %jit3A_1897 = arith.constant 0 : i32
      %jit3A_1898 = arith.constant 3127 : i32
      %max3A = vector.broadcast %jit3A_1897 : i32 to vector<16xi32>
      %max3A_1899 = arith.maxsi %max3A, %sub3A_1896 : vector<16xi32>
      %min3A_1900 = vector.broadcast %jit3A_1898 : i32 to vector<16xi32>
      %min3A_1901 = arith.minsi %min3A_1900, %max3A_1899 : vector<16xi32>
      %gather3A = tpu.vector_load_idx %arg7[%min3A_1901] : memref<3128xi32, #tpu.memory_space<vmem>>[vector<16xi32>], vector<16xi32>,
      %add3A_1902 = vector.broadcast %mul3A_1890 : i32 to vector<16xi32>
      %add3A_1903 = arith.addi %add3A_1902, %iota3A : vector<16xi32>
      %eq3A_1904 = arith.cmpi eq, %gather3A, %add3A_1903 : vector<16xi32>
      %add3A_1905 = vector.broadcast %mul3A_1890 : i32 to vector<16xi32>
      %add3A_1906 = arith.addi %add3A_1905, %iota3A : vector<16xi32>
      %lt3A_1907 = vector.broadcast %scan3A_405 : i32 to vector<16xi32>
      %lt3A_1908 = arith.cmpi slt, %add3A_1906, %lt3A_1907 : vector<16xi32>
      %and3A_1909 = arith.andi %eq3A_1904, %lt3A_1908 : vector<16xi1>
      %swap3A_1910 = arith.index_cast %while3A_1888 : i32 to index
      %swap3A_1911 = tpu.vector_load %arg10[%swap3A_1910] masked %and3A_1909 {strides = array<i32>} : memref<1024xi32, #tpu.memory_space<vmem>>, vector<16xi32>, vector<16xi1>
      tpu.vector_store %arg10[%swap3A_1910], %get3A_1892 masked %and3A_1909 {strides = array<i32>} : memref<1024xi32, #tpu.memory_space<vmem>>, vector<16xi32>, vector<16xi1>
      %swap3A_1912 = arith.index_cast %while3A_1888 : i32 to index
      %swap3A_1913 = tpu.vector_load %arg11[%swap3A_1912] masked %and3A_1909 {strides = array<i32>} : memref<1024xi32, #tpu.memory_space<vmem>>, vector<16xi32>, vector<16xi1>
      tpu.vector_store %arg11[%swap3A_1912], %get3A_1894 masked %and3A_1909 {strides = array<i32>} : memref<1024xi32, #tpu.memory_space<vmem>>, vector<16xi32>, vector<16xi1>
      %convert_element_type3A_1914 = arith.extui %and3A_1909 : vector<16xi1> to vector<16xi32>
      %reduce_sum3A = arith.constant true
      %reduce_sum3A_1915 = vector.broadcast %reduce_sum3A : i1 to vector<16xi1>
      %reduce_sum3A_1916 = tpu.scan <sum>, %convert_element_type3A_1914 masked %reduce_sum3A_1915 : vector<16xi32>, vector<16xi1> -> vector<16xi32>
      %reduce_sum3A_1917 = vector.extract %reduce_sum3A_1916[15] : i32 from vector<16xi32>
      %add3A_1918 = arith.addi %while3A_1888, %reduce_sum3A_1917 : i32
      scf.yield %add3A_1918 : i32
    }
    %get3A = arith.constant 0 : index
    %get3A_477 = tpu.vector_load %arg10[%get3A] {strides = array<i32>} : memref<1024xi32, #tpu.memory_space<vmem>>, vector<16xi32>,
    %slice3A = vector.extract_strided_slice %get3A_477 {offsets = [0], sizes = [1], strides = [1]} : vector<16xi32> to vector<1xi32>
    %squeeze3A = vector.extract %slice3A[0] : i32 from vector<1xi32>
    %get3A_478 = arith.constant 0 : index
    %get3A_479 = tpu.vector_load %arg11[%get3A_478] {strides = array<i32>} : memref<1024xi32, #tpu.memory_space<vmem>>, vector<16xi32>,
    %slice3A_480 = vector.extract_strided_slice %get3A_479 {offsets = [0], sizes = [1], strides = [1]} : vector<16xi32> to vector<1xi32>
    %squeeze3A_481 = vector.extract %slice3A_480[0] : i32 from vector<1xi32>
    %add3A_482 = arith.constant 0 : i32
    %add3A_483 = vector.broadcast %add3A_482 : i32 to vector<16xi32>
    %add3A_484 = arith.addi %add3A_483, %iota3A : vector<16xi32>
    %lt3A_485 = vector.broadcast %while3A_476 : i32 to vector<16xi32>
    %lt3A_486 = arith.cmpi slt, %add3A_484, %lt3A_485 : vector<16xi32>
    %get3A_487 = arith.constant 0 : index
    %get3A_488 = tpu.vector_load %arg10[%get3A_487] {strides = array<i32>} : memref<1024xi32, #tpu.memory_space<vmem>>, vector<16xi32>,
    %broadcast_in_dim3A_489 = vector.broadcast %squeeze3A : i32 to vector<16xi32>
    %select_n3A_490 = arith.select %lt3A_486, %get3A_488, %broadcast_in_dim3A_489 : vector<16xi1>, vector<16xi32>
    %swap3A = arith.constant 0 : i32
    %swap3A_491 = arith.index_cast %swap3A : i32 to index
    %swap3A_492 = arith.constant 0 : index
    %swap3A_493 = tpu.vector_load %arg12[%swap3A_491, %swap3A_492] {strides = array<i32>} : memref<8x128xi32, #tpu.memory_space<vmem>>, vector<16xi32>,
    tpu.vector_store %arg12[%swap3A_491, %swap3A_492], %select_n3A_490 {strides = array<i32>} : memref<8x128xi32, #tpu.memory_space<vmem>>, vector<16xi32>,
    %get3A_494 = arith.constant 0 : index
    %get3A_495 = tpu.vector_load %arg11[%get3A_494] {strides = array<i32>} : memref<1024xi32, #tpu.memory_space<vmem>>, vector<16xi32>,
    %broadcast_in_dim3A_496 = vector.broadcast %squeeze3A_481 : i32 to vector<16xi32>
    %select_n3A_497 = arith.select %lt3A_486, %get3A_495, %broadcast_in_dim3A_496 : vector<16xi1>, vector<16xi32>
    %swap3A_498 = arith.constant 0 : i32
    %swap3A_499 = arith.index_cast %swap3A_498 : i32 to index
    %swap3A_500 = arith.constant 0 : index
    %swap3A_501 = tpu.vector_load %arg13[%swap3A_499, %swap3A_500] {strides = array<i32>} : memref<8x128xi32, #tpu.memory_space<vmem>>, vector<16xi32>,
    tpu.vector_store %arg13[%swap3A_499, %swap3A_500], %select_n3A_497 {strides = array<i32>} : memref<8x128xi32, #tpu.memory_space<vmem>>, vector<16xi32>,
    %add3A_502 = arith.constant 16 : i32
    %add3A_503 = vector.broadcast %add3A_502 : i32 to vector<16xi32>
    %add3A_504 = arith.addi %add3A_503, %iota3A : vector<16xi32>
    %lt3A_505 = vector.broadcast %while3A_476 : i32 to vector<16xi32>
    %lt3A_506 = arith.cmpi slt, %add3A_504, %lt3A_505 : vector<16xi32>
    %get3A_507 = arith.constant 16 : index
    %get3A_508 = tpu.vector_load %arg10[%get3A_507] {strides = array<i32>} : memref<1024xi32, #tpu.memory_space<vmem>>, vector<16xi32>,
    %broadcast_in_dim3A_509 = vector.broadcast %squeeze3A : i32 to vector<16xi32>
    %select_n3A_510 = arith.select %lt3A_506, %get3A_508, %broadcast_in_dim3A_509 : vector<16xi1>, vector<16xi32>
    %swap3A_511 = arith.constant 0 : i32
    %swap3A_512 = arith.index_cast %swap3A_511 : i32 to index
    %swap3A_513 = arith.constant 16 : index
    %swap3A_514 = tpu.vector_load %arg12[%swap3A_512, %swap3A_513] {strides = array<i32>} : memref<8x128xi32, #tpu.memory_space<vmem>>, vector<16xi32>,
    tpu.vector_store %arg12[%swap3A_512, %swap3A_513], %select_n3A_510 {strides = array<i32>} : memref<8x128xi32, #tpu.memory_space<vmem>>, vector<16xi32>,
    %get3A_515 = arith.constant 16 : index
    %get3A_516 = tpu.vector_load %arg11[%get3A_515] {strides = array<i32>} : memref<1024xi32, #tpu.memory_space<vmem>>, vector<16xi32>,
    %broadcast_in_dim3A_517 = vector.broadcast %squeeze3A_481 : i32 to vector<16xi32>
    %select_n3A_518 = arith.select %lt3A_506, %get3A_516, %broadcast_in_dim3A_517 : vector<16xi1>, vector<16xi32>
    %swap3A_519 = arith.constant 0 : i32
    %swap3A_520 = arith.index_cast %swap3A_519 : i32 to index
    %swap3A_521 = arith.constant 16 : index
    %swap3A_522 = tpu.vector_load %arg13[%swap3A_520, %swap3A_521] {strides = array<i32>} : memref<8x128xi32, #tpu.memory_space<vmem>>, vector<16xi32>,
    tpu.vector_store %arg13[%swap3A_520, %swap3A_521], %select_n3A_518 {strides = array<i32>} : memref<8x128xi32, #tpu.memory_space<vmem>>, vector<16xi32>,
    %add3A_523 = arith.constant 32 : i32
    %add3A_524 = vector.broadcast %add3A_523 : i32 to vector<16xi32>
    %add3A_525 = arith.addi %add3A_524, %iota3A : vector<16xi32>
    %lt3A_526 = vector.broadcast %while3A_476 : i32 to vector<16xi32>
    %lt3A_527 = arith.cmpi slt, %add3A_525, %lt3A_526 : vector<16xi32>
    %get3A_528 = arith.constant 32 : index
    %get3A_529 = tpu.vector_load %arg10[%get3A_528] {strides = array<i32>} : memref<1024xi32, #tpu.memory_space<vmem>>, vector<16xi32>,
    %broadcast_in_dim3A_530 = vector.broadcast %squeeze3A : i32 to vector<16xi32>
    %select_n3A_531 = arith.select %lt3A_527, %get3A_529, %broadcast_in_dim3A_530 : vector<16xi1>, vector<16xi32>
    %swap3A_532 = arith.constant 0 : i32
    %swap3A_533 = arith.index_cast %swap3A_532 : i32 to index
    %swap3A_534 = arith.constant 32 : index
    %swap3A_535 = tpu.vector_load %arg12[%swap3A_533, %swap3A_534] {strides = array<i32>} : memref<8x128xi32, #tpu.memory_space<vmem>>, vector<16xi32>,
    tpu.vector_store %arg12[%swap3A_533, %swap3A_534], %select_n3A_531 {strides = array<i32>} : memref<8x128xi32, #tpu.memory_space<vmem>>, vector<16xi32>,
    %get3A_536 = arith.constant 32 : index
    %get3A_537 = tpu.vector_load %arg11[%get3A_536] {strides = array<i32>} : memref<1024xi32, #tpu.memory_space<vmem>>, vector<16xi32>,
    %broadcast_in_dim3A_538 = vector.broadcast %squeeze3A_481 : i32 to vector<16xi32>
    %select_n3A_539 = arith.select %lt3A_527, %get3A_537, %broadcast_in_dim3A_538 : vector<16xi1>, vector<16xi32>
    %swap3A_540 = arith.constant 0 : i32
    %swap3A_541 = arith.index_cast %swap3A_540 : i32 to index
    %swap3A_542 = arith.constant 32 : index
    %swap3A_543 = tpu.vector_load %arg13[%swap3A_541, %swap3A_542] {strides = array<i32>} : memref<8x128xi32, #tpu.memory_space<vmem>>, vector<16xi32>,
    tpu.vector_store %arg13[%swap3A_541, %swap3A_542], %select_n3A_539 {strides = array<i32>} : memref<8x128xi32, #tpu.memory_space<vmem>>, vector<16xi32>,
    %add3A_544 = arith.constant 48 : i32
    %add3A_545 = vector.broadcast %add3A_544 : i32 to vector<16xi32>
    %add3A_546 = arith.addi %add3A_545, %iota3A : vector<16xi32>
    %lt3A_547 = vector.broadcast %while3A_476 : i32 to vector<16xi32>
    %lt3A_548 = arith.cmpi slt, %add3A_546, %lt3A_547 : vector<16xi32>
    %get3A_549 = arith.constant 48 : index
    %get3A_550 = tpu.vector_load %arg10[%get3A_549] {strides = array<i32>} : memref<1024xi32, #tpu.memory_space<vmem>>, vector<16xi32>,
    %broadcast_in_dim3A_551 = vector.broadcast %squeeze3A : i32 to vector<16xi32>
    %select_n3A_552 = arith.select %lt3A_548, %get3A_550, %broadcast_in_dim3A_551 : vector<16xi1>, vector<16xi32>
    %swap3A_553 = arith.constant 0 : i32
    %swap3A_554 = arith.index_cast %swap3A_553 : i32 to index
    %swap3A_555 = arith.constant 48 : index
    %swap3A_556 = tpu.vector_load %arg12[%swap3A_554, %swap3A_555] {strides = array<i32>} : memref<8x128xi32, #tpu.memory_space<vmem>>, vector<16xi32>,
    tpu.vector_store %arg12[%swap3A_554, %swap3A_555], %select_n3A_552 {strides = array<i32>} : memref<8x128xi32, #tpu.memory_space<vmem>>, vector<16xi32>,
    %get3A_557 = arith.constant 48 : index
    %get3A_558 = tpu.vector_load %arg11[%get3A_557] {strides = array<i32>} : memref<1024xi32, #tpu.memory_space<vmem>>, vector<16xi32>,
    %broadcast_in_dim3A_559 = vector.broadcast %squeeze3A_481 : i32 to vector<16xi32>
    %select_n3A_560 = arith.select %lt3A_548, %get3A_558, %broadcast_in_dim3A_559 : vector<16xi1>, vector<16xi32>
    %swap3A_561 = arith.constant 0 : i32
    %swap3A_562 = arith.index_cast %swap3A_561 : i32 to index
    %swap3A_563 = arith.constant 48 : index
    %swap3A_564 = tpu.vector_load %arg13[%swap3A_562, %swap3A_563] {strides = array<i32>} : memref<8x128xi32, #tpu.memory_space<vmem>>, vector<16xi32>,
    tpu.vector_store %arg13[%swap3A_562, %swap3A_563], %select_n3A_560 {strides = array<i32>} : memref<8x128xi32, #tpu.memory_space<vmem>>, vector<16xi32>,
    %add3A_565 = arith.constant 64 : i32
    %add3A_566 = vector.broadcast %add3A_565 : i32 to vector<16xi32>
    %add3A_567 = arith.addi %add3A_566, %iota3A : vector<16xi32>
    %lt3A_568 = vector.broadcast %while3A_476 : i32 to vector<16xi32>
    %lt3A_569 = arith.cmpi slt, %add3A_567, %lt3A_568 : vector<16xi32>
    %get3A_570 = arith.constant 64 : index
    %get3A_571 = tpu.vector_load %arg10[%get3A_570] {strides = array<i32>} : memref<1024xi32, #tpu.memory_space<vmem>>, vector<16xi32>,
    %broadcast_in_dim3A_572 = vector.broadcast %squeeze3A : i32 to vector<16xi32>
    %select_n3A_573 = arith.select %lt3A_569, %get3A_571, %broadcast_in_dim3A_572 : vector<16xi1>, vector<16xi32>
    %swap3A_574 = arith.constant 0 : i32
    %swap3A_575 = arith.index_cast %swap3A_574 : i32 to index
    %swap3A_576 = arith.constant 64 : index
    %swap3A_577 = tpu.vector_load %arg12[%swap3A_575, %swap3A_576] {strides = array<i32>} : memref<8x128xi32, #tpu.memory_space<vmem>>, vector<16xi32>,
    tpu.vector_store %arg12[%swap3A_575, %swap3A_576], %select_n3A_573 {strides = array<i32>} : memref<8x128xi32, #tpu.memory_space<vmem>>, vector<16xi32>,
    %get3A_578 = arith.constant 64 : index
    %get3A_579 = tpu.vector_load %arg11[%get3A_578] {strides = array<i32>} : memref<1024xi32, #tpu.memory_space<vmem>>, vector<16xi32>,
    %broadcast_in_dim3A_580 = vector.broadcast %squeeze3A_481 : i32 to vector<16xi32>
    %select_n3A_581 = arith.select %lt3A_569, %get3A_579, %broadcast_in_dim3A_580 : vector<16xi1>, vector<16xi32>
    %swap3A_582 = arith.constant 0 : i32
    %swap3A_583 = arith.index_cast %swap3A_582 : i32 to index
    %swap3A_584 = arith.constant 64 : index
    %swap3A_585 = tpu.vector_load %arg13[%swap3A_583, %swap3A_584] {strides = array<i32>} : memref<8x128xi32, #tpu.memory_space<vmem>>, vector<16xi32>,
    tpu.vector_store %arg13[%swap3A_583, %swap3A_584], %select_n3A_581 {strides = array<i32>} : memref<8x128xi32, #tpu.memory_space<vmem>>, vector<16xi32>,
    %add3A_586 = arith.constant 80 : i32
    %add3A_587 = vector.broadcast %add3A_586 : i32 to vector<16xi32>
    %add3A_588 = arith.addi %add3A_587, %iota3A : vector<16xi32>
    %lt3A_589 = vector.broadcast %while3A_476 : i32 to vector<16xi32>
    %lt3A_590 = arith.cmpi slt, %add3A_588, %lt3A_589 : vector<16xi32>
    %get3A_591 = arith.constant 80 : index
    %get3A_592 = tpu.vector_load %arg10[%get3A_591] {strides = array<i32>} : memref<1024xi32, #tpu.memory_space<vmem>>, vector<16xi32>,
    %broadcast_in_dim3A_593 = vector.broadcast %squeeze3A : i32 to vector<16xi32>
    %select_n3A_594 = arith.select %lt3A_590, %get3A_592, %broadcast_in_dim3A_593 : vector<16xi1>, vector<16xi32>
    %swap3A_595 = arith.constant 0 : i32
    %swap3A_596 = arith.index_cast %swap3A_595 : i32 to index
    %swap3A_597 = arith.constant 80 : index
    %swap3A_598 = tpu.vector_load %arg12[%swap3A_596, %swap3A_597] {strides = array<i32>} : memref<8x128xi32, #tpu.memory_space<vmem>>, vector<16xi32>,
    tpu.vector_store %arg12[%swap3A_596, %swap3A_597], %select_n3A_594 {strides = array<i32>} : memref<8x128xi32, #tpu.memory_space<vmem>>, vector<16xi32>,
    %get3A_599 = arith.constant 80 : index
    %get3A_600 = tpu.vector_load %arg11[%get3A_599] {strides = array<i32>} : memref<1024xi32, #tpu.memory_space<vmem>>, vector<16xi32>,
    %broadcast_in_dim3A_601 = vector.broadcast %squeeze3A_481 : i32 to vector<16xi32>
    %select_n3A_602 = arith.select %lt3A_590, %get3A_600, %broadcast_in_dim3A_601 : vector<16xi1>, vector<16xi32>
    %swap3A_603 = arith.constant 0 : i32
    %swap3A_604 = arith.index_cast %swap3A_603 : i32 to index
    %swap3A_605 = arith.constant 80 : index
    %swap3A_606 = tpu.vector_load %arg13[%swap3A_604, %swap3A_605] {strides = array<i32>} : memref<8x128xi32, #tpu.memory_space<vmem>>, vector<16xi32>,
    tpu.vector_store %arg13[%swap3A_604, %swap3A_605], %select_n3A_602 {strides = array<i32>} : memref<8x128xi32, #tpu.memory_space<vmem>>, vector<16xi32>,
    %add3A_607 = arith.constant 96 : i32
    %add3A_608 = vector.broadcast %add3A_607 : i32 to vector<16xi32>
    %add3A_609 = arith.addi %add3A_608, %iota3A : vector<16xi32>
    %lt3A_610 = vector.broadcast %while3A_476 : i32 to vector<16xi32>
    %lt3A_611 = arith.cmpi slt, %add3A_609, %lt3A_610 : vector<16xi32>
    %get3A_612 = arith.constant 96 : index
    %get3A_613 = tpu.vector_load %arg10[%get3A_612] {strides = array<i32>} : memref<1024xi32, #tpu.memory_space<vmem>>, vector<16xi32>,
    %broadcast_in_dim3A_614 = vector.broadcast %squeeze3A : i32 to vector<16xi32>
    %select_n3A_615 = arith.select %lt3A_611, %get3A_613, %broadcast_in_dim3A_614 : vector<16xi1>, vector<16xi32>
    %swap3A_616 = arith.constant 0 : i32
    %swap3A_617 = arith.index_cast %swap3A_616 : i32 to index
    %swap3A_618 = arith.constant 96 : index
    %swap3A_619 = tpu.vector_load %arg12[%swap3A_617, %swap3A_618] {strides = array<i32>} : memref<8x128xi32, #tpu.memory_space<vmem>>, vector<16xi32>,
    tpu.vector_store %arg12[%swap3A_617, %swap3A_618], %select_n3A_615 {strides = array<i32>} : memref<8x128xi32, #tpu.memory_space<vmem>>, vector<16xi32>,
    %get3A_620 = arith.constant 96 : index
    %get3A_621 = tpu.vector_load %arg11[%get3A_620] {strides = array<i32>} : memref<1024xi32, #tpu.memory_space<vmem>>, vector<16xi32>,
    %broadcast_in_dim3A_622 = vector.broadcast %squeeze3A_481 : i32 to vector<16xi32>
    %select_n3A_623 = arith.select %lt3A_611, %get3A_621, %broadcast_in_dim3A_622 : vector<16xi1>, vector<16xi32>
    %swap3A_624 = arith.constant 0 : i32
    %swap3A_625 = arith.index_cast %swap3A_624 : i32 to index
    %swap3A_626 = arith.constant 96 : index
    %swap3A_627 = tpu.vector_load %arg13[%swap3A_625, %swap3A_626] {strides = array<i32>} : memref<8x128xi32, #tpu.memory_space<vmem>>, vector<16xi32>,
    tpu.vector_store %arg13[%swap3A_625, %swap3A_626], %select_n3A_623 {strides = array<i32>} : memref<8x128xi32, #tpu.memory_space<vmem>>, vector<16xi32>,
    %add3A_628 = arith.constant 112 : i32
    %add3A_629 = vector.broadcast %add3A_628 : i32 to vector<16xi32>
    %add3A_630 = arith.addi %add3A_629, %iota3A : vector<16xi32>
    %lt3A_631 = vector.broadcast %while3A_476 : i32 to vector<16xi32>
    %lt3A_632 = arith.cmpi slt, %add3A_630, %lt3A_631 : vector<16xi32>
    %get3A_633 = arith.constant 112 : index
    %get3A_634 = tpu.vector_load %arg10[%get3A_633] {strides = array<i32>} : memref<1024xi32, #tpu.memory_space<vmem>>, vector<16xi32>,
    %broadcast_in_dim3A_635 = vector.broadcast %squeeze3A : i32 to vector<16xi32>
    %select_n3A_636 = arith.select %lt3A_632, %get3A_634, %broadcast_in_dim3A_635 : vector<16xi1>, vector<16xi32>
    %swap3A_637 = arith.constant 0 : i32
    %swap3A_638 = arith.index_cast %swap3A_637 : i32 to index
    %swap3A_639 = arith.constant 112 : index
    %swap3A_640 = tpu.vector_load %arg12[%swap3A_638, %swap3A_639] {strides = array<i32>} : memref<8x128xi32, #tpu.memory_space<vmem>>, vector<16xi32>,
    tpu.vector_store %arg12[%swap3A_638, %swap3A_639], %select_n3A_636 {strides = array<i32>} : memref<8x128xi32, #tpu.memory_space<vmem>>, vector<16xi32>,
    %get3A_641 = arith.constant 112 : index
    %get3A_642 = tpu.vector_load %arg11[%get3A_641] {strides = array<i32>} : memref<1024xi32, #tpu.memory_space<vmem>>, vector<16xi32>,
    %broadcast_in_dim3A_643 = vector.broadcast %squeeze3A_481 : i32 to vector<16xi32>
    %select_n3A_644 = arith.select %lt3A_632, %get3A_642, %broadcast_in_dim3A_643 : vector<16xi1>, vector<16xi32>
    %swap3A_645 = arith.constant 0 : i32
    %swap3A_646 = arith.index_cast %swap3A_645 : i32 to index
    %swap3A_647 = arith.constant 112 : index
    %swap3A_648 = tpu.vector_load %arg13[%swap3A_646, %swap3A_647] {strides = array<i32>} : memref<8x128xi32, #tpu.memory_space<vmem>>, vector<16xi32>,
    tpu.vector_store %arg13[%swap3A_646, %swap3A_647], %select_n3A_644 {strides = array<i32>} : memref<8x128xi32, #tpu.memory_space<vmem>>, vector<16xi32>,
    %add3A_649 = arith.constant 128 : i32
    %add3A_650 = vector.broadcast %add3A_649 : i32 to vector<16xi32>
    %add3A_651 = arith.addi %add3A_650, %iota3A : vector<16xi32>
    %lt3A_652 = vector.broadcast %while3A_476 : i32 to vector<16xi32>
    %lt3A_653 = arith.cmpi slt, %add3A_651, %lt3A_652 : vector<16xi32>
    %get3A_654 = arith.constant 128 : index
    %get3A_655 = tpu.vector_load %arg10[%get3A_654] {strides = array<i32>} : memref<1024xi32, #tpu.memory_space<vmem>>, vector<16xi32>,
    %broadcast_in_dim3A_656 = vector.broadcast %squeeze3A : i32 to vector<16xi32>
    %select_n3A_657 = arith.select %lt3A_653, %get3A_655, %broadcast_in_dim3A_656 : vector<16xi1>, vector<16xi32>
    %swap3A_658 = arith.constant 1 : i32
    %swap3A_659 = arith.index_cast %swap3A_658 : i32 to index
    %swap3A_660 = arith.constant 0 : index
    %swap3A_661 = tpu.vector_load %arg12[%swap3A_659, %swap3A_660] {strides = array<i32>} : memref<8x128xi32, #tpu.memory_space<vmem>>, vector<16xi32>,
    tpu.vector_store %arg12[%swap3A_659, %swap3A_660], %select_n3A_657 {strides = array<i32>} : memref<8x128xi32, #tpu.memory_space<vmem>>, vector<16xi32>,
    %get3A_662 = arith.constant 128 : index
    %get3A_663 = tpu.vector_load %arg11[%get3A_662] {strides = array<i32>} : memref<1024xi32, #tpu.memory_space<vmem>>, vector<16xi32>,
    %broadcast_in_dim3A_664 = vector.broadcast %squeeze3A_481 : i32 to vector<16xi32>
    %select_n3A_665 = arith.select %lt3A_653, %get3A_663, %broadcast_in_dim3A_664 : vector<16xi1>, vector<16xi32>
    %swap3A_666 = arith.constant 1 : i32
    %swap3A_667 = arith.index_cast %swap3A_666 : i32 to index
    %swap3A_668 = arith.constant 0 : index
    %swap3A_669 = tpu.vector_load %arg13[%swap3A_667, %swap3A_668] {strides = array<i32>} : memref<8x128xi32, #tpu.memory_space<vmem>>, vector<16xi32>,
    tpu.vector_store %arg13[%swap3A_667, %swap3A_668], %select_n3A_665 {strides = array<i32>} : memref<8x128xi32, #tpu.memory_space<vmem>>, vector<16xi32>,
    %add3A_670 = arith.constant 144 : i32
    %add3A_671 = vector.broadcast %add3A_670 : i32 to vector<16xi32>
    %add3A_672 = arith.addi %add3A_671, %iota3A : vector<16xi32>
    %lt3A_673 = vector.broadcast %while3A_476 : i32 to vector<16xi32>
    %lt3A_674 = arith.cmpi slt, %add3A_672, %lt3A_673 : vector<16xi32>
    %get3A_675 = arith.constant 144 : index
    %get3A_676 = tpu.vector_load %arg10[%get3A_675] {strides = array<i32>} : memref<1024xi32, #tpu.memory_space<vmem>>, vector<16xi32>,
    %broadcast_in_dim3A_677 = vector.broadcast %squeeze3A : i32 to vector<16xi32>
    %select_n3A_678 = arith.select %lt3A_674, %get3A_676, %broadcast_in_dim3A_677 : vector<16xi1>, vector<16xi32>
    %swap3A_679 = arith.constant 1 : i32
    %swap3A_680 = arith.index_cast %swap3A_679 : i32 to index
    %swap3A_681 = arith.constant 16 : index
    %swap3A_682 = tpu.vector_load %arg12[%swap3A_680, %swap3A_681] {strides = array<i32>} : memref<8x128xi32, #tpu.memory_space<vmem>>, vector<16xi32>,
    tpu.vector_store %arg12[%swap3A_680, %swap3A_681], %select_n3A_678 {strides = array<i32>} : memref<8x128xi32, #tpu.memory_space<vmem>>, vector<16xi32>,
    %get3A_683 = arith.constant 144 : index
    %get3A_684 = tpu.vector_load %arg11[%get3A_683] {strides = array<i32>} : memref<1024xi32, #tpu.memory_space<vmem>>, vector<16xi32>,
    %broadcast_in_dim3A_685 = vector.broadcast %squeeze3A_481 : i32 to vector<16xi32>
    %select_n3A_686 = arith.select %lt3A_674, %get3A_684, %broadcast_in_dim3A_685 : vector<16xi1>, vector<16xi32>
    %swap3A_687 = arith.constant 1 : i32
    %swap3A_688 = arith.index_cast %swap3A_687 : i32 to index
    %swap3A_689 = arith.constant 16 : index
    %swap3A_690 = tpu.vector_load %arg13[%swap3A_688, %swap3A_689] {strides = array<i32>} : memref<8x128xi32, #tpu.memory_space<vmem>>, vector<16xi32>,
    tpu.vector_store %arg13[%swap3A_688, %swap3A_689], %select_n3A_686 {strides = array<i32>} : memref<8x128xi32, #tpu.memory_space<vmem>>, vector<16xi32>,
    %add3A_691 = arith.constant 160 : i32
    %add3A_692 = vector.broadcast %add3A_691 : i32 to vector<16xi32>
    %add3A_693 = arith.addi %add3A_692, %iota3A : vector<16xi32>
    %lt3A_694 = vector.broadcast %while3A_476 : i32 to vector<16xi32>
    %lt3A_695 = arith.cmpi slt, %add3A_693, %lt3A_694 : vector<16xi32>
    %get3A_696 = arith.constant 160 : index
    %get3A_697 = tpu.vector_load %arg10[%get3A_696] {strides = array<i32>} : memref<1024xi32, #tpu.memory_space<vmem>>, vector<16xi32>,
    %broadcast_in_dim3A_698 = vector.broadcast %squeeze3A : i32 to vector<16xi32>
    %select_n3A_699 = arith.select %lt3A_695, %get3A_697, %broadcast_in_dim3A_698 : vector<16xi1>, vector<16xi32>
    %swap3A_700 = arith.constant 1 : i32
    %swap3A_701 = arith.index_cast %swap3A_700 : i32 to index
    %swap3A_702 = arith.constant 32 : index
    %swap3A_703 = tpu.vector_load %arg12[%swap3A_701, %swap3A_702] {strides = array<i32>} : memref<8x128xi32, #tpu.memory_space<vmem>>, vector<16xi32>,
    tpu.vector_store %arg12[%swap3A_701, %swap3A_702], %select_n3A_699 {strides = array<i32>} : memref<8x128xi32, #tpu.memory_space<vmem>>, vector<16xi32>,
    %get3A_704 = arith.constant 160 : index
    %get3A_705 = tpu.vector_load %arg11[%get3A_704] {strides = array<i32>} : memref<1024xi32, #tpu.memory_space<vmem>>, vector<16xi32>,
    %broadcast_in_dim3A_706 = vector.broadcast %squeeze3A_481 : i32 to vector<16xi32>
    %select_n3A_707 = arith.select %lt3A_695, %get3A_705, %broadcast_in_dim3A_706 : vector<16xi1>, vector<16xi32>
    %swap3A_708 = arith.constant 1 : i32
    %swap3A_709 = arith.index_cast %swap3A_708 : i32 to index
    %swap3A_710 = arith.constant 32 : index
    %swap3A_711 = tpu.vector_load %arg13[%swap3A_709, %swap3A_710] {strides = array<i32>} : memref<8x128xi32, #tpu.memory_space<vmem>>, vector<16xi32>,
    tpu.vector_store %arg13[%swap3A_709, %swap3A_710], %select_n3A_707 {strides = array<i32>} : memref<8x128xi32, #tpu.memory_space<vmem>>, vector<16xi32>,
    %add3A_712 = arith.constant 176 : i32
    %add3A_713 = vector.broadcast %add3A_712 : i32 to vector<16xi32>
    %add3A_714 = arith.addi %add3A_713, %iota3A : vector<16xi32>
    %lt3A_715 = vector.broadcast %while3A_476 : i32 to vector<16xi32>
    %lt3A_716 = arith.cmpi slt, %add3A_714, %lt3A_715 : vector<16xi32>
    %get3A_717 = arith.constant 176 : index
    %get3A_718 = tpu.vector_load %arg10[%get3A_717] {strides = array<i32>} : memref<1024xi32, #tpu.memory_space<vmem>>, vector<16xi32>,
    %broadcast_in_dim3A_719 = vector.broadcast %squeeze3A : i32 to vector<16xi32>
    %select_n3A_720 = arith.select %lt3A_716, %get3A_718, %broadcast_in_dim3A_719 : vector<16xi1>, vector<16xi32>
    %swap3A_721 = arith.constant 1 : i32
    %swap3A_722 = arith.index_cast %swap3A_721 : i32 to index
    %swap3A_723 = arith.constant 48 : index
    %swap3A_724 = tpu.vector_load %arg12[%swap3A_722, %swap3A_723] {strides = array<i32>} : memref<8x128xi32, #tpu.memory_space<vmem>>, vector<16xi32>,
    tpu.vector_store %arg12[%swap3A_722, %swap3A_723], %select_n3A_720 {strides = array<i32>} : memref<8x128xi32, #tpu.memory_space<vmem>>, vector<16xi32>,
    %get3A_725 = arith.constant 176 : index
    %get3A_726 = tpu.vector_load %arg11[%get3A_725] {strides = array<i32>} : memref<1024xi32, #tpu.memory_space<vmem>>, vector<16xi32>,
    %broadcast_in_dim3A_727 = vector.broadcast %squeeze3A_481 : i32 to vector<16xi32>
    %select_n3A_728 = arith.select %lt3A_716, %get3A_726, %broadcast_in_dim3A_727 : vector<16xi1>, vector<16xi32>
    %swap3A_729 = arith.constant 1 : i32
    %swap3A_730 = arith.index_cast %swap3A_729 : i32 to index
    %swap3A_731 = arith.constant 48 : index
    %swap3A_732 = tpu.vector_load %arg13[%swap3A_730, %swap3A_731] {strides = array<i32>} : memref<8x128xi32, #tpu.memory_space<vmem>>, vector<16xi32>,
    tpu.vector_store %arg13[%swap3A_730, %swap3A_731], %select_n3A_728 {strides = array<i32>} : memref<8x128xi32, #tpu.memory_space<vmem>>, vector<16xi32>,
    %add3A_733 = arith.constant 192 : i32
    %add3A_734 = vector.broadcast %add3A_733 : i32 to vector<16xi32>
    %add3A_735 = arith.addi %add3A_734, %iota3A : vector<16xi32>
    %lt3A_736 = vector.broadcast %while3A_476 : i32 to vector<16xi32>
    %lt3A_737 = arith.cmpi slt, %add3A_735, %lt3A_736 : vector<16xi32>
    %get3A_738 = arith.constant 192 : index
    %get3A_739 = tpu.vector_load %arg10[%get3A_738] {strides = array<i32>} : memref<1024xi32, #tpu.memory_space<vmem>>, vector<16xi32>,
    %broadcast_in_dim3A_740 = vector.broadcast %squeeze3A : i32 to vector<16xi32>
    %select_n3A_741 = arith.select %lt3A_737, %get3A_739, %broadcast_in_dim3A_740 : vector<16xi1>, vector<16xi32>
    %swap3A_742 = arith.constant 1 : i32
    %swap3A_743 = arith.index_cast %swap3A_742 : i32 to index
    %swap3A_744 = arith.constant 64 : index
    %swap3A_745 = tpu.vector_load %arg12[%swap3A_743, %swap3A_744] {strides = array<i32>} : memref<8x128xi32, #tpu.memory_space<vmem>>, vector<16xi32>,
    tpu.vector_store %arg12[%swap3A_743, %swap3A_744], %select_n3A_741 {strides = array<i32>} : memref<8x128xi32, #tpu.memory_space<vmem>>, vector<16xi32>,
    %get3A_746 = arith.constant 192 : index
    %get3A_747 = tpu.vector_load %arg11[%get3A_746] {strides = array<i32>} : memref<1024xi32, #tpu.memory_space<vmem>>, vector<16xi32>,
    %broadcast_in_dim3A_748 = vector.broadcast %squeeze3A_481 : i32 to vector<16xi32>
    %select_n3A_749 = arith.select %lt3A_737, %get3A_747, %broadcast_in_dim3A_748 : vector<16xi1>, vector<16xi32>
    %swap3A_750 = arith.constant 1 : i32
    %swap3A_751 = arith.index_cast %swap3A_750 : i32 to index
    %swap3A_752 = arith.constant 64 : index
    %swap3A_753 = tpu.vector_load %arg13[%swap3A_751, %swap3A_752] {strides = array<i32>} : memref<8x128xi32, #tpu.memory_space<vmem>>, vector<16xi32>,
    tpu.vector_store %arg13[%swap3A_751, %swap3A_752], %select_n3A_749 {strides = array<i32>} : memref<8x128xi32, #tpu.memory_space<vmem>>, vector<16xi32>,
    %add3A_754 = arith.constant 208 : i32
    %add3A_755 = vector.broadcast %add3A_754 : i32 to vector<16xi32>
    %add3A_756 = arith.addi %add3A_755, %iota3A : vector<16xi32>
    %lt3A_757 = vector.broadcast %while3A_476 : i32 to vector<16xi32>
    %lt3A_758 = arith.cmpi slt, %add3A_756, %lt3A_757 : vector<16xi32>
    %get3A_759 = arith.constant 208 : index
    %get3A_760 = tpu.vector_load %arg10[%get3A_759] {strides = array<i32>} : memref<1024xi32, #tpu.memory_space<vmem>>, vector<16xi32>,
    %broadcast_in_dim3A_761 = vector.broadcast %squeeze3A : i32 to vector<16xi32>
    %select_n3A_762 = arith.select %lt3A_758, %get3A_760, %broadcast_in_dim3A_761 : vector<16xi1>, vector<16xi32>
    %swap3A_763 = arith.constant 1 : i32
    %swap3A_764 = arith.index_cast %swap3A_763 : i32 to index
    %swap3A_765 = arith.constant 80 : index
    %swap3A_766 = tpu.vector_load %arg12[%swap3A_764, %swap3A_765] {strides = array<i32>} : memref<8x128xi32, #tpu.memory_space<vmem>>, vector<16xi32>,
    tpu.vector_store %arg12[%swap3A_764, %swap3A_765], %select_n3A_762 {strides = array<i32>} : memref<8x128xi32, #tpu.memory_space<vmem>>, vector<16xi32>,
    %get3A_767 = arith.constant 208 : index
    %get3A_768 = tpu.vector_load %arg11[%get3A_767] {strides = array<i32>} : memref<1024xi32, #tpu.memory_space<vmem>>, vector<16xi32>,
    %broadcast_in_dim3A_769 = vector.broadcast %squeeze3A_481 : i32 to vector<16xi32>
    %select_n3A_770 = arith.select %lt3A_758, %get3A_768, %broadcast_in_dim3A_769 : vector<16xi1>, vector<16xi32>
    %swap3A_771 = arith.constant 1 : i32
    %swap3A_772 = arith.index_cast %swap3A_771 : i32 to index
    %swap3A_773 = arith.constant 80 : index
    %swap3A_774 = tpu.vector_load %arg13[%swap3A_772, %swap3A_773] {strides = array<i32>} : memref<8x128xi32, #tpu.memory_space<vmem>>, vector<16xi32>,
    tpu.vector_store %arg13[%swap3A_772, %swap3A_773], %select_n3A_770 {strides = array<i32>} : memref<8x128xi32, #tpu.memory_space<vmem>>, vector<16xi32>,
    %add3A_775 = arith.constant 224 : i32
    %add3A_776 = vector.broadcast %add3A_775 : i32 to vector<16xi32>
    %add3A_777 = arith.addi %add3A_776, %iota3A : vector<16xi32>
    %lt3A_778 = vector.broadcast %while3A_476 : i32 to vector<16xi32>
    %lt3A_779 = arith.cmpi slt, %add3A_777, %lt3A_778 : vector<16xi32>
    %get3A_780 = arith.constant 224 : index
    %get3A_781 = tpu.vector_load %arg10[%get3A_780] {strides = array<i32>} : memref<1024xi32, #tpu.memory_space<vmem>>, vector<16xi32>,
    %broadcast_in_dim3A_782 = vector.broadcast %squeeze3A : i32 to vector<16xi32>
    %select_n3A_783 = arith.select %lt3A_779, %get3A_781, %broadcast_in_dim3A_782 : vector<16xi1>, vector<16xi32>
    %swap3A_784 = arith.constant 1 : i32
    %swap3A_785 = arith.index_cast %swap3A_784 : i32 to index
    %swap3A_786 = arith.constant 96 : index
    %swap3A_787 = tpu.vector_load %arg12[%swap3A_785, %swap3A_786] {strides = array<i32>} : memref<8x128xi32, #tpu.memory_space<vmem>>, vector<16xi32>,
    tpu.vector_store %arg12[%swap3A_785, %swap3A_786], %select_n3A_783 {strides = array<i32>} : memref<8x128xi32, #tpu.memory_space<vmem>>, vector<16xi32>,
    %get3A_788 = arith.constant 224 : index
    %get3A_789 = tpu.vector_load %arg11[%get3A_788] {strides = array<i32>} : memref<1024xi32, #tpu.memory_space<vmem>>, vector<16xi32>,
    %broadcast_in_dim3A_790 = vector.broadcast %squeeze3A_481 : i32 to vector<16xi32>
    %select_n3A_791 = arith.select %lt3A_779, %get3A_789, %broadcast_in_dim3A_790 : vector<16xi1>, vector<16xi32>
    %swap3A_792 = arith.constant 1 : i32
    %swap3A_793 = arith.index_cast %swap3A_792 : i32 to index
    %swap3A_794 = arith.constant 96 : index
    %swap3A_795 = tpu.vector_load %arg13[%swap3A_793, %swap3A_794] {strides = array<i32>} : memref<8x128xi32, #tpu.memory_space<vmem>>, vector<16xi32>,
    tpu.vector_store %arg13[%swap3A_793, %swap3A_794], %select_n3A_791 {strides = array<i32>} : memref<8x128xi32, #tpu.memory_space<vmem>>, vector<16xi32>,
    %add3A_796 = arith.constant 240 : i32
    %add3A_797 = vector.broadcast %add3A_796 : i32 to vector<16xi32>
    %add3A_798 = arith.addi %add3A_797, %iota3A : vector<16xi32>
    %lt3A_799 = vector.broadcast %while3A_476 : i32 to vector<16xi32>
    %lt3A_800 = arith.cmpi slt, %add3A_798, %lt3A_799 : vector<16xi32>
    %get3A_801 = arith.constant 240 : index
    %get3A_802 = tpu.vector_load %arg10[%get3A_801] {strides = array<i32>} : memref<1024xi32, #tpu.memory_space<vmem>>, vector<16xi32>,
    %broadcast_in_dim3A_803 = vector.broadcast %squeeze3A : i32 to vector<16xi32>
    %select_n3A_804 = arith.select %lt3A_800, %get3A_802, %broadcast_in_dim3A_803 : vector<16xi1>, vector<16xi32>
    %swap3A_805 = arith.constant 1 : i32
    %swap3A_806 = arith.index_cast %swap3A_805 : i32 to index
    %swap3A_807 = arith.constant 112 : index
    %swap3A_808 = tpu.vector_load %arg12[%swap3A_806, %swap3A_807] {strides = array<i32>} : memref<8x128xi32, #tpu.memory_space<vmem>>, vector<16xi32>,
    tpu.vector_store %arg12[%swap3A_806, %swap3A_807], %select_n3A_804 {strides = array<i32>} : memref<8x128xi32, #tpu.memory_space<vmem>>, vector<16xi32>,
    %get3A_809 = arith.constant 240 : index
    %get3A_810 = tpu.vector_load %arg11[%get3A_809] {strides = array<i32>} : memref<1024xi32, #tpu.memory_space<vmem>>, vector<16xi32>,
    %broadcast_in_dim3A_811 = vector.broadcast %squeeze3A_481 : i32 to vector<16xi32>
    %select_n3A_812 = arith.select %lt3A_800, %get3A_810, %broadcast_in_dim3A_811 : vector<16xi1>, vector<16xi32>
    %swap3A_813 = arith.constant 1 : i32
    %swap3A_814 = arith.index_cast %swap3A_813 : i32 to index
    %swap3A_815 = arith.constant 112 : index
    %swap3A_816 = tpu.vector_load %arg13[%swap3A_814, %swap3A_815] {strides = array<i32>} : memref<8x128xi32, #tpu.memory_space<vmem>>, vector<16xi32>,
    tpu.vector_store %arg13[%swap3A_814, %swap3A_815], %select_n3A_812 {strides = array<i32>} : memref<8x128xi32, #tpu.memory_space<vmem>>, vector<16xi32>,
    %add3A_817 = arith.constant 256 : i32
    %add3A_818 = vector.broadcast %add3A_817 : i32 to vector<16xi32>
    %add3A_819 = arith.addi %add3A_818, %iota3A : vector<16xi32>
    %lt3A_820 = vector.broadcast %while3A_476 : i32 to vector<16xi32>
    %lt3A_821 = arith.cmpi slt, %add3A_819, %lt3A_820 : vector<16xi32>
    %get3A_822 = arith.constant 256 : index
    %get3A_823 = tpu.vector_load %arg10[%get3A_822] {strides = array<i32>} : memref<1024xi32, #tpu.memory_space<vmem>>, vector<16xi32>,
    %broadcast_in_dim3A_824 = vector.broadcast %squeeze3A : i32 to vector<16xi32>
    %select_n3A_825 = arith.select %lt3A_821, %get3A_823, %broadcast_in_dim3A_824 : vector<16xi1>, vector<16xi32>
    %swap3A_826 = arith.constant 2 : i32
    %swap3A_827 = arith.index_cast %swap3A_826 : i32 to index
    %swap3A_828 = arith.constant 0 : index
    %swap3A_829 = tpu.vector_load %arg12[%swap3A_827, %swap3A_828] {strides = array<i32>} : memref<8x128xi32, #tpu.memory_space<vmem>>, vector<16xi32>,
    tpu.vector_store %arg12[%swap3A_827, %swap3A_828], %select_n3A_825 {strides = array<i32>} : memref<8x128xi32, #tpu.memory_space<vmem>>, vector<16xi32>,
    %get3A_830 = arith.constant 256 : index
    %get3A_831 = tpu.vector_load %arg11[%get3A_830] {strides = array<i32>} : memref<1024xi32, #tpu.memory_space<vmem>>, vector<16xi32>,
    %broadcast_in_dim3A_832 = vector.broadcast %squeeze3A_481 : i32 to vector<16xi32>
    %select_n3A_833 = arith.select %lt3A_821, %get3A_831, %broadcast_in_dim3A_832 : vector<16xi1>, vector<16xi32>
    %swap3A_834 = arith.constant 2 : i32
    %swap3A_835 = arith.index_cast %swap3A_834 : i32 to index
    %swap3A_836 = arith.constant 0 : index
    %swap3A_837 = tpu.vector_load %arg13[%swap3A_835, %swap3A_836] {strides = array<i32>} : memref<8x128xi32, #tpu.memory_space<vmem>>, vector<16xi32>,
    tpu.vector_store %arg13[%swap3A_835, %swap3A_836], %select_n3A_833 {strides = array<i32>} : memref<8x128xi32, #tpu.memory_space<vmem>>, vector<16xi32>,
    %add3A_838 = arith.constant 272 : i32
    %add3A_839 = vector.broadcast %add3A_838 : i32 to vector<16xi32>
    %add3A_840 = arith.addi %add3A_839, %iota3A : vector<16xi32>
    %lt3A_841 = vector.broadcast %while3A_476 : i32 to vector<16xi32>
    %lt3A_842 = arith.cmpi slt, %add3A_840, %lt3A_841 : vector<16xi32>
    %get3A_843 = arith.constant 272 : index
    %get3A_844 = tpu.vector_load %arg10[%get3A_843] {strides = array<i32>} : memref<1024xi32, #tpu.memory_space<vmem>>, vector<16xi32>,
    %broadcast_in_dim3A_845 = vector.broadcast %squeeze3A : i32 to vector<16xi32>
    %select_n3A_846 = arith.select %lt3A_842, %get3A_844, %broadcast_in_dim3A_845 : vector<16xi1>, vector<16xi32>
    %swap3A_847 = arith.constant 2 : i32
    %swap3A_848 = arith.index_cast %swap3A_847 : i32 to index
    %swap3A_849 = arith.constant 16 : index
    %swap3A_850 = tpu.vector_load %arg12[%swap3A_848, %swap3A_849] {strides = array<i32>} : memref<8x128xi32, #tpu.memory_space<vmem>>, vector<16xi32>,
    tpu.vector_store %arg12[%swap3A_848, %swap3A_849], %select_n3A_846 {strides = array<i32>} : memref<8x128xi32, #tpu.memory_space<vmem>>, vector<16xi32>,
    %get3A_851 = arith.constant 272 : index
    %get3A_852 = tpu.vector_load %arg11[%get3A_851] {strides = array<i32>} : memref<1024xi32, #tpu.memory_space<vmem>>, vector<16xi32>,
    %broadcast_in_dim3A_853 = vector.broadcast %squeeze3A_481 : i32 to vector<16xi32>
    %select_n3A_854 = arith.select %lt3A_842, %get3A_852, %broadcast_in_dim3A_853 : vector<16xi1>, vector<16xi32>
    %swap3A_855 = arith.constant 2 : i32
    %swap3A_856 = arith.index_cast %swap3A_855 : i32 to index
    %swap3A_857 = arith.constant 16 : index
    %swap3A_858 = tpu.vector_load %arg13[%swap3A_856, %swap3A_857] {strides = array<i32>} : memref<8x128xi32, #tpu.memory_space<vmem>>, vector<16xi32>,
    tpu.vector_store %arg13[%swap3A_856, %swap3A_857], %select_n3A_854 {strides = array<i32>} : memref<8x128xi32, #tpu.memory_space<vmem>>, vector<16xi32>,
    %add3A_859 = arith.constant 288 : i32
    %add3A_860 = vector.broadcast %add3A_859 : i32 to vector<16xi32>
    %add3A_861 = arith.addi %add3A_860, %iota3A : vector<16xi32>
    %lt3A_862 = vector.broadcast %while3A_476 : i32 to vector<16xi32>
    %lt3A_863 = arith.cmpi slt, %add3A_861, %lt3A_862 : vector<16xi32>
    %get3A_864 = arith.constant 288 : index
    %get3A_865 = tpu.vector_load %arg10[%get3A_864] {strides = array<i32>} : memref<1024xi32, #tpu.memory_space<vmem>>, vector<16xi32>,
    %broadcast_in_dim3A_866 = vector.broadcast %squeeze3A : i32 to vector<16xi32>
    %select_n3A_867 = arith.select %lt3A_863, %get3A_865, %broadcast_in_dim3A_866 : vector<16xi1>, vector<16xi32>
    %swap3A_868 = arith.constant 2 : i32
    %swap3A_869 = arith.index_cast %swap3A_868 : i32 to index
    %swap3A_870 = arith.constant 32 : index
    %swap3A_871 = tpu.vector_load %arg12[%swap3A_869, %swap3A_870] {strides = array<i32>} : memref<8x128xi32, #tpu.memory_space<vmem>>, vector<16xi32>,
    tpu.vector_store %arg12[%swap3A_869, %swap3A_870], %select_n3A_867 {strides = array<i32>} : memref<8x128xi32, #tpu.memory_space<vmem>>, vector<16xi32>,
    %get3A_872 = arith.constant 288 : index
    %get3A_873 = tpu.vector_load %arg11[%get3A_872] {strides = array<i32>} : memref<1024xi32, #tpu.memory_space<vmem>>, vector<16xi32>,
    %broadcast_in_dim3A_874 = vector.broadcast %squeeze3A_481 : i32 to vector<16xi32>
    %select_n3A_875 = arith.select %lt3A_863, %get3A_873, %broadcast_in_dim3A_874 : vector<16xi1>, vector<16xi32>
    %swap3A_876 = arith.constant 2 : i32
    %swap3A_877 = arith.index_cast %swap3A_876 : i32 to index
    %swap3A_878 = arith.constant 32 : index
    %swap3A_879 = tpu.vector_load %arg13[%swap3A_877, %swap3A_878] {strides = array<i32>} : memref<8x128xi32, #tpu.memory_space<vmem>>, vector<16xi32>,
    tpu.vector_store %arg13[%swap3A_877, %swap3A_878], %select_n3A_875 {strides = array<i32>} : memref<8x128xi32, #tpu.memory_space<vmem>>, vector<16xi32>,
    %add3A_880 = arith.constant 304 : i32
    %add3A_881 = vector.broadcast %add3A_880 : i32 to vector<16xi32>
    %add3A_882 = arith.addi %add3A_881, %iota3A : vector<16xi32>
    %lt3A_883 = vector.broadcast %while3A_476 : i32 to vector<16xi32>
    %lt3A_884 = arith.cmpi slt, %add3A_882, %lt3A_883 : vector<16xi32>
    %get3A_885 = arith.constant 304 : index
    %get3A_886 = tpu.vector_load %arg10[%get3A_885] {strides = array<i32>} : memref<1024xi32, #tpu.memory_space<vmem>>, vector<16xi32>,
    %broadcast_in_dim3A_887 = vector.broadcast %squeeze3A : i32 to vector<16xi32>
    %select_n3A_888 = arith.select %lt3A_884, %get3A_886, %broadcast_in_dim3A_887 : vector<16xi1>, vector<16xi32>
    %swap3A_889 = arith.constant 2 : i32
    %swap3A_890 = arith.index_cast %swap3A_889 : i32 to index
    %swap3A_891 = arith.constant 48 : index
    %swap3A_892 = tpu.vector_load %arg12[%swap3A_890, %swap3A_891] {strides = array<i32>} : memref<8x128xi32, #tpu.memory_space<vmem>>, vector<16xi32>,
    tpu.vector_store %arg12[%swap3A_890, %swap3A_891], %select_n3A_888 {strides = array<i32>} : memref<8x128xi32, #tpu.memory_space<vmem>>, vector<16xi32>,
    %get3A_893 = arith.constant 304 : index
    %get3A_894 = tpu.vector_load %arg11[%get3A_893] {strides = array<i32>} : memref<1024xi32, #tpu.memory_space<vmem>>, vector<16xi32>,
    %broadcast_in_dim3A_895 = vector.broadcast %squeeze3A_481 : i32 to vector<16xi32>
    %select_n3A_896 = arith.select %lt3A_884, %get3A_894, %broadcast_in_dim3A_895 : vector<16xi1>, vector<16xi32>
    %swap3A_897 = arith.constant 2 : i32
    %swap3A_898 = arith.index_cast %swap3A_897 : i32 to index
    %swap3A_899 = arith.constant 48 : index
    %swap3A_900 = tpu.vector_load %arg13[%swap3A_898, %swap3A_899] {strides = array<i32>} : memref<8x128xi32, #tpu.memory_space<vmem>>, vector<16xi32>,
    tpu.vector_store %arg13[%swap3A_898, %swap3A_899], %select_n3A_896 {strides = array<i32>} : memref<8x128xi32, #tpu.memory_space<vmem>>, vector<16xi32>,
    %add3A_901 = arith.constant 320 : i32
    %add3A_902 = vector.broadcast %add3A_901 : i32 to vector<16xi32>
    %add3A_903 = arith.addi %add3A_902, %iota3A : vector<16xi32>
    %lt3A_904 = vector.broadcast %while3A_476 : i32 to vector<16xi32>
    %lt3A_905 = arith.cmpi slt, %add3A_903, %lt3A_904 : vector<16xi32>
    %get3A_906 = arith.constant 320 : index
    %get3A_907 = tpu.vector_load %arg10[%get3A_906] {strides = array<i32>} : memref<1024xi32, #tpu.memory_space<vmem>>, vector<16xi32>,
    %broadcast_in_dim3A_908 = vector.broadcast %squeeze3A : i32 to vector<16xi32>
    %select_n3A_909 = arith.select %lt3A_905, %get3A_907, %broadcast_in_dim3A_908 : vector<16xi1>, vector<16xi32>
    %swap3A_910 = arith.constant 2 : i32
    %swap3A_911 = arith.index_cast %swap3A_910 : i32 to index
    %swap3A_912 = arith.constant 64 : index
    %swap3A_913 = tpu.vector_load %arg12[%swap3A_911, %swap3A_912] {strides = array<i32>} : memref<8x128xi32, #tpu.memory_space<vmem>>, vector<16xi32>,
    tpu.vector_store %arg12[%swap3A_911, %swap3A_912], %select_n3A_909 {strides = array<i32>} : memref<8x128xi32, #tpu.memory_space<vmem>>, vector<16xi32>,
    %get3A_914 = arith.constant 320 : index
    %get3A_915 = tpu.vector_load %arg11[%get3A_914] {strides = array<i32>} : memref<1024xi32, #tpu.memory_space<vmem>>, vector<16xi32>,
    %broadcast_in_dim3A_916 = vector.broadcast %squeeze3A_481 : i32 to vector<16xi32>
    %select_n3A_917 = arith.select %lt3A_905, %get3A_915, %broadcast_in_dim3A_916 : vector<16xi1>, vector<16xi32>
    %swap3A_918 = arith.constant 2 : i32
    %swap3A_919 = arith.index_cast %swap3A_918 : i32 to index
    %swap3A_920 = arith.constant 64 : index
    %swap3A_921 = tpu.vector_load %arg13[%swap3A_919, %swap3A_920] {strides = array<i32>} : memref<8x128xi32, #tpu.memory_space<vmem>>, vector<16xi32>,
    tpu.vector_store %arg13[%swap3A_919, %swap3A_920], %select_n3A_917 {strides = array<i32>} : memref<8x128xi32, #tpu.memory_space<vmem>>, vector<16xi32>,
    %add3A_922 = arith.constant 336 : i32
    %add3A_923 = vector.broadcast %add3A_922 : i32 to vector<16xi32>
    %add3A_924 = arith.addi %add3A_923, %iota3A : vector<16xi32>
    %lt3A_925 = vector.broadcast %while3A_476 : i32 to vector<16xi32>
    %lt3A_926 = arith.cmpi slt, %add3A_924, %lt3A_925 : vector<16xi32>
    %get3A_927 = arith.constant 336 : index
    %get3A_928 = tpu.vector_load %arg10[%get3A_927] {strides = array<i32>} : memref<1024xi32, #tpu.memory_space<vmem>>, vector<16xi32>,
    %broadcast_in_dim3A_929 = vector.broadcast %squeeze3A : i32 to vector<16xi32>
    %select_n3A_930 = arith.select %lt3A_926, %get3A_928, %broadcast_in_dim3A_929 : vector<16xi1>, vector<16xi32>
    %swap3A_931 = arith.constant 2 : i32
    %swap3A_932 = arith.index_cast %swap3A_931 : i32 to index
    %swap3A_933 = arith.constant 80 : index
    %swap3A_934 = tpu.vector_load %arg12[%swap3A_932, %swap3A_933] {strides = array<i32>} : memref<8x128xi32, #tpu.memory_space<vmem>>, vector<16xi32>,
    tpu.vector_store %arg12[%swap3A_932, %swap3A_933], %select_n3A_930 {strides = array<i32>} : memref<8x128xi32, #tpu.memory_space<vmem>>, vector<16xi32>,
    %get3A_935 = arith.constant 336 : index
    %get3A_936 = tpu.vector_load %arg11[%get3A_935] {strides = array<i32>} : memref<1024xi32, #tpu.memory_space<vmem>>, vector<16xi32>,
    %broadcast_in_dim3A_937 = vector.broadcast %squeeze3A_481 : i32 to vector<16xi32>
    %select_n3A_938 = arith.select %lt3A_926, %get3A_936, %broadcast_in_dim3A_937 : vector<16xi1>, vector<16xi32>
    %swap3A_939 = arith.constant 2 : i32
    %swap3A_940 = arith.index_cast %swap3A_939 : i32 to index
    %swap3A_941 = arith.constant 80 : index
    %swap3A_942 = tpu.vector_load %arg13[%swap3A_940, %swap3A_941] {strides = array<i32>} : memref<8x128xi32, #tpu.memory_space<vmem>>, vector<16xi32>,
    tpu.vector_store %arg13[%swap3A_940, %swap3A_941], %select_n3A_938 {strides = array<i32>} : memref<8x128xi32, #tpu.memory_space<vmem>>, vector<16xi32>,
    %add3A_943 = arith.constant 352 : i32
    %add3A_944 = vector.broadcast %add3A_943 : i32 to vector<16xi32>
    %add3A_945 = arith.addi %add3A_944, %iota3A : vector<16xi32>
    %lt3A_946 = vector.broadcast %while3A_476 : i32 to vector<16xi32>
    %lt3A_947 = arith.cmpi slt, %add3A_945, %lt3A_946 : vector<16xi32>
    %get3A_948 = arith.constant 352 : index
    %get3A_949 = tpu.vector_load %arg10[%get3A_948] {strides = array<i32>} : memref<1024xi32, #tpu.memory_space<vmem>>, vector<16xi32>,
    %broadcast_in_dim3A_950 = vector.broadcast %squeeze3A : i32 to vector<16xi32>
    %select_n3A_951 = arith.select %lt3A_947, %get3A_949, %broadcast_in_dim3A_950 : vector<16xi1>, vector<16xi32>
    %swap3A_952 = arith.constant 2 : i32
    %swap3A_953 = arith.index_cast %swap3A_952 : i32 to index
    %swap3A_954 = arith.constant 96 : index
    %swap3A_955 = tpu.vector_load %arg12[%swap3A_953, %swap3A_954] {strides = array<i32>} : memref<8x128xi32, #tpu.memory_space<vmem>>, vector<16xi32>,
    tpu.vector_store %arg12[%swap3A_953, %swap3A_954], %select_n3A_951 {strides = array<i32>} : memref<8x128xi32, #tpu.memory_space<vmem>>, vector<16xi32>,
    %get3A_956 = arith.constant 352 : index
    %get3A_957 = tpu.vector_load %arg11[%get3A_956] {strides = array<i32>} : memref<1024xi32, #tpu.memory_space<vmem>>, vector<16xi32>,
    %broadcast_in_dim3A_958 = vector.broadcast %squeeze3A_481 : i32 to vector<16xi32>
    %select_n3A_959 = arith.select %lt3A_947, %get3A_957, %broadcast_in_dim3A_958 : vector<16xi1>, vector<16xi32>
    %swap3A_960 = arith.constant 2 : i32
    %swap3A_961 = arith.index_cast %swap3A_960 : i32 to index
    %swap3A_962 = arith.constant 96 : index
    %swap3A_963 = tpu.vector_load %arg13[%swap3A_961, %swap3A_962] {strides = array<i32>} : memref<8x128xi32, #tpu.memory_space<vmem>>, vector<16xi32>,
    tpu.vector_store %arg13[%swap3A_961, %swap3A_962], %select_n3A_959 {strides = array<i32>} : memref<8x128xi32, #tpu.memory_space<vmem>>, vector<16xi32>,
    %add3A_964 = arith.constant 368 : i32
    %add3A_965 = vector.broadcast %add3A_964 : i32 to vector<16xi32>
    %add3A_966 = arith.addi %add3A_965, %iota3A : vector<16xi32>
    %lt3A_967 = vector.broadcast %while3A_476 : i32 to vector<16xi32>
    %lt3A_968 = arith.cmpi slt, %add3A_966, %lt3A_967 : vector<16xi32>
    %get3A_969 = arith.constant 368 : index
    %get3A_970 = tpu.vector_load %arg10[%get3A_969] {strides = array<i32>} : memref<1024xi32, #tpu.memory_space<vmem>>, vector<16xi32>,
    %broadcast_in_dim3A_971 = vector.broadcast %squeeze3A : i32 to vector<16xi32>
    %select_n3A_972 = arith.select %lt3A_968, %get3A_970, %broadcast_in_dim3A_971 : vector<16xi1>, vector<16xi32>
    %swap3A_973 = arith.constant 2 : i32
    %swap3A_974 = arith.index_cast %swap3A_973 : i32 to index
    %swap3A_975 = arith.constant 112 : index
    %swap3A_976 = tpu.vector_load %arg12[%swap3A_974, %swap3A_975] {strides = array<i32>} : memref<8x128xi32, #tpu.memory_space<vmem>>, vector<16xi32>,
    tpu.vector_store %arg12[%swap3A_974, %swap3A_975], %select_n3A_972 {strides = array<i32>} : memref<8x128xi32, #tpu.memory_space<vmem>>, vector<16xi32>,
    %get3A_977 = arith.constant 368 : index
    %get3A_978 = tpu.vector_load %arg11[%get3A_977] {strides = array<i32>} : memref<1024xi32, #tpu.memory_space<vmem>>, vector<16xi32>,
    %broadcast_in_dim3A_979 = vector.broadcast %squeeze3A_481 : i32 to vector<16xi32>
    %select_n3A_980 = arith.select %lt3A_968, %get3A_978, %broadcast_in_dim3A_979 : vector<16xi1>, vector<16xi32>
    %swap3A_981 = arith.constant 2 : i32
    %swap3A_982 = arith.index_cast %swap3A_981 : i32 to index
    %swap3A_983 = arith.constant 112 : index
    %swap3A_984 = tpu.vector_load %arg13[%swap3A_982, %swap3A_983] {strides = array<i32>} : memref<8x128xi32, #tpu.memory_space<vmem>>, vector<16xi32>,
    tpu.vector_store %arg13[%swap3A_982, %swap3A_983], %select_n3A_980 {strides = array<i32>} : memref<8x128xi32, #tpu.memory_space<vmem>>, vector<16xi32>,
    %add3A_985 = arith.constant 384 : i32
    %add3A_986 = vector.broadcast %add3A_985 : i32 to vector<16xi32>
    %add3A_987 = arith.addi %add3A_986, %iota3A : vector<16xi32>
    %lt3A_988 = vector.broadcast %while3A_476 : i32 to vector<16xi32>
    %lt3A_989 = arith.cmpi slt, %add3A_987, %lt3A_988 : vector<16xi32>
    %get3A_990 = arith.constant 384 : index
    %get3A_991 = tpu.vector_load %arg10[%get3A_990] {strides = array<i32>} : memref<1024xi32, #tpu.memory_space<vmem>>, vector<16xi32>,
    %broadcast_in_dim3A_992 = vector.broadcast %squeeze3A : i32 to vector<16xi32>
    %select_n3A_993 = arith.select %lt3A_989, %get3A_991, %broadcast_in_dim3A_992 : vector<16xi1>, vector<16xi32>
    %swap3A_994 = arith.constant 3 : i32
    %swap3A_995 = arith.index_cast %swap3A_994 : i32 to index
    %swap3A_996 = arith.constant 0 : index
    %swap3A_997 = tpu.vector_load %arg12[%swap3A_995, %swap3A_996] {strides = array<i32>} : memref<8x128xi32, #tpu.memory_space<vmem>>, vector<16xi32>,
    tpu.vector_store %arg12[%swap3A_995, %swap3A_996], %select_n3A_993 {strides = array<i32>} : memref<8x128xi32, #tpu.memory_space<vmem>>, vector<16xi32>,
    %get3A_998 = arith.constant 384 : index
    %get3A_999 = tpu.vector_load %arg11[%get3A_998] {strides = array<i32>} : memref<1024xi32, #tpu.memory_space<vmem>>, vector<16xi32>,
    %broadcast_in_dim3A_1000 = vector.broadcast %squeeze3A_481 : i32 to vector<16xi32>
    %select_n3A_1001 = arith.select %lt3A_989, %get3A_999, %broadcast_in_dim3A_1000 : vector<16xi1>, vector<16xi32>
    %swap3A_1002 = arith.constant 3 : i32
    %swap3A_1003 = arith.index_cast %swap3A_1002 : i32 to index
    %swap3A_1004 = arith.constant 0 : index
    %swap3A_1005 = tpu.vector_load %arg13[%swap3A_1003, %swap3A_1004] {strides = array<i32>} : memref<8x128xi32, #tpu.memory_space<vmem>>, vector<16xi32>,
    tpu.vector_store %arg13[%swap3A_1003, %swap3A_1004], %select_n3A_1001 {strides = array<i32>} : memref<8x128xi32, #tpu.memory_space<vmem>>, vector<16xi32>,
    %add3A_1006 = arith.constant 400 : i32
    %add3A_1007 = vector.broadcast %add3A_1006 : i32 to vector<16xi32>
    %add3A_1008 = arith.addi %add3A_1007, %iota3A : vector<16xi32>
    %lt3A_1009 = vector.broadcast %while3A_476 : i32 to vector<16xi32>
    %lt3A_1010 = arith.cmpi slt, %add3A_1008, %lt3A_1009 : vector<16xi32>
    %get3A_1011 = arith.constant 400 : index
    %get3A_1012 = tpu.vector_load %arg10[%get3A_1011] {strides = array<i32>} : memref<1024xi32, #tpu.memory_space<vmem>>, vector<16xi32>,
    %broadcast_in_dim3A_1013 = vector.broadcast %squeeze3A : i32 to vector<16xi32>
    %select_n3A_1014 = arith.select %lt3A_1010, %get3A_1012, %broadcast_in_dim3A_1013 : vector<16xi1>, vector<16xi32>
    %swap3A_1015 = arith.constant 3 : i32
    %swap3A_1016 = arith.index_cast %swap3A_1015 : i32 to index
    %swap3A_1017 = arith.constant 16 : index
    %swap3A_1018 = tpu.vector_load %arg12[%swap3A_1016, %swap3A_1017] {strides = array<i32>} : memref<8x128xi32, #tpu.memory_space<vmem>>, vector<16xi32>,
    tpu.vector_store %arg12[%swap3A_1016, %swap3A_1017], %select_n3A_1014 {strides = array<i32>} : memref<8x128xi32, #tpu.memory_space<vmem>>, vector<16xi32>,
    %get3A_1019 = arith.constant 400 : index
    %get3A_1020 = tpu.vector_load %arg11[%get3A_1019] {strides = array<i32>} : memref<1024xi32, #tpu.memory_space<vmem>>, vector<16xi32>,
    %broadcast_in_dim3A_1021 = vector.broadcast %squeeze3A_481 : i32 to vector<16xi32>
    %select_n3A_1022 = arith.select %lt3A_1010, %get3A_1020, %broadcast_in_dim3A_1021 : vector<16xi1>, vector<16xi32>
    %swap3A_1023 = arith.constant 3 : i32
    %swap3A_1024 = arith.index_cast %swap3A_1023 : i32 to index
    %swap3A_1025 = arith.constant 16 : index
    %swap3A_1026 = tpu.vector_load %arg13[%swap3A_1024, %swap3A_1025] {strides = array<i32>} : memref<8x128xi32, #tpu.memory_space<vmem>>, vector<16xi32>,
    tpu.vector_store %arg13[%swap3A_1024, %swap3A_1025], %select_n3A_1022 {strides = array<i32>} : memref<8x128xi32, #tpu.memory_space<vmem>>, vector<16xi32>,
    %add3A_1027 = arith.constant 416 : i32
    %add3A_1028 = vector.broadcast %add3A_1027 : i32 to vector<16xi32>
    %add3A_1029 = arith.addi %add3A_1028, %iota3A : vector<16xi32>
    %lt3A_1030 = vector.broadcast %while3A_476 : i32 to vector<16xi32>
    %lt3A_1031 = arith.cmpi slt, %add3A_1029, %lt3A_1030 : vector<16xi32>
    %get3A_1032 = arith.constant 416 : index
    %get3A_1033 = tpu.vector_load %arg10[%get3A_1032] {strides = array<i32>} : memref<1024xi32, #tpu.memory_space<vmem>>, vector<16xi32>,
    %broadcast_in_dim3A_1034 = vector.broadcast %squeeze3A : i32 to vector<16xi32>
    %select_n3A_1035 = arith.select %lt3A_1031, %get3A_1033, %broadcast_in_dim3A_1034 : vector<16xi1>, vector<16xi32>
    %swap3A_1036 = arith.constant 3 : i32
    %swap3A_1037 = arith.index_cast %swap3A_1036 : i32 to index
    %swap3A_1038 = arith.constant 32 : index
    %swap3A_1039 = tpu.vector_load %arg12[%swap3A_1037, %swap3A_1038] {strides = array<i32>} : memref<8x128xi32, #tpu.memory_space<vmem>>, vector<16xi32>,
    tpu.vector_store %arg12[%swap3A_1037, %swap3A_1038], %select_n3A_1035 {strides = array<i32>} : memref<8x128xi32, #tpu.memory_space<vmem>>, vector<16xi32>,
    %get3A_1040 = arith.constant 416 : index
    %get3A_1041 = tpu.vector_load %arg11[%get3A_1040] {strides = array<i32>} : memref<1024xi32, #tpu.memory_space<vmem>>, vector<16xi32>,
    %broadcast_in_dim3A_1042 = vector.broadcast %squeeze3A_481 : i32 to vector<16xi32>
    %select_n3A_1043 = arith.select %lt3A_1031, %get3A_1041, %broadcast_in_dim3A_1042 : vector<16xi1>, vector<16xi32>
    %swap3A_1044 = arith.constant 3 : i32
    %swap3A_1045 = arith.index_cast %swap3A_1044 : i32 to index
    %swap3A_1046 = arith.constant 32 : index
    %swap3A_1047 = tpu.vector_load %arg13[%swap3A_1045, %swap3A_1046] {strides = array<i32>} : memref<8x128xi32, #tpu.memory_space<vmem>>, vector<16xi32>,
    tpu.vector_store %arg13[%swap3A_1045, %swap3A_1046], %select_n3A_1043 {strides = array<i32>} : memref<8x128xi32, #tpu.memory_space<vmem>>, vector<16xi32>,
    %add3A_1048 = arith.constant 432 : i32
    %add3A_1049 = vector.broadcast %add3A_1048 : i32 to vector<16xi32>
    %add3A_1050 = arith.addi %add3A_1049, %iota3A : vector<16xi32>
    %lt3A_1051 = vector.broadcast %while3A_476 : i32 to vector<16xi32>
    %lt3A_1052 = arith.cmpi slt, %add3A_1050, %lt3A_1051 : vector<16xi32>
    %get3A_1053 = arith.constant 432 : index
    %get3A_1054 = tpu.vector_load %arg10[%get3A_1053] {strides = array<i32>} : memref<1024xi32, #tpu.memory_space<vmem>>, vector<16xi32>,
    %broadcast_in_dim3A_1055 = vector.broadcast %squeeze3A : i32 to vector<16xi32>
    %select_n3A_1056 = arith.select %lt3A_1052, %get3A_1054, %broadcast_in_dim3A_1055 : vector<16xi1>, vector<16xi32>
    %swap3A_1057 = arith.constant 3 : i32
    %swap3A_1058 = arith.index_cast %swap3A_1057 : i32 to index
    %swap3A_1059 = arith.constant 48 : index
    %swap3A_1060 = tpu.vector_load %arg12[%swap3A_1058, %swap3A_1059] {strides = array<i32>} : memref<8x128xi32, #tpu.memory_space<vmem>>, vector<16xi32>,
    tpu.vector_store %arg12[%swap3A_1058, %swap3A_1059], %select_n3A_1056 {strides = array<i32>} : memref<8x128xi32, #tpu.memory_space<vmem>>, vector<16xi32>,
    %get3A_1061 = arith.constant 432 : index
    %get3A_1062 = tpu.vector_load %arg11[%get3A_1061] {strides = array<i32>} : memref<1024xi32, #tpu.memory_space<vmem>>, vector<16xi32>,
    %broadcast_in_dim3A_1063 = vector.broadcast %squeeze3A_481 : i32 to vector<16xi32>
    %select_n3A_1064 = arith.select %lt3A_1052, %get3A_1062, %broadcast_in_dim3A_1063 : vector<16xi1>, vector<16xi32>
    %swap3A_1065 = arith.constant 3 : i32
    %swap3A_1066 = arith.index_cast %swap3A_1065 : i32 to index
    %swap3A_1067 = arith.constant 48 : index
    %swap3A_1068 = tpu.vector_load %arg13[%swap3A_1066, %swap3A_1067] {strides = array<i32>} : memref<8x128xi32, #tpu.memory_space<vmem>>, vector<16xi32>,
    tpu.vector_store %arg13[%swap3A_1066, %swap3A_1067], %select_n3A_1064 {strides = array<i32>} : memref<8x128xi32, #tpu.memory_space<vmem>>, vector<16xi32>,
    %add3A_1069 = arith.constant 448 : i32
    %add3A_1070 = vector.broadcast %add3A_1069 : i32 to vector<16xi32>
    %add3A_1071 = arith.addi %add3A_1070, %iota3A : vector<16xi32>
    %lt3A_1072 = vector.broadcast %while3A_476 : i32 to vector<16xi32>
    %lt3A_1073 = arith.cmpi slt, %add3A_1071, %lt3A_1072 : vector<16xi32>
    %get3A_1074 = arith.constant 448 : index
    %get3A_1075 = tpu.vector_load %arg10[%get3A_1074] {strides = array<i32>} : memref<1024xi32, #tpu.memory_space<vmem>>, vector<16xi32>,
    %broadcast_in_dim3A_1076 = vector.broadcast %squeeze3A : i32 to vector<16xi32>
    %select_n3A_1077 = arith.select %lt3A_1073, %get3A_1075, %broadcast_in_dim3A_1076 : vector<16xi1>, vector<16xi32>
    %swap3A_1078 = arith.constant 3 : i32
    %swap3A_1079 = arith.index_cast %swap3A_1078 : i32 to index
    %swap3A_1080 = arith.constant 64 : index
    %swap3A_1081 = tpu.vector_load %arg12[%swap3A_1079, %swap3A_1080] {strides = array<i32>} : memref<8x128xi32, #tpu.memory_space<vmem>>, vector<16xi32>,
    tpu.vector_store %arg12[%swap3A_1079, %swap3A_1080], %select_n3A_1077 {strides = array<i32>} : memref<8x128xi32, #tpu.memory_space<vmem>>, vector<16xi32>,
    %get3A_1082 = arith.constant 448 : index
    %get3A_1083 = tpu.vector_load %arg11[%get3A_1082] {strides = array<i32>} : memref<1024xi32, #tpu.memory_space<vmem>>, vector<16xi32>,
    %broadcast_in_dim3A_1084 = vector.broadcast %squeeze3A_481 : i32 to vector<16xi32>
    %select_n3A_1085 = arith.select %lt3A_1073, %get3A_1083, %broadcast_in_dim3A_1084 : vector<16xi1>, vector<16xi32>
    %swap3A_1086 = arith.constant 3 : i32
    %swap3A_1087 = arith.index_cast %swap3A_1086 : i32 to index
    %swap3A_1088 = arith.constant 64 : index
    %swap3A_1089 = tpu.vector_load %arg13[%swap3A_1087, %swap3A_1088] {strides = array<i32>} : memref<8x128xi32, #tpu.memory_space<vmem>>, vector<16xi32>,
    tpu.vector_store %arg13[%swap3A_1087, %swap3A_1088], %select_n3A_1085 {strides = array<i32>} : memref<8x128xi32, #tpu.memory_space<vmem>>, vector<16xi32>,
    %add3A_1090 = arith.constant 464 : i32
    %add3A_1091 = vector.broadcast %add3A_1090 : i32 to vector<16xi32>
    %add3A_1092 = arith.addi %add3A_1091, %iota3A : vector<16xi32>
    %lt3A_1093 = vector.broadcast %while3A_476 : i32 to vector<16xi32>
    %lt3A_1094 = arith.cmpi slt, %add3A_1092, %lt3A_1093 : vector<16xi32>
    %get3A_1095 = arith.constant 464 : index
    %get3A_1096 = tpu.vector_load %arg10[%get3A_1095] {strides = array<i32>} : memref<1024xi32, #tpu.memory_space<vmem>>, vector<16xi32>,
    %broadcast_in_dim3A_1097 = vector.broadcast %squeeze3A : i32 to vector<16xi32>
    %select_n3A_1098 = arith.select %lt3A_1094, %get3A_1096, %broadcast_in_dim3A_1097 : vector<16xi1>, vector<16xi32>
    %swap3A_1099 = arith.constant 3 : i32
    %swap3A_1100 = arith.index_cast %swap3A_1099 : i32 to index
    %swap3A_1101 = arith.constant 80 : index
    %swap3A_1102 = tpu.vector_load %arg12[%swap3A_1100, %swap3A_1101] {strides = array<i32>} : memref<8x128xi32, #tpu.memory_space<vmem>>, vector<16xi32>,
    tpu.vector_store %arg12[%swap3A_1100, %swap3A_1101], %select_n3A_1098 {strides = array<i32>} : memref<8x128xi32, #tpu.memory_space<vmem>>, vector<16xi32>,
    %get3A_1103 = arith.constant 464 : index
    %get3A_1104 = tpu.vector_load %arg11[%get3A_1103] {strides = array<i32>} : memref<1024xi32, #tpu.memory_space<vmem>>, vector<16xi32>,
    %broadcast_in_dim3A_1105 = vector.broadcast %squeeze3A_481 : i32 to vector<16xi32>
    %select_n3A_1106 = arith.select %lt3A_1094, %get3A_1104, %broadcast_in_dim3A_1105 : vector<16xi1>, vector<16xi32>
    %swap3A_1107 = arith.constant 3 : i32
    %swap3A_1108 = arith.index_cast %swap3A_1107 : i32 to index
    %swap3A_1109 = arith.constant 80 : index
    %swap3A_1110 = tpu.vector_load %arg13[%swap3A_1108, %swap3A_1109] {strides = array<i32>} : memref<8x128xi32, #tpu.memory_space<vmem>>, vector<16xi32>,
    tpu.vector_store %arg13[%swap3A_1108, %swap3A_1109], %select_n3A_1106 {strides = array<i32>} : memref<8x128xi32, #tpu.memory_space<vmem>>, vector<16xi32>,
    %add3A_1111 = arith.constant 480 : i32
    %add3A_1112 = vector.broadcast %add3A_1111 : i32 to vector<16xi32>
    %add3A_1113 = arith.addi %add3A_1112, %iota3A : vector<16xi32>
    %lt3A_1114 = vector.broadcast %while3A_476 : i32 to vector<16xi32>
    %lt3A_1115 = arith.cmpi slt, %add3A_1113, %lt3A_1114 : vector<16xi32>
    %get3A_1116 = arith.constant 480 : index
    %get3A_1117 = tpu.vector_load %arg10[%get3A_1116] {strides = array<i32>} : memref<1024xi32, #tpu.memory_space<vmem>>, vector<16xi32>,
    %broadcast_in_dim3A_1118 = vector.broadcast %squeeze3A : i32 to vector<16xi32>
    %select_n3A_1119 = arith.select %lt3A_1115, %get3A_1117, %broadcast_in_dim3A_1118 : vector<16xi1>, vector<16xi32>
    %swap3A_1120 = arith.constant 3 : i32
    %swap3A_1121 = arith.index_cast %swap3A_1120 : i32 to index
    %swap3A_1122 = arith.constant 96 : index
    %swap3A_1123 = tpu.vector_load %arg12[%swap3A_1121, %swap3A_1122] {strides = array<i32>} : memref<8x128xi32, #tpu.memory_space<vmem>>, vector<16xi32>,
    tpu.vector_store %arg12[%swap3A_1121, %swap3A_1122], %select_n3A_1119 {strides = array<i32>} : memref<8x128xi32, #tpu.memory_space<vmem>>, vector<16xi32>,
    %get3A_1124 = arith.constant 480 : index
    %get3A_1125 = tpu.vector_load %arg11[%get3A_1124] {strides = array<i32>} : memref<1024xi32, #tpu.memory_space<vmem>>, vector<16xi32>,
    %broadcast_in_dim3A_1126 = vector.broadcast %squeeze3A_481 : i32 to vector<16xi32>
    %select_n3A_1127 = arith.select %lt3A_1115, %get3A_1125, %broadcast_in_dim3A_1126 : vector<16xi1>, vector<16xi32>
    %swap3A_1128 = arith.constant 3 : i32
    %swap3A_1129 = arith.index_cast %swap3A_1128 : i32 to index
    %swap3A_1130 = arith.constant 96 : index
    %swap3A_1131 = tpu.vector_load %arg13[%swap3A_1129, %swap3A_1130] {strides = array<i32>} : memref<8x128xi32, #tpu.memory_space<vmem>>, vector<16xi32>,
    tpu.vector_store %arg13[%swap3A_1129, %swap3A_1130], %select_n3A_1127 {strides = array<i32>} : memref<8x128xi32, #tpu.memory_space<vmem>>, vector<16xi32>,
    %add3A_1132 = arith.constant 496 : i32
    %add3A_1133 = vector.broadcast %add3A_1132 : i32 to vector<16xi32>
    %add3A_1134 = arith.addi %add3A_1133, %iota3A : vector<16xi32>
    %lt3A_1135 = vector.broadcast %while3A_476 : i32 to vector<16xi32>
    %lt3A_1136 = arith.cmpi slt, %add3A_1134, %lt3A_1135 : vector<16xi32>
    %get3A_1137 = arith.constant 496 : index
    %get3A_1138 = tpu.vector_load %arg10[%get3A_1137] {strides = array<i32>} : memref<1024xi32, #tpu.memory_space<vmem>>, vector<16xi32>,
    %broadcast_in_dim3A_1139 = vector.broadcast %squeeze3A : i32 to vector<16xi32>
    %select_n3A_1140 = arith.select %lt3A_1136, %get3A_1138, %broadcast_in_dim3A_1139 : vector<16xi1>, vector<16xi32>
    %swap3A_1141 = arith.constant 3 : i32
    %swap3A_1142 = arith.index_cast %swap3A_1141 : i32 to index
    %swap3A_1143 = arith.constant 112 : index
    %swap3A_1144 = tpu.vector_load %arg12[%swap3A_1142, %swap3A_1143] {strides = array<i32>} : memref<8x128xi32, #tpu.memory_space<vmem>>, vector<16xi32>,
    tpu.vector_store %arg12[%swap3A_1142, %swap3A_1143], %select_n3A_1140 {strides = array<i32>} : memref<8x128xi32, #tpu.memory_space<vmem>>, vector<16xi32>,
    %get3A_1145 = arith.constant 496 : index
    %get3A_1146 = tpu.vector_load %arg11[%get3A_1145] {strides = array<i32>} : memref<1024xi32, #tpu.memory_space<vmem>>, vector<16xi32>,
    %broadcast_in_dim3A_1147 = vector.broadcast %squeeze3A_481 : i32 to vector<16xi32>
    %select_n3A_1148 = arith.select %lt3A_1136, %get3A_1146, %broadcast_in_dim3A_1147 : vector<16xi1>, vector<16xi32>
    %swap3A_1149 = arith.constant 3 : i32
    %swap3A_1150 = arith.index_cast %swap3A_1149 : i32 to index
    %swap3A_1151 = arith.constant 112 : index
    %swap3A_1152 = tpu.vector_load %arg13[%swap3A_1150, %swap3A_1151] {strides = array<i32>} : memref<8x128xi32, #tpu.memory_space<vmem>>, vector<16xi32>,
    tpu.vector_store %arg13[%swap3A_1150, %swap3A_1151], %select_n3A_1148 {strides = array<i32>} : memref<8x128xi32, #tpu.memory_space<vmem>>, vector<16xi32>,
    %add3A_1153 = arith.constant 512 : i32
    %add3A_1154 = vector.broadcast %add3A_1153 : i32 to vector<16xi32>
    %add3A_1155 = arith.addi %add3A_1154, %iota3A : vector<16xi32>
    %lt3A_1156 = vector.broadcast %while3A_476 : i32 to vector<16xi32>
    %lt3A_1157 = arith.cmpi slt, %add3A_1155, %lt3A_1156 : vector<16xi32>
    %get3A_1158 = arith.constant 512 : index
    %get3A_1159 = tpu.vector_load %arg10[%get3A_1158] {strides = array<i32>} : memref<1024xi32, #tpu.memory_space<vmem>>, vector<16xi32>,
    %broadcast_in_dim3A_1160 = vector.broadcast %squeeze3A : i32 to vector<16xi32>
    %select_n3A_1161 = arith.select %lt3A_1157, %get3A_1159, %broadcast_in_dim3A_1160 : vector<16xi1>, vector<16xi32>
    %swap3A_1162 = arith.constant 4 : i32
    %swap3A_1163 = arith.index_cast %swap3A_1162 : i32 to index
    %swap3A_1164 = arith.constant 0 : index
    %swap3A_1165 = tpu.vector_load %arg12[%swap3A_1163, %swap3A_1164] {strides = array<i32>} : memref<8x128xi32, #tpu.memory_space<vmem>>, vector<16xi32>,
    tpu.vector_store %arg12[%swap3A_1163, %swap3A_1164], %select_n3A_1161 {strides = array<i32>} : memref<8x128xi32, #tpu.memory_space<vmem>>, vector<16xi32>,
    %get3A_1166 = arith.constant 512 : index
    %get3A_1167 = tpu.vector_load %arg11[%get3A_1166] {strides = array<i32>} : memref<1024xi32, #tpu.memory_space<vmem>>, vector<16xi32>,
    %broadcast_in_dim3A_1168 = vector.broadcast %squeeze3A_481 : i32 to vector<16xi32>
    %select_n3A_1169 = arith.select %lt3A_1157, %get3A_1167, %broadcast_in_dim3A_1168 : vector<16xi1>, vector<16xi32>
    %swap3A_1170 = arith.constant 4 : i32
    %swap3A_1171 = arith.index_cast %swap3A_1170 : i32 to index
    %swap3A_1172 = arith.constant 0 : index
    %swap3A_1173 = tpu.vector_load %arg13[%swap3A_1171, %swap3A_1172] {strides = array<i32>} : memref<8x128xi32, #tpu.memory_space<vmem>>, vector<16xi32>,
    tpu.vector_store %arg13[%swap3A_1171, %swap3A_1172], %select_n3A_1169 {strides = array<i32>} : memref<8x128xi32, #tpu.memory_space<vmem>>, vector<16xi32>,
    %add3A_1174 = arith.constant 528 : i32
    %add3A_1175 = vector.broadcast %add3A_1174 : i32 to vector<16xi32>
    %add3A_1176 = arith.addi %add3A_1175, %iota3A : vector<16xi32>
    %lt3A_1177 = vector.broadcast %while3A_476 : i32 to vector<16xi32>
    %lt3A_1178 = arith.cmpi slt, %add3A_1176, %lt3A_1177 : vector<16xi32>
    %get3A_1179 = arith.constant 528 : index
    %get3A_1180 = tpu.vector_load %arg10[%get3A_1179] {strides = array<i32>} : memref<1024xi32, #tpu.memory_space<vmem>>, vector<16xi32>,
    %broadcast_in_dim3A_1181 = vector.broadcast %squeeze3A : i32 to vector<16xi32>
    %select_n3A_1182 = arith.select %lt3A_1178, %get3A_1180, %broadcast_in_dim3A_1181 : vector<16xi1>, vector<16xi32>
    %swap3A_1183 = arith.constant 4 : i32
    %swap3A_1184 = arith.index_cast %swap3A_1183 : i32 to index
    %swap3A_1185 = arith.constant 16 : index
    %swap3A_1186 = tpu.vector_load %arg12[%swap3A_1184, %swap3A_1185] {strides = array<i32>} : memref<8x128xi32, #tpu.memory_space<vmem>>, vector<16xi32>,
    tpu.vector_store %arg12[%swap3A_1184, %swap3A_1185], %select_n3A_1182 {strides = array<i32>} : memref<8x128xi32, #tpu.memory_space<vmem>>, vector<16xi32>,
    %get3A_1187 = arith.constant 528 : index
    %get3A_1188 = tpu.vector_load %arg11[%get3A_1187] {strides = array<i32>} : memref<1024xi32, #tpu.memory_space<vmem>>, vector<16xi32>,
    %broadcast_in_dim3A_1189 = vector.broadcast %squeeze3A_481 : i32 to vector<16xi32>
    %select_n3A_1190 = arith.select %lt3A_1178, %get3A_1188, %broadcast_in_dim3A_1189 : vector<16xi1>, vector<16xi32>
    %swap3A_1191 = arith.constant 4 : i32
    %swap3A_1192 = arith.index_cast %swap3A_1191 : i32 to index
    %swap3A_1193 = arith.constant 16 : index
    %swap3A_1194 = tpu.vector_load %arg13[%swap3A_1192, %swap3A_1193] {strides = array<i32>} : memref<8x128xi32, #tpu.memory_space<vmem>>, vector<16xi32>,
    tpu.vector_store %arg13[%swap3A_1192, %swap3A_1193], %select_n3A_1190 {strides = array<i32>} : memref<8x128xi32, #tpu.memory_space<vmem>>, vector<16xi32>,
    %add3A_1195 = arith.constant 544 : i32
    %add3A_1196 = vector.broadcast %add3A_1195 : i32 to vector<16xi32>
    %add3A_1197 = arith.addi %add3A_1196, %iota3A : vector<16xi32>
    %lt3A_1198 = vector.broadcast %while3A_476 : i32 to vector<16xi32>
    %lt3A_1199 = arith.cmpi slt, %add3A_1197, %lt3A_1198 : vector<16xi32>
    %get3A_1200 = arith.constant 544 : index
    %get3A_1201 = tpu.vector_load %arg10[%get3A_1200] {strides = array<i32>} : memref<1024xi32, #tpu.memory_space<vmem>>, vector<16xi32>,
    %broadcast_in_dim3A_1202 = vector.broadcast %squeeze3A : i32 to vector<16xi32>
    %select_n3A_1203 = arith.select %lt3A_1199, %get3A_1201, %broadcast_in_dim3A_1202 : vector<16xi1>, vector<16xi32>
    %swap3A_1204 = arith.constant 4 : i32
    %swap3A_1205 = arith.index_cast %swap3A_1204 : i32 to index
    %swap3A_1206 = arith.constant 32 : index
    %swap3A_1207 = tpu.vector_load %arg12[%swap3A_1205, %swap3A_1206] {strides = array<i32>} : memref<8x128xi32, #tpu.memory_space<vmem>>, vector<16xi32>,
    tpu.vector_store %arg12[%swap3A_1205, %swap3A_1206], %select_n3A_1203 {strides = array<i32>} : memref<8x128xi32, #tpu.memory_space<vmem>>, vector<16xi32>,
    %get3A_1208 = arith.constant 544 : index
    %get3A_1209 = tpu.vector_load %arg11[%get3A_1208] {strides = array<i32>} : memref<1024xi32, #tpu.memory_space<vmem>>, vector<16xi32>,
    %broadcast_in_dim3A_1210 = vector.broadcast %squeeze3A_481 : i32 to vector<16xi32>
    %select_n3A_1211 = arith.select %lt3A_1199, %get3A_1209, %broadcast_in_dim3A_1210 : vector<16xi1>, vector<16xi32>
    %swap3A_1212 = arith.constant 4 : i32
    %swap3A_1213 = arith.index_cast %swap3A_1212 : i32 to index
    %swap3A_1214 = arith.constant 32 : index
    %swap3A_1215 = tpu.vector_load %arg13[%swap3A_1213, %swap3A_1214] {strides = array<i32>} : memref<8x128xi32, #tpu.memory_space<vmem>>, vector<16xi32>,
    tpu.vector_store %arg13[%swap3A_1213, %swap3A_1214], %select_n3A_1211 {strides = array<i32>} : memref<8x128xi32, #tpu.memory_space<vmem>>, vector<16xi32>,
    %add3A_1216 = arith.constant 560 : i32
    %add3A_1217 = vector.broadcast %add3A_1216 : i32 to vector<16xi32>
    %add3A_1218 = arith.addi %add3A_1217, %iota3A : vector<16xi32>
    %lt3A_1219 = vector.broadcast %while3A_476 : i32 to vector<16xi32>
    %lt3A_1220 = arith.cmpi slt, %add3A_1218, %lt3A_1219 : vector<16xi32>
    %get3A_1221 = arith.constant 560 : index
    %get3A_1222 = tpu.vector_load %arg10[%get3A_1221] {strides = array<i32>} : memref<1024xi32, #tpu.memory_space<vmem>>, vector<16xi32>,
    %broadcast_in_dim3A_1223 = vector.broadcast %squeeze3A : i32 to vector<16xi32>
    %select_n3A_1224 = arith.select %lt3A_1220, %get3A_1222, %broadcast_in_dim3A_1223 : vector<16xi1>, vector<16xi32>
    %swap3A_1225 = arith.constant 4 : i32
    %swap3A_1226 = arith.index_cast %swap3A_1225 : i32 to index
    %swap3A_1227 = arith.constant 48 : index
    %swap3A_1228 = tpu.vector_load %arg12[%swap3A_1226, %swap3A_1227] {strides = array<i32>} : memref<8x128xi32, #tpu.memory_space<vmem>>, vector<16xi32>,
    tpu.vector_store %arg12[%swap3A_1226, %swap3A_1227], %select_n3A_1224 {strides = array<i32>} : memref<8x128xi32, #tpu.memory_space<vmem>>, vector<16xi32>,
    %get3A_1229 = arith.constant 560 : index
    %get3A_1230 = tpu.vector_load %arg11[%get3A_1229] {strides = array<i32>} : memref<1024xi32, #tpu.memory_space<vmem>>, vector<16xi32>,
    %broadcast_in_dim3A_1231 = vector.broadcast %squeeze3A_481 : i32 to vector<16xi32>
    %select_n3A_1232 = arith.select %lt3A_1220, %get3A_1230, %broadcast_in_dim3A_1231 : vector<16xi1>, vector<16xi32>
    %swap3A_1233 = arith.constant 4 : i32
    %swap3A_1234 = arith.index_cast %swap3A_1233 : i32 to index
    %swap3A_1235 = arith.constant 48 : index
    %swap3A_1236 = tpu.vector_load %arg13[%swap3A_1234, %swap3A_1235] {strides = array<i32>} : memref<8x128xi32, #tpu.memory_space<vmem>>, vector<16xi32>,
    tpu.vector_store %arg13[%swap3A_1234, %swap3A_1235], %select_n3A_1232 {strides = array<i32>} : memref<8x128xi32, #tpu.memory_space<vmem>>, vector<16xi32>,
    %add3A_1237 = arith.constant 576 : i32
    %add3A_1238 = vector.broadcast %add3A_1237 : i32 to vector<16xi32>
    %add3A_1239 = arith.addi %add3A_1238, %iota3A : vector<16xi32>
    %lt3A_1240 = vector.broadcast %while3A_476 : i32 to vector<16xi32>
    %lt3A_1241 = arith.cmpi slt, %add3A_1239, %lt3A_1240 : vector<16xi32>
    %get3A_1242 = arith.constant 576 : index
    %get3A_1243 = tpu.vector_load %arg10[%get3A_1242] {strides = array<i32>} : memref<1024xi32, #tpu.memory_space<vmem>>, vector<16xi32>,
    %broadcast_in_dim3A_1244 = vector.broadcast %squeeze3A : i32 to vector<16xi32>
    %select_n3A_1245 = arith.select %lt3A_1241, %get3A_1243, %broadcast_in_dim3A_1244 : vector<16xi1>, vector<16xi32>
    %swap3A_1246 = arith.constant 4 : i32
    %swap3A_1247 = arith.index_cast %swap3A_1246 : i32 to index
    %swap3A_1248 = arith.constant 64 : index
    %swap3A_1249 = tpu.vector_load %arg12[%swap3A_1247, %swap3A_1248] {strides = array<i32>} : memref<8x128xi32, #tpu.memory_space<vmem>>, vector<16xi32>,
    tpu.vector_store %arg12[%swap3A_1247, %swap3A_1248], %select_n3A_1245 {strides = array<i32>} : memref<8x128xi32, #tpu.memory_space<vmem>>, vector<16xi32>,
    %get3A_1250 = arith.constant 576 : index
    %get3A_1251 = tpu.vector_load %arg11[%get3A_1250] {strides = array<i32>} : memref<1024xi32, #tpu.memory_space<vmem>>, vector<16xi32>,
    %broadcast_in_dim3A_1252 = vector.broadcast %squeeze3A_481 : i32 to vector<16xi32>
    %select_n3A_1253 = arith.select %lt3A_1241, %get3A_1251, %broadcast_in_dim3A_1252 : vector<16xi1>, vector<16xi32>
    %swap3A_1254 = arith.constant 4 : i32
    %swap3A_1255 = arith.index_cast %swap3A_1254 : i32 to index
    %swap3A_1256 = arith.constant 64 : index
    %swap3A_1257 = tpu.vector_load %arg13[%swap3A_1255, %swap3A_1256] {strides = array<i32>} : memref<8x128xi32, #tpu.memory_space<vmem>>, vector<16xi32>,
    tpu.vector_store %arg13[%swap3A_1255, %swap3A_1256], %select_n3A_1253 {strides = array<i32>} : memref<8x128xi32, #tpu.memory_space<vmem>>, vector<16xi32>,
    %add3A_1258 = arith.constant 592 : i32
    %add3A_1259 = vector.broadcast %add3A_1258 : i32 to vector<16xi32>
    %add3A_1260 = arith.addi %add3A_1259, %iota3A : vector<16xi32>
    %lt3A_1261 = vector.broadcast %while3A_476 : i32 to vector<16xi32>
    %lt3A_1262 = arith.cmpi slt, %add3A_1260, %lt3A_1261 : vector<16xi32>
    %get3A_1263 = arith.constant 592 : index
    %get3A_1264 = tpu.vector_load %arg10[%get3A_1263] {strides = array<i32>} : memref<1024xi32, #tpu.memory_space<vmem>>, vector<16xi32>,
    %broadcast_in_dim3A_1265 = vector.broadcast %squeeze3A : i32 to vector<16xi32>
    %select_n3A_1266 = arith.select %lt3A_1262, %get3A_1264, %broadcast_in_dim3A_1265 : vector<16xi1>, vector<16xi32>
    %swap3A_1267 = arith.constant 4 : i32
    %swap3A_1268 = arith.index_cast %swap3A_1267 : i32 to index
    %swap3A_1269 = arith.constant 80 : index
    %swap3A_1270 = tpu.vector_load %arg12[%swap3A_1268, %swap3A_1269] {strides = array<i32>} : memref<8x128xi32, #tpu.memory_space<vmem>>, vector<16xi32>,
    tpu.vector_store %arg12[%swap3A_1268, %swap3A_1269], %select_n3A_1266 {strides = array<i32>} : memref<8x128xi32, #tpu.memory_space<vmem>>, vector<16xi32>,
    %get3A_1271 = arith.constant 592 : index
    %get3A_1272 = tpu.vector_load %arg11[%get3A_1271] {strides = array<i32>} : memref<1024xi32, #tpu.memory_space<vmem>>, vector<16xi32>,
    %broadcast_in_dim3A_1273 = vector.broadcast %squeeze3A_481 : i32 to vector<16xi32>
    %select_n3A_1274 = arith.select %lt3A_1262, %get3A_1272, %broadcast_in_dim3A_1273 : vector<16xi1>, vector<16xi32>
    %swap3A_1275 = arith.constant 4 : i32
    %swap3A_1276 = arith.index_cast %swap3A_1275 : i32 to index
    %swap3A_1277 = arith.constant 80 : index
    %swap3A_1278 = tpu.vector_load %arg13[%swap3A_1276, %swap3A_1277] {strides = array<i32>} : memref<8x128xi32, #tpu.memory_space<vmem>>, vector<16xi32>,
    tpu.vector_store %arg13[%swap3A_1276, %swap3A_1277], %select_n3A_1274 {strides = array<i32>} : memref<8x128xi32, #tpu.memory_space<vmem>>, vector<16xi32>,
    %add3A_1279 = arith.constant 608 : i32
    %add3A_1280 = vector.broadcast %add3A_1279 : i32 to vector<16xi32>
    %add3A_1281 = arith.addi %add3A_1280, %iota3A : vector<16xi32>
    %lt3A_1282 = vector.broadcast %while3A_476 : i32 to vector<16xi32>
    %lt3A_1283 = arith.cmpi slt, %add3A_1281, %lt3A_1282 : vector<16xi32>
    %get3A_1284 = arith.constant 608 : index
    %get3A_1285 = tpu.vector_load %arg10[%get3A_1284] {strides = array<i32>} : memref<1024xi32, #tpu.memory_space<vmem>>, vector<16xi32>,
    %broadcast_in_dim3A_1286 = vector.broadcast %squeeze3A : i32 to vector<16xi32>
    %select_n3A_1287 = arith.select %lt3A_1283, %get3A_1285, %broadcast_in_dim3A_1286 : vector<16xi1>, vector<16xi32>
    %swap3A_1288 = arith.constant 4 : i32
    %swap3A_1289 = arith.index_cast %swap3A_1288 : i32 to index
    %swap3A_1290 = arith.constant 96 : index
    %swap3A_1291 = tpu.vector_load %arg12[%swap3A_1289, %swap3A_1290] {strides = array<i32>} : memref<8x128xi32, #tpu.memory_space<vmem>>, vector<16xi32>,
    tpu.vector_store %arg12[%swap3A_1289, %swap3A_1290], %select_n3A_1287 {strides = array<i32>} : memref<8x128xi32, #tpu.memory_space<vmem>>, vector<16xi32>,
    %get3A_1292 = arith.constant 608 : index
    %get3A_1293 = tpu.vector_load %arg11[%get3A_1292] {strides = array<i32>} : memref<1024xi32, #tpu.memory_space<vmem>>, vector<16xi32>,
    %broadcast_in_dim3A_1294 = vector.broadcast %squeeze3A_481 : i32 to vector<16xi32>
    %select_n3A_1295 = arith.select %lt3A_1283, %get3A_1293, %broadcast_in_dim3A_1294 : vector<16xi1>, vector<16xi32>
    %swap3A_1296 = arith.constant 4 : i32
    %swap3A_1297 = arith.index_cast %swap3A_1296 : i32 to index
    %swap3A_1298 = arith.constant 96 : index
    %swap3A_1299 = tpu.vector_load %arg13[%swap3A_1297, %swap3A_1298] {strides = array<i32>} : memref<8x128xi32, #tpu.memory_space<vmem>>, vector<16xi32>,
    tpu.vector_store %arg13[%swap3A_1297, %swap3A_1298], %select_n3A_1295 {strides = array<i32>} : memref<8x128xi32, #tpu.memory_space<vmem>>, vector<16xi32>,
    %add3A_1300 = arith.constant 624 : i32
    %add3A_1301 = vector.broadcast %add3A_1300 : i32 to vector<16xi32>
    %add3A_1302 = arith.addi %add3A_1301, %iota3A : vector<16xi32>
    %lt3A_1303 = vector.broadcast %while3A_476 : i32 to vector<16xi32>
    %lt3A_1304 = arith.cmpi slt, %add3A_1302, %lt3A_1303 : vector<16xi32>
    %get3A_1305 = arith.constant 624 : index
    %get3A_1306 = tpu.vector_load %arg10[%get3A_1305] {strides = array<i32>} : memref<1024xi32, #tpu.memory_space<vmem>>, vector<16xi32>,
    %broadcast_in_dim3A_1307 = vector.broadcast %squeeze3A : i32 to vector<16xi32>
    %select_n3A_1308 = arith.select %lt3A_1304, %get3A_1306, %broadcast_in_dim3A_1307 : vector<16xi1>, vector<16xi32>
    %swap3A_1309 = arith.constant 4 : i32
    %swap3A_1310 = arith.index_cast %swap3A_1309 : i32 to index
    %swap3A_1311 = arith.constant 112 : index
    %swap3A_1312 = tpu.vector_load %arg12[%swap3A_1310, %swap3A_1311] {strides = array<i32>} : memref<8x128xi32, #tpu.memory_space<vmem>>, vector<16xi32>,
    tpu.vector_store %arg12[%swap3A_1310, %swap3A_1311], %select_n3A_1308 {strides = array<i32>} : memref<8x128xi32, #tpu.memory_space<vmem>>, vector<16xi32>,
    %get3A_1313 = arith.constant 624 : index
    %get3A_1314 = tpu.vector_load %arg11[%get3A_1313] {strides = array<i32>} : memref<1024xi32, #tpu.memory_space<vmem>>, vector<16xi32>,
    %broadcast_in_dim3A_1315 = vector.broadcast %squeeze3A_481 : i32 to vector<16xi32>
    %select_n3A_1316 = arith.select %lt3A_1304, %get3A_1314, %broadcast_in_dim3A_1315 : vector<16xi1>, vector<16xi32>
    %swap3A_1317 = arith.constant 4 : i32
    %swap3A_1318 = arith.index_cast %swap3A_1317 : i32 to index
    %swap3A_1319 = arith.constant 112 : index
    %swap3A_1320 = tpu.vector_load %arg13[%swap3A_1318, %swap3A_1319] {strides = array<i32>} : memref<8x128xi32, #tpu.memory_space<vmem>>, vector<16xi32>,
    tpu.vector_store %arg13[%swap3A_1318, %swap3A_1319], %select_n3A_1316 {strides = array<i32>} : memref<8x128xi32, #tpu.memory_space<vmem>>, vector<16xi32>,
    %add3A_1321 = arith.constant 640 : i32
    %add3A_1322 = vector.broadcast %add3A_1321 : i32 to vector<16xi32>
    %add3A_1323 = arith.addi %add3A_1322, %iota3A : vector<16xi32>
    %lt3A_1324 = vector.broadcast %while3A_476 : i32 to vector<16xi32>
    %lt3A_1325 = arith.cmpi slt, %add3A_1323, %lt3A_1324 : vector<16xi32>
    %get3A_1326 = arith.constant 640 : index
    %get3A_1327 = tpu.vector_load %arg10[%get3A_1326] {strides = array<i32>} : memref<1024xi32, #tpu.memory_space<vmem>>, vector<16xi32>,
    %broadcast_in_dim3A_1328 = vector.broadcast %squeeze3A : i32 to vector<16xi32>
    %select_n3A_1329 = arith.select %lt3A_1325, %get3A_1327, %broadcast_in_dim3A_1328 : vector<16xi1>, vector<16xi32>
    %swap3A_1330 = arith.constant 5 : i32
    %swap3A_1331 = arith.index_cast %swap3A_1330 : i32 to index
    %swap3A_1332 = arith.constant 0 : index
    %swap3A_1333 = tpu.vector_load %arg12[%swap3A_1331, %swap3A_1332] {strides = array<i32>} : memref<8x128xi32, #tpu.memory_space<vmem>>, vector<16xi32>,
    tpu.vector_store %arg12[%swap3A_1331, %swap3A_1332], %select_n3A_1329 {strides = array<i32>} : memref<8x128xi32, #tpu.memory_space<vmem>>, vector<16xi32>,
    %get3A_1334 = arith.constant 640 : index
    %get3A_1335 = tpu.vector_load %arg11[%get3A_1334] {strides = array<i32>} : memref<1024xi32, #tpu.memory_space<vmem>>, vector<16xi32>,
    %broadcast_in_dim3A_1336 = vector.broadcast %squeeze3A_481 : i32 to vector<16xi32>
    %select_n3A_1337 = arith.select %lt3A_1325, %get3A_1335, %broadcast_in_dim3A_1336 : vector<16xi1>, vector<16xi32>
    %swap3A_1338 = arith.constant 5 : i32
    %swap3A_1339 = arith.index_cast %swap3A_1338 : i32 to index
    %swap3A_1340 = arith.constant 0 : index
    %swap3A_1341 = tpu.vector_load %arg13[%swap3A_1339, %swap3A_1340] {strides = array<i32>} : memref<8x128xi32, #tpu.memory_space<vmem>>, vector<16xi32>,
    tpu.vector_store %arg13[%swap3A_1339, %swap3A_1340], %select_n3A_1337 {strides = array<i32>} : memref<8x128xi32, #tpu.memory_space<vmem>>, vector<16xi32>,
    %add3A_1342 = arith.constant 656 : i32
    %add3A_1343 = vector.broadcast %add3A_1342 : i32 to vector<16xi32>
    %add3A_1344 = arith.addi %add3A_1343, %iota3A : vector<16xi32>
    %lt3A_1345 = vector.broadcast %while3A_476 : i32 to vector<16xi32>
    %lt3A_1346 = arith.cmpi slt, %add3A_1344, %lt3A_1345 : vector<16xi32>
    %get3A_1347 = arith.constant 656 : index
    %get3A_1348 = tpu.vector_load %arg10[%get3A_1347] {strides = array<i32>} : memref<1024xi32, #tpu.memory_space<vmem>>, vector<16xi32>,
    %broadcast_in_dim3A_1349 = vector.broadcast %squeeze3A : i32 to vector<16xi32>
    %select_n3A_1350 = arith.select %lt3A_1346, %get3A_1348, %broadcast_in_dim3A_1349 : vector<16xi1>, vector<16xi32>
    %swap3A_1351 = arith.constant 5 : i32
    %swap3A_1352 = arith.index_cast %swap3A_1351 : i32 to index
    %swap3A_1353 = arith.constant 16 : index
    %swap3A_1354 = tpu.vector_load %arg12[%swap3A_1352, %swap3A_1353] {strides = array<i32>} : memref<8x128xi32, #tpu.memory_space<vmem>>, vector<16xi32>,
    tpu.vector_store %arg12[%swap3A_1352, %swap3A_1353], %select_n3A_1350 {strides = array<i32>} : memref<8x128xi32, #tpu.memory_space<vmem>>, vector<16xi32>,
    %get3A_1355 = arith.constant 656 : index
    %get3A_1356 = tpu.vector_load %arg11[%get3A_1355] {strides = array<i32>} : memref<1024xi32, #tpu.memory_space<vmem>>, vector<16xi32>,
    %broadcast_in_dim3A_1357 = vector.broadcast %squeeze3A_481 : i32 to vector<16xi32>
    %select_n3A_1358 = arith.select %lt3A_1346, %get3A_1356, %broadcast_in_dim3A_1357 : vector<16xi1>, vector<16xi32>
    %swap3A_1359 = arith.constant 5 : i32
    %swap3A_1360 = arith.index_cast %swap3A_1359 : i32 to index
    %swap3A_1361 = arith.constant 16 : index
    %swap3A_1362 = tpu.vector_load %arg13[%swap3A_1360, %swap3A_1361] {strides = array<i32>} : memref<8x128xi32, #tpu.memory_space<vmem>>, vector<16xi32>,
    tpu.vector_store %arg13[%swap3A_1360, %swap3A_1361], %select_n3A_1358 {strides = array<i32>} : memref<8x128xi32, #tpu.memory_space<vmem>>, vector<16xi32>,
    %add3A_1363 = arith.constant 672 : i32
    %add3A_1364 = vector.broadcast %add3A_1363 : i32 to vector<16xi32>
    %add3A_1365 = arith.addi %add3A_1364, %iota3A : vector<16xi32>
    %lt3A_1366 = vector.broadcast %while3A_476 : i32 to vector<16xi32>
    %lt3A_1367 = arith.cmpi slt, %add3A_1365, %lt3A_1366 : vector<16xi32>
    %get3A_1368 = arith.constant 672 : index
    %get3A_1369 = tpu.vector_load %arg10[%get3A_1368] {strides = array<i32>} : memref<1024xi32, #tpu.memory_space<vmem>>, vector<16xi32>,
    %broadcast_in_dim3A_1370 = vector.broadcast %squeeze3A : i32 to vector<16xi32>
    %select_n3A_1371 = arith.select %lt3A_1367, %get3A_1369, %broadcast_in_dim3A_1370 : vector<16xi1>, vector<16xi32>
    %swap3A_1372 = arith.constant 5 : i32
    %swap3A_1373 = arith.index_cast %swap3A_1372 : i32 to index
    %swap3A_1374 = arith.constant 32 : index
    %swap3A_1375 = tpu.vector_load %arg12[%swap3A_1373, %swap3A_1374] {strides = array<i32>} : memref<8x128xi32, #tpu.memory_space<vmem>>, vector<16xi32>,
    tpu.vector_store %arg12[%swap3A_1373, %swap3A_1374], %select_n3A_1371 {strides = array<i32>} : memref<8x128xi32, #tpu.memory_space<vmem>>, vector<16xi32>,
    %get3A_1376 = arith.constant 672 : index
    %get3A_1377 = tpu.vector_load %arg11[%get3A_1376] {strides = array<i32>} : memref<1024xi32, #tpu.memory_space<vmem>>, vector<16xi32>,
    %broadcast_in_dim3A_1378 = vector.broadcast %squeeze3A_481 : i32 to vector<16xi32>
    %select_n3A_1379 = arith.select %lt3A_1367, %get3A_1377, %broadcast_in_dim3A_1378 : vector<16xi1>, vector<16xi32>
    %swap3A_1380 = arith.constant 5 : i32
    %swap3A_1381 = arith.index_cast %swap3A_1380 : i32 to index
    %swap3A_1382 = arith.constant 32 : index
    %swap3A_1383 = tpu.vector_load %arg13[%swap3A_1381, %swap3A_1382] {strides = array<i32>} : memref<8x128xi32, #tpu.memory_space<vmem>>, vector<16xi32>,
    tpu.vector_store %arg13[%swap3A_1381, %swap3A_1382], %select_n3A_1379 {strides = array<i32>} : memref<8x128xi32, #tpu.memory_space<vmem>>, vector<16xi32>,
    %add3A_1384 = arith.constant 688 : i32
    %add3A_1385 = vector.broadcast %add3A_1384 : i32 to vector<16xi32>
    %add3A_1386 = arith.addi %add3A_1385, %iota3A : vector<16xi32>
    %lt3A_1387 = vector.broadcast %while3A_476 : i32 to vector<16xi32>
    %lt3A_1388 = arith.cmpi slt, %add3A_1386, %lt3A_1387 : vector<16xi32>
    %get3A_1389 = arith.constant 688 : index
    %get3A_1390 = tpu.vector_load %arg10[%get3A_1389] {strides = array<i32>} : memref<1024xi32, #tpu.memory_space<vmem>>, vector<16xi32>,
    %broadcast_in_dim3A_1391 = vector.broadcast %squeeze3A : i32 to vector<16xi32>
    %select_n3A_1392 = arith.select %lt3A_1388, %get3A_1390, %broadcast_in_dim3A_1391 : vector<16xi1>, vector<16xi32>
    %swap3A_1393 = arith.constant 5 : i32
    %swap3A_1394 = arith.index_cast %swap3A_1393 : i32 to index
    %swap3A_1395 = arith.constant 48 : index
    %swap3A_1396 = tpu.vector_load %arg12[%swap3A_1394, %swap3A_1395] {strides = array<i32>} : memref<8x128xi32, #tpu.memory_space<vmem>>, vector<16xi32>,
    tpu.vector_store %arg12[%swap3A_1394, %swap3A_1395], %select_n3A_1392 {strides = array<i32>} : memref<8x128xi32, #tpu.memory_space<vmem>>, vector<16xi32>,
    %get3A_1397 = arith.constant 688 : index
    %get3A_1398 = tpu.vector_load %arg11[%get3A_1397] {strides = array<i32>} : memref<1024xi32, #tpu.memory_space<vmem>>, vector<16xi32>,
    %broadcast_in_dim3A_1399 = vector.broadcast %squeeze3A_481 : i32 to vector<16xi32>
    %select_n3A_1400 = arith.select %lt3A_1388, %get3A_1398, %broadcast_in_dim3A_1399 : vector<16xi1>, vector<16xi32>
    %swap3A_1401 = arith.constant 5 : i32
    %swap3A_1402 = arith.index_cast %swap3A_1401 : i32 to index
    %swap3A_1403 = arith.constant 48 : index
    %swap3A_1404 = tpu.vector_load %arg13[%swap3A_1402, %swap3A_1403] {strides = array<i32>} : memref<8x128xi32, #tpu.memory_space<vmem>>, vector<16xi32>,
    tpu.vector_store %arg13[%swap3A_1402, %swap3A_1403], %select_n3A_1400 {strides = array<i32>} : memref<8x128xi32, #tpu.memory_space<vmem>>, vector<16xi32>,
    %add3A_1405 = arith.constant 704 : i32
    %add3A_1406 = vector.broadcast %add3A_1405 : i32 to vector<16xi32>
    %add3A_1407 = arith.addi %add3A_1406, %iota3A : vector<16xi32>
    %lt3A_1408 = vector.broadcast %while3A_476 : i32 to vector<16xi32>
    %lt3A_1409 = arith.cmpi slt, %add3A_1407, %lt3A_1408 : vector<16xi32>
    %get3A_1410 = arith.constant 704 : index
    %get3A_1411 = tpu.vector_load %arg10[%get3A_1410] {strides = array<i32>} : memref<1024xi32, #tpu.memory_space<vmem>>, vector<16xi32>,
    %broadcast_in_dim3A_1412 = vector.broadcast %squeeze3A : i32 to vector<16xi32>
    %select_n3A_1413 = arith.select %lt3A_1409, %get3A_1411, %broadcast_in_dim3A_1412 : vector<16xi1>, vector<16xi32>
    %swap3A_1414 = arith.constant 5 : i32
    %swap3A_1415 = arith.index_cast %swap3A_1414 : i32 to index
    %swap3A_1416 = arith.constant 64 : index
    %swap3A_1417 = tpu.vector_load %arg12[%swap3A_1415, %swap3A_1416] {strides = array<i32>} : memref<8x128xi32, #tpu.memory_space<vmem>>, vector<16xi32>,
    tpu.vector_store %arg12[%swap3A_1415, %swap3A_1416], %select_n3A_1413 {strides = array<i32>} : memref<8x128xi32, #tpu.memory_space<vmem>>, vector<16xi32>,
    %get3A_1418 = arith.constant 704 : index
    %get3A_1419 = tpu.vector_load %arg11[%get3A_1418] {strides = array<i32>} : memref<1024xi32, #tpu.memory_space<vmem>>, vector<16xi32>,
    %broadcast_in_dim3A_1420 = vector.broadcast %squeeze3A_481 : i32 to vector<16xi32>
    %select_n3A_1421 = arith.select %lt3A_1409, %get3A_1419, %broadcast_in_dim3A_1420 : vector<16xi1>, vector<16xi32>
    %swap3A_1422 = arith.constant 5 : i32
    %swap3A_1423 = arith.index_cast %swap3A_1422 : i32 to index
    %swap3A_1424 = arith.constant 64 : index
    %swap3A_1425 = tpu.vector_load %arg13[%swap3A_1423, %swap3A_1424] {strides = array<i32>} : memref<8x128xi32, #tpu.memory_space<vmem>>, vector<16xi32>,
    tpu.vector_store %arg13[%swap3A_1423, %swap3A_1424], %select_n3A_1421 {strides = array<i32>} : memref<8x128xi32, #tpu.memory_space<vmem>>, vector<16xi32>,
    %add3A_1426 = arith.constant 720 : i32
    %add3A_1427 = vector.broadcast %add3A_1426 : i32 to vector<16xi32>
    %add3A_1428 = arith.addi %add3A_1427, %iota3A : vector<16xi32>
    %lt3A_1429 = vector.broadcast %while3A_476 : i32 to vector<16xi32>
    %lt3A_1430 = arith.cmpi slt, %add3A_1428, %lt3A_1429 : vector<16xi32>
    %get3A_1431 = arith.constant 720 : index
    %get3A_1432 = tpu.vector_load %arg10[%get3A_1431] {strides = array<i32>} : memref<1024xi32, #tpu.memory_space<vmem>>, vector<16xi32>,
    %broadcast_in_dim3A_1433 = vector.broadcast %squeeze3A : i32 to vector<16xi32>
    %select_n3A_1434 = arith.select %lt3A_1430, %get3A_1432, %broadcast_in_dim3A_1433 : vector<16xi1>, vector<16xi32>
    %swap3A_1435 = arith.constant 5 : i32
    %swap3A_1436 = arith.index_cast %swap3A_1435 : i32 to index
    %swap3A_1437 = arith.constant 80 : index
    %swap3A_1438 = tpu.vector_load %arg12[%swap3A_1436, %swap3A_1437] {strides = array<i32>} : memref<8x128xi32, #tpu.memory_space<vmem>>, vector<16xi32>,
    tpu.vector_store %arg12[%swap3A_1436, %swap3A_1437], %select_n3A_1434 {strides = array<i32>} : memref<8x128xi32, #tpu.memory_space<vmem>>, vector<16xi32>,
    %get3A_1439 = arith.constant 720 : index
    %get3A_1440 = tpu.vector_load %arg11[%get3A_1439] {strides = array<i32>} : memref<1024xi32, #tpu.memory_space<vmem>>, vector<16xi32>,
    %broadcast_in_dim3A_1441 = vector.broadcast %squeeze3A_481 : i32 to vector<16xi32>
    %select_n3A_1442 = arith.select %lt3A_1430, %get3A_1440, %broadcast_in_dim3A_1441 : vector<16xi1>, vector<16xi32>
    %swap3A_1443 = arith.constant 5 : i32
    %swap3A_1444 = arith.index_cast %swap3A_1443 : i32 to index
    %swap3A_1445 = arith.constant 80 : index
    %swap3A_1446 = tpu.vector_load %arg13[%swap3A_1444, %swap3A_1445] {strides = array<i32>} : memref<8x128xi32, #tpu.memory_space<vmem>>, vector<16xi32>,
    tpu.vector_store %arg13[%swap3A_1444, %swap3A_1445], %select_n3A_1442 {strides = array<i32>} : memref<8x128xi32, #tpu.memory_space<vmem>>, vector<16xi32>,
    %add3A_1447 = arith.constant 736 : i32
    %add3A_1448 = vector.broadcast %add3A_1447 : i32 to vector<16xi32>
    %add3A_1449 = arith.addi %add3A_1448, %iota3A : vector<16xi32>
    %lt3A_1450 = vector.broadcast %while3A_476 : i32 to vector<16xi32>
    %lt3A_1451 = arith.cmpi slt, %add3A_1449, %lt3A_1450 : vector<16xi32>
    %get3A_1452 = arith.constant 736 : index
    %get3A_1453 = tpu.vector_load %arg10[%get3A_1452] {strides = array<i32>} : memref<1024xi32, #tpu.memory_space<vmem>>, vector<16xi32>,
    %broadcast_in_dim3A_1454 = vector.broadcast %squeeze3A : i32 to vector<16xi32>
    %select_n3A_1455 = arith.select %lt3A_1451, %get3A_1453, %broadcast_in_dim3A_1454 : vector<16xi1>, vector<16xi32>
    %swap3A_1456 = arith.constant 5 : i32
    %swap3A_1457 = arith.index_cast %swap3A_1456 : i32 to index
    %swap3A_1458 = arith.constant 96 : index
    %swap3A_1459 = tpu.vector_load %arg12[%swap3A_1457, %swap3A_1458] {strides = array<i32>} : memref<8x128xi32, #tpu.memory_space<vmem>>, vector<16xi32>,
    tpu.vector_store %arg12[%swap3A_1457, %swap3A_1458], %select_n3A_1455 {strides = array<i32>} : memref<8x128xi32, #tpu.memory_space<vmem>>, vector<16xi32>,
    %get3A_1460 = arith.constant 736 : index
    %get3A_1461 = tpu.vector_load %arg11[%get3A_1460] {strides = array<i32>} : memref<1024xi32, #tpu.memory_space<vmem>>, vector<16xi32>,
    %broadcast_in_dim3A_1462 = vector.broadcast %squeeze3A_481 : i32 to vector<16xi32>
    %select_n3A_1463 = arith.select %lt3A_1451, %get3A_1461, %broadcast_in_dim3A_1462 : vector<16xi1>, vector<16xi32>
    %swap3A_1464 = arith.constant 5 : i32
    %swap3A_1465 = arith.index_cast %swap3A_1464 : i32 to index
    %swap3A_1466 = arith.constant 96 : index
    %swap3A_1467 = tpu.vector_load %arg13[%swap3A_1465, %swap3A_1466] {strides = array<i32>} : memref<8x128xi32, #tpu.memory_space<vmem>>, vector<16xi32>,
    tpu.vector_store %arg13[%swap3A_1465, %swap3A_1466], %select_n3A_1463 {strides = array<i32>} : memref<8x128xi32, #tpu.memory_space<vmem>>, vector<16xi32>,
    %add3A_1468 = arith.constant 752 : i32
    %add3A_1469 = vector.broadcast %add3A_1468 : i32 to vector<16xi32>
    %add3A_1470 = arith.addi %add3A_1469, %iota3A : vector<16xi32>
    %lt3A_1471 = vector.broadcast %while3A_476 : i32 to vector<16xi32>
    %lt3A_1472 = arith.cmpi slt, %add3A_1470, %lt3A_1471 : vector<16xi32>
    %get3A_1473 = arith.constant 752 : index
    %get3A_1474 = tpu.vector_load %arg10[%get3A_1473] {strides = array<i32>} : memref<1024xi32, #tpu.memory_space<vmem>>, vector<16xi32>,
    %broadcast_in_dim3A_1475 = vector.broadcast %squeeze3A : i32 to vector<16xi32>
    %select_n3A_1476 = arith.select %lt3A_1472, %get3A_1474, %broadcast_in_dim3A_1475 : vector<16xi1>, vector<16xi32>
    %swap3A_1477 = arith.constant 5 : i32
    %swap3A_1478 = arith.index_cast %swap3A_1477 : i32 to index
    %swap3A_1479 = arith.constant 112 : index
    %swap3A_1480 = tpu.vector_load %arg12[%swap3A_1478, %swap3A_1479] {strides = array<i32>} : memref<8x128xi32, #tpu.memory_space<vmem>>, vector<16xi32>,
    tpu.vector_store %arg12[%swap3A_1478, %swap3A_1479], %select_n3A_1476 {strides = array<i32>} : memref<8x128xi32, #tpu.memory_space<vmem>>, vector<16xi32>,
    %get3A_1481 = arith.constant 752 : index
    %get3A_1482 = tpu.vector_load %arg11[%get3A_1481] {strides = array<i32>} : memref<1024xi32, #tpu.memory_space<vmem>>, vector<16xi32>,
    %broadcast_in_dim3A_1483 = vector.broadcast %squeeze3A_481 : i32 to vector<16xi32>
    %select_n3A_1484 = arith.select %lt3A_1472, %get3A_1482, %broadcast_in_dim3A_1483 : vector<16xi1>, vector<16xi32>
    %swap3A_1485 = arith.constant 5 : i32
    %swap3A_1486 = arith.index_cast %swap3A_1485 : i32 to index
    %swap3A_1487 = arith.constant 112 : index
    %swap3A_1488 = tpu.vector_load %arg13[%swap3A_1486, %swap3A_1487] {strides = array<i32>} : memref<8x128xi32, #tpu.memory_space<vmem>>, vector<16xi32>,
    tpu.vector_store %arg13[%swap3A_1486, %swap3A_1487], %select_n3A_1484 {strides = array<i32>} : memref<8x128xi32, #tpu.memory_space<vmem>>, vector<16xi32>,
    %add3A_1489 = arith.constant 768 : i32
    %add3A_1490 = vector.broadcast %add3A_1489 : i32 to vector<16xi32>
    %add3A_1491 = arith.addi %add3A_1490, %iota3A : vector<16xi32>
    %lt3A_1492 = vector.broadcast %while3A_476 : i32 to vector<16xi32>
    %lt3A_1493 = arith.cmpi slt, %add3A_1491, %lt3A_1492 : vector<16xi32>
    %get3A_1494 = arith.constant 768 : index
    %get3A_1495 = tpu.vector_load %arg10[%get3A_1494] {strides = array<i32>} : memref<1024xi32, #tpu.memory_space<vmem>>, vector<16xi32>,
    %broadcast_in_dim3A_1496 = vector.broadcast %squeeze3A : i32 to vector<16xi32>
    %select_n3A_1497 = arith.select %lt3A_1493, %get3A_1495, %broadcast_in_dim3A_1496 : vector<16xi1>, vector<16xi32>
    %swap3A_1498 = arith.constant 6 : i32
    %swap3A_1499 = arith.index_cast %swap3A_1498 : i32 to index
    %swap3A_1500 = arith.constant 0 : index
    %swap3A_1501 = tpu.vector_load %arg12[%swap3A_1499, %swap3A_1500] {strides = array<i32>} : memref<8x128xi32, #tpu.memory_space<vmem>>, vector<16xi32>,
    tpu.vector_store %arg12[%swap3A_1499, %swap3A_1500], %select_n3A_1497 {strides = array<i32>} : memref<8x128xi32, #tpu.memory_space<vmem>>, vector<16xi32>,
    %get3A_1502 = arith.constant 768 : index
    %get3A_1503 = tpu.vector_load %arg11[%get3A_1502] {strides = array<i32>} : memref<1024xi32, #tpu.memory_space<vmem>>, vector<16xi32>,
    %broadcast_in_dim3A_1504 = vector.broadcast %squeeze3A_481 : i32 to vector<16xi32>
    %select_n3A_1505 = arith.select %lt3A_1493, %get3A_1503, %broadcast_in_dim3A_1504 : vector<16xi1>, vector<16xi32>
    %swap3A_1506 = arith.constant 6 : i32
    %swap3A_1507 = arith.index_cast %swap3A_1506 : i32 to index
    %swap3A_1508 = arith.constant 0 : index
    %swap3A_1509 = tpu.vector_load %arg13[%swap3A_1507, %swap3A_1508] {strides = array<i32>} : memref<8x128xi32, #tpu.memory_space<vmem>>, vector<16xi32>,
    tpu.vector_store %arg13[%swap3A_1507, %swap3A_1508], %select_n3A_1505 {strides = array<i32>} : memref<8x128xi32, #tpu.memory_space<vmem>>, vector<16xi32>,
    %add3A_1510 = arith.constant 784 : i32
    %add3A_1511 = vector.broadcast %add3A_1510 : i32 to vector<16xi32>
    %add3A_1512 = arith.addi %add3A_1511, %iota3A : vector<16xi32>
    %lt3A_1513 = vector.broadcast %while3A_476 : i32 to vector<16xi32>
    %lt3A_1514 = arith.cmpi slt, %add3A_1512, %lt3A_1513 : vector<16xi32>
    %get3A_1515 = arith.constant 784 : index
    %get3A_1516 = tpu.vector_load %arg10[%get3A_1515] {strides = array<i32>} : memref<1024xi32, #tpu.memory_space<vmem>>, vector<16xi32>,
    %broadcast_in_dim3A_1517 = vector.broadcast %squeeze3A : i32 to vector<16xi32>
    %select_n3A_1518 = arith.select %lt3A_1514, %get3A_1516, %broadcast_in_dim3A_1517 : vector<16xi1>, vector<16xi32>
    %swap3A_1519 = arith.constant 6 : i32
    %swap3A_1520 = arith.index_cast %swap3A_1519 : i32 to index
    %swap3A_1521 = arith.constant 16 : index
    %swap3A_1522 = tpu.vector_load %arg12[%swap3A_1520, %swap3A_1521] {strides = array<i32>} : memref<8x128xi32, #tpu.memory_space<vmem>>, vector<16xi32>,
    tpu.vector_store %arg12[%swap3A_1520, %swap3A_1521], %select_n3A_1518 {strides = array<i32>} : memref<8x128xi32, #tpu.memory_space<vmem>>, vector<16xi32>,
    %get3A_1523 = arith.constant 784 : index
    %get3A_1524 = tpu.vector_load %arg11[%get3A_1523] {strides = array<i32>} : memref<1024xi32, #tpu.memory_space<vmem>>, vector<16xi32>,
    %broadcast_in_dim3A_1525 = vector.broadcast %squeeze3A_481 : i32 to vector<16xi32>
    %select_n3A_1526 = arith.select %lt3A_1514, %get3A_1524, %broadcast_in_dim3A_1525 : vector<16xi1>, vector<16xi32>
    %swap3A_1527 = arith.constant 6 : i32
    %swap3A_1528 = arith.index_cast %swap3A_1527 : i32 to index
    %swap3A_1529 = arith.constant 16 : index
    %swap3A_1530 = tpu.vector_load %arg13[%swap3A_1528, %swap3A_1529] {strides = array<i32>} : memref<8x128xi32, #tpu.memory_space<vmem>>, vector<16xi32>,
    tpu.vector_store %arg13[%swap3A_1528, %swap3A_1529], %select_n3A_1526 {strides = array<i32>} : memref<8x128xi32, #tpu.memory_space<vmem>>, vector<16xi32>,
    %add3A_1531 = arith.constant 800 : i32
    %add3A_1532 = vector.broadcast %add3A_1531 : i32 to vector<16xi32>
    %add3A_1533 = arith.addi %add3A_1532, %iota3A : vector<16xi32>
    %lt3A_1534 = vector.broadcast %while3A_476 : i32 to vector<16xi32>
    %lt3A_1535 = arith.cmpi slt, %add3A_1533, %lt3A_1534 : vector<16xi32>
    %get3A_1536 = arith.constant 800 : index
    %get3A_1537 = tpu.vector_load %arg10[%get3A_1536] {strides = array<i32>} : memref<1024xi32, #tpu.memory_space<vmem>>, vector<16xi32>,
    %broadcast_in_dim3A_1538 = vector.broadcast %squeeze3A : i32 to vector<16xi32>
    %select_n3A_1539 = arith.select %lt3A_1535, %get3A_1537, %broadcast_in_dim3A_1538 : vector<16xi1>, vector<16xi32>
    %swap3A_1540 = arith.constant 6 : i32
    %swap3A_1541 = arith.index_cast %swap3A_1540 : i32 to index
    %swap3A_1542 = arith.constant 32 : index
    %swap3A_1543 = tpu.vector_load %arg12[%swap3A_1541, %swap3A_1542] {strides = array<i32>} : memref<8x128xi32, #tpu.memory_space<vmem>>, vector<16xi32>,
    tpu.vector_store %arg12[%swap3A_1541, %swap3A_1542], %select_n3A_1539 {strides = array<i32>} : memref<8x128xi32, #tpu.memory_space<vmem>>, vector<16xi32>,
    %get3A_1544 = arith.constant 800 : index
    %get3A_1545 = tpu.vector_load %arg11[%get3A_1544] {strides = array<i32>} : memref<1024xi32, #tpu.memory_space<vmem>>, vector<16xi32>,
    %broadcast_in_dim3A_1546 = vector.broadcast %squeeze3A_481 : i32 to vector<16xi32>
    %select_n3A_1547 = arith.select %lt3A_1535, %get3A_1545, %broadcast_in_dim3A_1546 : vector<16xi1>, vector<16xi32>
    %swap3A_1548 = arith.constant 6 : i32
    %swap3A_1549 = arith.index_cast %swap3A_1548 : i32 to index
    %swap3A_1550 = arith.constant 32 : index
    %swap3A_1551 = tpu.vector_load %arg13[%swap3A_1549, %swap3A_1550] {strides = array<i32>} : memref<8x128xi32, #tpu.memory_space<vmem>>, vector<16xi32>,
    tpu.vector_store %arg13[%swap3A_1549, %swap3A_1550], %select_n3A_1547 {strides = array<i32>} : memref<8x128xi32, #tpu.memory_space<vmem>>, vector<16xi32>,
    %add3A_1552 = arith.constant 816 : i32
    %add3A_1553 = vector.broadcast %add3A_1552 : i32 to vector<16xi32>
    %add3A_1554 = arith.addi %add3A_1553, %iota3A : vector<16xi32>
    %lt3A_1555 = vector.broadcast %while3A_476 : i32 to vector<16xi32>
    %lt3A_1556 = arith.cmpi slt, %add3A_1554, %lt3A_1555 : vector<16xi32>
    %get3A_1557 = arith.constant 816 : index
    %get3A_1558 = tpu.vector_load %arg10[%get3A_1557] {strides = array<i32>} : memref<1024xi32, #tpu.memory_space<vmem>>, vector<16xi32>,
    %broadcast_in_dim3A_1559 = vector.broadcast %squeeze3A : i32 to vector<16xi32>
    %select_n3A_1560 = arith.select %lt3A_1556, %get3A_1558, %broadcast_in_dim3A_1559 : vector<16xi1>, vector<16xi32>
    %swap3A_1561 = arith.constant 6 : i32
    %swap3A_1562 = arith.index_cast %swap3A_1561 : i32 to index
    %swap3A_1563 = arith.constant 48 : index
    %swap3A_1564 = tpu.vector_load %arg12[%swap3A_1562, %swap3A_1563] {strides = array<i32>} : memref<8x128xi32, #tpu.memory_space<vmem>>, vector<16xi32>,
    tpu.vector_store %arg12[%swap3A_1562, %swap3A_1563], %select_n3A_1560 {strides = array<i32>} : memref<8x128xi32, #tpu.memory_space<vmem>>, vector<16xi32>,
    %get3A_1565 = arith.constant 816 : index
    %get3A_1566 = tpu.vector_load %arg11[%get3A_1565] {strides = array<i32>} : memref<1024xi32, #tpu.memory_space<vmem>>, vector<16xi32>,
    %broadcast_in_dim3A_1567 = vector.broadcast %squeeze3A_481 : i32 to vector<16xi32>
    %select_n3A_1568 = arith.select %lt3A_1556, %get3A_1566, %broadcast_in_dim3A_1567 : vector<16xi1>, vector<16xi32>
    %swap3A_1569 = arith.constant 6 : i32
    %swap3A_1570 = arith.index_cast %swap3A_1569 : i32 to index
    %swap3A_1571 = arith.constant 48 : index
    %swap3A_1572 = tpu.vector_load %arg13[%swap3A_1570, %swap3A_1571] {strides = array<i32>} : memref<8x128xi32, #tpu.memory_space<vmem>>, vector<16xi32>,
    tpu.vector_store %arg13[%swap3A_1570, %swap3A_1571], %select_n3A_1568 {strides = array<i32>} : memref<8x128xi32, #tpu.memory_space<vmem>>, vector<16xi32>,
    %add3A_1573 = arith.constant 832 : i32
    %add3A_1574 = vector.broadcast %add3A_1573 : i32 to vector<16xi32>
    %add3A_1575 = arith.addi %add3A_1574, %iota3A : vector<16xi32>
    %lt3A_1576 = vector.broadcast %while3A_476 : i32 to vector<16xi32>
    %lt3A_1577 = arith.cmpi slt, %add3A_1575, %lt3A_1576 : vector<16xi32>
    %get3A_1578 = arith.constant 832 : index
    %get3A_1579 = tpu.vector_load %arg10[%get3A_1578] {strides = array<i32>} : memref<1024xi32, #tpu.memory_space<vmem>>, vector<16xi32>,
    %broadcast_in_dim3A_1580 = vector.broadcast %squeeze3A : i32 to vector<16xi32>
    %select_n3A_1581 = arith.select %lt3A_1577, %get3A_1579, %broadcast_in_dim3A_1580 : vector<16xi1>, vector<16xi32>
    %swap3A_1582 = arith.constant 6 : i32
    %swap3A_1583 = arith.index_cast %swap3A_1582 : i32 to index
    %swap3A_1584 = arith.constant 64 : index
    %swap3A_1585 = tpu.vector_load %arg12[%swap3A_1583, %swap3A_1584] {strides = array<i32>} : memref<8x128xi32, #tpu.memory_space<vmem>>, vector<16xi32>,
    tpu.vector_store %arg12[%swap3A_1583, %swap3A_1584], %select_n3A_1581 {strides = array<i32>} : memref<8x128xi32, #tpu.memory_space<vmem>>, vector<16xi32>,
    %get3A_1586 = arith.constant 832 : index
    %get3A_1587 = tpu.vector_load %arg11[%get3A_1586] {strides = array<i32>} : memref<1024xi32, #tpu.memory_space<vmem>>, vector<16xi32>,
    %broadcast_in_dim3A_1588 = vector.broadcast %squeeze3A_481 : i32 to vector<16xi32>
    %select_n3A_1589 = arith.select %lt3A_1577, %get3A_1587, %broadcast_in_dim3A_1588 : vector<16xi1>, vector<16xi32>
    %swap3A_1590 = arith.constant 6 : i32
    %swap3A_1591 = arith.index_cast %swap3A_1590 : i32 to index
    %swap3A_1592 = arith.constant 64 : index
    %swap3A_1593 = tpu.vector_load %arg13[%swap3A_1591, %swap3A_1592] {strides = array<i32>} : memref<8x128xi32, #tpu.memory_space<vmem>>, vector<16xi32>,
    tpu.vector_store %arg13[%swap3A_1591, %swap3A_1592], %select_n3A_1589 {strides = array<i32>} : memref<8x128xi32, #tpu.memory_space<vmem>>, vector<16xi32>,
    %add3A_1594 = arith.constant 848 : i32
    %add3A_1595 = vector.broadcast %add3A_1594 : i32 to vector<16xi32>
    %add3A_1596 = arith.addi %add3A_1595, %iota3A : vector<16xi32>
    %lt3A_1597 = vector.broadcast %while3A_476 : i32 to vector<16xi32>
    %lt3A_1598 = arith.cmpi slt, %add3A_1596, %lt3A_1597 : vector<16xi32>
    %get3A_1599 = arith.constant 848 : index
    %get3A_1600 = tpu.vector_load %arg10[%get3A_1599] {strides = array<i32>} : memref<1024xi32, #tpu.memory_space<vmem>>, vector<16xi32>,
    %broadcast_in_dim3A_1601 = vector.broadcast %squeeze3A : i32 to vector<16xi32>
    %select_n3A_1602 = arith.select %lt3A_1598, %get3A_1600, %broadcast_in_dim3A_1601 : vector<16xi1>, vector<16xi32>
    %swap3A_1603 = arith.constant 6 : i32
    %swap3A_1604 = arith.index_cast %swap3A_1603 : i32 to index
    %swap3A_1605 = arith.constant 80 : index
    %swap3A_1606 = tpu.vector_load %arg12[%swap3A_1604, %swap3A_1605] {strides = array<i32>} : memref<8x128xi32, #tpu.memory_space<vmem>>, vector<16xi32>,
    tpu.vector_store %arg12[%swap3A_1604, %swap3A_1605], %select_n3A_1602 {strides = array<i32>} : memref<8x128xi32, #tpu.memory_space<vmem>>, vector<16xi32>,
    %get3A_1607 = arith.constant 848 : index
    %get3A_1608 = tpu.vector_load %arg11[%get3A_1607] {strides = array<i32>} : memref<1024xi32, #tpu.memory_space<vmem>>, vector<16xi32>,
    %broadcast_in_dim3A_1609 = vector.broadcast %squeeze3A_481 : i32 to vector<16xi32>
    %select_n3A_1610 = arith.select %lt3A_1598, %get3A_1608, %broadcast_in_dim3A_1609 : vector<16xi1>, vector<16xi32>
    %swap3A_1611 = arith.constant 6 : i32
    %swap3A_1612 = arith.index_cast %swap3A_1611 : i32 to index
    %swap3A_1613 = arith.constant 80 : index
    %swap3A_1614 = tpu.vector_load %arg13[%swap3A_1612, %swap3A_1613] {strides = array<i32>} : memref<8x128xi32, #tpu.memory_space<vmem>>, vector<16xi32>,
    tpu.vector_store %arg13[%swap3A_1612, %swap3A_1613], %select_n3A_1610 {strides = array<i32>} : memref<8x128xi32, #tpu.memory_space<vmem>>, vector<16xi32>,
    %add3A_1615 = arith.constant 864 : i32
    %add3A_1616 = vector.broadcast %add3A_1615 : i32 to vector<16xi32>
    %add3A_1617 = arith.addi %add3A_1616, %iota3A : vector<16xi32>
    %lt3A_1618 = vector.broadcast %while3A_476 : i32 to vector<16xi32>
    %lt3A_1619 = arith.cmpi slt, %add3A_1617, %lt3A_1618 : vector<16xi32>
    %get3A_1620 = arith.constant 864 : index
    %get3A_1621 = tpu.vector_load %arg10[%get3A_1620] {strides = array<i32>} : memref<1024xi32, #tpu.memory_space<vmem>>, vector<16xi32>,
    %broadcast_in_dim3A_1622 = vector.broadcast %squeeze3A : i32 to vector<16xi32>
    %select_n3A_1623 = arith.select %lt3A_1619, %get3A_1621, %broadcast_in_dim3A_1622 : vector<16xi1>, vector<16xi32>
    %swap3A_1624 = arith.constant 6 : i32
    %swap3A_1625 = arith.index_cast %swap3A_1624 : i32 to index
    %swap3A_1626 = arith.constant 96 : index
    %swap3A_1627 = tpu.vector_load %arg12[%swap3A_1625, %swap3A_1626] {strides = array<i32>} : memref<8x128xi32, #tpu.memory_space<vmem>>, vector<16xi32>,
    tpu.vector_store %arg12[%swap3A_1625, %swap3A_1626], %select_n3A_1623 {strides = array<i32>} : memref<8x128xi32, #tpu.memory_space<vmem>>, vector<16xi32>,
    %get3A_1628 = arith.constant 864 : index
    %get3A_1629 = tpu.vector_load %arg11[%get3A_1628] {strides = array<i32>} : memref<1024xi32, #tpu.memory_space<vmem>>, vector<16xi32>,
    %broadcast_in_dim3A_1630 = vector.broadcast %squeeze3A_481 : i32 to vector<16xi32>
    %select_n3A_1631 = arith.select %lt3A_1619, %get3A_1629, %broadcast_in_dim3A_1630 : vector<16xi1>, vector<16xi32>
    %swap3A_1632 = arith.constant 6 : i32
    %swap3A_1633 = arith.index_cast %swap3A_1632 : i32 to index
    %swap3A_1634 = arith.constant 96 : index
    %swap3A_1635 = tpu.vector_load %arg13[%swap3A_1633, %swap3A_1634] {strides = array<i32>} : memref<8x128xi32, #tpu.memory_space<vmem>>, vector<16xi32>,
    tpu.vector_store %arg13[%swap3A_1633, %swap3A_1634], %select_n3A_1631 {strides = array<i32>} : memref<8x128xi32, #tpu.memory_space<vmem>>, vector<16xi32>,
    %add3A_1636 = arith.constant 880 : i32
    %add3A_1637 = vector.broadcast %add3A_1636 : i32 to vector<16xi32>
    %add3A_1638 = arith.addi %add3A_1637, %iota3A : vector<16xi32>
    %lt3A_1639 = vector.broadcast %while3A_476 : i32 to vector<16xi32>
    %lt3A_1640 = arith.cmpi slt, %add3A_1638, %lt3A_1639 : vector<16xi32>
    %get3A_1641 = arith.constant 880 : index
    %get3A_1642 = tpu.vector_load %arg10[%get3A_1641] {strides = array<i32>} : memref<1024xi32, #tpu.memory_space<vmem>>, vector<16xi32>,
    %broadcast_in_dim3A_1643 = vector.broadcast %squeeze3A : i32 to vector<16xi32>
    %select_n3A_1644 = arith.select %lt3A_1640, %get3A_1642, %broadcast_in_dim3A_1643 : vector<16xi1>, vector<16xi32>
    %swap3A_1645 = arith.constant 6 : i32
    %swap3A_1646 = arith.index_cast %swap3A_1645 : i32 to index
    %swap3A_1647 = arith.constant 112 : index
    %swap3A_1648 = tpu.vector_load %arg12[%swap3A_1646, %swap3A_1647] {strides = array<i32>} : memref<8x128xi32, #tpu.memory_space<vmem>>, vector<16xi32>,
    tpu.vector_store %arg12[%swap3A_1646, %swap3A_1647], %select_n3A_1644 {strides = array<i32>} : memref<8x128xi32, #tpu.memory_space<vmem>>, vector<16xi32>,
    %get3A_1649 = arith.constant 880 : index
    %get3A_1650 = tpu.vector_load %arg11[%get3A_1649] {strides = array<i32>} : memref<1024xi32, #tpu.memory_space<vmem>>, vector<16xi32>,
    %broadcast_in_dim3A_1651 = vector.broadcast %squeeze3A_481 : i32 to vector<16xi32>
    %select_n3A_1652 = arith.select %lt3A_1640, %get3A_1650, %broadcast_in_dim3A_1651 : vector<16xi1>, vector<16xi32>
    %swap3A_1653 = arith.constant 6 : i32
    %swap3A_1654 = arith.index_cast %swap3A_1653 : i32 to index
    %swap3A_1655 = arith.constant 112 : index
    %swap3A_1656 = tpu.vector_load %arg13[%swap3A_1654, %swap3A_1655] {strides = array<i32>} : memref<8x128xi32, #tpu.memory_space<vmem>>, vector<16xi32>,
    tpu.vector_store %arg13[%swap3A_1654, %swap3A_1655], %select_n3A_1652 {strides = array<i32>} : memref<8x128xi32, #tpu.memory_space<vmem>>, vector<16xi32>,
    %add3A_1657 = arith.constant 896 : i32
    %add3A_1658 = vector.broadcast %add3A_1657 : i32 to vector<16xi32>
    %add3A_1659 = arith.addi %add3A_1658, %iota3A : vector<16xi32>
    %lt3A_1660 = vector.broadcast %while3A_476 : i32 to vector<16xi32>
    %lt3A_1661 = arith.cmpi slt, %add3A_1659, %lt3A_1660 : vector<16xi32>
    %get3A_1662 = arith.constant 896 : index
    %get3A_1663 = tpu.vector_load %arg10[%get3A_1662] {strides = array<i32>} : memref<1024xi32, #tpu.memory_space<vmem>>, vector<16xi32>,
    %broadcast_in_dim3A_1664 = vector.broadcast %squeeze3A : i32 to vector<16xi32>
    %select_n3A_1665 = arith.select %lt3A_1661, %get3A_1663, %broadcast_in_dim3A_1664 : vector<16xi1>, vector<16xi32>
    %swap3A_1666 = arith.constant 7 : i32
    %swap3A_1667 = arith.index_cast %swap3A_1666 : i32 to index
    %swap3A_1668 = arith.constant 0 : index
    %swap3A_1669 = tpu.vector_load %arg12[%swap3A_1667, %swap3A_1668] {strides = array<i32>} : memref<8x128xi32, #tpu.memory_space<vmem>>, vector<16xi32>,
    tpu.vector_store %arg12[%swap3A_1667, %swap3A_1668], %select_n3A_1665 {strides = array<i32>} : memref<8x128xi32, #tpu.memory_space<vmem>>, vector<16xi32>,
    %get3A_1670 = arith.constant 896 : index
    %get3A_1671 = tpu.vector_load %arg11[%get3A_1670] {strides = array<i32>} : memref<1024xi32, #tpu.memory_space<vmem>>, vector<16xi32>,
    %broadcast_in_dim3A_1672 = vector.broadcast %squeeze3A_481 : i32 to vector<16xi32>
    %select_n3A_1673 = arith.select %lt3A_1661, %get3A_1671, %broadcast_in_dim3A_1672 : vector<16xi1>, vector<16xi32>
    %swap3A_1674 = arith.constant 7 : i32
    %swap3A_1675 = arith.index_cast %swap3A_1674 : i32 to index
    %swap3A_1676 = arith.constant 0 : index
    %swap3A_1677 = tpu.vector_load %arg13[%swap3A_1675, %swap3A_1676] {strides = array<i32>} : memref<8x128xi32, #tpu.memory_space<vmem>>, vector<16xi32>,
    tpu.vector_store %arg13[%swap3A_1675, %swap3A_1676], %select_n3A_1673 {strides = array<i32>} : memref<8x128xi32, #tpu.memory_space<vmem>>, vector<16xi32>,
    %add3A_1678 = arith.constant 912 : i32
    %add3A_1679 = vector.broadcast %add3A_1678 : i32 to vector<16xi32>
    %add3A_1680 = arith.addi %add3A_1679, %iota3A : vector<16xi32>
    %lt3A_1681 = vector.broadcast %while3A_476 : i32 to vector<16xi32>
    %lt3A_1682 = arith.cmpi slt, %add3A_1680, %lt3A_1681 : vector<16xi32>
    %get3A_1683 = arith.constant 912 : index
    %get3A_1684 = tpu.vector_load %arg10[%get3A_1683] {strides = array<i32>} : memref<1024xi32, #tpu.memory_space<vmem>>, vector<16xi32>,
    %broadcast_in_dim3A_1685 = vector.broadcast %squeeze3A : i32 to vector<16xi32>
    %select_n3A_1686 = arith.select %lt3A_1682, %get3A_1684, %broadcast_in_dim3A_1685 : vector<16xi1>, vector<16xi32>
    %swap3A_1687 = arith.constant 7 : i32
    %swap3A_1688 = arith.index_cast %swap3A_1687 : i32 to index
    %swap3A_1689 = arith.constant 16 : index
    %swap3A_1690 = tpu.vector_load %arg12[%swap3A_1688, %swap3A_1689] {strides = array<i32>} : memref<8x128xi32, #tpu.memory_space<vmem>>, vector<16xi32>,
    tpu.vector_store %arg12[%swap3A_1688, %swap3A_1689], %select_n3A_1686 {strides = array<i32>} : memref<8x128xi32, #tpu.memory_space<vmem>>, vector<16xi32>,
    %get3A_1691 = arith.constant 912 : index
    %get3A_1692 = tpu.vector_load %arg11[%get3A_1691] {strides = array<i32>} : memref<1024xi32, #tpu.memory_space<vmem>>, vector<16xi32>,
    %broadcast_in_dim3A_1693 = vector.broadcast %squeeze3A_481 : i32 to vector<16xi32>
    %select_n3A_1694 = arith.select %lt3A_1682, %get3A_1692, %broadcast_in_dim3A_1693 : vector<16xi1>, vector<16xi32>
    %swap3A_1695 = arith.constant 7 : i32
    %swap3A_1696 = arith.index_cast %swap3A_1695 : i32 to index
    %swap3A_1697 = arith.constant 16 : index
    %swap3A_1698 = tpu.vector_load %arg13[%swap3A_1696, %swap3A_1697] {strides = array<i32>} : memref<8x128xi32, #tpu.memory_space<vmem>>, vector<16xi32>,
    tpu.vector_store %arg13[%swap3A_1696, %swap3A_1697], %select_n3A_1694 {strides = array<i32>} : memref<8x128xi32, #tpu.memory_space<vmem>>, vector<16xi32>,
    %add3A_1699 = arith.constant 928 : i32
    %add3A_1700 = vector.broadcast %add3A_1699 : i32 to vector<16xi32>
    %add3A_1701 = arith.addi %add3A_1700, %iota3A : vector<16xi32>
    %lt3A_1702 = vector.broadcast %while3A_476 : i32 to vector<16xi32>
    %lt3A_1703 = arith.cmpi slt, %add3A_1701, %lt3A_1702 : vector<16xi32>
    %get3A_1704 = arith.constant 928 : index
    %get3A_1705 = tpu.vector_load %arg10[%get3A_1704] {strides = array<i32>} : memref<1024xi32, #tpu.memory_space<vmem>>, vector<16xi32>,
    %broadcast_in_dim3A_1706 = vector.broadcast %squeeze3A : i32 to vector<16xi32>
    %select_n3A_1707 = arith.select %lt3A_1703, %get3A_1705, %broadcast_in_dim3A_1706 : vector<16xi1>, vector<16xi32>
    %swap3A_1708 = arith.constant 7 : i32
    %swap3A_1709 = arith.index_cast %swap3A_1708 : i32 to index
    %swap3A_1710 = arith.constant 32 : index
    %swap3A_1711 = tpu.vector_load %arg12[%swap3A_1709, %swap3A_1710] {strides = array<i32>} : memref<8x128xi32, #tpu.memory_space<vmem>>, vector<16xi32>,
    tpu.vector_store %arg12[%swap3A_1709, %swap3A_1710], %select_n3A_1707 {strides = array<i32>} : memref<8x128xi32, #tpu.memory_space<vmem>>, vector<16xi32>,
    %get3A_1712 = arith.constant 928 : index
    %get3A_1713 = tpu.vector_load %arg11[%get3A_1712] {strides = array<i32>} : memref<1024xi32, #tpu.memory_space<vmem>>, vector<16xi32>,
    %broadcast_in_dim3A_1714 = vector.broadcast %squeeze3A_481 : i32 to vector<16xi32>
    %select_n3A_1715 = arith.select %lt3A_1703, %get3A_1713, %broadcast_in_dim3A_1714 : vector<16xi1>, vector<16xi32>
    %swap3A_1716 = arith.constant 7 : i32
    %swap3A_1717 = arith.index_cast %swap3A_1716 : i32 to index
    %swap3A_1718 = arith.constant 32 : index
    %swap3A_1719 = tpu.vector_load %arg13[%swap3A_1717, %swap3A_1718] {strides = array<i32>} : memref<8x128xi32, #tpu.memory_space<vmem>>, vector<16xi32>,
    tpu.vector_store %arg13[%swap3A_1717, %swap3A_1718], %select_n3A_1715 {strides = array<i32>} : memref<8x128xi32, #tpu.memory_space<vmem>>, vector<16xi32>,
    %add3A_1720 = arith.constant 944 : i32
    %add3A_1721 = vector.broadcast %add3A_1720 : i32 to vector<16xi32>
    %add3A_1722 = arith.addi %add3A_1721, %iota3A : vector<16xi32>
    %lt3A_1723 = vector.broadcast %while3A_476 : i32 to vector<16xi32>
    %lt3A_1724 = arith.cmpi slt, %add3A_1722, %lt3A_1723 : vector<16xi32>
    %get3A_1725 = arith.constant 944 : index
    %get3A_1726 = tpu.vector_load %arg10[%get3A_1725] {strides = array<i32>} : memref<1024xi32, #tpu.memory_space<vmem>>, vector<16xi32>,
    %broadcast_in_dim3A_1727 = vector.broadcast %squeeze3A : i32 to vector<16xi32>
    %select_n3A_1728 = arith.select %lt3A_1724, %get3A_1726, %broadcast_in_dim3A_1727 : vector<16xi1>, vector<16xi32>
    %swap3A_1729 = arith.constant 7 : i32
    %swap3A_1730 = arith.index_cast %swap3A_1729 : i32 to index
    %swap3A_1731 = arith.constant 48 : index
    %swap3A_1732 = tpu.vector_load %arg12[%swap3A_1730, %swap3A_1731] {strides = array<i32>} : memref<8x128xi32, #tpu.memory_space<vmem>>, vector<16xi32>,
    tpu.vector_store %arg12[%swap3A_1730, %swap3A_1731], %select_n3A_1728 {strides = array<i32>} : memref<8x128xi32, #tpu.memory_space<vmem>>, vector<16xi32>,
    %get3A_1733 = arith.constant 944 : index
    %get3A_1734 = tpu.vector_load %arg11[%get3A_1733] {strides = array<i32>} : memref<1024xi32, #tpu.memory_space<vmem>>, vector<16xi32>,
    %broadcast_in_dim3A_1735 = vector.broadcast %squeeze3A_481 : i32 to vector<16xi32>
    %select_n3A_1736 = arith.select %lt3A_1724, %get3A_1734, %broadcast_in_dim3A_1735 : vector<16xi1>, vector<16xi32>
    %swap3A_1737 = arith.constant 7 : i32
    %swap3A_1738 = arith.index_cast %swap3A_1737 : i32 to index
    %swap3A_1739 = arith.constant 48 : index
    %swap3A_1740 = tpu.vector_load %arg13[%swap3A_1738, %swap3A_1739] {strides = array<i32>} : memref<8x128xi32, #tpu.memory_space<vmem>>, vector<16xi32>,
    tpu.vector_store %arg13[%swap3A_1738, %swap3A_1739], %select_n3A_1736 {strides = array<i32>} : memref<8x128xi32, #tpu.memory_space<vmem>>, vector<16xi32>,
    %add3A_1741 = arith.constant 960 : i32
    %add3A_1742 = vector.broadcast %add3A_1741 : i32 to vector<16xi32>
    %add3A_1743 = arith.addi %add3A_1742, %iota3A : vector<16xi32>
    %lt3A_1744 = vector.broadcast %while3A_476 : i32 to vector<16xi32>
    %lt3A_1745 = arith.cmpi slt, %add3A_1743, %lt3A_1744 : vector<16xi32>
    %get3A_1746 = arith.constant 960 : index
    %get3A_1747 = tpu.vector_load %arg10[%get3A_1746] {strides = array<i32>} : memref<1024xi32, #tpu.memory_space<vmem>>, vector<16xi32>,
    %broadcast_in_dim3A_1748 = vector.broadcast %squeeze3A : i32 to vector<16xi32>
    %select_n3A_1749 = arith.select %lt3A_1745, %get3A_1747, %broadcast_in_dim3A_1748 : vector<16xi1>, vector<16xi32>
    %swap3A_1750 = arith.constant 7 : i32
    %swap3A_1751 = arith.index_cast %swap3A_1750 : i32 to index
    %swap3A_1752 = arith.constant 64 : index
    %swap3A_1753 = tpu.vector_load %arg12[%swap3A_1751, %swap3A_1752] {strides = array<i32>} : memref<8x128xi32, #tpu.memory_space<vmem>>, vector<16xi32>,
    tpu.vector_store %arg12[%swap3A_1751, %swap3A_1752], %select_n3A_1749 {strides = array<i32>} : memref<8x128xi32, #tpu.memory_space<vmem>>, vector<16xi32>,
    %get3A_1754 = arith.constant 960 : index
    %get3A_1755 = tpu.vector_load %arg11[%get3A_1754] {strides = array<i32>} : memref<1024xi32, #tpu.memory_space<vmem>>, vector<16xi32>,
    %broadcast_in_dim3A_1756 = vector.broadcast %squeeze3A_481 : i32 to vector<16xi32>
    %select_n3A_1757 = arith.select %lt3A_1745, %get3A_1755, %broadcast_in_dim3A_1756 : vector<16xi1>, vector<16xi32>
    %swap3A_1758 = arith.constant 7 : i32
    %swap3A_1759 = arith.index_cast %swap3A_1758 : i32 to index
    %swap3A_1760 = arith.constant 64 : index
    %swap3A_1761 = tpu.vector_load %arg13[%swap3A_1759, %swap3A_1760] {strides = array<i32>} : memref<8x128xi32, #tpu.memory_space<vmem>>, vector<16xi32>,
    tpu.vector_store %arg13[%swap3A_1759, %swap3A_1760], %select_n3A_1757 {strides = array<i32>} : memref<8x128xi32, #tpu.memory_space<vmem>>, vector<16xi32>,
    %add3A_1762 = arith.constant 976 : i32
    %add3A_1763 = vector.broadcast %add3A_1762 : i32 to vector<16xi32>
    %add3A_1764 = arith.addi %add3A_1763, %iota3A : vector<16xi32>
    %lt3A_1765 = vector.broadcast %while3A_476 : i32 to vector<16xi32>
    %lt3A_1766 = arith.cmpi slt, %add3A_1764, %lt3A_1765 : vector<16xi32>
    %get3A_1767 = arith.constant 976 : index
    %get3A_1768 = tpu.vector_load %arg10[%get3A_1767] {strides = array<i32>} : memref<1024xi32, #tpu.memory_space<vmem>>, vector<16xi32>,
    %broadcast_in_dim3A_1769 = vector.broadcast %squeeze3A : i32 to vector<16xi32>
    %select_n3A_1770 = arith.select %lt3A_1766, %get3A_1768, %broadcast_in_dim3A_1769 : vector<16xi1>, vector<16xi32>
    %swap3A_1771 = arith.constant 7 : i32
    %swap3A_1772 = arith.index_cast %swap3A_1771 : i32 to index
    %swap3A_1773 = arith.constant 80 : index
    %swap3A_1774 = tpu.vector_load %arg12[%swap3A_1772, %swap3A_1773] {strides = array<i32>} : memref<8x128xi32, #tpu.memory_space<vmem>>, vector<16xi32>,
    tpu.vector_store %arg12[%swap3A_1772, %swap3A_1773], %select_n3A_1770 {strides = array<i32>} : memref<8x128xi32, #tpu.memory_space<vmem>>, vector<16xi32>,
    %get3A_1775 = arith.constant 976 : index
    %get3A_1776 = tpu.vector_load %arg11[%get3A_1775] {strides = array<i32>} : memref<1024xi32, #tpu.memory_space<vmem>>, vector<16xi32>,
    %broadcast_in_dim3A_1777 = vector.broadcast %squeeze3A_481 : i32 to vector<16xi32>
    %select_n3A_1778 = arith.select %lt3A_1766, %get3A_1776, %broadcast_in_dim3A_1777 : vector<16xi1>, vector<16xi32>
    %swap3A_1779 = arith.constant 7 : i32
    %swap3A_1780 = arith.index_cast %swap3A_1779 : i32 to index
    %swap3A_1781 = arith.constant 80 : index
    %swap3A_1782 = tpu.vector_load %arg13[%swap3A_1780, %swap3A_1781] {strides = array<i32>} : memref<8x128xi32, #tpu.memory_space<vmem>>, vector<16xi32>,
    tpu.vector_store %arg13[%swap3A_1780, %swap3A_1781], %select_n3A_1778 {strides = array<i32>} : memref<8x128xi32, #tpu.memory_space<vmem>>, vector<16xi32>,
    %add3A_1783 = arith.constant 992 : i32
    %add3A_1784 = vector.broadcast %add3A_1783 : i32 to vector<16xi32>
    %add3A_1785 = arith.addi %add3A_1784, %iota3A : vector<16xi32>
    %lt3A_1786 = vector.broadcast %while3A_476 : i32 to vector<16xi32>
    %lt3A_1787 = arith.cmpi slt, %add3A_1785, %lt3A_1786 : vector<16xi32>
    %get3A_1788 = arith.constant 992 : index
    %get3A_1789 = tpu.vector_load %arg10[%get3A_1788] {strides = array<i32>} : memref<1024xi32, #tpu.memory_space<vmem>>, vector<16xi32>,
    %broadcast_in_dim3A_1790 = vector.broadcast %squeeze3A : i32 to vector<16xi32>
    %select_n3A_1791 = arith.select %lt3A_1787, %get3A_1789, %broadcast_in_dim3A_1790 : vector<16xi1>, vector<16xi32>
    %swap3A_1792 = arith.constant 7 : i32
    %swap3A_1793 = arith.index_cast %swap3A_1792 : i32 to index
    %swap3A_1794 = arith.constant 96 : index
    %swap3A_1795 = tpu.vector_load %arg12[%swap3A_1793, %swap3A_1794] {strides = array<i32>} : memref<8x128xi32, #tpu.memory_space<vmem>>, vector<16xi32>,
    tpu.vector_store %arg12[%swap3A_1793, %swap3A_1794], %select_n3A_1791 {strides = array<i32>} : memref<8x128xi32, #tpu.memory_space<vmem>>, vector<16xi32>,
    %get3A_1796 = arith.constant 992 : index
    %get3A_1797 = tpu.vector_load %arg11[%get3A_1796] {strides = array<i32>} : memref<1024xi32, #tpu.memory_space<vmem>>, vector<16xi32>,
    %broadcast_in_dim3A_1798 = vector.broadcast %squeeze3A_481 : i32 to vector<16xi32>
    %select_n3A_1799 = arith.select %lt3A_1787, %get3A_1797, %broadcast_in_dim3A_1798 : vector<16xi1>, vector<16xi32>
    %swap3A_1800 = arith.constant 7 : i32
    %swap3A_1801 = arith.index_cast %swap3A_1800 : i32 to index
    %swap3A_1802 = arith.constant 96 : index
    %swap3A_1803 = tpu.vector_load %arg13[%swap3A_1801, %swap3A_1802] {strides = array<i32>} : memref<8x128xi32, #tpu.memory_space<vmem>>, vector<16xi32>,
    tpu.vector_store %arg13[%swap3A_1801, %swap3A_1802], %select_n3A_1799 {strides = array<i32>} : memref<8x128xi32, #tpu.memory_space<vmem>>, vector<16xi32>,
    %add3A_1804 = arith.constant 1008 : i32
    %add3A_1805 = vector.broadcast %add3A_1804 : i32 to vector<16xi32>
    %add3A_1806 = arith.addi %add3A_1805, %iota3A : vector<16xi32>
    %lt3A_1807 = vector.broadcast %while3A_476 : i32 to vector<16xi32>
    %lt3A_1808 = arith.cmpi slt, %add3A_1806, %lt3A_1807 : vector<16xi32>
    %get3A_1809 = arith.constant 1008 : index
    %get3A_1810 = tpu.vector_load %arg10[%get3A_1809] {strides = array<i32>} : memref<1024xi32, #tpu.memory_space<vmem>>, vector<16xi32>,
    %broadcast_in_dim3A_1811 = vector.broadcast %squeeze3A : i32 to vector<16xi32>
    %select_n3A_1812 = arith.select %lt3A_1808, %get3A_1810, %broadcast_in_dim3A_1811 : vector<16xi1>, vector<16xi32>
    %swap3A_1813 = arith.constant 7 : i32
    %swap3A_1814 = arith.index_cast %swap3A_1813 : i32 to index
    %swap3A_1815 = arith.constant 112 : index
    %swap3A_1816 = tpu.vector_load %arg12[%swap3A_1814, %swap3A_1815] {strides = array<i32>} : memref<8x128xi32, #tpu.memory_space<vmem>>, vector<16xi32>,
    tpu.vector_store %arg12[%swap3A_1814, %swap3A_1815], %select_n3A_1812 {strides = array<i32>} : memref<8x128xi32, #tpu.memory_space<vmem>>, vector<16xi32>,
    %get3A_1817 = arith.constant 1008 : index
    %get3A_1818 = tpu.vector_load %arg11[%get3A_1817] {strides = array<i32>} : memref<1024xi32, #tpu.memory_space<vmem>>, vector<16xi32>,
    %broadcast_in_dim3A_1819 = vector.broadcast %squeeze3A_481 : i32 to vector<16xi32>
    %select_n3A_1820 = arith.select %lt3A_1808, %get3A_1818, %broadcast_in_dim3A_1819 : vector<16xi1>, vector<16xi32>
    %swap3A_1821 = arith.constant 7 : i32
    %swap3A_1822 = arith.index_cast %swap3A_1821 : i32 to index
    %swap3A_1823 = arith.constant 112 : index
    %swap3A_1824 = tpu.vector_load %arg13[%swap3A_1822, %swap3A_1823] {strides = array<i32>} : memref<8x128xi32, #tpu.memory_space<vmem>>, vector<16xi32>,
    tpu.vector_store %arg13[%swap3A_1822, %swap3A_1823], %select_n3A_1820 {strides = array<i32>} : memref<8x128xi32, #tpu.memory_space<vmem>>, vector<16xi32>,
    %add3A_1825 = arith.constant 127 : i32
    %add3A_1826 = arith.addi %while3A_476, %add3A_1825 : i32
    %jit3A_1827 = arith.constant 128 : i32
    %div3A_1828 = arith.divsi %add3A_1826, %jit3A_1827 : i32
    %sign3A_1829 = arith.constant 0 : i32
    %sign3A_1830 = arith.cmpi sgt, %add3A_1826, %sign3A_1829 : i32
    %sign3A_1831 = arith.extui %sign3A_1830 : i1 to i32
    %sign3A_1832 = arith.constant 0 : i32
    %sign3A_1833 = arith.cmpi slt, %add3A_1826, %sign3A_1832 : i32
    %sign3A_1834 = arith.extui %sign3A_1833 : i1 to i32
    %sign3A_1835 = arith.subi %sign3A_1831, %sign3A_1834 : i32
    %sign3A_1836 = arith.constant 0 : i32
    %sign3A_1837 = arith.cmpi sgt, %jit3A_1827, %sign3A_1836 : i32
    %sign3A_1838 = arith.extui %sign3A_1837 : i1 to i32
    %sign3A_1839 = arith.constant 0 : i32
    %sign3A_1840 = arith.cmpi slt, %jit3A_1827, %sign3A_1839 : i32
    %sign3A_1841 = arith.extui %sign3A_1840 : i1 to i32
    %sign3A_1842 = arith.subi %sign3A_1838, %sign3A_1841 : i32
    %ne3A_1843 = arith.cmpi ne, %sign3A_1835, %sign3A_1842 : i32
    %rem3A_1844 = arith.remsi %add3A_1826, %jit3A_1827 : i32
    %ne3A_1845 = arith.constant 0 : i32
    %ne3A_1846 = arith.cmpi ne, %rem3A_1844, %ne3A_1845 : i32
    %and3A_1847 = arith.andi %ne3A_1843, %ne3A_1846 : i1
    %sub3A_1848 = arith.constant 1 : i32
    %sub3A_1849 = arith.subi %div3A_1828, %sub3A_1848 : i32
    %select_n3A_1850 = arith.select %and3A_1847, %sub3A_1849, %div3A_1828 : i32
    %add3A_1851 = arith.constant 1 : i32
    %add3A_1852 = arith.addi %select_n3A_1850, %add3A_1851 : i32
    %jit3A_1853 = arith.constant 2 : i32
    %div3A_1854 = arith.divsi %add3A_1852, %jit3A_1853 : i32
    %sign3A_1855 = arith.constant 0 : i32
    %sign3A_1856 = arith.cmpi sgt, %add3A_1852, %sign3A_1855 : i32
    %sign3A_1857 = arith.extui %sign3A_1856 : i1 to i32
    %sign3A_1858 = arith.constant 0 : i32
    %sign3A_1859 = arith.cmpi slt, %add3A_1852, %sign3A_1858 : i32
    %sign3A_1860 = arith.extui %sign3A_1859 : i1 to i32
    %sign3A_1861 = arith.subi %sign3A_1857, %sign3A_1860 : i32
    %sign3A_1862 = arith.constant 0 : i32
    %sign3A_1863 = arith.cmpi sgt, %jit3A_1853, %sign3A_1862 : i32
    %sign3A_1864 = arith.extui %sign3A_1863 : i1 to i32
    %sign3A_1865 = arith.constant 0 : i32
    %sign3A_1866 = arith.cmpi slt, %jit3A_1853, %sign3A_1865 : i32
    %sign3A_1867 = arith.extui %sign3A_1866 : i1 to i32
    %sign3A_1868 = arith.subi %sign3A_1864, %sign3A_1867 : i32
    %ne3A_1869 = arith.cmpi ne, %sign3A_1861, %sign3A_1868 : i32
    %rem3A_1870 = arith.remsi %add3A_1852, %jit3A_1853 : i32
    %ne3A_1871 = arith.constant 0 : i32
    %ne3A_1872 = arith.cmpi ne, %rem3A_1870, %ne3A_1871 : i32
    %and3A_1873 = arith.andi %ne3A_1869, %ne3A_1872 : i1
    %sub3A_1874 = arith.constant 1 : i32
    %sub3A_1875 = arith.subi %div3A_1854, %sub3A_1874 : i32
    %select_n3A_1876 = arith.select %and3A_1873, %sub3A_1875, %div3A_1854 : i32
    %while3A_1877 = arith.constant 0 : i32
    %while3A_1878 = arith.constant 0 : i32
    %while3A_1879 = arith.subi %select_n3A_1876, %while3A_1878 : i32
    %while3A_1880 = arith.addi %while3A_1878, %while3A_1879 : i32
    %while3A_1881 = arith.constant 1 : i32
    %while3A_1882 = arith.divsi %while3A_1879, %while3A_1881 : i32
    %while3A_1883 = arith.muli %while3A_1882, %while3A_1881 : i32
    %while3A_1884 = arith.addi %while3A_1878, %while3A_1883 : i32
    %while3A_1885 = arith.constant 1 : i32
    scf.for %while3A_1887 = %while3A_1878 to %while3A_1884 step %while3A_1885  : i32 {
      %mul3A_1888 = arith.constant 2 : i32
      %mul3A_1889 = arith.muli %mul3A_1888, %while3A_1887 : i32
      %dma_start3A_1890 = arith.constant 0 : i32
      %dma_start3A_1891 = tpu.memref_slice %arg13[%mul3A_1889, %dma_start3A_1890] : memref<8x128xi32, #tpu.memory_space<vmem>> -> memref<1x128xi32, #tpu.memory_space<vmem>>
      %dma_start3A_1892 = tpu.memref_squeeze %dma_start3A_1891 : memref<1x128xi32, #tpu.memory_space<vmem>> -> memref<128xi32, #tpu.memory_space<vmem>>
      %dma_start3A_1893 = arith.constant 0 : i32
      %dma_start3A_1894 = arith.constant 0 : i32
      %dma_start3A_1895 = tpu.memref_slice %arg4[%dma_start3A_1893, %dma_start3A_1894] : memref<16384x128xf32, #tpu.memory_space<hbm>> -> memref<16384x128xf32, #tpu.memory_space<hbm>>
      tpu.enqueue_indirect_dma source(%dma_start3A_1895 : memref<16384x128xf32, #tpu.memory_space<hbm>>) target(%arg14 : memref<128x128xf32, #tpu.memory_space<vmem>>) offsets(%dma_start3A_1892 : memref<128xi32, #tpu.memory_space<vmem>>) semaphore(%arg17 : memref<!tpu.dma_semaphore, #tpu.memory_space<semaphore_mem>>)
      %mul3A_1896 = arith.constant 2 : i32
      %mul3A_1897 = arith.muli %mul3A_1896, %while3A_1887 : i32
      %add3A_1898 = arith.constant 1 : i32
      %add3A_1899 = arith.addi %mul3A_1897, %add3A_1898 : i32
      %dma_start3A_1900 = arith.constant 0 : i32
      %dma_start3A_1901 = tpu.memref_slice %arg13[%add3A_1899, %dma_start3A_1900] : memref<8x128xi32, #tpu.memory_space<vmem>> -> memref<1x128xi32, #tpu.memory_space<vmem>>
      %dma_start3A_1902 = tpu.memref_squeeze %dma_start3A_1901 : memref<1x128xi32, #tpu.memory_space<vmem>> -> memref<128xi32, #tpu.memory_space<vmem>>
      %dma_start3A_1903 = arith.constant 0 : i32
      %dma_start3A_1904 = arith.constant 0 : i32
      %dma_start3A_1905 = tpu.memref_slice %arg4[%dma_start3A_1903, %dma_start3A_1904] : memref<16384x128xf32, #tpu.memory_space<hbm>> -> memref<16384x128xf32, #tpu.memory_space<hbm>>
      tpu.enqueue_indirect_dma source(%dma_start3A_1905 : memref<16384x128xf32, #tpu.memory_space<hbm>>) target(%arg15 : memref<128x128xf32, #tpu.memory_space<vmem>>) offsets(%dma_start3A_1902 : memref<128xi32, #tpu.memory_space<vmem>>) semaphore(%arg19 : memref<!tpu.dma_semaphore, #tpu.memory_space<semaphore_mem>>)
      %dma_wait3A_1906 = arith.constant 0 : i32
      %dma_wait3A_1907 = tpu.memref_slice %arg13[%mul3A_1889, %dma_wait3A_1906] : memref<8x128xi32, #tpu.memory_space<vmem>> -> memref<1x128xi32, #tpu.memory_space<vmem>>
      %dma_wait3A_1908 = tpu.memref_squeeze %dma_wait3A_1907 : memref<1x128xi32, #tpu.memory_space<vmem>> -> memref<128xi32, #tpu.memory_space<vmem>>
      %dma_wait3A_1909 = arith.constant 0 : i32
      %dma_wait3A_1910 = arith.constant 0 : i32
      %dma_wait3A_1911 = tpu.memref_slice %arg4[%dma_wait3A_1909, %dma_wait3A_1910] : memref<16384x128xf32, #tpu.memory_space<hbm>> -> memref<16384x128xf32, #tpu.memory_space<hbm>>
      tpu.wait_indirect_dma semaphore(%arg17 : memref<!tpu.dma_semaphore, #tpu.memory_space<semaphore_mem>>) src(%dma_wait3A_1911 : memref<16384x128xf32, #tpu.memory_space<hbm>>) dst(%arg14 : memref<128x128xf32, #tpu.memory_space<vmem>>)
      %mul3A_1912 = arith.constant 2 : i32
      %mul3A_1913 = arith.muli %mul3A_1912, %while3A_1887 : i32
      %dma_start3A_1914 = arith.constant 0 : i32
      %dma_start3A_1915 = tpu.memref_slice %arg12[%mul3A_1913, %dma_start3A_1914] : memref<8x128xi32, #tpu.memory_space<vmem>> -> memref<1x128xi32, #tpu.memory_space<vmem>>
      %dma_start3A_1916 = tpu.memref_squeeze %dma_start3A_1915 : memref<1x128xi32, #tpu.memory_space<vmem>> -> memref<128xi32, #tpu.memory_space<vmem>>
      %dma_start3A_1917 = arith.constant 0 : i32
      %dma_start3A_1918 = arith.constant 0 : i32
      %dma_start3A_1919 = tpu.memref_slice %arg5[%dma_start3A_1917, %dma_start3A_1918] : memref<100000x128xf32, #tpu.memory_space<hbm>> -> memref<100000x128xf32, #tpu.memory_space<hbm>>
      tpu.enqueue_indirect_dma source(%arg14 : memref<128x128xf32, #tpu.memory_space<vmem>>) target(%dma_start3A_1919 : memref<100000x128xf32, #tpu.memory_space<hbm>>) offsets(%dma_start3A_1916 : memref<128xi32, #tpu.memory_space<vmem>>) semaphore(%arg18 : memref<!tpu.dma_semaphore, #tpu.memory_space<semaphore_mem>>)
      %dma_wait3A_1920 = arith.constant 0 : i32
      %dma_wait3A_1921 = tpu.memref_slice %arg13[%add3A_1899, %dma_wait3A_1920] : memref<8x128xi32, #tpu.memory_space<vmem>> -> memref<1x128xi32, #tpu.memory_space<vmem>>
      %dma_wait3A_1922 = tpu.memref_squeeze %dma_wait3A_1921 : memref<1x128xi32, #tpu.memory_space<vmem>> -> memref<128xi32, #tpu.memory_space<vmem>>
      %dma_wait3A_1923 = arith.constant 0 : i32
      %dma_wait3A_1924 = arith.constant 0 : i32
      %dma_wait3A_1925 = tpu.memref_slice %arg4[%dma_wait3A_1923, %dma_wait3A_1924] : memref<16384x128xf32, #tpu.memory_space<hbm>> -> memref<16384x128xf32, #tpu.memory_space<hbm>>
      tpu.wait_indirect_dma semaphore(%arg19 : memref<!tpu.dma_semaphore, #tpu.memory_space<semaphore_mem>>) src(%dma_wait3A_1925 : memref<16384x128xf32, #tpu.memory_space<hbm>>) dst(%arg15 : memref<128x128xf32, #tpu.memory_space<vmem>>)
      %mul3A_1926 = arith.constant 2 : i32
      %mul3A_1927 = arith.muli %mul3A_1926, %while3A_1887 : i32
      %add3A_1928 = arith.constant 1 : i32
      %add3A_1929 = arith.addi %mul3A_1927, %add3A_1928 : i32
      %dma_start3A_1930 = arith.constant 0 : i32
      %dma_start3A_1931 = tpu.memref_slice %arg12[%add3A_1929, %dma_start3A_1930] : memref<8x128xi32, #tpu.memory_space<vmem>> -> memref<1x128xi32, #tpu.memory_space<vmem>>
      %dma_start3A_1932 = tpu.memref_squeeze %dma_start3A_1931 : memref<1x128xi32, #tpu.memory_space<vmem>> -> memref<128xi32, #tpu.memory_space<vmem>>
      %dma_start3A_1933 = arith.constant 0 : i32
      %dma_start3A_1934 = arith.constant 0 : i32
      %dma_start3A_1935 = tpu.memref_slice %arg5[%dma_start3A_1933, %dma_start3A_1934] : memref<100000x128xf32, #tpu.memory_space<hbm>> -> memref<100000x128xf32, #tpu.memory_space<hbm>>
      tpu.enqueue_indirect_dma source(%arg15 : memref<128x128xf32, #tpu.memory_space<vmem>>) target(%dma_start3A_1935 : memref<100000x128xf32, #tpu.memory_space<hbm>>) offsets(%dma_start3A_1932 : memref<128xi32, #tpu.memory_space<vmem>>) semaphore(%arg20 : memref<!tpu.dma_semaphore, #tpu.memory_space<semaphore_mem>>)
      %dma_wait3A_1936 = arith.constant 0 : i32
      %dma_wait3A_1937 = tpu.memref_slice %arg12[%mul3A_1913, %dma_wait3A_1936] : memref<8x128xi32, #tpu.memory_space<vmem>> -> memref<1x128xi32, #tpu.memory_space<vmem>>
      %dma_wait3A_1938 = tpu.memref_squeeze %dma_wait3A_1937 : memref<1x128xi32, #tpu.memory_space<vmem>> -> memref<128xi32, #tpu.memory_space<vmem>>
      %dma_wait3A_1939 = arith.constant 0 : i32
      %dma_wait3A_1940 = arith.constant 0 : i32
      %dma_wait3A_1941 = tpu.memref_slice %arg5[%dma_wait3A_1939, %dma_wait3A_1940] : memref<100000x128xf32, #tpu.memory_space<hbm>> -> memref<100000x128xf32, #tpu.memory_space<hbm>>
      tpu.wait_indirect_dma semaphore(%arg18 : memref<!tpu.dma_semaphore, #tpu.memory_space<semaphore_mem>>) src(%arg14 : memref<128x128xf32, #tpu.memory_space<vmem>>) dst(%dma_wait3A_1941 : memref<100000x128xf32, #tpu.memory_space<hbm>>)
      %dma_wait3A_1942 = arith.constant 0 : i32
      %dma_wait3A_1943 = tpu.memref_slice %arg12[%add3A_1929, %dma_wait3A_1942] : memref<8x128xi32, #tpu.memory_space<vmem>> -> memref<1x128xi32, #tpu.memory_space<vmem>>
      %dma_wait3A_1944 = tpu.memref_squeeze %dma_wait3A_1943 : memref<1x128xi32, #tpu.memory_space<vmem>> -> memref<128xi32, #tpu.memory_space<vmem>>
      %dma_wait3A_1945 = arith.constant 0 : i32
      %dma_wait3A_1946 = arith.constant 0 : i32
      %dma_wait3A_1947 = tpu.memref_slice %arg5[%dma_wait3A_1945, %dma_wait3A_1946] : memref<100000x128xf32, #tpu.memory_space<hbm>> -> memref<100000x128xf32, #tpu.memory_space<hbm>>
      tpu.wait_indirect_dma semaphore(%arg20 : memref<!tpu.dma_semaphore, #tpu.memory_space<semaphore_mem>>) src(%arg15 : memref<128x128xf32, #tpu.memory_space<vmem>>) dst(%dma_wait3A_1947 : memref<100000x128xf32, #tpu.memory_space<hbm>>)
    }
    %while3A_1886 = arith.constant 1 : i32
    scf.for %while3A_1887 = %while3A_1884 to %while3A_1880 step %while3A_1886  : i32 {
      %mul3A_1888 = arith.constant 2 : i32
      %mul3A_1889 = arith.muli %mul3A_1888, %while3A_1887 : i32
      %dma_start3A_1890 = arith.constant 0 : i32
      %dma_start3A_1891 = tpu.memref_slice %arg13[%mul3A_1889, %dma_start3A_1890] : memref<8x128xi32, #tpu.memory_space<vmem>> -> memref<1x128xi32, #tpu.memory_space<vmem>>
      %dma_start3A_1892 = tpu.memref_squeeze %dma_start3A_1891 : memref<1x128xi32, #tpu.memory_space<vmem>> -> memref<128xi32, #tpu.memory_space<vmem>>
      %dma_start3A_1893 = arith.constant 0 : i32
      %dma_start3A_1894 = arith.constant 0 : i32
      %dma_start3A_1895 = tpu.memref_slice %arg4[%dma_start3A_1893, %dma_start3A_1894] : memref<16384x128xf32, #tpu.memory_space<hbm>> -> memref<16384x128xf32, #tpu.memory_space<hbm>>
      tpu.enqueue_indirect_dma source(%dma_start3A_1895 : memref<16384x128xf32, #tpu.memory_space<hbm>>) target(%arg14 : memref<128x128xf32, #tpu.memory_space<vmem>>) offsets(%dma_start3A_1892 : memref<128xi32, #tpu.memory_space<vmem>>) semaphore(%arg17 : memref<!tpu.dma_semaphore, #tpu.memory_space<semaphore_mem>>)
      %mul3A_1896 = arith.constant 2 : i32
      %mul3A_1897 = arith.muli %mul3A_1896, %while3A_1887 : i32
      %add3A_1898 = arith.constant 1 : i32
      %add3A_1899 = arith.addi %mul3A_1897, %add3A_1898 : i32
      %dma_start3A_1900 = arith.constant 0 : i32
      %dma_start3A_1901 = tpu.memref_slice %arg13[%add3A_1899, %dma_start3A_1900] : memref<8x128xi32, #tpu.memory_space<vmem>> -> memref<1x128xi32, #tpu.memory_space<vmem>>
      %dma_start3A_1902 = tpu.memref_squeeze %dma_start3A_1901 : memref<1x128xi32, #tpu.memory_space<vmem>> -> memref<128xi32, #tpu.memory_space<vmem>>
      %dma_start3A_1903 = arith.constant 0 : i32
      %dma_start3A_1904 = arith.constant 0 : i32
      %dma_start3A_1905 = tpu.memref_slice %arg4[%dma_start3A_1903, %dma_start3A_1904] : memref<16384x128xf32, #tpu.memory_space<hbm>> -> memref<16384x128xf32, #tpu.memory_space<hbm>>
      tpu.enqueue_indirect_dma source(%dma_start3A_1905 : memref<16384x128xf32, #tpu.memory_space<hbm>>) target(%arg15 : memref<128x128xf32, #tpu.memory_space<vmem>>) offsets(%dma_start3A_1902 : memref<128xi32, #tpu.memory_space<vmem>>) semaphore(%arg19 : memref<!tpu.dma_semaphore, #tpu.memory_space<semaphore_mem>>)
      %dma_wait3A_1906 = arith.constant 0 : i32
      %dma_wait3A_1907 = tpu.memref_slice %arg13[%mul3A_1889, %dma_wait3A_1906] : memref<8x128xi32, #tpu.memory_space<vmem>> -> memref<1x128xi32, #tpu.memory_space<vmem>>
      %dma_wait3A_1908 = tpu.memref_squeeze %dma_wait3A_1907 : memref<1x128xi32, #tpu.memory_space<vmem>> -> memref<128xi32, #tpu.memory_space<vmem>>
      %dma_wait3A_1909 = arith.constant 0 : i32
      %dma_wait3A_1910 = arith.constant 0 : i32
      %dma_wait3A_1911 = tpu.memref_slice %arg4[%dma_wait3A_1909, %dma_wait3A_1910] : memref<16384x128xf32, #tpu.memory_space<hbm>> -> memref<16384x128xf32, #tpu.memory_space<hbm>>
      tpu.wait_indirect_dma semaphore(%arg17 : memref<!tpu.dma_semaphore, #tpu.memory_space<semaphore_mem>>) src(%dma_wait3A_1911 : memref<16384x128xf32, #tpu.memory_space<hbm>>) dst(%arg14 : memref<128x128xf32, #tpu.memory_space<vmem>>)
      %mul3A_1912 = arith.constant 2 : i32
      %mul3A_1913 = arith.muli %mul3A_1912, %while3A_1887 : i32
      %dma_start3A_1914 = arith.constant 0 : i32
      %dma_start3A_1915 = tpu.memref_slice %arg12[%mul3A_1913, %dma_start3A_1914] : memref<8x128xi32, #tpu.memory_space<vmem>> -> memref<1x128xi32, #tpu.memory_space<vmem>>
      %dma_start3A_1916 = tpu.memref_squeeze %dma_start3A_1915 : memref<1x128xi32, #tpu.memory_space<vmem>> -> memref<128xi32, #tpu.memory_space<vmem>>
      %dma_start3A_1917 = arith.constant 0 : i32
      %dma_start3A_1918 = arith.constant 0 : i32
      %dma_start3A_1919 = tpu.memref_slice %arg5[%dma_start3A_1917, %dma_start3A_1918] : memref<100000x128xf32, #tpu.memory_space<hbm>> -> memref<100000x128xf32, #tpu.memory_space<hbm>>
      tpu.enqueue_indirect_dma source(%arg14 : memref<128x128xf32, #tpu.memory_space<vmem>>) target(%dma_start3A_1919 : memref<100000x128xf32, #tpu.memory_space<hbm>>) offsets(%dma_start3A_1916 : memref<128xi32, #tpu.memory_space<vmem>>) semaphore(%arg18 : memref<!tpu.dma_semaphore, #tpu.memory_space<semaphore_mem>>)
      %dma_wait3A_1920 = arith.constant 0 : i32
      %dma_wait3A_1921 = tpu.memref_slice %arg13[%add3A_1899, %dma_wait3A_1920] : memref<8x128xi32, #tpu.memory_space<vmem>> -> memref<1x128xi32, #tpu.memory_space<vmem>>
      %dma_wait3A_1922 = tpu.memref_squeeze %dma_wait3A_1921 : memref<1x128xi32, #tpu.memory_space<vmem>> -> memref<128xi32, #tpu.memory_space<vmem>>
      %dma_wait3A_1923 = arith.constant 0 : i32
      %dma_wait3A_1924 = arith.constant 0 : i32
      %dma_wait3A_1925 = tpu.memref_slice %arg4[%dma_wait3A_1923, %dma_wait3A_1924] : memref<16384x128xf32, #tpu.memory_space<hbm>> -> memref<16384x128xf32, #tpu.memory_space<hbm>>
      tpu.wait_indirect_dma semaphore(%arg19 : memref<!tpu.dma_semaphore, #tpu.memory_space<semaphore_mem>>) src(%dma_wait3A_1925 : memref<16384x128xf32, #tpu.memory_space<hbm>>) dst(%arg15 : memref<128x128xf32, #tpu.memory_space<vmem>>)
      %mul3A_1926 = arith.constant 2 : i32
      %mul3A_1927 = arith.muli %mul3A_1926, %while3A_1887 : i32
      %add3A_1928 = arith.constant 1 : i32
      %add3A_1929 = arith.addi %mul3A_1927, %add3A_1928 : i32
      %dma_start3A_1930 = arith.constant 0 : i32
      %dma_start3A_1931 = tpu.memref_slice %arg12[%add3A_1929, %dma_start3A_1930] : memref<8x128xi32, #tpu.memory_space<vmem>> -> memref<1x128xi32, #tpu.memory_space<vmem>>
      %dma_start3A_1932 = tpu.memref_squeeze %dma_start3A_1931 : memref<1x128xi32, #tpu.memory_space<vmem>> -> memref<128xi32, #tpu.memory_space<vmem>>
      %dma_start3A_1933 = arith.constant 0 : i32
      %dma_start3A_1934 = arith.constant 0 : i32
      %dma_start3A_1935 = tpu.memref_slice %arg5[%dma_start3A_1933, %dma_start3A_1934] : memref<100000x128xf32, #tpu.memory_space<hbm>> -> memref<100000x128xf32, #tpu.memory_space<hbm>>
      tpu.enqueue_indirect_dma source(%arg15 : memref<128x128xf32, #tpu.memory_space<vmem>>) target(%dma_start3A_1935 : memref<100000x128xf32, #tpu.memory_space<hbm>>) offsets(%dma_start3A_1932 : memref<128xi32, #tpu.memory_space<vmem>>) semaphore(%arg20 : memref<!tpu.dma_semaphore, #tpu.memory_space<semaphore_mem>>)
      %dma_wait3A_1936 = arith.constant 0 : i32
      %dma_wait3A_1937 = tpu.memref_slice %arg12[%mul3A_1913, %dma_wait3A_1936] : memref<8x128xi32, #tpu.memory_space<vmem>> -> memref<1x128xi32, #tpu.memory_space<vmem>>
      %dma_wait3A_1938 = tpu.memref_squeeze %dma_wait3A_1937 : memref<1x128xi32, #tpu.memory_space<vmem>> -> memref<128xi32, #tpu.memory_space<vmem>>
      %dma_wait3A_1939 = arith.constant 0 : i32
      %dma_wait3A_1940 = arith.constant 0 : i32
      %dma_wait3A_1941 = tpu.memref_slice %arg5[%dma_wait3A_1939, %dma_wait3A_1940] : memref<100000x128xf32, #tpu.memory_space<hbm>> -> memref<100000x128xf32, #tpu.memory_space<hbm>>
      tpu.wait_indirect_dma semaphore(%arg18 : memref<!tpu.dma_semaphore, #tpu.memory_space<semaphore_mem>>) src(%arg14 : memref<128x128xf32, #tpu.memory_space<vmem>>) dst(%dma_wait3A_1941 : memref<100000x128xf32, #tpu.memory_space<hbm>>)
      %dma_wait3A_1942 = arith.constant 0 : i32
      %dma_wait3A_1943 = tpu.memref_slice %arg12[%add3A_1929, %dma_wait3A_1942] : memref<8x128xi32, #tpu.memory_space<vmem>> -> memref<1x128xi32, #tpu.memory_space<vmem>>
      %dma_wait3A_1944 = tpu.memref_squeeze %dma_wait3A_1943 : memref<1x128xi32, #tpu.memory_space<vmem>> -> memref<128xi32, #tpu.memory_space<vmem>>
      %dma_wait3A_1945 = arith.constant 0 : i32
      %dma_wait3A_1946 = arith.constant 0 : i32
      %dma_wait3A_1947 = tpu.memref_slice %arg5[%dma_wait3A_1945, %dma_wait3A_1946] : memref<100000x128xf32, #tpu.memory_space<hbm>> -> memref<100000x128xf32, #tpu.memory_space<hbm>>
      tpu.wait_indirect_dma semaphore(%arg20 : memref<!tpu.dma_semaphore, #tpu.memory_space<semaphore_mem>>) src(%arg15 : memref<128x128xf32, #tpu.memory_space<vmem>>) dst(%dma_wait3A_1947 : memref<100000x128xf32, #tpu.memory_space<hbm>>)
    }
    return
  }
}

module attributes {stable_mosaic.version = 14 : i64} {
  func.func @body(%arg0: i32, %arg1: memref<2048x128xf32, #tpu.memory_space<vmem>>, %arg2: memref<2048x128xf32, #tpu.memory_space<vmem>>, %arg3: memref<128x128xf32, #tpu.memory_space<vmem>>, %arg4: memref<2048x128xf32, #tpu.memory_space<vmem>>) attributes {dimension_semantics = [#tpu.dimension_semantics<arbitrary>], iteration_bounds = array<i64: 8>, scalar_prefetch = 0 : i64, scratch_operands = 0 : i64, tpu.core_type = #tpu.core_type<tc>, window_params = [{transform_indices = @transform_0, window_bounds = array<i64: 2048, 128>}, {transform_indices = @transform_1, window_bounds = array<i64: 2048, 128>}, {pipeline_mode = #tpu.pipeline_mode<synchronous>, transform_indices = @transform_2, window_bounds = array<i64: 128, 128>}, {transform_indices = @transform_3, window_bounds = array<i64: 2048, 128>}]} {
    %get3A = arith.constant 0 : index
    %get3A_0 = arith.constant 0 : index
    %get3A_1 = vector.load %arg1[%get3A, %get3A_0] : memref<2048x128xf32, #tpu.memory_space<vmem>>, vector<2048x128xf32>
    %get3A_2 = arith.constant 0 : index
    %get3A_3 = arith.constant 0 : index
    %get3A_4 = vector.load %arg2[%get3A_2, %get3A_3] : memref<2048x128xf32, #tpu.memory_space<vmem>>, vector<2048x128xf32>
    %get3A_5 = arith.constant 0 : index
    %get3A_6 = arith.constant 0 : index
    %get3A_7 = vector.load %arg3[%get3A_5, %get3A_6] : memref<128x128xf32, #tpu.memory_space<vmem>>, vector<128x128xf32>
    %dot_general3A = arith.constant dense<0.000000e+00> : vector<2048x128xf32>
    %dot_general3A_8 = tpu.matmul %get3A_4, %get3A_7, %dot_general3A {dimension_numbers = #tpu.dot_dimension_numbers<[1], [1], [0], [0], [0, 0, 1, 0], [], []>, transpose_lhs_hint = false} : vector<2048x128xf32>, vector<128x128xf32>, vector<2048x128xf32> -> vector<2048x128xf32>
    %mul3A = arith.mulf %get3A_1, %dot_general3A_8 : vector<2048x128xf32>
    %reduce_sum3A = arith.constant dense<0.000000e+00> : vector<2048xf32>
    %reduce_sum3A_9 = vector.multi_reduction <add>, %mul3A, %reduce_sum3A [1] : vector<2048x128xf32> to vector<2048xf32>
    %broadcast_in_dim3A = vector.shape_cast %reduce_sum3A_9 : vector<2048xf32> to vector<2048x1xf32>
    %logistic3A = arith.negf %broadcast_in_dim3A : vector<2048x1xf32>
    %logistic3A_10 = math.exp %logistic3A : vector<2048x1xf32>
    %logistic3A_11 = arith.constant 1.000000e+00 : f32
    %logistic3A_12 = vector.broadcast %logistic3A_11 : f32 to vector<2048x1xf32>
    %logistic3A_13 = arith.addf %logistic3A_12, %logistic3A_10 : vector<2048x1xf32>
    %logistic3A_14 = arith.divf %logistic3A_12, %logistic3A_13 : vector<2048x1xf32>
    %mul3A_15 = vector.broadcast %logistic3A_14 : vector<2048x1xf32> to vector<2048x128xf32>
    %mul3A_16 = arith.mulf %mul3A_15, %get3A_1 : vector<2048x128xf32>
    %sub3A = arith.constant 1.000000e+00 : f32
    %sub3A_17 = vector.broadcast %sub3A : f32 to vector<2048x1xf32>
    %sub3A_18 = arith.subf %sub3A_17, %logistic3A_14 : vector<2048x1xf32>
    %mul3A_19 = vector.broadcast %sub3A_18 : vector<2048x1xf32> to vector<2048x128xf32>
    %mul3A_20 = arith.mulf %mul3A_19, %get3A_4 : vector<2048x128xf32>
    %add3A = arith.addf %mul3A_16, %mul3A_20 : vector<2048x128xf32>
    %mul3A_21 = arith.mulf %add3A, %add3A : vector<2048x128xf32>
    %reduce_sum3A_22 = arith.constant dense<0.000000e+00> : vector<2048xf32>
    %reduce_sum3A_23 = vector.multi_reduction <add>, %mul3A_21, %reduce_sum3A_22 [1] : vector<2048x128xf32> to vector<2048xf32>
    %broadcast_in_dim3A_24 = vector.shape_cast %reduce_sum3A_23 : vector<2048xf32> to vector<2048x1xf32>
    %sqrt3A = math.sqrt %broadcast_in_dim3A_24 : vector<2048x1xf32>
    %add3A_25 = arith.constant 9.99999996E-13 : f32
    %add3A_26 = vector.broadcast %add3A_25 : f32 to vector<2048x1xf32>
    %add3A_27 = arith.addf %sqrt3A, %add3A_26 : vector<2048x1xf32>
    %div3A = vector.broadcast %add3A_27 : vector<2048x1xf32> to vector<2048x128xf32>
    %div3A_28 = arith.divf %add3A, %div3A : vector<2048x128xf32>
    %swap3A = arith.constant 0 : index
    %swap3A_29 = arith.constant 0 : index
    %swap3A_30 = vector.load %arg4[%swap3A, %swap3A_29] : memref<2048x128xf32, #tpu.memory_space<vmem>>, vector<2048x128xf32>
    tpu.vector_store %arg4[%swap3A, %swap3A_29], %div3A_28 {strides = array<i32>} : memref<2048x128xf32, #tpu.memory_space<vmem>>, vector<2048x128xf32>,
    return
  }
  func.func @transform_0(%arg0: i32) -> (i32, i32) {
    %c0_i32 = arith.constant 0 : i32
    %c0_i32_0 = arith.constant 0 : i32
    return %arg0, %c0_i32 : i32, i32
  }
  func.func @transform_1(%arg0: i32) -> (i32, i32) {
    %c0_i32 = arith.constant 0 : i32
    %c0_i32_0 = arith.constant 0 : i32
    return %arg0, %c0_i32 : i32, i32
  }
  func.func @transform_2(%arg0: i32) -> (i32, i32) {
    %c0_i32 = arith.constant 0 : i32
    %c0_i32_0 = arith.constant 0 : i32
    %c0_i32_1 = arith.constant 0 : i32
    return %c0_i32, %c0_i32_0 : i32, i32
  }
  func.func @transform_3(%arg0: i32) -> (i32, i32) {
    %c0_i32 = arith.constant 0 : i32
    %c0_i32_0 = arith.constant 0 : i32
    return %arg0, %c0_i32 : i32, i32
  }
}

</mosaic_0001>

<sc_bundles>
// kernel: kernel.5.cloned.1.call-start
scs
__scs_entry_jumppad:
0x0: {  	(pc) =	sbr.rel $0x88, $3  }
0x1: {  	(tag) =	ssettag $0x0;
	lr =	simm.s32 $0x1  }
0x2: {  	[smem:$0x3F9D] =	sst lr;
	_ =	strace $0xD0000000  }
0x3: {  	_ = 	snop  }
0x4: {  	_ = 	snop  }
0x5: {  	_ = 	snop  }
0x6: {  	_ = 	snop  }
0x7: {  	_ = 	snop  }
__scs_overlays_trampoline_lowered:
0x8: {  	[smem:$0x3FAC] =	sst s0  }
0x9: {  	[smem:$0x3FAD] =	sst s1  }
0xa: {  	[smem:$0x3FAE] =	sst s2  }
0xb: {  	[smem:$0x3FAF] =	sst s3  }
0xc: {  	[smem:$0x3FB0] =	sst s4  }
0xd: {  	[smem:$0x3FB1] =	sst s5  }
0xe: {  	[smem:$0x3FB2] =	sst s6  }
0xf: {  	[smem:$0x3FB3] =	sst s7  }
0x10: {  	[smem:$0x3FB4] =	sst s8  }
0x11: {  	[smem:$0x3FB5] =	sst s9;
	s0 =	simm.s32 @!p0 $0x0  }
0x12: {  	s1 =	sld [smem:$0x3F9B];
	s0 =	simm.s32 @p0 $0x1  }
0x13: {  	[smem:$0x3FB6] =	sst s0;
	s0 =	simm.s32 @!p1 $0x0  }
0x14: {  	s2 =	sld [smem:$0x3F9A];
	s0 =	simm.s32 @p1 $0x1  }
0x15: {  	[smem:$0x3FB7] =	sst s0;
	s0 =	simm.s32 @!p2 $0x0  }
0x16: {  	s3 =	sld [smem:$0x3FDB];
	s0 =	simm.s32 @p2 $0x1  }
0x17: {  	s4 =	simm.s32 $0x1BF5;
	[smem:$0x3FB9] =	sst s0  }
0x18: {  	s0 =	sld [smem:$0x3F9C];
	_ =	swait.ge [sflag:s4], $0x0  }
0x19: {  	s7 =	sld [smem:$0x3F9D]  }
0x1a: {  	s8 =	sadd.s32 $0xFFFFE003, lr  }
0x1b: {  	s9 =	sadd.s32 $0xFFFFFEF7, lr;
	s5 =	simm.s32 $0xFFFFFFFF;
	p2 =	slt.u32 s8, $0xFFFFF086  }
0x1c: {  	p1 =	slt.u32 s9, $0xF7A;
	s5 =	simm.s32 @!p2 $0x0  }
0x1d: {  	s5 =	simm.s32 @p1 $0x1;
	p0 =	seq.s32 s7, s2  }
0x1e: {  	s7 =	smul.u32 @!p0 $0xF7A, s2;
	p2 =	seq.s32 @!p0 s5, $0x0  }
0x1f: {  	s9 =	smul.u32 $0xF7A, s1;
	s8 =	simm.s32 @!p0 $0x1BF5;
	p2 =	por !p2, p0  }
0x20: {  	[sflag:s8] =	ssyncset.s32 @!p0 $0xFFFFF086;
	s6 =	sadd.s32 @!p0 s3, s7;
	s7 =	simm.s32 @!p0 $0x108  }
0x21: {  	s3 =	sadd.s32 s3, s9;
	s6 =	sadd.s32 @!p0 $0x88, s6;
	s7 =	simm.s32 @p2 $0x1082  }
0x22: {  	[simem:s7], [sflag:s8] =	dma.local @!p0 [hbm:s6], $0xF7A  }
0x23: {  	s9 =	sor.u32 $0xD0000000, s2;
	s6 =	simm.s32 $0x108;
	_ =	swait.ge @!p0 [sflag:s8], $0x0  }
0x24: {  	s3 =	sadd.s32 $0x88, s3;
	s6 =	simm.s32 @!p1 $0x1082;
	[sflag:s4] =	ssyncset.s32 $0xFFFFF086  }
0x25: {  	[simem:s6], [sflag:s4] =	dma.local [hbm:s3], $0xF7A  }
0x26: {  	[smem:$0x3F9D] =	sst s1;
	(tag) =	ssettag s2;
	_ =	strace s9  }
0x27: {  	s1 =	sld [smem:$0x3FAD]  }
0x28: {  	s2 =	sld [smem:$0x3FAE]  }
0x29: {  	s4 =	sld [smem:$0x3FB0]  }
0x2a: {  	p0 =	seq.s32 s5, $0x0;
	s5 =	sld [smem:$0x3FB1]  }
0x2b: {  	s6 =	sld [smem:$0x3FB2]  }
0x2c: {  	s7 =	sld [smem:$0x3FB3]  }
0x2d: {  	s3 =	simm.s32 $0x108;
	s8 =	sld [smem:$0x3FB4]  }
0x2e: {  	s3 =	simm.s32 @!p0 $0x1082;
	s9 =	sld [smem:$0x3FB5]  }
0x2f: {  	lr =	sadd.s32 s0, s3;
	s0 =	sld [smem:$0x3FAC]  }
0x30: {  	s3 =	sld [smem:$0x3FAF]  }
0x31: {  	[smem:$0x3FB8] =	sst s10  }
0x32: {  	s10 =	sld [smem:$0x3FB6];
	_ =	sdelay $0x3  }
0x33: {  	p0 =	seq.s32 s10, $0x1;
	s10 =	sld [smem:$0x3FB8];
	_ =	sdelay $0x3  }
0x34: {  	[smem:$0x3FB8] =	sst s10  }
0x35: {  	s10 =	sld [smem:$0x3FB7];
	_ =	sdelay $0x3  }
0x36: {  	p1 =	seq.s32 s10, $0x1;
	s10 =	sld [smem:$0x3FB8];
	_ =	sdelay $0x3  }
0x37: {  	[smem:$0x3FB8] =	sst s10  }
0x38: {  	s10 =	sld [smem:$0x3FB9]  }
0x39: {  	_ = 	snop;
	(pc) =	sbr.ind lr, $3  }
0x3a: {  	_ = 	snop  }
0x3b: {  	_ = 	snop  }
0x3c: {  	p2 =	seq.s32 s10, $0x1;
	s10 =	sld [smem:$0x3FB8]  }
0x3d: {  	_ =	shalt  }
0x3e: {  	_ =	shalt  }
0x3f: {  	_ =	shalt  }
0x40: {  	_ =	shalt  }
0x41: {  	_ =	shalt  }
0x42: {  	_ =	shalt  }
0x43: {  	_ =	shalt  }
0x44: {  	_ =	shalt  }
0x45: {  	_ =	shalt  }
0x46: {  	_ =	shalt  }
0x47: {  	_ =	shalt  }
0x48: {  	_ =	shalt  }
0x49: {  	_ =	shalt  }
0x4a: {  	_ =	shalt  }
0x4b: {  	_ =	shalt  }
0x4c: {  	_ =	shalt  }
0x4d: {  	_ =	shalt  }
0x4e: {  	_ =	shalt  }
0x4f: {  	_ =	shalt  }
0x50: {  	_ =	shalt  }
0x51: {  	_ =	shalt  }
0x52: {  	_ =	shalt  }
0x53: {  	_ =	shalt  }
0x54: {  	_ =	shalt  }
0x55: {  	_ =	shalt  }
0x56: {  	_ =	shalt  }
0x57: {  	_ =	shalt  }
0x58: {  	_ =	shalt  }
0x59: {  	_ =	shalt  }
0x5a: {  	_ =	shalt  }
0x5b: {  	_ =	shalt  }
0x5c: {  	_ =	shalt  }
0x5d: {  	_ =	shalt  }
0x5e: {  	_ =	shalt  }
0x5f: {  	_ =	shalt  }
0x60: {  	_ =	shalt  }
0x61: {  	_ =	shalt  }
0x62: {  	_ =	shalt  }
0x63: {  	_ =	shalt  }
0x64: {  	_ =	shalt  }
0x65: {  	_ =	shalt  }
0x66: {  	_ =	shalt  }
0x67: {  	_ =	shalt  }
0x68: {  	_ =	shalt  }
0x69: {  	_ =	shalt  }
0x6a: {  	_ =	shalt  }
0x6b: {  	_ =	shalt  }
0x6c: {  	_ =	shalt  }
0x6d: {  	_ =	shalt  }
0x6e: {  	_ =	shalt  }
0x6f: {  	_ =	shalt  }
0x70: {  	_ =	shalt  }
0x71: {  	_ =	shalt  }
0x72: {  	_ =	shalt  }
0x73: {  	_ =	shalt  }
0x74: {  	_ =	shalt  }
0x75: {  	_ =	shalt  }
0x76: {  	_ =	shalt  }
0x77: {  	_ =	shalt  }
0x78: {  	_ =	shalt  }
0x79: {  	_ =	shalt  }
0x7a: {  	_ =	shalt  }
0x7b: {  	_ =	shalt  }
0x7c: {  	_ =	shalt  }
0x7d: {  	_ =	shalt  }
0x7e: {  	_ =	shalt  }
0x7f: {  	_ =	shalt  }
0x80: {  	_ =	shalt  }
0x81: {  	_ =	shalt  }
0x82: {  	_ =	shalt  }
0x83: {  	_ =	shalt  }
0x84: {  	_ =	shalt  }
0x85: {  	_ =	shalt  }
0x86: {  	_ =	shalt  }
0x87: {  	_ =	shalt  }
.Lfunc_end0:
.L_simem_size_0:
called_computation_lowered:
.L_overlay_start_0:
0x88: {  	s2 =	sld [smem:$0x3FD9]  }
0x89: {  	s3 =	sld [smem:$0x3FFE];
	_ =	sdelay $0x1  }
0x8a: {  	s1 =	srdreg.scid  }
0x8b: {  	s0 =	sand.u32 $0x1, s1  }
0x8c: {  	s18 =	sshll.u32 s0, $0xA;
	s2 =	sadd.s32 s3, s2  }
0x8d: {  	s2 =	sadd.s32 s2, s18  }
0x8e: {  	[smem:$0x3FC4] =	sst s2  }
0x8f: {  	_ = 	snop  }
0x90: {  	s2 =	sld [smem:$0x3FC9]  }
0x91: {  	s19 =	sld [smem:$0x3FC8]  }
0x92: {  	s4 =	sld [smem:$0x3FD0];
	(tm) =	ssettm $0x1  }
0x93: {  	s5 =	sld [smem:$0x3FFB];
	_ =	sdelay $0x3  }
0x94: {  	_ =	strace s5  }
0x95: {  	s5 =	sld [smem:$0x3FFC];
	_ =	sdelay $0x3  }
0x96: {  	_ =	strace s5  }
0x97: {  	s5 =	sld [smem:$0x3FFD];
	_ =	sdelay $0x3  }
0x98: {  	_ =	strace s5  }
0x99: {  	_ =	strace $0x8FFFFFFF  }
0x9a: {  	s20 =	sld [smem:$0x3FDB];
	_ =	sdelay $0x1  }
0x9b: {  	s6 =	simm.s32 $_scs_section_size  }
0x9c: {  	s7 =	simm.s32 $_size__tile_overlayer_lowered;
	s8 =	simm.s32 $_tile_overlayer_lowered  }
0x9d: {  	s23 =	simm.s32 $0x1BFF;
	s22 =	sshll.u32 s8, $0x1;
	s5 =	sadd.s32 s6, s20  }
0x9e: {  	s9 =	simm.s32 $0x0;
	s21 =	sshll.u32 s7, $0x1;
	s7 =	sadd.s32 s22, s5  }
0x9f: {  	[timem:s9], [sflag:s23] =	dma.local [hbm:s7], s21  }
0xa0: {  	_ =	swait.ge [sflag:s23], s21  }
0xa1: {  	s6 =	ssub.s32 $0x0, s21;
	[sflag:s23] =	ssyncset.done $0x0  }
0xa2: {  	[sflag:s23] =	ssyncadd.s32 s6;
	_ =	sdelay $0x1  }
0xa3: {  	s24 =	simm.s32 $0x1B8B  }
0xa4: {  	_ =	swait.ge [sflag:s24], $0x1  }
0xa5: {  	[sflag:s24] =	ssyncset.done $0x0  }
0xa6: {  	s25 =	simm.s32 $0x1B8E;
	[sflag:s24] =	ssyncadd.s32 $0xFFFFFFFF  }
0xa7: {  	s26 =	simm.s32 $execute0_lowered;
	[smem:$0x3FD2] =	sst s25  }
0xa8: {  	s6 =	sshll.u32 s26, $0x1;
	_ =	strace $0x80000046;
	[dreg:$0x1] =	wrdreg $0xFFFFFFFF  }
0xa9: {  	s28 =	simm.s32 $_size_execute0_lowered;
	s5 =	sadd.s32 s5, s6;
	[dreg:$0x0] =	wrdreg $0x0  }
0xaa: {  	s6 =	sshll.u32 s28, $0x1;
	[dreg:$0x2] =	wrdreg s5  }
0xab: {  	[dreg:$0x3] =	wrdreg s6  }
0xac: {  	[dreg:$0x4] =	wrdreg $0xC0  }
0xad: {  	_ =	task [dreg:s9], $0x5FFFF  }
0xae: {  	[dreg:$0x1] =	wrdreg $0xFFFFFFFF  }
0xaf: {  	[dreg:$0x0] =	wrdreg $0x60  }
0xb0: {  	[dreg:$0x2] =	wrdreg s2  }
0xb1: {  	[dreg:$0x3] =	wrdreg s19  }
0xb2: {  	[dreg:$0x4] =	wrdreg s4  }
0xb3: {  	[dreg:$0x5] =	wrdreg $0x9  }
0xb4: {  	_ =	task.clear_ibuf [dreg:s9], $0x6FFFF;
	_ =	strace $0x90000046  }
0xb5: {  	s29 =	simm.s32 $0x9;
	_ =	strace $0x80000048  }
0xb6: {  	_ =	swait.ge [sflag:s29], $0x1  }
0xb7: {  	[sflag:s29] =	ssyncadd.s32 $0xFFFFFFFF  }
0xb8: {  	_ =	strace $0x90000048  }
0xb9: {  	_ =	sfence  }
0xba: {  	s30 =	sld [smem:$0x0];
	_ =	sdelay $0x2  }
0xbb: {  	s31 =	sshll.u32 s1, $0xD;
	s1 =	sshrl.u32 s1, $0x2  }
0xbc: {  	s3 =	sand.u32 $0x4000, s31;
	s1 =	sadd.s32 s1, s30  }
0xbd: {  	s0 =	sor.u32 s3, s0;
	s1 =	sshll.u32 s1, $0x11  }
0xbe: {  	s0 =	sor.u32 s1, s0  }
0xbf: {  	s0 =	sadd.s32 $0x8F2B, s0  }
0xc0: {  	[sflag:s0] =	ssyncadd.remote.s32 $0x1  }
0xc1: {  	_ =	sfence.sel $0xFFFF  }
0xc2: {  	[dreg:$0x0] =	wrdreg $0xFFFFFFFF;
	(pc) =	sbr.abs _section_cstart, $3  }
0xc3: {  	[dreg:$0x1] =	wrdreg $0xFFFFFFFF  }
0xc4: {  	_ =	task.clear_ibuf [dreg:s9], $0x2FFFF;
	_ =	strace $0x9FFFFFFF  }
0xc5: {  	(tm) =	ssettm $0x7FFFFFFF  }
tec
execute0_lowered:
.L_overlay_start_1:
0x0: {  	(tag) =	ssettag $0x1  }
0x1: {  	s1 =	rddreg [dreg:$0x0]  }
0x2: {  	s2 =	srdreg.scid;
	s4 =	rddreg [dreg:$0x1]  }
0x3: {  	s0 =	stileid.u32;
	s8 =	rddreg [dreg:$0x2];
	s6 =	sand.u32 $0x1, s2  }
0x4: {  	s3 =	simm.s32 $0x0;
	s5 =	sshll.u32 s0, $0xA;
	s7 =	sshll.u32 s6, $0x9  }
0x5: {  	[smem:$0x7FF] =	sst s3;
	s9 =	sor.u32 s7, s5  }
0x6: {  	s2 =	rddreg [dreg:$0x3];
	_ =	strace $0x80000047;
	s5 =	sshrl.u32 s9, $0x3  }
0x7: {  	s10 =	ssub.s32 $0x2, s6;
	s5 =	sadd.s32 s4, s5;
	s4 =	simm.s32 $0x2  }
0x8: {  	[tilespmem:s3], [sflag:$0x2] =	stream.linear.gather [hbm4b:s5+s3], $0x200, $0x38;
	[tilespmem:$0x10200] =	vst v63  }
0x9: {  	s11 =	sshrl.u32 s10, $0x1;
	_ =	swait.ge [sflag:s4], $0x200  }
0xa: {  	s6 =	simm.s32 $0x200;
	s10 =	ssub.s32 s10, s11;
	[sflag:s4] =	ssyncset.done $0x0  }
0xb: {  	s7 =	simm.s32 $0x1;
	s31 =	smax.u32 s10, $0x1;
	[sflag:s4] =	ssyncadd.s32 $0xFFFFFE00  }
0xc: {  	[tilespmem:s6], [sflag:$0x1] =	stream.indirect.gather [hbm4b:s1+s6], $0x80, s3, s6, $0xb8;
	[tilespmem:$0x10200] =	vst v63  }
0xd: {  	p0 =	sne.s32 s31, $0x1;
	_ =	swait.ge [sflag:s7], $0x10000  }
.Ltmp0:
0xe: {  	s9 =	sshll.u32 s9, $0x4;
	[sflag:s7] =	ssyncset.done $0x0;
	(pc) =	sbr.rel @!p0 .LBB2_2-.Ltmp0, $4  }
0xf: {  	s8 =	sadd.s32 s8, s9;
	[sflag:s7] =	ssyncadd.s32 $0xFFFF0000  }
0x10: {  	[hbm4b:s8+s3] =	stream.linear.scatter [tilespmem:s6], [sflag:$0x2], $0x10000, $0x38;
	[tilespmem:$0x10200] =	vst v63  }
0x11: {  	_ =	swait.ge [sflag:s4], $0x10000  }
0x12: {  	s9 =	sadd.s32 $0xFFFFFFFF, s31;
	[sflag:s4] =	ssyncset.done $0x0  }
.LBB2_1:
0x13: {  	p0 =	sne.s32 s9, $0x1;
	s9 =	sadd.s32 $0xFFFFFFFF, s9;
	[sflag:s4] =	ssyncadd.s32 $0xFFFF0000  }
0x14: {  	[tilespmem:s3], [sflag:$0x2] =	stream.linear.gather [hbm4b:s5+s3], $0x200, $0x38;
	[tilespmem:$0x10200] =	vst v63  }
0x15: {  	_ =	swait.ge [sflag:s4], $0x200  }
0x16: {  	[sflag:s4] =	ssyncset.done $0x0  }
0x17: {  	[sflag:s4] =	ssyncadd.s32 $0xFFFFFE00  }
0x18: {  	[tilespmem:s6], [sflag:$0x1] =	stream.indirect.gather [hbm4b:s1+s6], $0x80, s3, s6, $0xb8;
	[tilespmem:$0x10200] =	vst v63  }
0x19: {  	_ =	swait.ge [sflag:s7], $0x10000  }
.Ltmp1:
0x1a: {  	[sflag:s7] =	ssyncset.done $0x0;
	(pc) =	sbr.rel @p0 .LBB2_1-.Ltmp1, $4  }
0x1b: {  	[sflag:s7] =	ssyncadd.s32 $0xFFFF0000  }
0x1c: {  	[hbm4b:s8+s3] =	stream.linear.scatter [tilespmem:s6], [sflag:$0x2], $0x10000, $0x38;
	[tilespmem:$0x10200] =	vst v63  }
0x1d: {  	_ =	swait.ge [sflag:s4], $0x10000  }
0x1e: {  	[sflag:s4] =	ssyncset.done $0x0  }
.LBB2_2:
0x1f: {  	[sflag:s4] =	ssyncadd.s32 $0xFFFF0000  }
0x20: {  	_ =	sfence.sel $0x180000  }
0x21: {  	[bflag:$0x0] =	sbarrier.arrive $0xFFFF  }
0x22: {  	p0 =	sne.s32 s0, $0x0;
	_ =	strace $0x90000047  }
0x23: {  	s0 =	sadd.s32 @!p0 $0x100000, s2;
	[bflag:$0x2] =	sbarrier.arrive $0xFFFF  }
0x24: {  	[sflag:s0] =	ssyncadd.tile.s32 @!p0 $0x1;
	_ =	shalt  }
.Lfunc_end2:
_tile_overlayer_lowered:
.L_overlay_start_2:
0x25: {  	(tag) =	ssettag $0x2  }
0x26: {  	s0 =	rddreg [dreg:$0x0];
	s2 =	stileid.u32  }
0x27: {  	s1 =	rddreg [dreg:$0x1];
	p0 =	sne.s32 s2, $0x0  }
0x28: {  	s3 =	rddreg [dreg:$0x2];
	[bflag:$0x3] =	sbarrier.arrive $0xFFFF;
	s2 =	simm.s32 @!p0 $0x1C02  }
0x29: {  	[timem:s3], [sflag:s2] =	dma.local @!p0 [hbm:s0], s1  }
0x2a: {  	s0 =	simm.s32 @!p0 $0x2  }
0x2b: {  	_ =	swait.ge @!p0 [sflag:s0], s1  }
0x2c: {  	s1 =	ssub.s32 @!p0 $0x0, s1;
	[sflag:s0] =	ssyncset.done @!p0 $0x0  }
0x2d: {  	[sflag:s0] =	ssyncadd.s32 @!p0 s1  }
0x2e: {  	[bflag:$0x3] =	sbarrier.arrive $0xFFFF  }
0x2f: {  	_ =	shalt  }

// kernel: kernel.8.cloned.1.call-start
scs
__scs_entry_jumppad:
0x0: {  	(pc) =	sbr.rel $0x88, $3  }
0x1: {  	(tag) =	ssettag $0x0;
	lr =	simm.s32 $0x1  }
0x2: {  	[smem:$0x3F9D] =	sst lr;
	_ =	strace $0xD0000000  }
0x3: {  	_ = 	snop  }
0x4: {  	_ = 	snop  }
0x5: {  	_ = 	snop  }
0x6: {  	_ = 	snop  }
0x7: {  	_ = 	snop  }
__scs_overlays_trampoline_lowered:
0x8: {  	[smem:$0x3FAC] =	sst s0  }
0x9: {  	[smem:$0x3FAD] =	sst s1  }
0xa: {  	[smem:$0x3FAE] =	sst s2  }
0xb: {  	[smem:$0x3FAF] =	sst s3  }
0xc: {  	[smem:$0x3FB0] =	sst s4  }
0xd: {  	[smem:$0x3FB1] =	sst s5  }
0xe: {  	[smem:$0x3FB2] =	sst s6  }
0xf: {  	[smem:$0x3FB3] =	sst s7  }
0x10: {  	[smem:$0x3FB4] =	sst s8  }
0x11: {  	[smem:$0x3FB5] =	sst s9;
	s0 =	simm.s32 @!p0 $0x0  }
0x12: {  	s1 =	sld [smem:$0x3F9B];
	s0 =	simm.s32 @p0 $0x1  }
0x13: {  	[smem:$0x3FB6] =	sst s0;
	s0 =	simm.s32 @!p1 $0x0  }
0x14: {  	s2 =	sld [smem:$0x3F9A];
	s0 =	simm.s32 @p1 $0x1  }
0x15: {  	[smem:$0x3FB7] =	sst s0;
	s0 =	simm.s32 @!p2 $0x0  }
0x16: {  	s3 =	sld [smem:$0x3FDB];
	s0 =	simm.s32 @p2 $0x1  }
0x17: {  	s4 =	simm.s32 $0x1BF5;
	[smem:$0x3FB9] =	sst s0  }
0x18: {  	s0 =	sld [smem:$0x3F9C];
	_ =	swait.ge [sflag:s4], $0x0  }
0x19: {  	s7 =	sld [smem:$0x3F9D]  }
0x1a: {  	s8 =	sadd.s32 $0xFFFFE003, lr  }
0x1b: {  	s9 =	sadd.s32 $0xFFFFFEF7, lr;
	s5 =	simm.s32 $0xFFFFFFFF;
	p2 =	slt.u32 s8, $0xFFFFF086  }
0x1c: {  	p1 =	slt.u32 s9, $0xF7A;
	s5 =	simm.s32 @!p2 $0x0  }
0x1d: {  	s5 =	simm.s32 @p1 $0x1;
	p0 =	seq.s32 s7, s2  }
0x1e: {  	s7 =	smul.u32 @!p0 $0xF7A, s2;
	p2 =	seq.s32 @!p0 s5, $0x0  }
0x1f: {  	s9 =	smul.u32 $0xF7A, s1;
	s8 =	simm.s32 @!p0 $0x1BF5;
	p2 =	por !p2, p0  }
0x20: {  	[sflag:s8] =	ssyncset.s32 @!p0 $0xFFFFF086;
	s6 =	sadd.s32 @!p0 s3, s7;
	s7 =	simm.s32 @!p0 $0x108  }
0x21: {  	s3 =	sadd.s32 s3, s9;
	s6 =	sadd.s32 @!p0 $0x88, s6;
	s7 =	simm.s32 @p2 $0x1082  }
0x22: {  	[simem:s7], [sflag:s8] =	dma.local @!p0 [hbm:s6], $0xF7A  }
0x23: {  	s9 =	sor.u32 $0xD0000000, s2;
	s6 =	simm.s32 $0x108;
	_ =	swait.ge @!p0 [sflag:s8], $0x0  }
0x24: {  	s3 =	sadd.s32 $0x88, s3;
	s6 =	simm.s32 @!p1 $0x1082;
	[sflag:s4] =	ssyncset.s32 $0xFFFFF086  }
0x25: {  	[simem:s6], [sflag:s4] =	dma.local [hbm:s3], $0xF7A  }
0x26: {  	[smem:$0x3F9D] =	sst s1;
	(tag) =	ssettag s2;
	_ =	strace s9  }
0x27: {  	s1 =	sld [smem:$0x3FAD]  }
0x28: {  	s2 =	sld [smem:$0x3FAE]  }
0x29: {  	s4 =	sld [smem:$0x3FB0]  }
0x2a: {  	p0 =	seq.s32 s5, $0x0;
	s5 =	sld [smem:$0x3FB1]  }
0x2b: {  	s6 =	sld [smem:$0x3FB2]  }
0x2c: {  	s7 =	sld [smem:$0x3FB3]  }
0x2d: {  	s3 =	simm.s32 $0x108;
	s8 =	sld [smem:$0x3FB4]  }
0x2e: {  	s3 =	simm.s32 @!p0 $0x1082;
	s9 =	sld [smem:$0x3FB5]  }
0x2f: {  	lr =	sadd.s32 s0, s3;
	s0 =	sld [smem:$0x3FAC]  }
0x30: {  	s3 =	sld [smem:$0x3FAF]  }
0x31: {  	[smem:$0x3FB8] =	sst s10  }
0x32: {  	s10 =	sld [smem:$0x3FB6];
	_ =	sdelay $0x3  }
0x33: {  	p0 =	seq.s32 s10, $0x1;
	s10 =	sld [smem:$0x3FB8];
	_ =	sdelay $0x3  }
0x34: {  	[smem:$0x3FB8] =	sst s10  }
0x35: {  	s10 =	sld [smem:$0x3FB7];
	_ =	sdelay $0x3  }
0x36: {  	p1 =	seq.s32 s10, $0x1;
	s10 =	sld [smem:$0x3FB8];
	_ =	sdelay $0x3  }
0x37: {  	[smem:$0x3FB8] =	sst s10  }
0x38: {  	s10 =	sld [smem:$0x3FB9]  }
0x39: {  	_ = 	snop;
	(pc) =	sbr.ind lr, $3  }
0x3a: {  	_ = 	snop  }
0x3b: {  	_ = 	snop  }
0x3c: {  	p2 =	seq.s32 s10, $0x1;
	s10 =	sld [smem:$0x3FB8]  }
0x3d: {  	_ =	shalt  }
0x3e: {  	_ =	shalt  }
0x3f: {  	_ =	shalt  }
0x40: {  	_ =	shalt  }
0x41: {  	_ =	shalt  }
0x42: {  	_ =	shalt  }
0x43: {  	_ =	shalt  }
0x44: {  	_ =	shalt  }
0x45: {  	_ =	shalt  }
0x46: {  	_ =	shalt  }
0x47: {  	_ =	shalt  }
0x48: {  	_ =	shalt  }
0x49: {  	_ =	shalt  }
0x4a: {  	_ =	shalt  }
0x4b: {  	_ =	shalt  }
0x4c: {  	_ =	shalt  }
0x4d: {  	_ =	shalt  }
0x4e: {  	_ =	shalt  }
0x4f: {  	_ =	shalt  }
0x50: {  	_ =	shalt  }
0x51: {  	_ =	shalt  }
0x52: {  	_ =	shalt  }
0x53: {  	_ =	shalt  }
0x54: {  	_ =	shalt  }
0x55: {  	_ =	shalt  }
0x56: {  	_ =	shalt  }
0x57: {  	_ =	shalt  }
0x58: {  	_ =	shalt  }
0x59: {  	_ =	shalt  }
0x5a: {  	_ =	shalt  }
0x5b: {  	_ =	shalt  }
0x5c: {  	_ =	shalt  }
0x5d: {  	_ =	shalt  }
0x5e: {  	_ =	shalt  }
0x5f: {  	_ =	shalt  }
0x60: {  	_ =	shalt  }
0x61: {  	_ =	shalt  }
0x62: {  	_ =	shalt  }
0x63: {  	_ =	shalt  }
0x64: {  	_ =	shalt  }
0x65: {  	_ =	shalt  }
0x66: {  	_ =	shalt  }
0x67: {  	_ =	shalt  }
0x68: {  	_ =	shalt  }
0x69: {  	_ =	shalt  }
0x6a: {  	_ =	shalt  }
0x6b: {  	_ =	shalt  }
0x6c: {  	_ =	shalt  }
0x6d: {  	_ =	shalt  }
0x6e: {  	_ =	shalt  }
0x6f: {  	_ =	shalt  }
0x70: {  	_ =	shalt  }
0x71: {  	_ =	shalt  }
0x72: {  	_ =	shalt  }
0x73: {  	_ =	shalt  }
0x74: {  	_ =	shalt  }
0x75: {  	_ =	shalt  }
0x76: {  	_ =	shalt  }
0x77: {  	_ =	shalt  }
0x78: {  	_ =	shalt  }
0x79: {  	_ =	shalt  }
0x7a: {  	_ =	shalt  }
0x7b: {  	_ =	shalt  }
0x7c: {  	_ =	shalt  }
0x7d: {  	_ =	shalt  }
0x7e: {  	_ =	shalt  }
0x7f: {  	_ =	shalt  }
0x80: {  	_ =	shalt  }
0x81: {  	_ =	shalt  }
0x82: {  	_ =	shalt  }
0x83: {  	_ =	shalt  }
0x84: {  	_ =	shalt  }
0x85: {  	_ =	shalt  }
0x86: {  	_ =	shalt  }
0x87: {  	_ =	shalt  }
.Lfunc_end0:
.L_simem_size_0:
called_computation.1_lowered:
.L_overlay_start_0:
0x88: {  	s2 =	sld [smem:$0x3FD9]  }
0x89: {  	s3 =	sld [smem:$0x3FFE];
	_ =	sdelay $0x1  }
0x8a: {  	s1 =	srdreg.scid  }
0x8b: {  	s0 =	sand.u32 $0x1, s1  }
0x8c: {  	s17 =	sshll.u32 s0, $0xA;
	s2 =	sadd.s32 s3, s2  }
0x8d: {  	s2 =	sadd.s32 s2, s17  }
0x8e: {  	[smem:$0x3FC4] =	sst s2  }
0x8f: {  	_ = 	snop  }
0x90: {  	s2 =	sld [smem:$0x3FC9]  }
0x91: {  	s18 =	sld [smem:$0x3FC8]  }
0x92: {  	s4 =	sld [smem:$0x3FD0];
	(tm) =	ssettm $0x1  }
0x93: {  	s5 =	sld [smem:$0x3FFB];
	_ =	sdelay $0x3  }
0x94: {  	_ =	strace s5  }
0x95: {  	s5 =	sld [smem:$0x3FFC];
	_ =	sdelay $0x3  }
0x96: {  	_ =	strace s5  }
0x97: {  	s5 =	sld [smem:$0x3FFD];
	_ =	sdelay $0x3  }
0x98: {  	_ =	strace s5  }
0x99: {  	_ =	strace $0x8FFFFFFF  }
0x9a: {  	s19 =	sld [smem:$0x3FDB];
	_ =	sdelay $0x1  }
0x9b: {  	s6 =	simm.s32 $_scs_section_size  }
0x9c: {  	s7 =	simm.s32 $_size__tile_overlayer_lowered;
	s8 =	simm.s32 $_tile_overlayer_lowered  }
0x9d: {  	s22 =	simm.s32 $0x1BFF;
	s21 =	sshll.u32 s8, $0x1;
	s5 =	sadd.s32 s6, s19  }
0x9e: {  	s9 =	simm.s32 $0x0;
	s20 =	sshll.u32 s7, $0x1;
	s7 =	sadd.s32 s21, s5  }
0x9f: {  	[timem:s9], [sflag:s22] =	dma.local [hbm:s7], s20  }
0xa0: {  	_ =	swait.ge [sflag:s22], s20  }
0xa1: {  	s6 =	ssub.s32 $0x0, s20;
	[sflag:s22] =	ssyncset.done $0x0  }
0xa2: {  	[sflag:s22] =	ssyncadd.s32 s6;
	_ =	sdelay $0x1  }
0xa3: {  	s23 =	simm.s32 $0x1B8B  }
0xa4: {  	_ =	swait.ge [sflag:s23], $0x1  }
0xa5: {  	[sflag:s23] =	ssyncset.done $0x0  }
0xa6: {  	s25 =	simm.s32 $0x1B8E;
	s24 =	sld [smem:$0x3FFE];
	[sflag:s23] =	ssyncadd.s32 $0xFFFFFFFF  }
0xa7: {  	s26 =	simm.s32 $execute0_lowered;
	[smem:$0x3FD2] =	sst s25  }
0xa8: {  	s7 =	sshll.u32 s26, $0x1;
	_ =	strace $0x80000049;
	[dreg:$0x1] =	wrdreg $0xFFFFFFFF  }
0xa9: {  	s28 =	simm.s32 $_size_execute0_lowered;
	s5 =	sadd.s32 s5, s7;
	[dreg:$0x0] =	wrdreg $0x0  }
0xaa: {  	s7 =	sshll.u32 s28, $0x1;
	[dreg:$0x2] =	wrdreg s5  }
0xab: {  	[dreg:$0x3] =	wrdreg s7  }
0xac: {  	[dreg:$0x4] =	wrdreg $0xC0  }
0xad: {  	_ =	task [dreg:s9], $0x5FFFF  }
0xae: {  	[dreg:$0x1] =	wrdreg $0xFFFFFFFF  }
0xaf: {  	[dreg:$0x0] =	wrdreg $0x60  }
0xb0: {  	[dreg:$0x2] =	wrdreg s2  }
0xb1: {  	[dreg:$0x3] =	wrdreg s18  }
0xb2: {  	[dreg:$0x4] =	wrdreg s24  }
0xb3: {  	[dreg:$0x5] =	wrdreg s4  }
0xb4: {  	[dreg:$0x6] =	wrdreg $0xE5800  }
0xb5: {  	[dreg:$0x7] =	wrdreg $0x9  }
0xb6: {  	_ =	task.clear_ibuf [dreg:s9], $0x8FFFF;
	_ =	strace $0x90000049  }
0xb7: {  	s29 =	simm.s32 $0x9;
	_ =	strace $0x8000004B  }
0xb8: {  	_ =	swait.ge [sflag:s29], $0x1  }
0xb9: {  	[sflag:s29] =	ssyncadd.s32 $0xFFFFFFFF  }
0xba: {  	_ =	strace $0x9000004B  }
0xbb: {  	_ =	sfence  }
0xbc: {  	s30 =	sld [smem:$0x0];
	_ =	sdelay $0x2  }
0xbd: {  	s31 =	sshll.u32 s1, $0xD;
	s1 =	sshrl.u32 s1, $0x2  }
0xbe: {  	s3 =	sand.u32 $0x4000, s31;
	s1 =	sadd.s32 s1, s30  }
0xbf: {  	s0 =	sor.u32 s3, s0;
	s1 =	sshll.u32 s1, $0x11  }
0xc0: {  	s0 =	sor.u32 s1, s0  }
0xc1: {  	s0 =	sadd.s32 $0x8F2B, s0  }
0xc2: {  	[sflag:s0] =	ssyncadd.remote.s32 $0x1  }
0xc3: {  	_ =	sfence.sel $0xFFFF  }
0xc4: {  	[dreg:$0x0] =	wrdreg $0xFFFFFFFF;
	(pc) =	sbr.abs _section_cstart, $3  }
0xc5: {  	[dreg:$0x1] =	wrdreg $0xFFFFFFFF  }
0xc6: {  	_ =	task.clear_ibuf [dreg:s9], $0x2FFFF;
	_ =	strace $0x9FFFFFFF  }
0xc7: {  	(tm) =	ssettm $0x7FFFFFFF  }
tec
execute0_lowered:
.L_overlay_start_1:
0x0: {  	(tag) =	ssettag $0x1  }
0x1: {  	s0 =	rddreg [dreg:$0x0]  }
0x2: {  	s1 =	rddreg [dreg:$0x2]  }
0x3: {  	s3 =	rddreg [dreg:$0x3]  }
0x4: {  	s2 =	srdreg.scid;
	s12 =	stileid.u32  }
0x5: {  	s4 =	rddreg [dreg:$0x4];
	s2 =	sand.u32 $0x1, s2;
	s5 =	sshll.u32 s12, $0x1  }
0x6: {  	s7 =	simm.s32 $0x0;
	s13 =	smul.u32 $0x45000, s12;
	s6 =	sor.u32 s2, s5  }
0x7: {  	[smem:$0x7FF] =	sst s7;
	s2 =	ssub.s32 $0x2, s2;
	s9 =	smul.u32 $0x61C00, s6  }
0x8: {  	_ =	strace $0x8000004A;
	s8 =	sshrl.u32 s2, $0x1;
	s10 =	smul.u32 $0xC380, s6  }
0x9: {  	s5 =	sadd.s32 $0xE00, s1;
	s7 =	smul.u32 $0xC38, s6;
	s1 =	ssub.s32 s2, s8  }
0xa: {  	s2 =	sshrl.u32 s13, $0x2;
	s9 =	sshrl.u32 s9, $0x3;
	s15 =	sadd.s32 s0, s10  }
0xb: {  	s18 =	sadd.s32 s3, s10;
	s11 =	sadd.s32 $0xB80, s9;
	[dreg:$0x6] =	wrdreg s15  }
0xc: {  	[dreg:$0x8] =	wrdreg s18;
	s19 =	sadd.s32 $0x1700, s9;
	s16 =	sadd.s32 s0, s11  }
0xd: {  	s14 =	smin.u32 s7, $0x17A68;
	s21 =	sadd.s32 s0, s19;
	[dreg:$0x7] =	wrdreg s16  }
0xe: {  	s20 =	sadd.s32 $0x2280, s9;
	s22 =	sadd.s32 s3, s11;
	[dreg:$0x9] =	wrdreg s21  }
0xf: {  	s17 =	sadd.s32 s2, s4;
	s23 =	sadd.s32 s0, s20;
	[dreg:$0xa] =	wrdreg s22  }
0x10: {  	s24 =	sadd.s32 $0x2E00, s9;
	s2 =	sadd.s32 s3, s19;
	[dreg:$0xb] =	wrdreg s23  }
0x11: {  	s8 =	sadd.s32 $0xC38, s14;
	s26 =	sadd.s32 s0, s24;
	[dreg:$0xc] =	wrdreg s2  }
0x12: {  	s25 =	sadd.s32 $0x3980, s9;
	s4 =	sadd.s32 s3, s20;
	[dreg:$0xd] =	wrdreg s26  }
0x13: {  	s14 =	sadd.s32 $0x4500, s9;
	s13 =	sadd.s32 s0, s25;
	[dreg:$0xe] =	wrdreg s4  }
0x14: {  	s18 =	sadd.s32 $0x5080, s9;
	s15 =	sadd.s32 s0, s14;
	[dreg:$0xf] =	wrdreg s13  }
0x15: {  	s10 =	sadd.s32 $0x8A00, s9;
	s19 =	sadd.s32 s0, s18;
	[dreg:$0x11] =	wrdreg s15  }
0x16: {  	s11 =	sadd.s32 s0, s10;
	[dreg:$0x14] =	wrdreg s19  }
0x17: {  	s2 =	sadd.s32 s3, s24;
	[dreg:$0x1e] =	wrdreg s11  }
0x18: {  	s16 =	sadd.s32 s3, s25;
	[dreg:$0x10] =	wrdreg s2  }
0x19: {  	s20 =	sadd.s32 $0x5C00, s9;
	s4 =	sadd.s32 s3, s18;
	[dreg:$0x12] =	wrdreg s16  }
0x1a: {  	s21 =	sadd.s32 s0, s20;
	[dreg:$0x15] =	wrdreg s4  }
0x1b: {  	s22 =	sadd.s32 $0x6780, s9;
	s2 =	sadd.s32 s3, s14;
	[dreg:$0x16] =	wrdreg s21  }
0x1c: {  	p0 =	seq.s32 s6, $0x1F;
	s23 =	sadd.s32 s0, s22;
	[dreg:$0x13] =	wrdreg s2  }
0x1d: {  	s24 =	sadd.s32 $0x7300, s9;
	s4 =	sadd.s32 s3, s22;
	[dreg:$0x18] =	wrdreg s23  }
0x1e: {  	s26 =	sadd.s32 $0x7E80, s9;
	s25 =	sadd.s32 s0, s24;
	[dreg:$0x19] =	wrdreg s4  }
0x1f: {  	s13 =	sadd.s32 $0x9580, s9;
	s6 =	sadd.s32 s0, s26;
	[dreg:$0x1a] =	wrdreg s25  }
0x20: {  	s15 =	sadd.s32 $0xA100, s9;
	s14 =	sadd.s32 s0, s13;
	[dreg:$0x1c] =	wrdreg s6  }
0x21: {  	s19 =	sadd.s32 $0xB800, s9;
	s16 =	sadd.s32 s0, s15;
	[smem:$0x7F0] =	sst s14  }
0x22: {  	s21 =	sadd.s32 s0, s19;
	[smem:$0x7F2] =	sst s16  }
0x23: {  	s28 =	simm.s32 $0x6;
	s22 =	smax.u32 s1, $0x1;
	[smem:$0x7F6] =	sst s21  }
0x24: {  	s29 =	simm.s32 $0x9;
	s2 =	sadd.s32 s3, s20;
	[smem:$0x7F9] =	sst s22  }
0x25: {  	s18 =	sadd.s32 $0xAC80, s9;
	s4 =	sadd.s32 s3, s26;
	[dreg:$0x17] =	wrdreg s2  }
0x26: {  	s30 =	simm.s32 $0x1;
	s20 =	sadd.s32 s0, s18;
	[dreg:$0x1d] =	wrdreg s4  }
0x27: {  	s31 =	simm.s32 $0x4000;
	s0 =	sadd.s32 $0x186480, s0;
	[smem:$0x7F4] =	sst s20  }
0x28: {  	v0 =	vmov s7;
	s7 =	simm.s32 $0xA580;
	s23 =	sadd.s32 $0x5C00, s17;
	[smem:$0x7F8] =	sst s0  }
0x29: {  	v1 =	vmov s8;
	s8 =	simm.s32 $0x2;
	s25 =	sadd.s32 $0xB800, s17;
	[smem:$0x7FA] =	sst s23  }
0x2a: {  	s9 =	simm.s32 $0x8;
	s26 =	sadd.s32 $0x186480, s3;
	[smem:$0x7FB] =	sst s25  }
0x2b: {  	v2 =	vimm.s32 $0x0;
	v3 =	vlaneseq.u32;
	s1 =	simm.s32 $0x6580;
	s2 =	sadd.s32 s3, s24;
	[smem:$0x7FC] =	sst s26  }
0x2c: {  	vm13 =	vmxor vm13, vm13;
	v4 =	vor.u32 $0x10, v3;
	v5 =	vor.u32 $0x20, v3;
	s22 =	simm.s32 $0x3;
	s4 =	sadd.s32 s3, s13;
	[dreg:$0x1b] =	wrdreg s2  }
0x2d: {  	v6 =	vor.u32 $0x30, v3;
	v7 =	vor.u32 $0x40, v3;
	v8 =	vor.u32 $0x50, v3;
	s23 =	simm.s32 $0x4;
	s2 =	sadd.s32 s3, s10;
	[smem:$0x7F1] =	sst s4  }
.Ltmp0:
0x2e: {  	v9 =	vor.u32 $0x60, v3;
	v10 =	vor.u32 $0x70, v3;
	v11 =	vor.u32 $0x80, v3;
	s4 =	sadd.s32 s3, s18;
	[dreg:$0x1f] =	wrdreg s2;
	(pc) =	sbr.rel .LBB2_1-.Ltmp0, $4  }
0x2f: {  	v12 =	vor.u32 $0x90, v3;
	v13 =	vor.u32 $0xA0, v3;
	v14 =	vor.u32 $0xB0, v3;
	s18 =	sshll.u32 s12, $0x6;
	s2 =	sadd.s32 s3, s15;
	[smem:$0x7F5] =	sst s4  }
0x30: {  	v15 =	vor.u32 $0xC0, v3;
	v16 =	vor.u32 $0xD0, v3;
	v17 =	vor.u32 $0xE0, v3;
	s26 =	simm.s32 $0x5;
	s24 =	sor.u32 $0x1C04, s18;
	[smem:$0x7F3] =	sst s2  }
0x31: {  	v18 =	vor.u32 $0xF0, v3;
	v19 =	vor.u32 $0x100, v3;
	v20 =	vor.u32 $0x110, v3;
	s25 =	simm.s32 $0x7;
	s2 =	sadd.s32 s3, s19;
	[smem:$0x7FD] =	sst s24  }
0x32: {  	v21 =	vor.u32 $0x120, v3;
	v22 =	vor.u32 $0x130, v3;
	v23 =	vor.u32 $0x140, v3;
	s4 =	simm.s32 $0x0;
	[smem:$0x7F7] =	sst s2;
	s2 =	simm.s32 $0x80  }
.LBB2_47:
0x33: {  	[sflag:s23] =	ssyncadd.s32 $0xFFFFC000;
	s9 =	simm.s32 $0x8;
	s4 =	sld [smem:$0x7EF]  }
.LBB2_48:
0x34: {  	s0 =	sld [smem:$0x7F9];
	_ =	sdelay $0x1  }
0x35: {  	s4 =	sadd.s32 $0x1, s4  }
0x36: {  	p1 =	sne.s32 s4, s0  }
.Ltmp1:
0x37: {  	_ = 	snop;
	(pc) =	sbr.rel @!p1 .LBB2_49-.Ltmp1, $1  }
0x38: {  	_ =	sdelay $0x3  }
.LBB2_1:
0x39: {  	[smem:$0x7EF] =	sst s4  }
0x3a: {  	s0 =	rddreg [dreg:$0x1]  }
0x3b: {  	s19 =	simm.s32 $0x0;
	s10 =	sshrl.u32 s17, $0x3;
	s20 =	rddreg [dreg:$0x6]  }
0x3c: {  	[tilespmem:s19], [sflag:$0x3] =	stream.linear.gather [hbm4b:s0+s19], $0x4000, $0x38;
	[tilespmem:$0x1F980] =	vst v63  }
0x3d: {  	[spmem:s10], [sflag:s24] =	dma.local [hbm:s20], $0xB80  }
0x3e: {  	s0 =	sld [smem:$0x7FA];
	_ =	sdelay $0x2  }
0x3f: {  	s14 =	sor.u32 $0x1C05, s18;
	s21 =	rddreg [dreg:$0x7];
	s12 =	sshrl.u32 s0, $0x3  }
0x40: {  	[spmem:s12], [sflag:s14] =	dma.local [hbm:s21], $0xB80  }
0x41: {  	_ =	swait.ge [sflag:s22], $0x4000  }
0x42: {  	[sflag:s22] =	ssyncset.done $0x0  }
0x43: {  	[sflag:s22] =	ssyncadd.s32 $0xFFFFC000  }
0x44: {  	v24 =	vld [tilespmem:s19+$0x0];
	_ =	sdelay $0x4  }
0x45: {  	vm1 =	vge.s32 v24, v0;
	vm2 =	vlt.s32 v24, v1  }
0x46: {  	vm1 =	vmand vm1, vm2  }
0x47: {  	v25 =	vsel vm1, $0x1, v2  }
0x48: {  	(xrf0) =	vadd.scan.msk.s32 $0xffff, v25;
	_ =	sdelay $0x5  }
0x49: {  	v25, _, _ =	vpop (xrf0)  }
0x4a: {  	(v2sf) =	vpush v25, $0xF  }
0x4b: {  	[tilespmem:s19+$0x4C80] =	vst.msk vm1, v24;
	v24 =	vor.u32 s19, v3  }
0x4c: {  	s0 =	simm.s32 $0x10;
	[tilespmem:s19+$0x5100] =	vst.msk vm1, v24  }
0x4d: {  	s6 =	simm.s32 $0x20;
	s4 =	simm.s32 $0x0;
	s11 =	simm.s32 $0x10;
	v24 =	vld [tilespmem:s0+$0x0]  }
.LBB2_2:
0x4e: {  	p1 =	sne.s32 s6, $0x3F0;
	_ =	sdelay $0x3  }
0x4f: {  	vm1 =	vge.s32 v24, v0;
	vm2 =	vlt.s32 v24, v1  }
0x50: {  	vm1 =	vmand vm1, vm2  }
0x51: {  	v25 =	vsel vm1, $0x1, v2  }
0x52: {  	(xrf0) =	vadd.scan.msk.s32 $0xffff, v25;
	_ =	sdelay $0x3  }
0x53: {  	s13 =	spop (v2sf)  }
0x54: {  	s4 =	sadd.s32 s4, s13  }
.Ltmp2:
0x55: {  	v25, _, _ =	vpop (xrf0);
	p2 =	slt.s32 s4, $0x400;
	(pc) =	sbr.rel @p1 .LBB2_2-.Ltmp2, $4  }
0x56: {  	(v2sf) =	vpush v25, $0xF;
	s4 =	simm.s32 @!p2 $0x400  }
0x57: {  	[tilespmem:s4+$0x4C80] =	vst.msk vm1, v24;
	v24 =	vor.u32 s0, v3;
	s0 =	smov.u32 s6  }
0x58: {  	s11 =	sadd.s32 $0x10, s11;
	[tilespmem:s4+$0x5100] =	vst.msk vm1, v24  }
0x59: {  	s6 =	sadd.s32 $0x10, s6;
	v24 =	vld [tilespmem:s11+$0x0]  }
0x5a: {  	_ =	sdelay $0x3  }
0x5b: {  	vm1 =	vge.s32 v24, v0;
	vm2 =	vlt.s32 v24, v1  }
0x5c: {  	vm1 =	vmand vm1, vm2  }
0x5d: {  	v25 =	vsel vm1, $0x1, v2  }
0x5e: {  	(xrf0) =	vadd.scan.msk.s32 $0xffff, v25;
	_ =	sdelay $0x5  }
0x5f: {  	v25, _, _ =	vpop (xrf0)  }
0x60: {  	(v2sf) =	vpush v25, $0xF;
	_ =	sdelay $0x9  }
0x61: {  	s6 =	spop (v2sf)  }
0x62: {  	s4 =	sadd.s32 s4, s6  }
0x63: {  	p1 =	slt.s32 s4, $0x400  }
0x64: {  	s4 =	simm.s32 @!p1 $0x400  }
0x65: {  	[tilespmem:s4+$0x4C80] =	vst.msk vm1, v24;
	v24 =	vor.u32 s0, v3  }
0x66: {  	[tilespmem:s4+$0x5100] =	vst.msk vm1, v24;
	s16 =	spop (v2sf)  }
0x67: {  	_ =	swait.ge [sflag:s23], $0xB80  }
0x68: {  	[sflag:s23] =	ssyncset.done $0x0  }
0x69: {  	s11 =	sor.u32 $0x1C07, s18;
	s19 =	rddreg [dreg:$0x8];
	[sflag:s23] =	ssyncadd.s32 $0xFFFFF480  }
0x6a: {  	[hbm:s19], [sflag:s11] =	dma.local [spmem:s10], $0xB80  }
0x6b: {  	s6 =	sld [smem:$0x7FB];
	_ =	sdelay $0x1  }
0x6c: {  	s15 =	sor.u32 $0x1C06, s18  }
0x6d: {  	s21 =	simm.s32 $0x400;
	s20 =	rddreg [dreg:$0x9];
	s13 =	sshrl.u32 s6, $0x3  }
0x6e: {  	[spmem:s13], [sflag:s15] =	dma.local [hbm:s20], $0xB80  }
0x6f: {  	v24 =	vld [tilespmem:s21+$0x0];
	_ =	sdelay $0x4  }
0x70: {  	vm10 =	vge.s32 v24, v0;
	vm11 =	vlt.s32 v24, v1  }
0x71: {  	vm1 =	vmand vm10, vm11  }
0x72: {  	v25 =	vsel vm1, $0x1, v2  }
0x73: {  	(xrf0) =	vadd.scan.msk.s32 $0xffff, v25;
	_ =	sdelay $0x4  }
0x74: {  	s0 =	sadd.s32 s4, s16  }
0x75: {  	p1 =	slt.s32 s0, $0x400;
	v25, _, _ =	vpop (xrf0)  }
0x76: {  	s0 =	simm.s32 @!p1 $0x400;
	(v2sf) =	vpush v25, $0xF  }
0x77: {  	[tilespmem:s0+$0x4C80] =	vst.msk vm1, v24;
	v24 =	vor.u32 s21, v3  }
0x78: {  	s4 =	simm.s32 $0x410;
	[tilespmem:s0+$0x5100] =	vst.msk vm1, v24  }
0x79: {  	s16 =	simm.s32 $0x410;
	s6 =	simm.s32 $0x420;
	v24 =	vld [tilespmem:s4+$0x0]  }
.LBB2_4:
0x7a: {  	p1 =	sne.s32 s6, $0x7F0;
	_ =	sdelay $0x3  }
0x7b: {  	vm1 =	vge.s32 v24, v0;
	vm2 =	vlt.s32 v24, v1  }
0x7c: {  	vm1 =	vmand vm1, vm2  }
0x7d: {  	v25 =	vsel vm1, $0x1, v2  }
0x7e: {  	(xrf0) =	vadd.scan.msk.s32 $0xffff, v25;
	_ =	sdelay $0x3  }
0x7f: {  	s19 =	spop (v2sf)  }
0x80: {  	s0 =	sadd.s32 s0, s19  }
.Ltmp3:
0x81: {  	v25, _, _ =	vpop (xrf0);
	p2 =	slt.s32 s0, $0x400;
	(pc) =	sbr.rel @p1 .LBB2_4-.Ltmp3, $4  }
0x82: {  	(v2sf) =	vpush v25, $0xF;
	s0 =	simm.s32 @!p2 $0x400  }
0x83: {  	[tilespmem:s0+$0x4C80] =	vst.msk vm1, v24;
	v24 =	vor.u32 s4, v3;
	s4 =	smov.u32 s6  }
0x84: {  	s16 =	sadd.s32 $0x10, s16;
	[tilespmem:s0+$0x5100] =	vst.msk vm1, v24  }
0x85: {  	s6 =	sadd.s32 $0x10, s6;
	v24 =	vld [tilespmem:s16+$0x0]  }
0x86: {  	_ =	sdelay $0x3  }
0x87: {  	vm1 =	vge.s32 v24, v0;
	vm2 =	vlt.s32 v24, v1  }
0x88: {  	vm1 =	vmand vm1, vm2  }
0x89: {  	v25 =	vsel vm1, $0x1, v2  }
0x8a: {  	(xrf0) =	vadd.scan.msk.s32 $0xffff, v25;
	_ =	sdelay $0x5  }
0x8b: {  	v25, _, _ =	vpop (xrf0)  }
0x8c: {  	(v2sf) =	vpush v25, $0xF;
	_ =	sdelay $0x9  }
0x8d: {  	s6 =	spop (v2sf)  }
0x8e: {  	s0 =	sadd.s32 s0, s6  }
0x8f: {  	p1 =	slt.s32 s0, $0x400  }
0x90: {  	s0 =	simm.s32 @!p1 $0x400  }
0x91: {  	[tilespmem:s0+$0x4C80] =	vst.msk vm1, v24;
	v24 =	vor.u32 s4, v3  }
0x92: {  	[tilespmem:s0+$0x5100] =	vst.msk vm1, v24;
	s4 =	spop (v2sf)  }
0x93: {  	_ =	swait.ge [sflag:s26], $0xB80  }
0x94: {  	[sflag:s26] =	ssyncset.done $0x0  }
0x95: {  	s16 =	sor.u32 $0x1C08, s18;
	s19 =	rddreg [dreg:$0xa];
	[sflag:s26] =	ssyncadd.s32 $0xFFFFF480  }
0x96: {  	[hbm:s19], [sflag:s16] =	dma.local [spmem:s12], $0xB80  }
0x97: {  	_ =	swait.ge [sflag:s25], $0xB80  }
0x98: {  	[sflag:s25] =	ssyncset.done $0x0  }
0x99: {  	s21 =	simm.s32 $0x800;
	s20 =	rddreg [dreg:$0xb];
	[sflag:s25] =	ssyncadd.s32 $0xFFFFF480  }
0x9a: {  	[spmem:s10], [sflag:s24] =	dma.local [hbm:s20], $0xB80  }
0x9b: {  	v24 =	vld [tilespmem:s21+$0x0];
	_ =	sdelay $0x4  }
0x9c: {  	vm10 =	vge.s32 v24, v0;
	vm11 =	vlt.s32 v24, v1  }
0x9d: {  	vm1 =	vmand vm10, vm11  }
0x9e: {  	v25 =	vsel vm1, $0x1, v2  }
0x9f: {  	(xrf0) =	vadd.scan.msk.s32 $0xffff, v25;
	_ =	sdelay $0x4  }
0xa0: {  	s0 =	sadd.s32 s0, s4  }
0xa1: {  	p1 =	slt.s32 s0, $0x400;
	v25, _, _ =	vpop (xrf0)  }
0xa2: {  	s0 =	simm.s32 @!p1 $0x400;
	(v2sf) =	vpush v25, $0xF  }
0xa3: {  	[tilespmem:s0+$0x4C80] =	vst.msk vm1, v24;
	v24 =	vor.u32 s21, v3  }
0xa4: {  	s4 =	simm.s32 $0x810;
	[tilespmem:s0+$0x5100] =	vst.msk vm1, v24  }
0xa5: {  	s6 =	simm.s32 $0x820;
	s19 =	simm.s32 $0x810;
	v24 =	vld [tilespmem:s4+$0x0]  }
.LBB2_6:
0xa6: {  	p1 =	sne.s32 s6, $0xBF0;
	_ =	sdelay $0x3  }
0xa7: {  	vm1 =	vge.s32 v24, v0;
	vm2 =	vlt.s32 v24, v1  }
0xa8: {  	vm1 =	vmand vm1, vm2  }
0xa9: {  	v25 =	vsel vm1, $0x1, v2  }
0xaa: {  	(xrf0) =	vadd.scan.msk.s32 $0xffff, v25;
	_ =	sdelay $0x3  }
0xab: {  	s20 =	spop (v2sf)  }
0xac: {  	s0 =	sadd.s32 s0, s20  }
.Ltmp4:
0xad: {  	v25, _, _ =	vpop (xrf0);
	p2 =	slt.s32 s0, $0x400;
	(pc) =	sbr.rel @p1 .LBB2_6-.Ltmp4, $4  }
0xae: {  	(v2sf) =	vpush v25, $0xF;
	s0 =	simm.s32 @!p2 $0x400  }
0xaf: {  	[tilespmem:s0+$0x4C80] =	vst.msk vm1, v24;
	v24 =	vor.u32 s4, v3;
	s4 =	smov.u32 s6  }
0xb0: {  	s19 =	sadd.s32 $0x10, s19;
	[tilespmem:s0+$0x5100] =	vst.msk vm1, v24  }
0xb1: {  	s6 =	sadd.s32 $0x10, s6;
	v24 =	vld [tilespmem:s19+$0x0]  }
0xb2: {  	_ =	sdelay $0x3  }
0xb3: {  	vm1 =	vge.s32 v24, v0;
	vm2 =	vlt.s32 v24, v1  }
0xb4: {  	vm1 =	vmand vm1, vm2  }
0xb5: {  	v25 =	vsel vm1, $0x1, v2  }
0xb6: {  	(xrf0) =	vadd.scan.msk.s32 $0xffff, v25;
	_ =	sdelay $0x5  }
0xb7: {  	v25, _, _ =	vpop (xrf0)  }
0xb8: {  	(v2sf) =	vpush v25, $0xF;
	_ =	sdelay $0x9  }
0xb9: {  	s6 =	spop (v2sf)  }
0xba: {  	s0 =	sadd.s32 s0, s6  }
0xbb: {  	p1 =	slt.s32 s0, $0x400  }
0xbc: {  	s0 =	simm.s32 @!p1 $0x400  }
0xbd: {  	[tilespmem:s0+$0x4C80] =	vst.msk vm1, v24;
	v24 =	vor.u32 s4, v3  }
0xbe: {  	[tilespmem:s0+$0x5100] =	vst.msk vm1, v24;
	s4 =	spop (v2sf)  }
0xbf: {  	_ =	swait.ge [sflag:s28], $0xB80  }
0xc0: {  	[sflag:s28] =	ssyncset.done $0x0  }
0xc1: {  	s19 =	sor.u32 $0x1C09, s18;
	s21 =	rddreg [dreg:$0xc];
	[sflag:s28] =	ssyncadd.s32 $0xFFFFF480  }
0xc2: {  	[hbm:s21], [sflag:s19] =	dma.local [spmem:s13], $0xB80  }
0xc3: {  	_ =	swait.ge [sflag:s9], $0xB80  }
0xc4: {  	[sflag:s9] =	ssyncset.done $0x0  }
0xc5: {  	s21 =	simm.s32 $0xC00;
	s20 =	rddreg [dreg:$0xd];
	[sflag:s9] =	ssyncadd.s32 $0xFFFFF480  }
0xc6: {  	[spmem:s12], [sflag:s14] =	dma.local [hbm:s20], $0xB80  }
0xc7: {  	v24 =	vld [tilespmem:s21+$0x0];
	_ =	sdelay $0x4  }
0xc8: {  	vm10 =	vge.s32 v24, v0;
	vm11 =	vlt.s32 v24, v1  }
0xc9: {  	vm1 =	vmand vm10, vm11  }
0xca: {  	v25 =	vsel vm1, $0x1, v2  }
0xcb: {  	(xrf0) =	vadd.scan.msk.s32 $0xffff, v25;
	_ =	sdelay $0x4  }
0xcc: {  	s0 =	sadd.s32 s0, s4  }
0xcd: {  	p1 =	slt.s32 s0, $0x400;
	v25, _, _ =	vpop (xrf0)  }
0xce: {  	s0 =	simm.s32 @!p1 $0x400;
	(v2sf) =	vpush v25, $0xF  }
0xcf: {  	[tilespmem:s0+$0x4C80] =	vst.msk vm1, v24;
	v24 =	vor.u32 s21, v3  }
0xd0: {  	s4 =	simm.s32 $0xC10;
	[tilespmem:s0+$0x5100] =	vst.msk vm1, v24  }
0xd1: {  	s6 =	simm.s32 $0xC20;
	s20 =	simm.s32 $0xC10;
	v24 =	vld [tilespmem:s4+$0x0]  }
.LBB2_8:
0xd2: {  	p1 =	sne.s32 s6, $0xFF0;
	_ =	sdelay $0x3  }
0xd3: {  	vm1 =	vge.s32 v24, v0;
	vm2 =	vlt.s32 v24, v1  }
0xd4: {  	vm1 =	vmand vm1, vm2  }
0xd5: {  	v25 =	vsel vm1, $0x1, v2  }
0xd6: {  	(xrf0) =	vadd.scan.msk.s32 $0xffff, v25;
	_ =	sdelay $0x3  }
0xd7: {  	s21 =	spop (v2sf)  }
0xd8: {  	s0 =	sadd.s32 s0, s21  }
.Ltmp5:
0xd9: {  	v25, _, _ =	vpop (xrf0);
	p2 =	slt.s32 s0, $0x400;
	(pc) =	sbr.rel @p1 .LBB2_8-.Ltmp5, $4  }
0xda: {  	(v2sf) =	vpush v25, $0xF;
	s0 =	simm.s32 @!p2 $0x400  }
0xdb: {  	[tilespmem:s0+$0x4C80] =	vst.msk vm1, v24;
	v24 =	vor.u32 s4, v3;
	s4 =	smov.u32 s6  }
0xdc: {  	s20 =	sadd.s32 $0x10, s20;
	[tilespmem:s0+$0x5100] =	vst.msk vm1, v24  }
0xdd: {  	s6 =	sadd.s32 $0x10, s6;
	v24 =	vld [tilespmem:s20+$0x0]  }
0xde: {  	_ =	sdelay $0x3  }
0xdf: {  	vm1 =	vge.s32 v24, v0;
	vm2 =	vlt.s32 v24, v1  }
0xe0: {  	vm1 =	vmand vm1, vm2  }
0xe1: {  	v25 =	vsel vm1, $0x1, v2  }
0xe2: {  	(xrf0) =	vadd.scan.msk.s32 $0xffff, v25;
	_ =	sdelay $0x5  }
0xe3: {  	v25, _, _ =	vpop (xrf0)  }
0xe4: {  	(v2sf) =	vpush v25, $0xF;
	_ =	sdelay $0x9  }
0xe5: {  	s6 =	spop (v2sf)  }
0xe6: {  	s0 =	sadd.s32 s0, s6  }
0xe7: {  	p1 =	slt.s32 s0, $0x400  }
0xe8: {  	s0 =	simm.s32 @!p1 $0x400  }
0xe9: {  	[tilespmem:s0+$0x4C80] =	vst.msk vm1, v24;
	v24 =	vor.u32 s4, v3  }
0xea: {  	[tilespmem:s0+$0x5100] =	vst.msk vm1, v24;
	s4 =	spop (v2sf)  }
0xeb: {  	_ =	swait.ge [sflag:s23], $0xB80  }
0xec: {  	[sflag:s23] =	ssyncset.done $0x0  }
0xed: {  	s21 =	rddreg [dreg:$0xe];
	[sflag:s23] =	ssyncadd.s32 $0xFFFFF480  }
0xee: {  	[hbm:s21], [sflag:s11] =	dma.local [spmem:s10], $0xB80  }
0xef: {  	_ =	swait.ge [sflag:s29], $0xB80  }
0xf0: {  	[sflag:s29] =	ssyncset.done $0x0  }
0xf1: {  	s21 =	simm.s32 $0x1000;
	s20 =	rddreg [dreg:$0xf];
	[sflag:s29] =	ssyncadd.s32 $0xFFFFF480  }
0xf2: {  	[spmem:s13], [sflag:s15] =	dma.local [hbm:s20], $0xB80  }
0xf3: {  	v24 =	vld [tilespmem:s21+$0x0];
	_ =	sdelay $0x4  }
0xf4: {  	vm10 =	vge.s32 v24, v0;
	vm11 =	vlt.s32 v24, v1  }
0xf5: {  	vm1 =	vmand vm10, vm11  }
0xf6: {  	v25 =	vsel vm1, $0x1, v2  }
0xf7: {  	(xrf0) =	vadd.scan.msk.s32 $0xffff, v25;
	_ =	sdelay $0x4  }
0xf8: {  	s0 =	sadd.s32 s0, s4  }
0xf9: {  	p1 =	slt.s32 s0, $0x400;
	v25, _, _ =	vpop (xrf0)  }
0xfa: {  	s0 =	simm.s32 @!p1 $0x400;
	(v2sf) =	vpush v25, $0xF  }
0xfb: {  	[tilespmem:s0+$0x4C80] =	vst.msk vm1, v24;
	v24 =	vor.u32 s21, v3  }
0xfc: {  	s4 =	simm.s32 $0x1010;
	[tilespmem:s0+$0x5100] =	vst.msk vm1, v24  }
0xfd: {  	s6 =	simm.s32 $0x1020;
	s20 =	simm.s32 $0x1010;
	v24 =	vld [tilespmem:s4+$0x0]  }
.LBB2_10:
0xfe: {  	p1 =	sne.s32 s6, $0x13F0;
	_ =	sdelay $0x3  }
0xff: {  	vm1 =	vge.s32 v24, v0;
	vm2 =	vlt.s32 v24, v1  }
0x100: {  	vm1 =	vmand vm1, vm2  }
0x101: {  	v25 =	vsel vm1, $0x1, v2  }
0x102: {  	(xrf0) =	vadd.scan.msk.s32 $0xffff, v25;
	_ =	sdelay $0x3  }
0x103: {  	s21 =	spop (v2sf)  }
0x104: {  	s0 =	sadd.s32 s0, s21  }
.Ltmp6:
0x105: {  	v25, _, _ =	vpop (xrf0);
	p2 =	slt.s32 s0, $0x400;
	(pc) =	sbr.rel @p1 .LBB2_10-.Ltmp6, $4  }
0x106: {  	(v2sf) =	vpush v25, $0xF;
	s0 =	simm.s32 @!p2 $0x400  }
0x107: {  	[tilespmem:s0+$0x4C80] =	vst.msk vm1, v24;
	v24 =	vor.u32 s4, v3;
	s4 =	smov.u32 s6  }
0x108: {  	s20 =	sadd.s32 $0x10, s20;
	[tilespmem:s0+$0x5100] =	vst.msk vm1, v24  }
0x109: {  	s6 =	sadd.s32 $0x10, s6;
	v24 =	vld [tilespmem:s20+$0x0]  }
0x10a: {  	_ =	sdelay $0x3  }
0x10b: {  	vm1 =	vge.s32 v24, v0;
	vm2 =	vlt.s32 v24, v1  }
0x10c: {  	vm1 =	vmand vm1, vm2  }
0x10d: {  	v25 =	vsel vm1, $0x1, v2  }
0x10e: {  	(xrf0) =	vadd.scan.msk.s32 $0xffff, v25;
	_ =	sdelay $0x5  }
0x10f: {  	v25, _, _ =	vpop (xrf0)  }
0x110: {  	(v2sf) =	vpush v25, $0xF;
	_ =	sdelay $0x9  }
0x111: {  	s6 =	spop (v2sf)  }
0x112: {  	s0 =	sadd.s32 s0, s6  }
0x113: {  	p1 =	slt.s32 s0, $0x400  }
0x114: {  	s0 =	simm.s32 @!p1 $0x400  }
0x115: {  	[tilespmem:s0+$0x4C80] =	vst.msk vm1, v24;
	v24 =	vor.u32 s4, v3  }
0x116: {  	[tilespmem:s0+$0x5100] =	vst.msk vm1, v24;
	s4 =	spop (v2sf)  }
0x117: {  	_ =	swait.ge [sflag:s26], $0xB80  }
0x118: {  	[sflag:s26] =	ssyncset.done $0x0  }
0x119: {  	s21 =	rddreg [dreg:$0x10];
	[sflag:s26] =	ssyncadd.s32 $0xFFFFF480  }
0x11a: {  	[hbm:s21], [sflag:s16] =	dma.local [spmem:s12], $0xB80  }
0x11b: {  	_ =	swait.ge [sflag:s25], $0xB80  }
0x11c: {  	[sflag:s25] =	ssyncset.done $0x0  }
0x11d: {  	s21 =	simm.s32 $0x1400;
	s20 =	rddreg [dreg:$0x11];
	[sflag:s25] =	ssyncadd.s32 $0xFFFFF480  }
0x11e: {  	[spmem:s10], [sflag:s24] =	dma.local [hbm:s20], $0xB80  }
0x11f: {  	v24 =	vld [tilespmem:s21+$0x0];
	_ =	sdelay $0x4  }
0x120: {  	vm10 =	vge.s32 v24, v0;
	vm11 =	vlt.s32 v24, v1  }
0x121: {  	vm1 =	vmand vm10, vm11  }
0x122: {  	v25 =	vsel vm1, $0x1, v2  }
0x123: {  	(xrf0) =	vadd.scan.msk.s32 $0xffff, v25;
	_ =	sdelay $0x4  }
0x124: {  	s0 =	sadd.s32 s0, s4  }
0x125: {  	p1 =	slt.s32 s0, $0x400;
	v25, _, _ =	vpop (xrf0)  }
0x126: {  	s0 =	simm.s32 @!p1 $0x400;
	(v2sf) =	vpush v25, $0xF  }
0x127: {  	[tilespmem:s0+$0x4C80] =	vst.msk vm1, v24;
	v24 =	vor.u32 s21, v3  }
0x128: {  	s4 =	simm.s32 $0x1410;
	[tilespmem:s0+$0x5100] =	vst.msk vm1, v24  }
0x129: {  	s6 =	simm.s32 $0x1420;
	s20 =	simm.s32 $0x1410;
	v24 =	vld [tilespmem:s4+$0x0]  }
.LBB2_12:
0x12a: {  	p1 =	sne.s32 s6, $0x17F0;
	_ =	sdelay $0x3  }
0x12b: {  	vm1 =	vge.s32 v24, v0;
	vm2 =	vlt.s32 v24, v1  }
0x12c: {  	vm1 =	vmand vm1, vm2  }
0x12d: {  	v25 =	vsel vm1, $0x1, v2  }
0x12e: {  	(xrf0) =	vadd.scan.msk.s32 $0xffff, v25;
	_ =	sdelay $0x3  }
0x12f: {  	s21 =	spop (v2sf)  }
0x130: {  	s0 =	sadd.s32 s0, s21  }
.Ltmp7:
0x131: {  	v25, _, _ =	vpop (xrf0);
	p2 =	slt.s32 s0, $0x400;
	(pc) =	sbr.rel @p1 .LBB2_12-.Ltmp7, $4  }
0x132: {  	(v2sf) =	vpush v25, $0xF;
	s0 =	simm.s32 @!p2 $0x400  }
0x133: {  	[tilespmem:s0+$0x4C80] =	vst.msk vm1, v24;
	v24 =	vor.u32 s4, v3;
	s4 =	smov.u32 s6  }
0x134: {  	s20 =	sadd.s32 $0x10, s20;
	[tilespmem:s0+$0x5100] =	vst.msk vm1, v24  }
0x135: {  	s6 =	sadd.s32 $0x10, s6;
	v24 =	vld [tilespmem:s20+$0x0]  }
0x136: {  	_ =	sdelay $0x3  }
0x137: {  	vm1 =	vge.s32 v24, v0;
	vm2 =	vlt.s32 v24, v1  }
0x138: {  	vm1 =	vmand vm1, vm2  }
0x139: {  	v25 =	vsel vm1, $0x1, v2  }
0x13a: {  	(xrf0) =	vadd.scan.msk.s32 $0xffff, v25;
	_ =	sdelay $0x5  }
0x13b: {  	v25, _, _ =	vpop (xrf0)  }
0x13c: {  	(v2sf) =	vpush v25, $0xF;
	_ =	sdelay $0x9  }
0x13d: {  	s6 =	spop (v2sf)  }
0x13e: {  	s0 =	sadd.s32 s0, s6  }
0x13f: {  	p1 =	slt.s32 s0, $0x400  }
0x140: {  	s0 =	simm.s32 @!p1 $0x400  }
0x141: {  	[tilespmem:s0+$0x4C80] =	vst.msk vm1, v24;
	v24 =	vor.u32 s4, v3  }
0x142: {  	[tilespmem:s0+$0x5100] =	vst.msk vm1, v24;
	s4 =	spop (v2sf)  }
0x143: {  	_ =	swait.ge [sflag:s28], $0xB80  }
0x144: {  	[sflag:s28] =	ssyncset.done $0x0  }
0x145: {  	s21 =	rddreg [dreg:$0x12];
	[sflag:s28] =	ssyncadd.s32 $0xFFFFF480  }
0x146: {  	[hbm:s21], [sflag:s19] =	dma.local [spmem:s13], $0xB80  }
0x147: {  	_ =	swait.ge [sflag:s9], $0xB80  }
0x148: {  	[sflag:s9] =	ssyncset.done $0x0  }
0x149: {  	s21 =	simm.s32 $0x1800;
	s20 =	rddreg [dreg:$0x14];
	[sflag:s9] =	ssyncadd.s32 $0xFFFFF480  }
0x14a: {  	[spmem:s12], [sflag:s14] =	dma.local [hbm:s20], $0xB80  }
0x14b: {  	v24 =	vld [tilespmem:s21+$0x0];
	_ =	sdelay $0x4  }
0x14c: {  	vm10 =	vge.s32 v24, v0;
	vm11 =	vlt.s32 v24, v1  }
0x14d: {  	vm1 =	vmand vm10, vm11  }
0x14e: {  	v25 =	vsel vm1, $0x1, v2  }
0x14f: {  	(xrf0) =	vadd.scan.msk.s32 $0xffff, v25;
	_ =	sdelay $0x4  }
0x150: {  	s0 =	sadd.s32 s0, s4  }
0x151: {  	p1 =	slt.s32 s0, $0x400;
	v25, _, _ =	vpop (xrf0)  }
0x152: {  	s0 =	simm.s32 @!p1 $0x400;
	(v2sf) =	vpush v25, $0xF  }
0x153: {  	[tilespmem:s0+$0x4C80] =	vst.msk vm1, v24;
	v24 =	vor.u32 s21, v3  }
0x154: {  	s4 =	simm.s32 $0x1810;
	[tilespmem:s0+$0x5100] =	vst.msk vm1, v24  }
0x155: {  	s6 =	simm.s32 $0x1820;
	s20 =	simm.s32 $0x1810;
	v24 =	vld [tilespmem:s4+$0x0]  }
.LBB2_14:
0x156: {  	p1 =	sne.s32 s6, $0x1BF0;
	_ =	sdelay $0x3  }
0x157: {  	vm1 =	vge.s32 v24, v0;
	vm2 =	vlt.s32 v24, v1  }
0x158: {  	vm1 =	vmand vm1, vm2  }
0x159: {  	v25 =	vsel vm1, $0x1, v2  }
0x15a: {  	(xrf0) =	vadd.scan.msk.s32 $0xffff, v25;
	_ =	sdelay $0x3  }
0x15b: {  	s21 =	spop (v2sf)  }
0x15c: {  	s0 =	sadd.s32 s0, s21  }
.Ltmp8:
0x15d: {  	v25, _, _ =	vpop (xrf0);
	p2 =	slt.s32 s0, $0x400;
	(pc) =	sbr.rel @p1 .LBB2_14-.Ltmp8, $4  }
0x15e: {  	(v2sf) =	vpush v25, $0xF;
	s0 =	simm.s32 @!p2 $0x400  }
0x15f: {  	[tilespmem:s0+$0x4C80] =	vst.msk vm1, v24;
	v24 =	vor.u32 s4, v3;
	s4 =	smov.u32 s6  }
0x160: {  	s20 =	sadd.s32 $0x10, s20;
	[tilespmem:s0+$0x5100] =	vst.msk vm1, v24  }
0x161: {  	s6 =	sadd.s32 $0x10, s6;
	v24 =	vld [tilespmem:s20+$0x0]  }
0x162: {  	_ =	sdelay $0x3  }
0x163: {  	vm1 =	vge.s32 v24, v0;
	vm2 =	vlt.s32 v24, v1  }
0x164: {  	vm1 =	vmand vm1, vm2  }
0x165: {  	v25 =	vsel vm1, $0x1, v2  }
0x166: {  	(xrf0) =	vadd.scan.msk.s32 $0xffff, v25;
	_ =	sdelay $0x5  }
0x167: {  	v25, _, _ =	vpop (xrf0)  }
0x168: {  	(v2sf) =	vpush v25, $0xF;
	_ =	sdelay $0x9  }
0x169: {  	s6 =	spop (v2sf)  }
0x16a: {  	s0 =	sadd.s32 s0, s6  }
0x16b: {  	p1 =	slt.s32 s0, $0x400  }
0x16c: {  	s0 =	simm.s32 @!p1 $0x400  }
0x16d: {  	[tilespmem:s0+$0x4C80] =	vst.msk vm1, v24;
	v24 =	vor.u32 s4, v3  }
0x16e: {  	[tilespmem:s0+$0x5100] =	vst.msk vm1, v24;
	s4 =	spop (v2sf)  }
0x16f: {  	_ =	swait.ge [sflag:s23], $0xB80  }
0x170: {  	[sflag:s23] =	ssyncset.done $0x0  }
0x171: {  	s21 =	rddreg [dreg:$0x13];
	[sflag:s23] =	ssyncadd.s32 $0xFFFFF480  }
0x172: {  	[hbm:s21], [sflag:s11] =	dma.local [spmem:s10], $0xB80  }
0x173: {  	_ =	swait.ge [sflag:s29], $0xB80  }
0x174: {  	[sflag:s29] =	ssyncset.done $0x0  }
0x175: {  	s21 =	simm.s32 $0x1C00;
	s20 =	rddreg [dreg:$0x16];
	[sflag:s29] =	ssyncadd.s32 $0xFFFFF480  }
0x176: {  	[spmem:s13], [sflag:s15] =	dma.local [hbm:s20], $0xB80  }
0x177: {  	v24 =	vld [tilespmem:s21+$0x0];
	_ =	sdelay $0x4  }
0x178: {  	vm10 =	vge.s32 v24, v0;
	vm11 =	vlt.s32 v24, v1  }
0x179: {  	vm1 =	vmand vm10, vm11  }
0x17a: {  	v25 =	vsel vm1, $0x1, v2  }
0x17b: {  	(xrf0) =	vadd.scan.msk.s32 $0xffff, v25;
	_ =	sdelay $0x4  }
0x17c: {  	s0 =	sadd.s32 s0, s4  }
0x17d: {  	p1 =	slt.s32 s0, $0x400;
	v25, _, _ =	vpop (xrf0)  }
0x17e: {  	s0 =	simm.s32 @!p1 $0x400;
	(v2sf) =	vpush v25, $0xF  }
0x17f: {  	[tilespmem:s0+$0x4C80] =	vst.msk vm1, v24;
	v24 =	vor.u32 s21, v3  }
0x180: {  	s4 =	simm.s32 $0x1C10;
	[tilespmem:s0+$0x5100] =	vst.msk vm1, v24  }
0x181: {  	s6 =	simm.s32 $0x1C20;
	s20 =	simm.s32 $0x1C10;
	v24 =	vld [tilespmem:s4+$0x0]  }
.LBB2_16:
0x182: {  	p1 =	sne.s32 s6, $0x1FF0;
	_ =	sdelay $0x3  }
0x183: {  	vm1 =	vge.s32 v24, v0;
	vm2 =	vlt.s32 v24, v1  }
0x184: {  	vm1 =	vmand vm1, vm2  }
0x185: {  	v25 =	vsel vm1, $0x1, v2  }
0x186: {  	(xrf0) =	vadd.scan.msk.s32 $0xffff, v25;
	_ =	sdelay $0x3  }
0x187: {  	s21 =	spop (v2sf)  }
0x188: {  	s0 =	sadd.s32 s0, s21  }
.Ltmp9:
0x189: {  	v25, _, _ =	vpop (xrf0);
	p2 =	slt.s32 s0, $0x400;
	(pc) =	sbr.rel @p1 .LBB2_16-.Ltmp9, $4  }
0x18a: {  	(v2sf) =	vpush v25, $0xF;
	s0 =	simm.s32 @!p2 $0x400  }
0x18b: {  	[tilespmem:s0+$0x4C80] =	vst.msk vm1, v24;
	v24 =	vor.u32 s4, v3;
	s4 =	smov.u32 s6  }
0x18c: {  	s20 =	sadd.s32 $0x10, s20;
	[tilespmem:s0+$0x5100] =	vst.msk vm1, v24  }
0x18d: {  	s6 =	sadd.s32 $0x10, s6;
	v24 =	vld [tilespmem:s20+$0x0]  }
0x18e: {  	_ =	sdelay $0x3  }
0x18f: {  	vm1 =	vge.s32 v24, v0;
	vm2 =	vlt.s32 v24, v1  }
0x190: {  	vm1 =	vmand vm1, vm2  }
0x191: {  	v25 =	vsel vm1, $0x1, v2  }
0x192: {  	(xrf0) =	vadd.scan.msk.s32 $0xffff, v25;
	_ =	sdelay $0x5  }
0x193: {  	v25, _, _ =	vpop (xrf0)  }
0x194: {  	(v2sf) =	vpush v25, $0xF;
	_ =	sdelay $0x9  }
0x195: {  	s6 =	spop (v2sf)  }
0x196: {  	s0 =	sadd.s32 s0, s6  }
0x197: {  	p1 =	slt.s32 s0, $0x400  }
0x198: {  	s0 =	simm.s32 @!p1 $0x400  }
0x199: {  	[tilespmem:s0+$0x4C80] =	vst.msk vm1, v24;
	v24 =	vor.u32 s4, v3  }
0x19a: {  	[tilespmem:s0+$0x5100] =	vst.msk vm1, v24;
	s4 =	spop (v2sf)  }
0x19b: {  	_ =	swait.ge [sflag:s26], $0xB80  }
0x19c: {  	[sflag:s26] =	ssyncset.done $0x0  }
0x19d: {  	s21 =	rddreg [dreg:$0x15];
	[sflag:s26] =	ssyncadd.s32 $0xFFFFF480  }
0x19e: {  	[hbm:s21], [sflag:s16] =	dma.local [spmem:s12], $0xB80  }
0x19f: {  	_ =	swait.ge [sflag:s25], $0xB80  }
0x1a0: {  	[sflag:s25] =	ssyncset.done $0x0  }
0x1a1: {  	s21 =	simm.s32 $0x2000;
	s20 =	rddreg [dreg:$0x18];
	[sflag:s25] =	ssyncadd.s32 $0xFFFFF480  }
0x1a2: {  	[spmem:s10], [sflag:s24] =	dma.local [hbm:s20], $0xB80  }
0x1a3: {  	v24 =	vld [tilespmem:s21+$0x0];
	_ =	sdelay $0x4  }
0x1a4: {  	vm10 =	vge.s32 v24, v0;
	vm11 =	vlt.s32 v24, v1  }
0x1a5: {  	vm1 =	vmand vm10, vm11  }
0x1a6: {  	v25 =	vsel vm1, $0x1, v2  }
0x1a7: {  	(xrf0) =	vadd.scan.msk.s32 $0xffff, v25;
	_ =	sdelay $0x4  }
0x1a8: {  	s0 =	sadd.s32 s0, s4  }
0x1a9: {  	p1 =	slt.s32 s0, $0x400;
	v25, _, _ =	vpop (xrf0)  }
0x1aa: {  	s0 =	simm.s32 @!p1 $0x400;
	(v2sf) =	vpush v25, $0xF  }
0x1ab: {  	[tilespmem:s0+$0x4C80] =	vst.msk vm1, v24;
	v24 =	vor.u32 s21, v3  }
0x1ac: {  	s4 =	simm.s32 $0x2010;
	[tilespmem:s0+$0x5100] =	vst.msk vm1, v24  }
0x1ad: {  	s6 =	simm.s32 $0x2020;
	s20 =	simm.s32 $0x2010;
	v24 =	vld [tilespmem:s4+$0x0]  }
.LBB2_18:
0x1ae: {  	p1 =	sne.s32 s6, $0x23F0;
	_ =	sdelay $0x3  }
0x1af: {  	vm1 =	vge.s32 v24, v0;
	vm2 =	vlt.s32 v24, v1  }
0x1b0: {  	vm1 =	vmand vm1, vm2  }
0x1b1: {  	v25 =	vsel vm1, $0x1, v2  }
0x1b2: {  	(xrf0) =	vadd.scan.msk.s32 $0xffff, v25;
	_ =	sdelay $0x3  }
0x1b3: {  	s21 =	spop (v2sf)  }
0x1b4: {  	s0 =	sadd.s32 s0, s21  }
.Ltmp10:
0x1b5: {  	v25, _, _ =	vpop (xrf0);
	p2 =	slt.s32 s0, $0x400;
	(pc) =	sbr.rel @p1 .LBB2_18-.Ltmp10, $4  }
0x1b6: {  	(v2sf) =	vpush v25, $0xF;
	s0 =	simm.s32 @!p2 $0x400  }
0x1b7: {  	[tilespmem:s0+$0x4C80] =	vst.msk vm1, v24;
	v24 =	vor.u32 s4, v3;
	s4 =	smov.u32 s6  }
0x1b8: {  	s20 =	sadd.s32 $0x10, s20;
	[tilespmem:s0+$0x5100] =	vst.msk vm1, v24  }
0x1b9: {  	s6 =	sadd.s32 $0x10, s6;
	v24 =	vld [tilespmem:s20+$0x0]  }
0x1ba: {  	_ =	sdelay $0x3  }
0x1bb: {  	vm1 =	vge.s32 v24, v0;
	vm2 =	vlt.s32 v24, v1  }
0x1bc: {  	vm1 =	vmand vm1, vm2  }
0x1bd: {  	v25 =	vsel vm1, $0x1, v2  }
0x1be: {  	(xrf0) =	vadd.scan.msk.s32 $0xffff, v25;
	_ =	sdelay $0x5  }
0x1bf: {  	v25, _, _ =	vpop (xrf0)  }
0x1c0: {  	(v2sf) =	vpush v25, $0xF;
	_ =	sdelay $0x9  }
0x1c1: {  	s6 =	spop (v2sf)  }
0x1c2: {  	s0 =	sadd.s32 s0, s6  }
0x1c3: {  	p1 =	slt.s32 s0, $0x400  }
0x1c4: {  	s0 =	simm.s32 @!p1 $0x400  }
0x1c5: {  	[tilespmem:s0+$0x4C80] =	vst.msk vm1, v24;
	v24 =	vor.u32 s4, v3  }
0x1c6: {  	[tilespmem:s0+$0x5100] =	vst.msk vm1, v24;
	s4 =	spop (v2sf)  }
0x1c7: {  	_ =	swait.ge [sflag:s28], $0xB80  }
0x1c8: {  	[sflag:s28] =	ssyncset.done $0x0  }
0x1c9: {  	s21 =	rddreg [dreg:$0x17];
	[sflag:s28] =	ssyncadd.s32 $0xFFFFF480  }
0x1ca: {  	[hbm:s21], [sflag:s19] =	dma.local [spmem:s13], $0xB80  }
0x1cb: {  	_ =	swait.ge [sflag:s9], $0xB80  }
0x1cc: {  	[sflag:s9] =	ssyncset.done $0x0  }
0x1cd: {  	s21 =	simm.s32 $0x2400;
	s20 =	rddreg [dreg:$0x1a];
	[sflag:s9] =	ssyncadd.s32 $0xFFFFF480  }
0x1ce: {  	[spmem:s12], [sflag:s14] =	dma.local [hbm:s20], $0xB80  }
0x1cf: {  	v24 =	vld [tilespmem:s21+$0x0];
	_ =	sdelay $0x4  }
0x1d0: {  	vm10 =	vge.s32 v24, v0;
	vm11 =	vlt.s32 v24, v1  }
0x1d1: {  	vm1 =	vmand vm10, vm11  }
0x1d2: {  	v25 =	vsel vm1, $0x1, v2  }
0x1d3: {  	(xrf0) =	vadd.scan.msk.s32 $0xffff, v25;
	_ =	sdelay $0x4  }
0x1d4: {  	s0 =	sadd.s32 s0, s4  }
0x1d5: {  	p1 =	slt.s32 s0, $0x400;
	v25, _, _ =	vpop (xrf0)  }
0x1d6: {  	s0 =	simm.s32 @!p1 $0x400;
	(v2sf) =	vpush v25, $0xF  }
0x1d7: {  	[tilespmem:s0+$0x4C80] =	vst.msk vm1, v24;
	v24 =	vor.u32 s21, v3  }
0x1d8: {  	s4 =	simm.s32 $0x2410;
	[tilespmem:s0+$0x5100] =	vst.msk vm1, v24  }
0x1d9: {  	s6 =	simm.s32 $0x2420;
	s20 =	simm.s32 $0x2410;
	v24 =	vld [tilespmem:s4+$0x0]  }
.LBB2_20:
0x1da: {  	p1 =	sne.s32 s6, $0x27F0;
	_ =	sdelay $0x3  }
0x1db: {  	vm1 =	vge.s32 v24, v0;
	vm2 =	vlt.s32 v24, v1  }
0x1dc: {  	vm1 =	vmand vm1, vm2  }
0x1dd: {  	v25 =	vsel vm1, $0x1, v2  }
0x1de: {  	(xrf0) =	vadd.scan.msk.s32 $0xffff, v25;
	_ =	sdelay $0x3  }
0x1df: {  	s21 =	spop (v2sf)  }
0x1e0: {  	s0 =	sadd.s32 s0, s21  }
.Ltmp11:
0x1e1: {  	v25, _, _ =	vpop (xrf0);
	p2 =	slt.s32 s0, $0x400;
	(pc) =	sbr.rel @p1 .LBB2_20-.Ltmp11, $4  }
0x1e2: {  	(v2sf) =	vpush v25, $0xF;
	s0 =	simm.s32 @!p2 $0x400  }
0x1e3: {  	[tilespmem:s0+$0x4C80] =	vst.msk vm1, v24;
	v24 =	vor.u32 s4, v3;
	s4 =	smov.u32 s6  }
0x1e4: {  	s20 =	sadd.s32 $0x10, s20;
	[tilespmem:s0+$0x5100] =	vst.msk vm1, v24  }
0x1e5: {  	s6 =	sadd.s32 $0x10, s6;
	v24 =	vld [tilespmem:s20+$0x0]  }
0x1e6: {  	_ =	sdelay $0x3  }
0x1e7: {  	vm1 =	vge.s32 v24, v0;
	vm2 =	vlt.s32 v24, v1  }
0x1e8: {  	vm1 =	vmand vm1, vm2  }
0x1e9: {  	v25 =	vsel vm1, $0x1, v2  }
0x1ea: {  	(xrf0) =	vadd.scan.msk.s32 $0xffff, v25;
	_ =	sdelay $0x5  }
0x1eb: {  	v25, _, _ =	vpop (xrf0)  }
0x1ec: {  	(v2sf) =	vpush v25, $0xF;
	_ =	sdelay $0x9  }
0x1ed: {  	s6 =	spop (v2sf)  }
0x1ee: {  	s0 =	sadd.s32 s0, s6  }
0x1ef: {  	p1 =	slt.s32 s0, $0x400  }
0x1f0: {  	s0 =	simm.s32 @!p1 $0x400  }
0x1f1: {  	[tilespmem:s0+$0x4C80] =	vst.msk vm1, v24;
	v24 =	vor.u32 s4, v3  }
0x1f2: {  	[tilespmem:s0+$0x5100] =	vst.msk vm1, v24;
	s4 =	spop (v2sf)  }
0x1f3: {  	_ =	swait.ge [sflag:s23], $0xB80  }
0x1f4: {  	[sflag:s23] =	ssyncset.done $0x0  }
0x1f5: {  	s21 =	rddreg [dreg:$0x19];
	[sflag:s23] =	ssyncadd.s32 $0xFFFFF480  }
0x1f6: {  	[hbm:s21], [sflag:s11] =	dma.local [spmem:s10], $0xB80  }
0x1f7: {  	_ =	swait.ge [sflag:s29], $0xB80  }
0x1f8: {  	[sflag:s29] =	ssyncset.done $0x0  }
0x1f9: {  	s21 =	simm.s32 $0x2800;
	s20 =	rddreg [dreg:$0x1c];
	[sflag:s29] =	ssyncadd.s32 $0xFFFFF480  }
0x1fa: {  	[spmem:s13], [sflag:s15] =	dma.local [hbm:s20], $0xB80  }
0x1fb: {  	v24 =	vld [tilespmem:s21+$0x0];
	_ =	sdelay $0x4  }
0x1fc: {  	vm10 =	vge.s32 v24, v0;
	vm11 =	vlt.s32 v24, v1  }
0x1fd: {  	vm1 =	vmand vm10, vm11  }
0x1fe: {  	v25 =	vsel vm1, $0x1, v2  }
0x1ff: {  	(xrf0) =	vadd.scan.msk.s32 $0xffff, v25;
	_ =	sdelay $0x4  }
0x200: {  	s0 =	sadd.s32 s0, s4  }
0x201: {  	p1 =	slt.s32 s0, $0x400;
	v25, _, _ =	vpop (xrf0)  }
0x202: {  	s0 =	simm.s32 @!p1 $0x400;
	(v2sf) =	vpush v25, $0xF  }
0x203: {  	[tilespmem:s0+$0x4C80] =	vst.msk vm1, v24;
	v24 =	vor.u32 s21, v3  }
0x204: {  	s4 =	simm.s32 $0x2810;
	[tilespmem:s0+$0x5100] =	vst.msk vm1, v24  }
0x205: {  	s6 =	simm.s32 $0x2820;
	s20 =	simm.s32 $0x2810;
	v24 =	vld [tilespmem:s4+$0x0]  }
.LBB2_22:
0x206: {  	p1 =	sne.s32 s6, $0x2BF0;
	_ =	sdelay $0x3  }
0x207: {  	vm1 =	vge.s32 v24, v0;
	vm2 =	vlt.s32 v24, v1  }
0x208: {  	vm1 =	vmand vm1, vm2  }
0x209: {  	v25 =	vsel vm1, $0x1, v2  }
0x20a: {  	(xrf0) =	vadd.scan.msk.s32 $0xffff, v25;
	_ =	sdelay $0x3  }
0x20b: {  	s21 =	spop (v2sf)  }
0x20c: {  	s0 =	sadd.s32 s0, s21  }
.Ltmp12:
0x20d: {  	v25, _, _ =	vpop (xrf0);
	p2 =	slt.s32 s0, $0x400;
	(pc) =	sbr.rel @p1 .LBB2_22-.Ltmp12, $4  }
0x20e: {  	(v2sf) =	vpush v25, $0xF;
	s0 =	simm.s32 @!p2 $0x400  }
0x20f: {  	[tilespmem:s0+$0x4C80] =	vst.msk vm1, v24;
	v24 =	vor.u32 s4, v3;
	s4 =	smov.u32 s6  }
0x210: {  	s20 =	sadd.s32 $0x10, s20;
	[tilespmem:s0+$0x5100] =	vst.msk vm1, v24  }
0x211: {  	s6 =	sadd.s32 $0x10, s6;
	v24 =	vld [tilespmem:s20+$0x0]  }
0x212: {  	_ =	sdelay $0x3  }
0x213: {  	vm1 =	vge.s32 v24, v0;
	vm2 =	vlt.s32 v24, v1  }
0x214: {  	vm1 =	vmand vm1, vm2  }
0x215: {  	v25 =	vsel vm1, $0x1, v2  }
0x216: {  	(xrf0) =	vadd.scan.msk.s32 $0xffff, v25;
	_ =	sdelay $0x5  }
0x217: {  	v25, _, _ =	vpop (xrf0)  }
0x218: {  	(v2sf) =	vpush v25, $0xF;
	_ =	sdelay $0x9  }
0x219: {  	s6 =	spop (v2sf)  }
0x21a: {  	s0 =	sadd.s32 s0, s6  }
0x21b: {  	p1 =	slt.s32 s0, $0x400  }
0x21c: {  	s0 =	simm.s32 @!p1 $0x400  }
0x21d: {  	[tilespmem:s0+$0x4C80] =	vst.msk vm1, v24;
	v24 =	vor.u32 s4, v3  }
0x21e: {  	[tilespmem:s0+$0x5100] =	vst.msk vm1, v24;
	s4 =	spop (v2sf)  }
0x21f: {  	_ =	swait.ge [sflag:s26], $0xB80  }
0x220: {  	[sflag:s26] =	ssyncset.done $0x0  }
0x221: {  	s21 =	rddreg [dreg:$0x1b];
	[sflag:s26] =	ssyncadd.s32 $0xFFFFF480  }
0x222: {  	[hbm:s21], [sflag:s16] =	dma.local [spmem:s12], $0xB80  }
0x223: {  	_ =	swait.ge [sflag:s25], $0xB80  }
0x224: {  	[sflag:s25] =	ssyncset.done $0x0  }
0x225: {  	s21 =	simm.s32 $0x2C00;
	s20 =	rddreg [dreg:$0x1e];
	[sflag:s25] =	ssyncadd.s32 $0xFFFFF480  }
0x226: {  	[spmem:s10], [sflag:s24] =	dma.local [hbm:s20], $0xB80  }
0x227: {  	v24 =	vld [tilespmem:s21+$0x0];
	_ =	sdelay $0x4  }
0x228: {  	vm10 =	vge.s32 v24, v0;
	vm11 =	vlt.s32 v24, v1  }
0x229: {  	vm1 =	vmand vm10, vm11  }
0x22a: {  	v25 =	vsel vm1, $0x1, v2  }
0x22b: {  	(xrf0) =	vadd.scan.msk.s32 $0xffff, v25;
	_ =	sdelay $0x4  }
0x22c: {  	s0 =	sadd.s32 s0, s4  }
0x22d: {  	p1 =	slt.s32 s0, $0x400;
	v25, _, _ =	vpop (xrf0)  }
0x22e: {  	s0 =	simm.s32 @!p1 $0x400;
	(v2sf) =	vpush v25, $0xF  }
0x22f: {  	[tilespmem:s0+$0x4C80] =	vst.msk vm1, v24;
	v24 =	vor.u32 s21, v3  }
0x230: {  	s4 =	simm.s32 $0x2C10;
	[tilespmem:s0+$0x5100] =	vst.msk vm1, v24  }
0x231: {  	s6 =	simm.s32 $0x2C20;
	s20 =	simm.s32 $0x2C10;
	v24 =	vld [tilespmem:s4+$0x0]  }
.LBB2_24:
0x232: {  	p1 =	sne.s32 s6, $0x2FF0;
	_ =	sdelay $0x3  }
0x233: {  	vm1 =	vge.s32 v24, v0;
	vm2 =	vlt.s32 v24, v1  }
0x234: {  	vm1 =	vmand vm1, vm2  }
0x235: {  	v25 =	vsel vm1, $0x1, v2  }
0x236: {  	(xrf0) =	vadd.scan.msk.s32 $0xffff, v25;
	_ =	sdelay $0x3  }
0x237: {  	s21 =	spop (v2sf)  }
0x238: {  	s0 =	sadd.s32 s0, s21  }
.Ltmp13:
0x239: {  	v25, _, _ =	vpop (xrf0);
	p2 =	slt.s32 s0, $0x400;
	(pc) =	sbr.rel @p1 .LBB2_24-.Ltmp13, $4  }
0x23a: {  	(v2sf) =	vpush v25, $0xF;
	s0 =	simm.s32 @!p2 $0x400  }
0x23b: {  	[tilespmem:s0+$0x4C80] =	vst.msk vm1, v24;
	v24 =	vor.u32 s4, v3;
	s4 =	smov.u32 s6  }
0x23c: {  	s20 =	sadd.s32 $0x10, s20;
	[tilespmem:s0+$0x5100] =	vst.msk vm1, v24  }
0x23d: {  	s6 =	sadd.s32 $0x10, s6;
	v24 =	vld [tilespmem:s20+$0x0]  }
0x23e: {  	_ =	sdelay $0x3  }
0x23f: {  	vm1 =	vge.s32 v24, v0;
	vm2 =	vlt.s32 v24, v1  }
0x240: {  	vm1 =	vmand vm1, vm2  }
0x241: {  	v25 =	vsel vm1, $0x1, v2  }
0x242: {  	(xrf0) =	vadd.scan.msk.s32 $0xffff, v25;
	_ =	sdelay $0x5  }
0x243: {  	v25, _, _ =	vpop (xrf0)  }
0x244: {  	(v2sf) =	vpush v25, $0xF;
	_ =	sdelay $0x9  }
0x245: {  	s6 =	spop (v2sf)  }
0x246: {  	s0 =	sadd.s32 s0, s6  }
0x247: {  	p1 =	slt.s32 s0, $0x400  }
0x248: {  	s0 =	simm.s32 @!p1 $0x400  }
0x249: {  	[tilespmem:s0+$0x4C80] =	vst.msk vm1, v24;
	v24 =	vor.u32 s4, v3  }
0x24a: {  	[tilespmem:s0+$0x5100] =	vst.msk vm1, v24;
	s4 =	spop (v2sf)  }
0x24b: {  	_ =	swait.ge [sflag:s28], $0xB80  }
0x24c: {  	[sflag:s28] =	ssyncset.done $0x0  }
0x24d: {  	s21 =	rddreg [dreg:$0x1d];
	[sflag:s28] =	ssyncadd.s32 $0xFFFFF480  }
0x24e: {  	[hbm:s21], [sflag:s19] =	dma.local [spmem:s13], $0xB80  }
0x24f: {  	_ =	swait.ge [sflag:s9], $0xB80  }
0x250: {  	s20 =	sld [smem:$0x7F0]  }
0x251: {  	[sflag:s9] =	ssyncset.done $0x0  }
0x252: {  	s21 =	simm.s32 $0x3000;
	[sflag:s9] =	ssyncadd.s32 $0xFFFFF480  }
0x253: {  	[spmem:s12], [sflag:s14] =	dma.local [hbm:s20], $0xB80  }
0x254: {  	v24 =	vld [tilespmem:s21+$0x0];
	_ =	sdelay $0x4  }
0x255: {  	vm10 =	vge.s32 v24, v0;
	vm11 =	vlt.s32 v24, v1  }
0x256: {  	vm1 =	vmand vm10, vm11  }
0x257: {  	v25 =	vsel vm1, $0x1, v2  }
0x258: {  	(xrf0) =	vadd.scan.msk.s32 $0xffff, v25;
	_ =	sdelay $0x4  }
0x259: {  	s0 =	sadd.s32 s0, s4  }
0x25a: {  	p1 =	slt.s32 s0, $0x400;
	v25, _, _ =	vpop (xrf0)  }
0x25b: {  	s0 =	simm.s32 @!p1 $0x400;
	(v2sf) =	vpush v25, $0xF  }
0x25c: {  	[tilespmem:s0+$0x4C80] =	vst.msk vm1, v24;
	v24 =	vor.u32 s21, v3  }
0x25d: {  	s4 =	simm.s32 $0x3010;
	[tilespmem:s0+$0x5100] =	vst.msk vm1, v24  }
0x25e: {  	s6 =	simm.s32 $0x3020;
	s14 =	simm.s32 $0x3010;
	v24 =	vld [tilespmem:s4+$0x0]  }
.LBB2_26:
0x25f: {  	p1 =	sne.s32 s6, $0x33F0;
	_ =	sdelay $0x3  }
0x260: {  	vm1 =	vge.s32 v24, v0;
	vm2 =	vlt.s32 v24, v1  }
0x261: {  	vm1 =	vmand vm1, vm2  }
0x262: {  	v25 =	vsel vm1, $0x1, v2  }
0x263: {  	(xrf0) =	vadd.scan.msk.s32 $0xffff, v25;
	_ =	sdelay $0x3  }
0x264: {  	s20 =	spop (v2sf)  }
0x265: {  	s0 =	sadd.s32 s0, s20  }
.Ltmp14:
0x266: {  	v25, _, _ =	vpop (xrf0);
	p2 =	slt.s32 s0, $0x400;
	(pc) =	sbr.rel @p1 .LBB2_26-.Ltmp14, $4  }
0x267: {  	(v2sf) =	vpush v25, $0xF;
	s0 =	simm.s32 @!p2 $0x400  }
0x268: {  	[tilespmem:s0+$0x4C80] =	vst.msk vm1, v24;
	v24 =	vor.u32 s4, v3;
	s4 =	smov.u32 s6  }
0x269: {  	s14 =	sadd.s32 $0x10, s14;
	[tilespmem:s0+$0x5100] =	vst.msk vm1, v24  }
0x26a: {  	s6 =	sadd.s32 $0x10, s6;
	v24 =	vld [tilespmem:s14+$0x0]  }
0x26b: {  	_ =	sdelay $0x3  }
0x26c: {  	vm1 =	vge.s32 v24, v0;
	vm2 =	vlt.s32 v24, v1  }
0x26d: {  	vm1 =	vmand vm1, vm2  }
0x26e: {  	v25 =	vsel vm1, $0x1, v2  }
0x26f: {  	(xrf0) =	vadd.scan.msk.s32 $0xffff, v25;
	_ =	sdelay $0x5  }
0x270: {  	v25, _, _ =	vpop (xrf0)  }
0x271: {  	(v2sf) =	vpush v25, $0xF;
	_ =	sdelay $0x9  }
0x272: {  	s6 =	spop (v2sf)  }
0x273: {  	s0 =	sadd.s32 s0, s6  }
0x274: {  	p1 =	slt.s32 s0, $0x400  }
0x275: {  	s0 =	simm.s32 @!p1 $0x400  }
0x276: {  	[tilespmem:s0+$0x4C80] =	vst.msk vm1, v24;
	v24 =	vor.u32 s4, v3  }
0x277: {  	[tilespmem:s0+$0x5100] =	vst.msk vm1, v24;
	s4 =	spop (v2sf)  }
0x278: {  	_ =	swait.ge [sflag:s23], $0xB80  }
0x279: {  	[sflag:s23] =	ssyncset.done $0x0  }
0x27a: {  	s14 =	rddreg [dreg:$0x1f];
	[sflag:s23] =	ssyncadd.s32 $0xFFFFF480  }
0x27b: {  	[hbm:s14], [sflag:s11] =	dma.local [spmem:s10], $0xB80  }
0x27c: {  	_ =	swait.ge [sflag:s29], $0xB80  }
0x27d: {  	s20 =	sld [smem:$0x7F2]  }
0x27e: {  	[sflag:s29] =	ssyncset.done $0x0  }
0x27f: {  	s21 =	simm.s32 $0x3400;
	[sflag:s29] =	ssyncadd.s32 $0xFFFFF480  }
0x280: {  	[spmem:s13], [sflag:s15] =	dma.local [hbm:s20], $0xB80  }
0x281: {  	v24 =	vld [tilespmem:s21+$0x0];
	_ =	sdelay $0x4  }
0x282: {  	vm10 =	vge.s32 v24, v0;
	vm11 =	vlt.s32 v24, v1  }
0x283: {  	vm1 =	vmand vm10, vm11  }
0x284: {  	v25 =	vsel vm1, $0x1, v2  }
0x285: {  	(xrf0) =	vadd.scan.msk.s32 $0xffff, v25;
	_ =	sdelay $0x4  }
0x286: {  	s0 =	sadd.s32 s0, s4  }
0x287: {  	p1 =	slt.s32 s0, $0x400;
	v25, _, _ =	vpop (xrf0)  }
0x288: {  	s0 =	simm.s32 @!p1 $0x400;
	(v2sf) =	vpush v25, $0xF  }
0x289: {  	[tilespmem:s0+$0x4C80] =	vst.msk vm1, v24;
	v24 =	vor.u32 s21, v3  }
0x28a: {  	s4 =	simm.s32 $0x3410;
	[tilespmem:s0+$0x5100] =	vst.msk vm1, v24  }
0x28b: {  	s6 =	simm.s32 $0x3420;
	s14 =	simm.s32 $0x3410;
	v24 =	vld [tilespmem:s4+$0x0]  }
.LBB2_28:
0x28c: {  	p1 =	sne.s32 s6, $0x37F0;
	_ =	sdelay $0x3  }
0x28d: {  	vm1 =	vge.s32 v24, v0;
	vm2 =	vlt.s32 v24, v1  }
0x28e: {  	vm1 =	vmand vm1, vm2  }
0x28f: {  	v25 =	vsel vm1, $0x1, v2  }
0x290: {  	(xrf0) =	vadd.scan.msk.s32 $0xffff, v25;
	_ =	sdelay $0x3  }
0x291: {  	s15 =	spop (v2sf)  }
0x292: {  	s0 =	sadd.s32 s0, s15  }
.Ltmp15:
0x293: {  	v25, _, _ =	vpop (xrf0);
	p2 =	slt.s32 s0, $0x400;
	(pc) =	sbr.rel @p1 .LBB2_28-.Ltmp15, $4  }
0x294: {  	(v2sf) =	vpush v25, $0xF;
	s0 =	simm.s32 @!p2 $0x400  }
0x295: {  	[tilespmem:s0+$0x4C80] =	vst.msk vm1, v24;
	v24 =	vor.u32 s4, v3;
	s4 =	smov.u32 s6  }
0x296: {  	s14 =	sadd.s32 $0x10, s14;
	[tilespmem:s0+$0x5100] =	vst.msk vm1, v24  }
0x297: {  	s6 =	sadd.s32 $0x10, s6;
	v24 =	vld [tilespmem:s14+$0x0]  }
0x298: {  	_ =	sdelay $0x3  }
0x299: {  	vm1 =	vge.s32 v24, v0;
	vm2 =	vlt.s32 v24, v1  }
0x29a: {  	vm1 =	vmand vm1, vm2  }
0x29b: {  	v25 =	vsel vm1, $0x1, v2  }
0x29c: {  	(xrf0) =	vadd.scan.msk.s32 $0xffff, v25;
	_ =	sdelay $0x5  }
0x29d: {  	v25, _, _ =	vpop (xrf0)  }
0x29e: {  	(v2sf) =	vpush v25, $0xF;
	_ =	sdelay $0x9  }
0x29f: {  	s6 =	spop (v2sf)  }
0x2a0: {  	s0 =	sadd.s32 s0, s6  }
0x2a1: {  	p1 =	slt.s32 s0, $0x400  }
0x2a2: {  	s0 =	simm.s32 @!p1 $0x400  }
0x2a3: {  	[tilespmem:s0+$0x4C80] =	vst.msk vm1, v24;
	v24 =	vor.u32 s4, v3  }
0x2a4: {  	[tilespmem:s0+$0x5100] =	vst.msk vm1, v24;
	s14 =	spop (v2sf)  }
0x2a5: {  	_ =	swait.ge [sflag:s26], $0xB80  }
0x2a6: {  	s15 =	sld [smem:$0x7F1]  }
0x2a7: {  	[sflag:s26] =	ssyncset.done $0x0  }
0x2a8: {  	[sflag:s26] =	ssyncadd.s32 $0xFFFFF480  }
0x2a9: {  	[hbm:s15], [sflag:s16] =	dma.local [spmem:s12], $0xB80  }
0x2aa: {  	_ =	swait.ge [sflag:s25], $0xB80  }
0x2ab: {  	s20 =	sld [smem:$0x7F4]  }
0x2ac: {  	[sflag:s25] =	ssyncset.done $0x0  }
0x2ad: {  	s21 =	simm.s32 $0x3800;
	[sflag:s25] =	ssyncadd.s32 $0xFFFFF480  }
0x2ae: {  	[spmem:s10], [sflag:s24] =	dma.local [hbm:s20], $0xB80  }
0x2af: {  	v24 =	vld [tilespmem:s21+$0x0];
	_ =	sdelay $0x4  }
0x2b0: {  	vm10 =	vge.s32 v24, v0;
	vm11 =	vlt.s32 v24, v1  }
0x2b1: {  	vm1 =	vmand vm10, vm11  }
0x2b2: {  	v25 =	vsel vm1, $0x1, v2  }
0x2b3: {  	(xrf0) =	vadd.scan.msk.s32 $0xffff, v25;
	_ =	sdelay $0x4  }
0x2b4: {  	s0 =	sadd.s32 s0, s14  }
0x2b5: {  	p1 =	slt.s32 s0, $0x400;
	v25, _, _ =	vpop (xrf0)  }
0x2b6: {  	s0 =	simm.s32 @!p1 $0x400;
	(v2sf) =	vpush v25, $0xF  }
0x2b7: {  	[tilespmem:s0+$0x4C80] =	vst.msk vm1, v24;
	v24 =	vor.u32 s21, v3  }
0x2b8: {  	s4 =	simm.s32 $0x3810;
	[tilespmem:s0+$0x5100] =	vst.msk vm1, v24  }
0x2b9: {  	s6 =	simm.s32 $0x3820;
	s12 =	simm.s32 $0x3810;
	v24 =	vld [tilespmem:s4+$0x0]  }
.LBB2_30:
0x2ba: {  	p1 =	sne.s32 s6, $0x3BF0;
	_ =	sdelay $0x3  }
0x2bb: {  	vm1 =	vge.s32 v24, v0;
	vm2 =	vlt.s32 v24, v1  }
0x2bc: {  	vm1 =	vmand vm1, vm2  }
0x2bd: {  	v25 =	vsel vm1, $0x1, v2  }
0x2be: {  	(xrf0) =	vadd.scan.msk.s32 $0xffff, v25;
	_ =	sdelay $0x3  }
0x2bf: {  	s14 =	spop (v2sf)  }
0x2c0: {  	s0 =	sadd.s32 s0, s14  }
.Ltmp16:
0x2c1: {  	v25, _, _ =	vpop (xrf0);
	p2 =	slt.s32 s0, $0x400;
	(pc) =	sbr.rel @p1 .LBB2_30-.Ltmp16, $4  }
0x2c2: {  	(v2sf) =	vpush v25, $0xF;
	s0 =	simm.s32 @!p2 $0x400  }
0x2c3: {  	[tilespmem:s0+$0x4C80] =	vst.msk vm1, v24;
	v24 =	vor.u32 s4, v3;
	s4 =	smov.u32 s6  }
0x2c4: {  	s12 =	sadd.s32 $0x10, s12;
	[tilespmem:s0+$0x5100] =	vst.msk vm1, v24  }
0x2c5: {  	s6 =	sadd.s32 $0x10, s6;
	v24 =	vld [tilespmem:s12+$0x0]  }
0x2c6: {  	_ =	sdelay $0x3  }
0x2c7: {  	vm1 =	vge.s32 v24, v0;
	vm2 =	vlt.s32 v24, v1  }
0x2c8: {  	vm1 =	vmand vm1, vm2  }
0x2c9: {  	v25 =	vsel vm1, $0x1, v2  }
0x2ca: {  	(xrf0) =	vadd.scan.msk.s32 $0xffff, v25;
	_ =	sdelay $0x5  }
0x2cb: {  	v25, _, _ =	vpop (xrf0)  }
0x2cc: {  	(v2sf) =	vpush v25, $0xF;
	_ =	sdelay $0x9  }
0x2cd: {  	s6 =	spop (v2sf)  }
0x2ce: {  	s0 =	sadd.s32 s0, s6  }
0x2cf: {  	p1 =	slt.s32 s0, $0x400  }
0x2d0: {  	s0 =	simm.s32 @!p1 $0x400  }
0x2d1: {  	[tilespmem:s0+$0x4C80] =	vst.msk vm1, v24;
	v24 =	vor.u32 s4, v3  }
0x2d2: {  	[tilespmem:s0+$0x5100] =	vst.msk vm1, v24;
	s16 =	spop (v2sf)  }
0x2d3: {  	_ =	swait.ge [sflag:s28], $0xB80  }
0x2d4: {  	s20 =	sld [smem:$0x7F3]  }
0x2d5: {  	[sflag:s28] =	ssyncset.done $0x0  }
0x2d6: {  	s21 =	simm.s32 $0x3C00;
	[sflag:s28] =	ssyncadd.s32 $0xFFFFF480  }
0x2d7: {  	[hbm:s20], [sflag:s19] =	dma.local [spmem:s13], $0xB80  }
0x2d8: {  	v24 =	vld [tilespmem:s21+$0x0];
	_ =	sdelay $0x4  }
0x2d9: {  	vm10 =	vge.s32 v24, v0;
	vm11 =	vlt.s32 v24, v1  }
0x2da: {  	vm1 =	vmand vm10, vm11  }
0x2db: {  	v25 =	vsel vm1, $0x1, v2  }
0x2dc: {  	(xrf0) =	vadd.scan.msk.s32 $0xffff, v25;
	_ =	sdelay $0x4  }
0x2dd: {  	s0 =	sadd.s32 s0, s16  }
0x2de: {  	p1 =	slt.s32 s0, $0x400;
	v25, _, _ =	vpop (xrf0)  }
0x2df: {  	s0 =	simm.s32 @!p1 $0x400;
	(v2sf) =	vpush v25, $0xF  }
0x2e0: {  	[tilespmem:s0+$0x4C80] =	vst.msk vm1, v24;
	v24 =	vor.u32 s21, v3  }
0x2e1: {  	s4 =	simm.s32 $0x3C10;
	[tilespmem:s0+$0x5100] =	vst.msk vm1, v24  }
0x2e2: {  	s12 =	simm.s32 $0x3C10;
	s6 =	simm.s32 $0x3C20;
	v24 =	vld [tilespmem:s4+$0x0]  }
.LBB2_32:
0x2e3: {  	p1 =	sne.s32 s6, $0x3FF0;
	_ =	sdelay $0x3  }
0x2e4: {  	vm1 =	vge.s32 v24, v0;
	vm2 =	vlt.s32 v24, v1  }
0x2e5: {  	vm1 =	vmand vm1, vm2  }
0x2e6: {  	v25 =	vsel vm1, $0x1, v2  }
0x2e7: {  	(xrf0) =	vadd.scan.msk.s32 $0xffff, v25;
	_ =	sdelay $0x3  }
0x2e8: {  	s13 =	spop (v2sf)  }
0x2e9: {  	s0 =	sadd.s32 s0, s13  }
.Ltmp17:
0x2ea: {  	v25, _, _ =	vpop (xrf0);
	p2 =	slt.s32 s0, $0x400;
	(pc) =	sbr.rel @p1 .LBB2_32-.Ltmp17, $4  }
0x2eb: {  	(v2sf) =	vpush v25, $0xF;
	s0 =	simm.s32 @!p2 $0x400  }
0x2ec: {  	[tilespmem:s0+$0x4C80] =	vst.msk vm1, v24;
	v24 =	vor.u32 s4, v3;
	s4 =	smov.u32 s6  }
0x2ed: {  	s12 =	sadd.s32 $0x10, s12;
	[tilespmem:s0+$0x5100] =	vst.msk vm1, v24  }
0x2ee: {  	s6 =	sadd.s32 $0x10, s6;
	v24 =	vld [tilespmem:s12+$0x0]  }
0x2ef: {  	_ =	sdelay $0x3  }
0x2f0: {  	vm1 =	vge.s32 v24, v0;
	vm2 =	vlt.s32 v24, v1  }
0x2f1: {  	vm1 =	vmand vm1, vm2  }
0x2f2: {  	v25 =	vsel vm1, $0x1, v2  }
0x2f3: {  	(xrf0) =	vadd.scan.msk.s32 $0xffff, v25;
	_ =	sdelay $0x5  }
0x2f4: {  	v25, _, _ =	vpop (xrf0)  }
0x2f5: {  	(v2sf) =	vpush v25, $0xF;
	_ =	sdelay $0x9  }
0x2f6: {  	s6 =	spop (v2sf)  }
0x2f7: {  	s0 =	sadd.s32 s0, s6  }
0x2f8: {  	p1 =	slt.s32 s0, $0x400  }
0x2f9: {  	s0 =	simm.s32 @!p1 $0x400  }
0x2fa: {  	v63 =	vor.u32 s4, v3;
	[tilespmem:s0+$0x4C80] =	vst.msk vm1, v24  }
0x2fb: {  	[tilespmem:s0+$0x5100] =	vst.msk vm1, v63;
	s15 =	spop (v2sf)  }
0x2fc: {  	_ =	swait.ge [sflag:s23], $0xB80  }
0x2fd: {  	s16 =	sld [smem:$0x7F5]  }
0x2fe: {  	[sflag:s23] =	ssyncset.done $0x0  }
0x2ff: {  	[sflag:s23] =	ssyncadd.s32 $0xFFFFF480  }
0x300: {  	[hbm:s16], [sflag:s11] =	dma.local [spmem:s10], $0xB80  }
0x301: {  	_ =	swait.ge [sflag:s25], $0xB80  }
0x302: {  	[sflag:s25] =	ssyncset.done $0x0  }
0x303: {  	[sflag:s25] =	ssyncadd.s32 $0xFFFFF480  }
0x304: {  	_ =	swait.ge [sflag:s9], $0xB80  }
0x305: {  	[sflag:s9] =	ssyncset.done $0x0  }
0x306: {  	[sflag:s9] =	ssyncadd.s32 $0xFFFFF480  }
0x307: {  	_ =	swait.ge [sflag:s29], $0xB80  }
0x308: {  	s9 =	stileid.u32;
	s11 =	sld [smem:$0x7F8]  }
0x309: {  	s6 =	sshll.u32 @p0 s9, $0x6;
	[sflag:s29] =	ssyncset.done $0x0  }
0x30a: {  	s10 =	sshrl.u32 @p0 s17, $0x3;
	s6 =	sor.u32 @p0 $0x1C0A, s6;
	[sflag:s29] =	ssyncadd.s32 $0xFFFFF480  }
0x30b: {  	[spmem:s10], [sflag:s6] =	dma.local @p0 [hbm:s11], $0x580  }
0x30c: {  	s11 =	simm.s32 @p0 $0xA  }
0x30d: {  	_ =	swait.ge @p0 [sflag:s11], $0x580  }
0x30e: {  	s12 =	sld [smem:$0x7FC]  }
0x30f: {  	[sflag:s11] =	ssyncset.done @p0 $0x0  }
0x310: {  	s0 =	sadd.s32 s0, s15;
	[sflag:s11] =	ssyncadd.s32 @p0 $0xFFFFFA80  }
0x311: {  	[hbm:s12], [sflag:s6] =	dma.local @p0 [spmem:s10], $0x580  }
0x312: {  	p1 =	slt.s32 s0, $0x400;
	_ =	swait.ge @p0 [sflag:s11], $0x580  }
0x313: {  	s6 =	sshll.u32 @!p0 s9, $0x6;
	s12 =	simm.s32 @!p0 $0xA;
	s9 =	sld [smem:$0x7F6]  }
0x314: {  	s10 =	smov.u32 s0;
	s6 =	sor.u32 @!p0 $0x1C0A, s6;
	[sflag:s11] =	ssyncset.done @p0 $0x0  }
0x315: {  	s10 =	simm.s32 @!p1 $0x400;
	[sflag:s11] =	ssyncadd.s32 @p0 $0xFFFFFA80;
	s11 =	sshrl.u32 @!p0 s17, $0x3  }
0x316: {  	[spmem:s11], [sflag:s6] =	dma.local @!p0 [hbm:s9], $0xB80  }
0x317: {  	s19 =	sadd.s32 $0xF, s10;
	_ =	swait.ge @!p0 [sflag:s12], $0xB80  }
0x318: {  	p6 =	slt.s32 s0, $0xFFFFFFF2;
	s20 =	sand.u32 $0xF, s19;
	s4 =	sld [smem:$0x7F7]  }
0x319: {  	s21 =	sshra.s32 s19, $0x1F;
	p2 =	sne.s32 s20, $0x0;
	[sflag:s12] =	ssyncset.done @!p0 $0x0  }
0x31a: {  	s0 =	sshrl.u32 s21, $0x1C;
	p1 =	por !p6, !p2;
	[sflag:s12] =	ssyncadd.s32 @!p0 $0xFFFFF480  }
0x31b: {  	[hbm:s4], [sflag:s6] =	dma.local @!p0 [spmem:s11], $0xB80  }
0x31c: {  	s0 =	sadd.s32 s0, s19;
	p1 =	por !p1, !p1;
	s4 =	simm.s32 $0x1  }
0x31d: {  	s0 =	sshra.s32 s0, $0x4;
	s4 =	simm.s32 @!p1 $0x0  }
0x31e: {  	s11 =	ssub.s32 s0, s4  }
0x31f: {  	p1 =	sgt.s32 s11, $0x0  }
.Ltmp18:
0x320: {  	_ = 	snop;
	(pc) =	sbr.rel @!p1 .LBB2_34-.Ltmp18, $4  }
0x321: {  	_ = 	snop  }
0x322: {  	_ =	swait.ge @!p0 [sflag:s12], $0xB80  }
0x323: {  	[sflag:s12] =	ssyncset.done @!p0 $0x0  }
0x324: {  	[sflag:s12] =	ssyncadd.s32 @!p0 $0xFFFFF480  }
0x325: {  	s13 =	simm.s32 $0x4C80  }
0x326: {  	v24 =	vld [tilespmem:s13+$0x0];
	_ =	sdelay $0x3  }
0x327: {  	vm2 =	vmmov vm13;
	vm1 =	vmmov $0x1  }
0x328: {  	vm3 =	vmmov vm13;
	vm4 =	vmmov vm13;
	v24 =	vsub.s32 v24, v0  }
0x329: {  	v25 =	vimm.s32 $0x0;
	vm5 =	vmmov vm13;
	vm7 =	vgt.s32 v24, $0x0  }
0x32a: {  	p1 =	sgt.s32 s10, $0x0;
	vm6 =	vmmov vm13;
	vm8 =	vmmov vm13;
	v24 =	vnsel vm7, $0x0, v24  }
0x32b: {  	s28 =	smov.u32 s18;
	vm11 =	vmmov vm13;
	vm2 =	vmneg @p1 vm2;
	v24 =	vmin.u32 v24, $0xC37  }
0x32c: {  	s26 =	smov.u32 s17;
	s0 =	simm.s32 $0x0;
	p2 =	sgt.s32 s10, $0x2;
	vm14 =	vmmov vm13;
	vm12 =	vmand vm2, vm1;
	v32 =	vbroadcast v24, $0x0  }
0x32d: {  	s17 =	simm.s32 $0x2;
	s18 =	simm.s32 $0x1;
	s4 =	simm.s32 $0x4;
	vm9 =	vmmov vm13;
	v30 =	vmov s0;
	vm4 =	vmneg @p2 vm4  }
0x32e: {  	s20 =	simm.s32 $0x5;
	p1 =	sgt.s32 s10, $0x1;
	v37 =	vmov s17;
	v31 =	vmov s18;
	v26 =	vmov s4  }
0x32f: {  	v27 =	vmov s20;
	vm3 =	vmneg @p1 vm3;
	vm0 =	vmand vm4, vm1  }
0x330: {  	p1 =	sgt.s32 s10, $0x3;
	vm2 =	vmmov vm13;
	vm10 =	vmand vm3, vm1;
	v25 =	vsel vm0, $0xFFFFFFFF, v25  }
0x331: {  	p2 =	sgt.s32 s10, $0x4;
	vm2 =	vmneg @p1 vm2;
	vm3 =	vmmov vm13;
	p1 =	sgt.s32 s10, $0x5;
	vm0 =	vmmov vm13;
	[tilespmem:$0x1FFF0] =	vst v25  }
0x332: {  	vm3 =	vmneg @p2 vm3;
	vm4 =	vmand vm2, vm1;
	vm5 =	vmneg @p1 vm5;
	p1 =	sgt.s32 s10, $0x6;
	[tilespmem:v32+s31+$0x0] =	vst.idx.msk vm12, v30;
	v30 =	vld [tilespmem:$0x1FFF0]  }
0x333: {  	vm2 =	vmand vm3, vm1;
	vm3 =	vmand vm5, vm1;
	vm6 =	vmneg @p1 vm6;
	p1 =	sgt.s32 s10, $0x7  }
0x334: {  	p2 =	sgt.s32 s10, $0x8;
	vm5 =	vmand vm6, vm1;
	vm6 =	vmmov vm13;
	vm8 =	vmneg @p1 vm8;
	p1 =	sgt.s32 s10, $0x9  }
0x335: {  	vm6 =	vmneg @p2 vm6;
	p2 =	sgt.s32 s10, $0xA;
	vm11 =	vmneg @p1 vm11;
	vm15 =	vmand vm8, vm1  }
0x336: {  	s12 =	simm.s32 $0xF;
	vm0 =	vmneg @p2 vm0;
	vm8 =	vmand vm11, vm1;
	v38 =	vbroadcast v24, $0x1  }
0x337: {  	s21 =	simm.s32 $0x6;
	p4 =	sgt.s32 s10, $0xC;
	s24 =	simm.s32 $0x7;
	vm11 =	vmand vm0, vm1;
	v39 =	vbroadcast v24, $0x2;
	vm0 =	vnez.u8 v30  }
0x338: {  	s19 =	simm.s32 $0x3;
	p3 =	seq.s32 s11, $0x1;
	s14 =	simm.s32 $0xE;
	v28 =	vmov s21;
	vm9 =	vmneg @p4 vm9;
	v29 =	vmov s24  }
.Ltmp19:
0x339: {  	v25 =	vmov s19;
	p1 =	sgt.s32 s10, $0xB;
	vm6 =	vmand vm6, vm1;
	p2 =	sgt.s32 s10, $0xD;
	vm7 =	vmmov vm13;
	(pc) =	sbr.rel @p3 .LBB2_37-.Ltmp19, $4  }
0x33a: {  	p5 =	sgt.s32 s10, $0xF;
	s15 =	sadd.s32 $0xFFFFFFFF, s11;
	p6 =	sgt.s32 s10, $0xE;
	vm14 =	vmneg @p1 vm14;
	vm7 =	vmneg @p2 vm7;
	v33 =	vbroadcast v24, $0x3  }
0x33b: {  	s6 =	simm.s32 $0xD;
	s16 =	simm.s32 $0xF;
	s0 =	simm.s32 $0x8;
	vm7 =	vmand vm7, vm1;
	v34 =	vbroadcast v24, $0x4;
	v35 =	vbroadcast v24, $0x5  }
0x33c: {  	s21 =	simm.s32 $0x9;
	s20 =	simm.s32 $0xA;
	s4 =	simm.s32 $0xC;
	v36 =	vbroadcast v24, $0x6;
	vm12 =	vmand vm14, vm1;
	v32 =	vbroadcast v24, $0x7;
	[tilespmem:v38+s31+$0x0] =	vst.idx.msk vm10, v31  }
0x33d: {  	s19 =	simm.s32 $0xB;
	p1 =	por p6, p6;
	p2 =	por p5, p5;
	vm10 =	vmand vm9, vm1;
	v31 =	vbroadcast v24, $0x8;
	v30 =	vbroadcast v24, $0x9;
	[tilespmem:v39+s31+$0x0] =	vst.idx.msk vm0, v37  }
.LBB2_36:
0x33e: {  	_ =	sdelay $0x1  }
0x33f: {  	[tilespmem:v33+s31+$0x0] =	vst.idx.msk vm4, v25  }
0x340: {  	v25 =	vbroadcast v24, $0xA;
	[tilespmem:v34+s31+$0x0] =	vst.idx.msk vm2, v26  }
0x341: {  	v61 =	vbroadcast v24, $0xD;
	v26 =	vbroadcast v24, $0xB;
	[tilespmem:v35+s31+$0x0] =	vst.idx.msk vm3, v27  }
0x342: {  	v62 =	vbroadcast v24, $0xE;
	v27 =	vbroadcast v24, $0xC;
	vm3 =	vmmov vm13;
	[tilespmem:v36+s31+$0x0] =	vst.idx.msk vm5, v28  }
0x343: {  	vm2 =	vmmov vm13;
	v28 =	vmov s0;
	vm3 =	vmneg @p1 vm3;
	[tilespmem:v32+s31+$0x0] =	vst.idx.msk vm15, v29  }
0x344: {  	s16 =	sadd.s32 $0x10, s16;
	vm2 =	vmneg @p2 vm2;
	v29 =	vmov s21;
	vm3 =	vmand vm3, vm1;
	[tilespmem:v31+s31+$0x0] =	vst.idx.msk vm6, v28  }
0x345: {  	s18 =	sadd.s32 $0xFFFFFFF3, s16;
	v24 =	vbroadcast v24, $0xF;
	vm2 =	vmand vm2, vm1;
	v28 =	vmov s20;
	[tilespmem:v30+s31+$0x0] =	vst.idx.msk vm8, v29  }
0x346: {  	vm4 =	vmmov vm13;
	v37 =	vmov s18;
	s21 =	sadd.s32 $0xFFFFFFF2, s16;
	v29 =	vmov s19;
	[tilespmem:v25+s31+$0x0] =	vst.idx.msk vm11, v28  }
0x347: {  	p4 =	slt.s32 s16, s10;
	vm5 =	vmmov vm13;
	s20 =	sadd.s32 $0xFFFFFFF1, s16;
	v31 =	vmov s21;
	v25 =	vmov s4;
	[tilespmem:v26+s31+$0x0] =	vst.idx.msk vm12, v29  }
0x348: {  	p2 =	por p4, p4;
	vm6 =	vmmov vm13;
	p4 =	slt.s32 s20, s10;
	v30 =	vmov s20;
	v26 =	vmov s6;
	[tilespmem:v27+s31+$0x0] =	vst.idx.msk vm10, v25  }
0x349: {  	vm8 =	vmmov vm13;
	vm4 =	vmneg @p4 vm4;
	v25 =	vmov s14;
	[tilespmem:v61+s31+$0x0] =	vst.idx.msk vm7, v26  }
0x34a: {  	s17 =	sadd.s32 $0xFFFFFFFF, s16;
	p4 =	slt.s32 s21, s10;
	vm0 =	vmand vm4, vm1;
	vm4 =	vmmov vm13;
	v26 =	vmov s12;
	[tilespmem:v62+s31+$0x0] =	vst.idx.msk vm3, v25  }
0x34b: {  	s13 =	sadd.s32 $0x10, s13;
	p5 =	slt.s32 s17, s10;
	s19 =	sadd.s32 $0xFFFFFFF4, s16;
	vm11 =	vmmov vm13;
	v27 =	vimm.s32 $0x0;
	vm4 =	vmneg @p4 vm4;
	[tilespmem:v24+s31+$0x0] =	vst.idx.msk vm2, v26  }
0x34c: {  	s14 =	smov.u32 s17;
	p4 =	slt.s32 s18, s10;
	s17 =	sadd.s32 $0xFFFFFFF5, s16;
	v27 =	vsel vm0, $0xFFFFFFFF, v27;
	vm9 =	vmand vm4, vm1;
	vm4 =	vmmov vm13;
	v24 =	vld [tilespmem:s13+$0x0]  }
0x34d: {  	p1 =	por p5, p5;
	p5 =	slt.s32 s17, s10;
	vm4 =	vmneg @p4 vm4;
	p4 =	slt.s32 s19, s10;
	vm3 =	vmmov vm13;
	vm2 =	vmmov vm13  }
0x34e: {  	s9 =	sadd.s32 $0xFFFFFFF7, s16;
	s24 =	sadd.s32 $0xFFFFFFF8, s16;
	s18 =	sadd.s32 $0xFFFFFFF6, s16;
	vm14 =	vmand vm4, vm1;
	vm3 =	vmneg @p5 vm3;
	vm2 =	vmneg @p4 vm2  }
0x34f: {  	s0 =	sadd.s32 $0xFFFFFFF9, s16;
	s20 =	sadd.s32 $0xFFFFFFFB, s16;
	[tilespmem:$0x1FFE0] =	vst v27;
	p4 =	slt.s32 s18, s10;
	vm4 =	vmand vm2, vm1;
	vm2 =	vmand vm3, vm1;
	vm3 =	vmmov vm13  }
0x350: {  	s21 =	sadd.s32 $0xFFFFFFFA, s16;
	vm10 =	vmmov vm13;
	vm0 =	vmmov vm13;
	p5 =	slt.s32 s0, s10;
	v40 =	vld [tilespmem:$0x1FFE0];
	vm3 =	vmneg @p4 vm3;
	p4 =	slt.s32 s9, s10  }
0x351: {  	s4 =	sadd.s32 $0xFFFFFFFD, s16;
	vm6 =	vmneg @p5 vm6;
	p5 =	slt.s32 s20, s10;
	vm5 =	vmneg @p4 vm5;
	p4 =	slt.s32 s24, s10;
	v24 =	vsub.s32 v24, v0  }
0x352: {  	vm11 =	vmneg @p5 vm11;
	p5 =	slt.s32 s4, s10;
	vm8 =	vmneg @p4 vm8;
	p4 =	slt.s32 s21, s10;
	vm7 =	vgt.s32 v24, $0x0  }
0x353: {  	vm0 =	vmneg @p5 vm0;
	vm10 =	vmneg @p4 vm10;
	v24 =	vnsel vm7, $0x0, v24  }
0x354: {  	vm15 =	vmand vm8, vm1;
	vm8 =	vmand vm10, vm1;
	v24 =	vmin.u32 v24, $0xC37  }
0x355: {  	vm10 =	vmand vm0, vm1;
	vm0 =	vnez.u8 v40;
	v63 =	vbroadcast v24, $0x0  }
0x356: {  	v28 =	vmov s9;
	vm12 =	vmmov vm13;
	v38 =	vbroadcast v24, $0x1  }
0x357: {  	v29 =	vmov s24;
	v25 =	vmov s19;
	v39 =	vbroadcast v24, $0x2  }
0x358: {  	p3 =	seq.s32 s15, $0x1;
	s19 =	sadd.s32 $0xFFFFFFFC, s16;
	v27 =	vmov s18;
	v26 =	vmov s17;
	vm6 =	vmand vm6, vm1  }
.Ltmp20:
0x359: {  	vm11 =	vmand vm11, vm1;
	vm3 =	vmand vm3, vm1;
	vm5 =	vmand vm5, vm1;
	p4 =	slt.s32 s19, s10;
	(pc) =	sbr.rel @!p3 .LBB2_36-.Ltmp20, $4  }
0x35a: {  	s6 =	sadd.s32 $0xFFFFFFFE, s16;
	vm12 =	vmneg @p4 vm12;
	vm7 =	vmmov vm13;
	v33 =	vbroadcast v24, $0x3  }
0x35b: {  	p4 =	slt.s32 s6, s10;
	vm12 =	vmand vm12, vm1;
	v34 =	vbroadcast v24, $0x4;
	v35 =	vbroadcast v24, $0x5;
	[tilespmem:v63+s31+$0x0] =	vst.idx.msk vm0, v30  }
0x35c: {  	vm7 =	vmneg @p4 vm7;
	v36 =	vbroadcast v24, $0x6;
	v32 =	vbroadcast v24, $0x7;
	[tilespmem:v38+s31+$0x0] =	vst.idx.msk vm9, v31  }
0x35d: {  	s15 =	sadd.s32 $0xFFFFFFFF, s15;
	s12 =	smov.u32 s16;
	vm7 =	vmand vm7, vm1;
	v30 =	vbroadcast v24, $0x9;
	v31 =	vbroadcast v24, $0x8;
	[tilespmem:v39+s31+$0x0] =	vst.idx.msk vm14, v37  }
.LBB2_37:
0x35e: {  	_ =	sdelay $0x4  }
0x35f: {  	[tilespmem:v33+s31+$0x0] =	vst.idx.msk vm4, v25  }
0x360: {  	v25 =	vbroadcast v24, $0xA;
	[tilespmem:v34+s31+$0x0] =	vst.idx.msk vm2, v26  }
0x361: {  	vm0 =	vmmov vm13;
	v26 =	vbroadcast v24, $0xB;
	[tilespmem:v35+s31+$0x0] =	vst.idx.msk vm3, v27  }
0x362: {  	v58 =	vmov s0;
	vm2 =	vmmov vm13;
	v27 =	vbroadcast v24, $0xC;
	[tilespmem:v36+s31+$0x0] =	vst.idx.msk vm5, v28  }
0x363: {  	v59 =	vbroadcast v24, $0xD;
	v60 =	vmov s21;
	vm2 =	vmneg @p1 vm2;
	[tilespmem:v32+s31+$0x0] =	vst.idx.msk vm15, v29  }
0x364: {  	v61 =	vbroadcast v24, $0xE;
	vm0 =	vmneg @p2 vm0;
	vm2 =	vmand vm2, vm1;
	[tilespmem:v31+s31+$0x0] =	vst.idx.msk vm6, v58  }
0x365: {  	v62 =	vmov s20;
	vm0 =	vmand vm0, vm1;
	v24 =	vbroadcast v24, $0xF;
	[tilespmem:v30+s31+$0x0] =	vst.idx.msk vm8, v60  }
0x366: {  	v63 =	vmov s19;
	[tilespmem:v25+s31+$0x0] =	vst.idx.msk vm11, v62  }
0x367: {  	p2 =	sne.s32 s11, $0x1;
	v25 =	vmov s4;
	[tilespmem:v26+s31+$0x0] =	vst.idx.msk vm12, v63  }
.Ltmp21:
0x368: {  	v26 =	vmov s6;
	[tilespmem:v27+s31+$0x0] =	vst.idx.msk vm10, v25;
	(pc) =	sbr.rel @!p2 .LBB2_38-.Ltmp21, $4  }
0x369: {  	v25 =	vmov s14;
	[tilespmem:v59+s31+$0x0] =	vst.idx.msk vm7, v26  }
0x36a: {  	v26 =	vmov s12;
	[tilespmem:v61+s31+$0x0] =	vst.idx.msk vm2, v25  }
0x36b: {  	s24 =	simm.s32 $0x4C80;
	s0 =	simm.s32 $0x0;
	s17 =	smov.u32 s26;
	[tilespmem:v24+s31+$0x0] =	vst.idx.msk vm0, v26  }
0x36c: {  	p1 =	por $0x0, $0x0;
	s4 =	simm.s32 $0x5100;
	s6 =	sadd.s32 $0xFFFFFFFF, s11;
	v24 =	vmov s10;
	v25 =	vld [tilespmem:s24+$0x0]  }
0x36d: {  	_ =	sdelay $0x3  }
0x36e: {  	v26 =	vsub.s32 v25, v0  }
0x36f: {  	vm0 =	vgt.s32 v26, $0x0  }
0x370: {  	v26 =	vnsel vm0, $0x0, v26  }
0x371: {  	v26 =	vmin.u32 v26, $0xC37;
	_ =	sdelay $0x4  }
0x372: {  	v26 =	vld.idx.msk [tilespmem:v26+s31+$0x0], $0xffff;
	_ =	sdelay $0x3  }
0x373: {  	v27 =	vld [tilespmem:s4+$0x0];
	v28 =	vor.u32 s0, v3  }
0x374: {  	p2 =	sne.s32 s6, $0x1;
	vm1 =	vlt.s32 v28, v24;
	vm11 =	veq.s32 v26, v28  }
.Ltmp22:
0x375: {  	vm0 =	vmand vm1, vm11;
	(pc) =	sbr.rel @!p2 .LBB2_40-.Ltmp22, $4  }
0x376: {  	[tilespmem:s0+$0x5580] =	vst.msk vm0, v25;
	v25 =	vsel vm0, $0x1, v2  }
0x377: {  	s12 =	simm.s32 $0x4C90;
	(xrf0) =	vadd.scan.msk.s32 $0xffff, v25  }
0x378: {  	s13 =	sadd.s32 $0xFFFFFFFF, s6;
	p1 =	por $0x1, $0x1;
	s6 =	simm.s32 $0x5100;
	[tilespmem:s0+$0x5980] =	vst.msk vm0, v27  }
0x379: {  	s11 =	simm.s32 $0x0;
	s10 =	simm.s32 $0x0;
	s18 =	smov.u32 s28;
	v25 =	vld [tilespmem:s12+$0x0]  }
.LBB2_41:
0x37a: {  	p2 =	sne.s32 s13, $0x1;
	_ =	sdelay $0x2  }
0x37b: {  	v26, _, _ =	vpop (xrf0)  }
0x37c: {  	v27 =	vsub.s32 v25, v0;
	(v2sf) =	vpush v26, $0xF  }
0x37d: {  	vm0 =	vgt.s32 v27, $0x0  }
0x37e: {  	v26 =	vnsel vm0, $0x0, v27  }
0x37f: {  	v26 =	vmin.u32 v26, $0xC37;
	_ =	sdelay $0x4  }
0x380: {  	v26 =	vld.idx.msk [tilespmem:v26+s31+$0x0], $0xffff;
	_ =	sdelay $0x3  }
0x381: {  	s6 =	sadd.s32 $0x10, s6;
	s11 =	sadd.s32 $0x10, s11  }
0x382: {  	v28 =	vor.u32 s11, v3;
	v27 =	vld [tilespmem:s6+$0x0]  }
0x383: {  	vm1 =	vlt.s32 v28, v24;
	vm0 =	veq.s32 v26, v28  }
.Ltmp23:
0x384: {  	vm0 =	vmand vm1, vm0;
	s9 =	spop (v2sf);
	(pc) =	sbr.rel @p2 .LBB2_41-.Ltmp23, $4  }
0x385: {  	v26 =	vsel vm0, $0x1, v2;
	s10 =	sadd.s32 s10, s9  }
0x386: {  	[tilespmem:s10+$0x5580] =	vst.msk vm0, v25;
	(xrf0) =	vadd.scan.msk.s32 $0xffff, v26  }
0x387: {  	s12 =	sadd.s32 $0x10, s12;
	[tilespmem:s10+$0x5980] =	vst.msk vm0, v27  }
0x388: {  	s13 =	sadd.s32 $0xFFFFFFFF, s13;
	v25 =	vld [tilespmem:s12+$0x0]  }
0x389: {  	s24 =	sld [smem:$0x7FD];
	s26 =	simm.s32 $0x5;
	s28 =	simm.s32 $0x6  }
.LBB2_43:
0x38a: {  	_ =	sdelay $0x2  }
0x38b: {  	v26 =	vsub.s32 v25, v0  }
0x38c: {  	vm0 =	vgt.s32 v26, $0x0  }
0x38d: {  	v26 =	vnsel vm0, $0x0, v26  }
0x38e: {  	v26 =	vmin.u32 v26, $0xC37;
	_ =	sdelay $0x4  }
0x38f: {  	v26 =	vld.idx.msk [tilespmem:v26+s31+$0x0], $0xffff;
	_ =	sdelay $0x1  }
0x390: {  	s9 =	sadd.s32 @p1 $0x10, s11;
	s11 =	simm.s32 $0x0  }
0x391: {  	s11 =	smov.u32 @p1 s9  }
0x392: {  	v27 =	vor.u32 s11, v3  }
0x393: {  	vm1 =	vlt.s32 v27, v24;
	vm11 =	veq.s32 v26, v27  }
0x394: {  	vm0 =	vmand vm1, vm11  }
0x395: {  	v61 =	vsel vm0, $0x1, v2  }
0x396: {  	(xrf0) =	vadd.scan.msk.s32 $0xffff, v61;
	_ =	sdelay $0x2  }
0x397: {  	v24, _, _ =	vpop @p1 (xrf0)  }
0x398: {  	(v2sf) =	vpush @p1 v24, $0xF;
	_ =	sdelay $0x1  }
0x399: {  	v62, _, _ =	vpop (xrf0)  }
0x39a: {  	(v2sf) =	vpush v62, $0xF;
	_ =	sdelay $0x8  }
0x39b: {  	s6 =	sadd.s32 @p1 $0x10, s6  }
0x39c: {  	s4 =	smov.u32 @p1 s6  }
0x39d: {  	v63 =	vld [tilespmem:s4+$0x0]  }
.Ltmp24:
0x39e: {  	s4 =	spop @p1 (v2sf);
	(pc) =	sbr.rel .LBB2_44-.Ltmp24, $4  }
0x39f: {  	s4 =	sadd.s32 @p1 s10, s4  }
0x3a0: {  	s0 =	smov.u32 @p1 s4  }
0x3a1: {  	[tilespmem:s0+$0x5580] =	vst.msk vm0, v25;
	s21 =	spop (v2sf)  }
0x3a2: {  	[tilespmem:s0+$0x5980] =	vst.msk vm0, v63;
	s10 =	sadd.s32 s0, s21  }
.LBB2_34:
0x3a3: {  	s10 =	simm.s32 $0x0  }
.LBB2_44:
0x3a4: {  	v27 =	vld [tilespmem:$0x5580]  }
0x3a5: {  	v24 =	vld.msk [tilespmem:$0x5980 ss:$0x0], $0xffff  }
0x3a6: {  	v28 =	vld [tilespmem:$0x5980]  }
0x3a7: {  	v30 =	vld [tilespmem:$0x5990]  }
0x3a8: {  	v32 =	vld [tilespmem:$0x59A0]  }
0x3a9: {  	v26 =	vmov s10;
	v37 =	vld [tilespmem:$0x59B0]  }
0x3aa: {  	v41 =	vld [tilespmem:$0x59C0];
	vm0 =	vgt.s32 v26, v3  }
0x3ab: {  	v45 =	vld [tilespmem:$0x59D0];
	vm5 =	vgt.s32 v26, v4;
	v62 =	vsel vm0, v28, v24  }
0x3ac: {  	v49 =	vld [tilespmem:$0x59E0];
	vm6 =	vgt.s32 v26, v5;
	v38 =	vsel vm5, v30, v24;
	[tilespmem:$0x6180] =	vst v62  }
0x3ad: {  	v57 =	vld [tilespmem:$0x5A00];
	vm7 =	vgt.s32 v26, v6;
	v42 =	vsel vm6, v32, v24;
	[tilespmem:$0x6190] =	vst v38  }
0x3ae: {  	v53 =	vld [tilespmem:$0x59F0];
	vm8 =	vgt.s32 v26, v7;
	v46 =	vsel vm7, v37, v24;
	[tilespmem:$0x61A0] =	vst v42  }
0x3af: {  	vm9 =	vgt.s32 v26, v8;
	v50 =	vsel vm8, v41, v24;
	[tilespmem:$0x61B0] =	vst v46  }
0x3b0: {  	v29 =	vld [tilespmem:$0x5590];
	vm10 =	vgt.s32 v26, v9;
	v54 =	vsel vm9, v45, v24;
	[tilespmem:$0x61C0] =	vst v50  }
0x3b1: {  	v31 =	vld [tilespmem:$0x55A0];
	vm4 =	vgt.s32 v26, v11;
	v58 =	vsel vm10, v49, v24;
	[tilespmem:$0x61D0] =	vst v54  }
0x3b2: {  	v63 =	vld [tilespmem:$0x55B0];
	vm11 =	vgt.s32 v26, v10;
	v25 =	vbroadcast v27, $0x0;
	v37 =	vsel vm4, v57, v24;
	[tilespmem:$0x61E0] =	vst v58  }
0x3b3: {  	v39 =	vld [tilespmem:$0x55C0];
	v62 =	vsel vm11, v53, v24;
	[tilespmem:$0x6200] =	vst v37  }
0x3b4: {  	v43 =	vld [tilespmem:$0x55D0];
	v27 =	vsel vm0, v27, v25;
	[tilespmem:$0x61F0] =	vst v62  }
0x3b5: {  	v47 =	vld [tilespmem:$0x55E0];
	v36 =	vsel vm5, v29, v25;
	[tilespmem:$0x5D80] =	vst v27  }
0x3b6: {  	v51 =	vld [tilespmem:$0x55F0];
	v40 =	vsel vm6, v31, v25;
	[tilespmem:$0x5D90] =	vst v36  }
0x3b7: {  	v55 =	vld [tilespmem:$0x5600];
	v44 =	vsel vm7, v63, v25;
	[tilespmem:$0x5DA0] =	vst v40  }
0x3b8: {  	v59 =	vld [tilespmem:$0x5610];
	v48 =	vsel vm8, v39, v25;
	[tilespmem:$0x5DB0] =	vst v44  }
0x3b9: {  	v61 =	vld [tilespmem:$0x5A10];
	v52 =	vsel vm9, v43, v25;
	[tilespmem:$0x5DC0] =	vst v48  }
0x3ba: {  	v38 =	vld [tilespmem:$0x5630];
	v56 =	vsel vm10, v47, v25;
	[tilespmem:$0x5DD0] =	vst v52  }
0x3bb: {  	v42 =	vld [tilespmem:$0x5640];
	v60 =	vsel vm11, v51, v25;
	[tilespmem:$0x5DE0] =	vst v56  }
0x3bc: {  	v46 =	vld [tilespmem:$0x5650];
	v35 =	vsel vm4, v55, v25;
	vm5 =	vgt.s32 v26, v12;
	[tilespmem:$0x5DF0] =	vst v60  }
0x3bd: {  	v50 =	vld [tilespmem:$0x5660];
	[tilespmem:$0x5E00] =	vst v35;
	v39 =	vsel vm5, v59, v25  }
0x3be: {  	v58 =	vld [tilespmem:$0x5680];
	vm7 =	vgt.s32 v26, v14;
	v41 =	vsel vm5, v61, v24;
	[tilespmem:$0x5E10] =	vst v39  }
0x3bf: {  	v63 =	vld [tilespmem:$0x5620];
	vm8 =	vgt.s32 v26, v15;
	[tilespmem:$0x6210] =	vst v41;
	v47 =	vsel vm7, v38, v25  }
0x3c0: {  	v54 =	vld [tilespmem:$0x5670];
	vm9 =	vgt.s32 v26, v16;
	v51 =	vsel vm8, v42, v25;
	[tilespmem:$0x5E30] =	vst v47  }
0x3c1: {  	vm10 =	vgt.s32 v26, v17;
	v36 =	vld [tilespmem:$0x5A20];
	v55 =	vsel vm9, v46, v25;
	[tilespmem:$0x5E40] =	vst v51  }
0x3c2: {  	vm4 =	vgt.s32 v26, v19;
	v40 =	vld [tilespmem:$0x5A30];
	v59 =	vsel vm10, v50, v25;
	[tilespmem:$0x5E50] =	vst v55  }
0x3c3: {  	vm6 =	vgt.s32 v26, v13;
	v44 =	vld [tilespmem:$0x5A40];
	v39 =	vsel vm4, v58, v25;
	[tilespmem:$0x5E60] =	vst v59  }
0x3c4: {  	vm11 =	vgt.s32 v26, v18;
	v48 =	vld [tilespmem:$0x5A50];
	v43 =	vsel vm6, v63, v25;
	[tilespmem:$0x5E80] =	vst v39  }
0x3c5: {  	v52 =	vld [tilespmem:$0x5A60];
	v63 =	vsel vm11, v54, v25;
	[tilespmem:$0x5E20] =	vst v43  }
0x3c6: {  	v56 =	vld [tilespmem:$0x5A70];
	v45 =	vsel vm6, v36, v24;
	[tilespmem:$0x5E70] =	vst v63  }
0x3c7: {  	v60 =	vld [tilespmem:$0x5A80];
	v49 =	vsel vm7, v40, v24;
	[tilespmem:$0x6220] =	vst v45  }
0x3c8: {  	v62 =	vld [tilespmem:$0x5690];
	v53 =	vsel vm8, v44, v24;
	[tilespmem:$0x6230] =	vst v49  }
0x3c9: {  	v33 =	vld [tilespmem:$0x5AE0];
	v57 =	vsel vm9, v48, v24;
	[tilespmem:$0x6240] =	vst v53  }
0x3ca: {  	v38 =	vld [tilespmem:$0x56A0];
	v61 =	vsel vm10, v52, v24;
	[tilespmem:$0x6250] =	vst v57  }
0x3cb: {  	v42 =	vld [tilespmem:$0x56B0];
	v37 =	vsel vm11, v56, v24;
	[tilespmem:$0x6260] =	vst v61  }
0x3cc: {  	vm5 =	vgt.s32 v26, v20;
	v46 =	vld [tilespmem:$0x56C0];
	v41 =	vsel vm4, v60, v24;
	v60 =	vor.u32 $0x160, v3;
	[tilespmem:$0x6270] =	vst v37  }
0x3cd: {  	v50 =	vld [tilespmem:$0x56D0];
	v43 =	vsel vm5, v62, v25;
	[tilespmem:$0x6280] =	vst v41;
	vm10 =	vgt.s32 v26, v60  }
0x3ce: {  	v58 =	vld [tilespmem:$0x56F0];
	vm6 =	vgt.s32 v26, v21;
	[tilespmem:$0x5E90] =	vst v43;
	v37 =	vsel vm10, v33, v24  }
0x3cf: {  	v54 =	vld [tilespmem:$0x56E0];
	vm7 =	vgt.s32 v26, v22;
	v47 =	vsel vm6, v38, v25;
	[tilespmem:$0x62E0] =	vst v37  }
0x3d0: {  	v36 =	vld [tilespmem:$0x5A90];
	vm8 =	vgt.s32 v26, v23;
	v56 =	vor.u32 $0x150, v3;
	v51 =	vsel vm7, v42, v25;
	[tilespmem:$0x5EA0] =	vst v47  }
0x3d1: {  	v35 =	vor.u32 $0x170, v3;
	v40 =	vld [tilespmem:$0x5AA0];
	vm9 =	vgt.s32 v26, v56;
	v55 =	vsel vm8, v46, v25;
	[tilespmem:$0x5EB0] =	vst v51  }
0x3d2: {  	v44 =	vld [tilespmem:$0x5AB0];
	vm11 =	vgt.s32 v26, v35;
	v59 =	vsel vm9, v50, v25;
	[tilespmem:$0x5EC0] =	vst v55  }
0x3d3: {  	v48 =	vld [tilespmem:$0x5AC0];
	v39 =	vsel vm11, v58, v25;
	[tilespmem:$0x5ED0] =	vst v59  }
0x3d4: {  	v52 =	vld [tilespmem:$0x5AD0];
	v34 =	vsel vm10, v54, v25;
	[tilespmem:$0x5EF0] =	vst v39  }
0x3d5: {  	v61 =	vld [tilespmem:$0x5AF0];
	v45 =	vsel vm5, v36, v24;
	[tilespmem:$0x5EE0] =	vst v34  }
0x3d6: {  	v43 =	vld [tilespmem:$0x5720];
	v49 =	vsel vm6, v40, v24;
	[tilespmem:$0x6290] =	vst v45  }
0x3d7: {  	v56 =	vld [tilespmem:$0x5B40];
	v53 =	vsel vm7, v44, v24;
	[tilespmem:$0x62A0] =	vst v49  }
0x3d8: {  	v63 =	vld [tilespmem:$0x5700];
	v57 =	vsel vm8, v48, v24;
	[tilespmem:$0x62B0] =	vst v53  }
0x3d9: {  	v38 =	vld [tilespmem:$0x5710];
	v50 =	vor.u32 $0x1A0, v3;
	v62 =	vsel vm9, v52, v24;
	[tilespmem:$0x62C0] =	vst v57  }
0x3da: {  	v41 =	vld [tilespmem:$0x5B10];
	v60 =	vor.u32 $0x1C0, v3;
	vm6 =	vgt.s32 v26, v50;
	[tilespmem:$0x62D0] =	vst v62;
	v42 =	vsel vm11, v61, v24  }
0x3db: {  	v46 =	vld [tilespmem:$0x5B20];
	v40 =	vor.u32 $0x180, v3;
	vm8 =	vgt.s32 v26, v60;
	v54 =	vsel vm6, v43, v25;
	[tilespmem:$0x62F0] =	vst v42  }
0x3dc: {  	v58 =	vld [tilespmem:$0x5750];
	vm4 =	vgt.s32 v26, v40;
	v45 =	vor.u32 $0x190, v3;
	v37 =	vsel vm8, v56, v24;
	[tilespmem:$0x5F20] =	vst v54  }
0x3dd: {  	v51 =	vld [tilespmem:$0x5B30];
	v44 =	vsel vm4, v63, v25;
	vm5 =	vgt.s32 v26, v45;
	[tilespmem:$0x6340] =	vst v37  }
0x3de: {  	v36 =	vld [tilespmem:$0x5B00];
	[tilespmem:$0x5F00] =	vst v44;
	v49 =	vsel vm5, v38, v25  }
0x3df: {  	v35 =	vor.u32 $0x1D0, v3;
	v48 =	vld [tilespmem:$0x5730];
	v52 =	vsel vm5, v41, v24;
	[tilespmem:$0x5F10] =	vst v49  }
0x3e0: {  	v55 =	vor.u32 $0x1B0, v3;
	vm9 =	vgt.s32 v26, v35;
	v53 =	vld [tilespmem:$0x5740];
	v57 =	vsel vm6, v46, v24;
	[tilespmem:$0x6310] =	vst v52  }
0x3e1: {  	vm7 =	vgt.s32 v26, v55;
	v61 =	vld [tilespmem:$0x5B50];
	v39 =	vsel vm9, v58, v25;
	[tilespmem:$0x6320] =	vst v57  }
0x3e2: {  	v43 =	vld [tilespmem:$0x5780];
	v62 =	vsel vm7, v51, v24;
	[tilespmem:$0x5F50] =	vst v39  }
0x3e3: {  	v56 =	vld [tilespmem:$0x5BA0];
	v47 =	vsel vm4, v36, v24;
	[tilespmem:$0x6330] =	vst v62  }
0x3e4: {  	v63 =	vld [tilespmem:$0x5760];
	v59 =	vsel vm7, v48, v25;
	[tilespmem:$0x6300] =	vst v47  }
0x3e5: {  	v50 =	vor.u32 $0x200, v3;
	v38 =	vld [tilespmem:$0x5770];
	[tilespmem:$0x5F30] =	vst v59;
	v34 =	vsel vm8, v53, v25  }
0x3e6: {  	v60 =	vor.u32 $0x220, v3;
	v41 =	vld [tilespmem:$0x5B70];
	vm4 =	vgt.s32 v26, v50;
	v42 =	vsel vm9, v61, v24;
	[tilespmem:$0x5F40] =	vst v34  }
0x3e7: {  	v40 =	vor.u32 $0x1E0, v3;
	v46 =	vld [tilespmem:$0x5B80];
	vm6 =	vgt.s32 v26, v60;
	v54 =	vsel vm4, v43, v25;
	[tilespmem:$0x6350] =	vst v42  }
0x3e8: {  	vm10 =	vgt.s32 v26, v40;
	v45 =	vor.u32 $0x1F0, v3;
	v58 =	vld [tilespmem:$0x57B0];
	v39 =	vsel vm6, v56, v24;
	[tilespmem:$0x5F80] =	vst v54  }
0x3e9: {  	vm11 =	vgt.s32 v26, v45;
	v51 =	vld [tilespmem:$0x5B90];
	v44 =	vsel vm10, v63, v25;
	[tilespmem:$0x63A0] =	vst v39  }
0x3ea: {  	v36 =	vld [tilespmem:$0x5B60];
	[tilespmem:$0x5F60] =	vst v44;
	v49 =	vsel vm11, v38, v25  }
0x3eb: {  	v37 =	vor.u32 $0x230, v3;
	v48 =	vld [tilespmem:$0x5790];
	v52 =	vsel vm11, v41, v24;
	[tilespmem:$0x5F70] =	vst v49  }
0x3ec: {  	v55 =	vor.u32 $0x210, v3;
	vm7 =	vgt.s32 v26, v37;
	v53 =	vld [tilespmem:$0x57A0];
	v57 =	vsel vm4, v46, v24;
	[tilespmem:$0x6370] =	vst v52  }
0x3ed: {  	vm5 =	vgt.s32 v26, v55;
	v61 =	vld [tilespmem:$0x5BB0];
	v41 =	vsel vm7, v58, v25;
	[tilespmem:$0x6380] =	vst v57  }
0x3ee: {  	v45 =	vld [tilespmem:$0x57E0];
	v62 =	vsel vm5, v51, v24;
	[tilespmem:$0x5FB0] =	vst v41  }
0x3ef: {  	v50 =	vld [tilespmem:$0x57F0];
	v47 =	vsel vm10, v36, v24;
	[tilespmem:$0x6390] =	vst v62  }
0x3f0: {  	v63 =	vld [tilespmem:$0x57C0];
	v59 =	vsel vm5, v48, v25;
	[tilespmem:$0x6360] =	vst v47  }
0x3f1: {  	v55 =	vld [tilespmem:$0x5800];
	v52 =	vor.u32 $0x260, v3;
	[tilespmem:$0x5F90] =	vst v59;
	v36 =	vsel vm6, v53, v25  }
0x3f2: {  	v38 =	vld [tilespmem:$0x5BC0];
	v57 =	vor.u32 $0x270, v3;
	vm10 =	vgt.s32 v26, v52;
	v44 =	vsel vm7, v61, v24;
	[tilespmem:$0x5FA0] =	vst v36  }
0x3f3: {  	v40 =	vld [tilespmem:$0x57D0];
	v42 =	vor.u32 $0x240, v3;
	vm11 =	vgt.s32 v26, v57;
	v56 =	vsel vm10, v45, v25;
	[tilespmem:$0x63B0] =	vst v44  }
0x3f4: {  	v43 =	vld [tilespmem:$0x5BD0];
	vm8 =	vgt.s32 v26, v42;
	v62 =	vor.u32 $0x280, v3;
	v61 =	vsel vm11, v50, v25;
	[tilespmem:$0x5FE0] =	vst v56  }
0x3f5: {  	v58 =	vld [tilespmem:$0x5C00];
	vm4 =	vgt.s32 v26, v62;
	v46 =	vsel vm8, v63, v25;
	[tilespmem:$0x5FF0] =	vst v61  }
0x3f6: {  	v48 =	vld [tilespmem:$0x5BE0];
	v47 =	vor.u32 $0x250, v3;
	v37 =	vsel vm4, v55, v25;
	[tilespmem:$0x5FC0] =	vst v46  }
0x3f7: {  	v60 =	vld [tilespmem:$0x5810];
	vm9 =	vgt.s32 v26, v47;
	v49 =	vsel vm8, v38, v24;
	[tilespmem:$0x6000] =	vst v37  }
0x3f8: {  	v39 =	vld [tilespmem:$0x5C20];
	v51 =	vsel vm9, v40, v25;
	[tilespmem:$0x63C0] =	vst v49  }
0x3f9: {  	v53 =	vld [tilespmem:$0x5BF0];
	v54 =	vsel vm9, v43, v24;
	[tilespmem:$0x5FD0] =	vst v51  }
0x3fa: {  	v63 =	vld [tilespmem:$0x5C10];
	v38 =	vor.u32 $0x290, v3;
	v40 =	vsel vm4, v58, v24;
	[tilespmem:$0x63D0] =	vst v54  }
0x3fb: {  	v36 =	vld [tilespmem:$0x5820];
	v43 =	vor.u32 $0x2A0, v3;
	vm5 =	vgt.s32 v26, v38;
	[tilespmem:$0x6400] =	vst v40;
	v59 =	vsel vm10, v48, v24  }
0x3fc: {  	v41 =	vld [tilespmem:$0x5830];
	vm6 =	vgt.s32 v26, v43;
	v42 =	vsel vm5, v60, v25;
	[tilespmem:$0x63E0] =	vst v59  }
0x3fd: {  	v44 =	vld [tilespmem:$0x5C30];
	v50 =	vsel vm6, v39, v24;
	[tilespmem:$0x6010] =	vst v42  }
0x3fe: {  	v61 =	vld [tilespmem:$0x5870];
	v35 =	vsel vm11, v53, v24;
	[tilespmem:$0x6420] =	vst v50  }
0x3ff: {  	v46 =	vld [tilespmem:$0x5840];
	v48 =	vor.u32 $0x2B0, v3;
	[tilespmem:$0x63F0] =	vst v35;
	v45 =	vsel vm5, v63, v24  }
0x400: {  	v49 =	vld [tilespmem:$0x5C40];
	vm7 =	vgt.s32 v26, v48;
	v47 =	vsel vm6, v36, v25;
	[tilespmem:$0x6410] =	vst v45  }
0x401: {  	v51 =	vld [tilespmem:$0x5850];
	v40 =	vor.u32 $0x2F0, v3;
	v52 =	vsel vm7, v41, v25;
	[tilespmem:$0x6020] =	vst v47  }
0x402: {  	v54 =	vld [tilespmem:$0x5C50];
	v53 =	vor.u32 $0x2C0, v3;
	vm11 =	vgt.s32 v26, v40;
	v55 =	vsel vm7, v44, v24;
	[tilespmem:$0x6030] =	vst v52  }
0x403: {  	v56 =	vld [tilespmem:$0x5860];
	vm8 =	vgt.s32 v26, v53;
	v44 =	vsel vm11, v61, v25;
	[tilespmem:$0x6430] =	vst v55  }
0x404: {  	v58 =	vor.u32 $0x2D0, v3;
	v43 =	vld [tilespmem:$0x5890];
	v57 =	vsel vm8, v46, v25;
	[tilespmem:$0x6070] =	vst v44  }
0x405: {  	vm9 =	vgt.s32 v26, v58;
	v38 =	vld [tilespmem:$0x5880];
	[tilespmem:$0x6040] =	vst v57;
	v60 =	vsel vm8, v49, v24  }
0x406: {  	v59 =	vld [tilespmem:$0x5C60];
	v63 =	vor.u32 $0x2E0, v3;
	v62 =	vsel vm9, v51, v25;
	[tilespmem:$0x6440] =	vst v60  }
0x407: {  	v48 =	vld [tilespmem:$0x58A0];
	v50 =	vor.u32 $0x310, v3;
	vm10 =	vgt.s32 v26, v63;
	v37 =	vsel vm9, v54, v24;
	[tilespmem:$0x6050] =	vst v62  }
0x408: {  	v36 =	vld [tilespmem:$0x5C70];
	vm5 =	vgt.s32 v26, v50;
	v45 =	vor.u32 $0x300, v3;
	v39 =	vsel vm10, v56, v25;
	[tilespmem:$0x6450] =	vst v37  }
0x409: {  	v41 =	vld [tilespmem:$0x5C80];
	vm4 =	vgt.s32 v26, v45;
	v54 =	vsel vm5, v43, v25;
	[tilespmem:$0x6060] =	vst v39  }
0x40a: {  	v53 =	vld [tilespmem:$0x58B0];
	v55 =	vor.u32 $0x320, v3;
	v49 =	vsel vm4, v38, v25;
	[tilespmem:$0x6090] =	vst v54  }
0x40b: {  	v58 =	vld [tilespmem:$0x58C0];
	vm6 =	vgt.s32 v26, v55;
	v42 =	vsel vm10, v59, v24;
	[tilespmem:$0x6080] =	vst v49  }
0x40c: {  	v61 =	vld [tilespmem:$0x5CC0];
	v59 =	vsel vm6, v48, v25;
	[tilespmem:$0x6460] =	vst v42  }
0x40d: {  	v46 =	vld [tilespmem:$0x5C90];
	v60 =	vor.u32 $0x330, v3;
	v47 =	vsel vm11, v36, v24;
	[tilespmem:$0x60A0] =	vst v59  }
0x40e: {  	v51 =	vld [tilespmem:$0x5CA0];
	v37 =	vor.u32 $0x340, v3;
	vm7 =	vgt.s32 v26, v60;
	v52 =	vsel vm4, v41, v24;
	[tilespmem:$0x6470] =	vst v47  }
0x40f: {  	v56 =	vld [tilespmem:$0x5CB0];
	vm8 =	vgt.s32 v26, v37;
	v36 =	vsel vm7, v53, v25;
	[tilespmem:$0x6480] =	vst v52  }
0x410: {  	v63 =	vld [tilespmem:$0x58D0];
	v41 =	vsel vm8, v58, v25;
	[tilespmem:$0x60B0] =	vst v36  }
0x411: {  	v38 =	vld [tilespmem:$0x5CD0];
	v44 =	vsel vm8, v61, v24;
	[tilespmem:$0x60C0] =	vst v41  }
0x412: {  	v40 =	vld [tilespmem:$0x58E0];
	v57 =	vsel vm5, v46, v24;
	[tilespmem:$0x64C0] =	vst v44  }
0x413: {  	v43 =	vld [tilespmem:$0x5CE0];
	v42 =	vor.u32 $0x350, v3;
	[tilespmem:$0x6490] =	vst v57;
	v62 =	vsel vm6, v51, v24  }
0x414: {  	v45 =	vld [tilespmem:$0x58F0];
	vm9 =	vgt.s32 v26, v42;
	v39 =	vsel vm7, v56, v24;
	[tilespmem:$0x64A0] =	vst v62  }
0x415: {  	v48 =	vld [tilespmem:$0x5CF0];
	v47 =	vor.u32 $0x360, v3;
	v46 =	vsel vm9, v63, v25;
	[tilespmem:$0x64B0] =	vst v39  }
0x416: {  	v50 =	vld [tilespmem:$0x5900];
	vm10 =	vgt.s32 v26, v47;
	[tilespmem:$0x60D0] =	vst v46;
	v49 =	vsel vm9, v38, v24  }
0x417: {  	v37 =	vld [tilespmem:$0x5930];
	v52 =	vor.u32 $0x370, v3;
	v51 =	vsel vm10, v40, v25;
	[tilespmem:$0x64D0] =	vst v49  }
0x418: {  	s0 =	sadd.s32 $0x7F, s10;
	v53 =	vld [tilespmem:$0x5D00];
	vm11 =	vgt.s32 v26, v52;
	v54 =	vsel vm10, v43, v24;
	[tilespmem:$0x60E0] =	vst v51  }
0x419: {  	s4 =	sand.u32 $0x7F, s0;
	v55 =	vld [tilespmem:$0x5910];
	v57 =	vor.u32 $0x380, v3;
	v56 =	vsel vm11, v45, v25;
	[tilespmem:$0x64E0] =	vst v54  }
0x41a: {  	s6 =	sshra.s32 s0, $0x1F;
	p1 =	slt.s32 s0, $0x1;
	p2 =	sne.s32 s4, $0x0;
	v58 =	vld [tilespmem:$0x5D10];
	v44 =	vor.u32 $0x3B0, v3;
	vm4 =	vgt.s32 v26, v57;
	[tilespmem:$0x60F0] =	vst v56;
	v59 =	vsel vm11, v48, v24  }
0x41b: {  	s19 =	sshrl.u32 s6, $0x19;
	p1 =	por !p1, !p2;
	v60 =	vld [tilespmem:$0x5920];
	vm7 =	vgt.s32 v26, v44;
	v61 =	vsel vm4, v50, v25;
	[tilespmem:$0x64F0] =	vst v59  }
0x41c: {  	s4 =	simm.s32 $0x1;
	s0 =	sadd.s32 s19, s0;
	p1 =	por !p1, !p1;
	v42 =	vld [tilespmem:$0x5940];
	v62 =	vor.u32 $0x390, v3;
	v48 =	vsel vm7, v37, v25;
	[tilespmem:$0x6100] =	vst v61  }
0x41d: {  	s0 =	sshra.s32 s0, $0x7;
	s4 =	simm.s32 @!p1 $0x0;
	v63 =	vld [tilespmem:$0x5D20];
	vm5 =	vgt.s32 v26, v62;
	v36 =	vsel vm4, v53, v24;
	[tilespmem:$0x6130] =	vst v48  }
0x41e: {  	s0 =	ssub.s32 s0, s4;
	v47 =	vld [tilespmem:$0x5950];
	v39 =	vor.u32 $0x3A0, v3;
	v38 =	vsel vm5, v55, v25;
	[tilespmem:$0x6500] =	vst v36  }
0x41f: {  	s4 =	sadd.s32 $0x1, s0;
	v52 =	vld [tilespmem:$0x5960];
	vm6 =	vgt.s32 v26, v39;
	v49 =	vor.u32 $0x3C0, v3;
	v41 =	vsel vm5, v58, v24;
	[tilespmem:$0x6110] =	vst v38  }
0x420: {  	s20 =	sand.u32 $0x1, s4;
	v40 =	vld [tilespmem:$0x5D30];
	v43 =	vsel vm6, v60, v25;
	vm8 =	vgt.s32 v26, v49;
	[tilespmem:$0x6510] =	vst v41  }
0x421: {  	p5 =	slt.s32 s0, $0x0;
	p6 =	seq.s32 s20, $0x1;
	v45 =	vld [tilespmem:$0x5D40];
	v54 =	vor.u32 $0x3D0, v3;
	[tilespmem:$0x6120] =	vst v43;
	v53 =	vsel vm8, v42, v25  }
0x422: {  	s21 =	sshrl.u32 s4, $0x1F;
	p1 =	por !p5, !p6;
	v50 =	vld [tilespmem:$0x5D50];
	vm9 =	vgt.s32 v26, v54;
	v59 =	vor.u32 $0x3E0, v3;
	v46 =	vsel vm6, v63, v24;
	[tilespmem:$0x6140] =	vst v53  }
0x423: {  	s0 =	sadd.s32 s21, s4;
	s4 =	simm.s32 $0x1;
	p1 =	por !p1, !p1;
	v57 =	vld [tilespmem:$0x5970];
	vm10 =	vgt.s32 v26, v59;
	v58 =	vsel vm9, v47, v25;
	[tilespmem:$0x6520] =	vst v46  }
0x424: {  	s0 =	sshra.s32 s0, $0x1;
	s4 =	simm.s32 @!p1 $0x0;
	v55 =	vld [tilespmem:$0x5D60];
	v62 =	vsel vm10, v52, v25;
	[tilespmem:$0x6150] =	vst v58  }
0x425: {  	s6 =	ssub.s32 s0, s4;
	v60 =	vld [tilespmem:$0x5D70];
	v51 =	vsel vm7, v40, v24;
	[tilespmem:$0x6160] =	vst v62  }
0x426: {  	p1 =	slt.s32 s6, $0x1;
	v63 =	vor.u32 $0x3F0, v3;
	v56 =	vsel vm8, v45, v24;
	[tilespmem:$0x6530] =	vst v51  }
.Ltmp25:
0x427: {  	vm11 =	vgt.s32 v26, v63;
	[tilespmem:$0x6540] =	vst v56;
	v61 =	vsel vm9, v50, v24;
	(pc) =	sbr.rel @p1 .LBB2_48-.Ltmp25, $4  }
0x428: {  	v25 =	vsel vm11, v57, v25;
	[tilespmem:$0x6550] =	vst v61  }
0x429: {  	v30 =	vsel vm10, v55, v24;
	[tilespmem:$0x6170] =	vst v25  }
0x42a: {  	v24 =	vsel vm11, v60, v24;
	[tilespmem:$0x6560] =	vst v30  }
0x42b: {  	s9 =	simm.s32 $0x8;
	s4 =	sld [smem:$0x7EF];
	[tilespmem:$0x6570] =	vst v24  }
0x42c: {  	s0 =	simm.s32 $0x6180  }
0x42d: {  	[tilespmem:s1], [sflag:$0x1] =	stream.indirect.gather [hbm4b:s5+s2], $0x80, s0, s2, $0xb8;
	[tilespmem:$0x1F980] =	vst v63  }
0x42e: {  	s4 =	simm.s32 $0x6200  }
0x42f: {  	[tilespmem:s7], [sflag:$0x3] =	stream.indirect.gather [hbm4b:s5+s2], $0x80, s4, s2, $0xb8;
	[tilespmem:$0x1F980] =	vst v63  }
0x430: {  	_ =	swait.ge [sflag:s30], $0x4000  }
0x431: {  	[sflag:s30] =	ssyncset.done $0x0  }
0x432: {  	s4 =	simm.s32 $0x5D80;
	[sflag:s30] =	ssyncadd.s32 $0xFFFFC000  }
0x433: {  	[hbm4b:s3+s2] =	stream.indirect.scatter [tilespmem:s1], [sflag:$0x2], $0x80, s4, s2, $0xb8;
	[tilespmem:$0x1F980] =	vst v63  }
0x434: {  	_ =	swait.ge [sflag:s22], $0x4000  }
0x435: {  	[sflag:s22] =	ssyncset.done $0x0  }
0x436: {  	s9 =	simm.s32 $0x5E00;
	p1 =	sne.s32 s6, $0x1;
	[sflag:s22] =	ssyncadd.s32 $0xFFFFC000  }
0x437: {  	[hbm4b:s3+s2] =	stream.indirect.scatter [tilespmem:s7], [sflag:$0x4], $0x80, s9, s2, $0xb8;
	[tilespmem:$0x1F980] =	vst v63  }
.Ltmp26:
0x438: {  	_ =	swait.ge [sflag:s8], $0x4000;
	(pc) =	sbr.rel @!p1 .LBB2_47-.Ltmp26, $4  }
0x439: {  	[sflag:s8] =	ssyncset.done $0x0  }
0x43a: {  	[sflag:s8] =	ssyncadd.s32 $0xFFFFC000  }
0x43b: {  	_ =	swait.ge [sflag:s23], $0x4000  }
0x43c: {  	s6 =	sadd.s32 $0xFFFFFFFF, s6;
	[sflag:s23] =	ssyncset.done $0x0  }
.LBB2_46:
0x43d: {  	[sflag:s23] =	ssyncadd.s32 $0xFFFFC000;
	s0 =	sadd.s32 $0x100, s0;
	s4 =	sadd.s32 $0x100, s4  }
0x43e: {  	[tilespmem:s1], [sflag:$0x1] =	stream.indirect.gather [hbm4b:s5+s2], $0x80, s0, s2, $0xb8;
	[tilespmem:$0x1F980] =	vst v63  }
0x43f: {  	p1 =	sne.s32 s6, $0x1;
	s6 =	sadd.s32 $0xFFFFFFFF, s6;
	s9 =	sadd.s32 $0x80, s0  }
0x440: {  	[tilespmem:s7], [sflag:$0x3] =	stream.indirect.gather [hbm4b:s5+s2], $0x80, s9, s2, $0xb8;
	[tilespmem:$0x1F980] =	vst v63  }
0x441: {  	_ =	swait.ge [sflag:s30], $0x4000  }
0x442: {  	[sflag:s30] =	ssyncset.done $0x0  }
0x443: {  	[sflag:s30] =	ssyncadd.s32 $0xFFFFC000  }
0x444: {  	[hbm4b:s3+s2] =	stream.indirect.scatter [tilespmem:s1], [sflag:$0x2], $0x80, s4, s2, $0xb8;
	[tilespmem:$0x1F980] =	vst v63  }
0x445: {  	_ =	swait.ge [sflag:s22], $0x4000  }
0x446: {  	[sflag:s22] =	ssyncset.done $0x0  }
0x447: {  	s9 =	sadd.s32 $0x80, s4;
	[sflag:s22] =	ssyncadd.s32 $0xFFFFC000  }
0x448: {  	[hbm4b:s3+s2] =	stream.indirect.scatter [tilespmem:s7], [sflag:$0x4], $0x80, s9, s2, $0xb8;
	[tilespmem:$0x1F980] =	vst v63  }
.Ltmp27:
0x449: {  	_ =	swait.ge [sflag:s8], $0x4000;
	(pc) =	sbr.rel @p1 .LBB2_46-.Ltmp27, $4  }
0x44a: {  	[sflag:s8] =	ssyncset.done $0x0  }
0x44b: {  	[sflag:s8] =	ssyncadd.s32 $0xFFFFC000  }
0x44c: {  	_ =	swait.ge [sflag:s23], $0x4000  }
0x44d: {  	[sflag:s23] =	ssyncset.done $0x0  }
.Ltmp28:
0x44e: {  	_ = 	snop;
	(pc) =	sbr.rel .LBB2_47-.Ltmp28, $1  }
0x44f: {  	_ =	sdelay $0x3  }
.LBB2_38:
.Ltmp29:
0x450: {  	(pc) =	sbr.rel .LBB2_43-.Ltmp29, $4  }
0x451: {  	_ = 	snop  }
0x452: {  	s6 =	simm.s32 $0x5100  }
0x453: {  	s11 =	simm.s32 $0x0;
	s10 =	simm.s32 $0x0;
	s18 =	smov.u32 s28  }
0x454: {  	s24 =	sld [smem:$0x7FD];
	s26 =	simm.s32 $0x5;
	s28 =	simm.s32 $0x6  }
.LBB2_40:
.Ltmp30:
0x455: {  	(pc) =	sbr.rel .LBB2_43-.Ltmp30, $3  }
0x456: {  	_ =	sdelay $0x1  }
0x457: {  	s6 =	simm.s32 $0x5100;
	s11 =	simm.s32 $0x0;
	s10 =	simm.s32 $0x0  }
0x458: {  	s24 =	sld [smem:$0x7FD];
	s26 =	simm.s32 $0x5;
	s28 =	simm.s32 $0x6  }
.LBB2_49:
0x459: {  	_ =	sfence.sel $0x180000  }
0x45a: {  	[bflag:$0x0] =	sbarrier.arrive $0xFFFF  }
0x45b: {  	_ =	strace $0x9000004A  }
0x45c: {  	s0 =	stileid.u32;
	[bflag:$0x2] =	sbarrier.arrive $0xFFFF  }
0x45d: {  	p0 =	sne.s32 s0, $0x0;
	s0 =	rddreg [dreg:$0x5]  }
0x45e: {  	s0 =	sadd.s32 @!p0 $0x100000, s0  }
0x45f: {  	[sflag:s0] =	ssyncadd.tile.s32 @!p0 $0x1;
	_ =	shalt  }
.Lfunc_end2:
_tile_overlayer_lowered:
.L_overlay_start_2:
0x460: {  	(tag) =	ssettag $0x2  }
0x461: {  	s0 =	rddreg [dreg:$0x0];
	s2 =	stileid.u32  }
0x462: {  	s1 =	rddreg [dreg:$0x1];
	p0 =	sne.s32 s2, $0x0  }
0x463: {  	s3 =	rddreg [dreg:$0x2];
	[bflag:$0x3] =	sbarrier.arrive $0xFFFF;
	s2 =	simm.s32 @!p0 $0x1C0A  }
0x464: {  	[timem:s3], [sflag:s2] =	dma.local @!p0 [hbm:s0], s1  }
0x465: {  	s0 =	simm.s32 @!p0 $0xA  }
0x466: {  	_ =	swait.ge @!p0 [sflag:s0], s1  }
0x467: {  	s1 =	ssub.s32 @!p0 $0x0, s1;
	[sflag:s0] =	ssyncset.done @!p0 $0x0  }
0x468: {  	[sflag:s0] =	ssyncadd.s32 @!p0 s1  }
0x469: {  	[bflag:$0x3] =	sbarrier.arrive $0xFFFF  }
0x46a: {  	_ =	shalt  }

</sc_bundles>
